<compile_context>
chip_gen: v7x
topology: tpu7x:2x2x1
jax: 0.10.2.dev20260603
libtpu: 0.0.44.dev20260713+nightly
codegen_flags: <defaults>
</compile_context>

<pallas_src>
import functools

import jax
import jax.numpy as jnp
from jax import lax
from jax.experimental import pallas as pl
from jax.experimental.pallas import tpu as pltpu
from jax.experimental.pallas import tpu_sc as plsc

N_NODES = 10000
D = 128
N_EDGES = 320000
NC = 2
NS = 16
NW = NC * NS
E_PER_W = N_EDGES // NW
CHUNK = 40
NCHUNK = E_PER_W // CHUNK
ACC_ROWS = N_NODES
NR = 4
NQ = 2 * NR
GDEPTH = NR - 2
IAHEAD = GDEPTH + 2
ROWS_A = 624
ROWS_LAST = N_NODES - (NS - 1) * ROWS_A
ZROWS = 16

_mesh = plsc.VectorSubcoreMesh(core_axis_name="c", subcore_axis_name="s")


def _zero_fill(ref, nrows, width):
  zvec = jnp.zeros((16,), jnp.float32)
  per_row = width // 16

  def zf(i, _):
    ref[i // per_row, pl.ds((i % per_row) * 16, 16)] = zvec
    return 0

  lax.fori_loop(0, nrows * per_row, zf, 0)


def _drain(sid, sh_ref, out_ref):
  row0 = sid * ROWS_A

  @pl.when(sid < NS - 1)
  def _():
    pltpu.sync_copy(sh_ref.at[pl.ds(row0, ROWS_A)],
                    out_ref.at[pl.ds(row0, ROWS_A)])

  @pl.when(sid == NS - 1)
  def _():
    pltpu.sync_copy(sh_ref.at[pl.ds(row0, ROWS_LAST)],
                    out_ref.at[pl.ds(row0, ROWS_LAST)])


def _sc_agg_body(feat, src_hbm, dst_hbm, *rest):
  (acc_out, sidx_v, didx_v, rows_v, zero_v, acc_sh) = rest[:6]
  sems = rest[6:]
  sis = sems[0:NQ]
  sdi = sems[NQ:2 * NQ]
  sg = sems[2 * NQ:2 * NQ + NR]
  ss = sems[2 * NQ + NR:2 * NQ + 2 * NR]

  cid = lax.axis_index("c")
  sid = lax.axis_index("s")
  wid = sid * NC + cid
  row0 = sid * ROWS_A
  nz = jnp.where(sid == NS - 1, ROWS_LAST // ZROWS, ROWS_A // ZROWS)

  _zero_fill(zero_v, ZROWS, D)

  def zcopy(kk, _):
    pltpu.sync_copy(zero_v, acc_sh.at[pl.ds(row0 + kk * ZROWS, ZROWS)])
    return 0

  lax.fori_loop(0, nz, zcopy, 0)

  plsc.subcore_barrier()

  def idx_copy(i, q):
    pltpu.async_copy(src_hbm.at[wid, i], sidx_v.at[q], sis[q])
    pltpu.async_copy(dst_hbm.at[wid, i], didx_v.at[q], sdi[q])

  def wait_sidx(i, q):
    pltpu.make_async_copy(src_hbm.at[wid, i], sidx_v.at[q], sis[q]).wait()

  def wait_didx(i, q):
    pltpu.make_async_copy(dst_hbm.at[wid, i], didx_v.at[q], sdi[q]).wait()

  def gather(q, b):
    pltpu.async_copy(feat.at[sidx_v.at[q]], rows_v.at[b], sg[b])

  def wait_gather(q, b):
    pltpu.make_async_copy(
        feat.at[sidx_v.at[q]], rows_v.at[b], sg[b]).wait()

  def scatter(q, b):
    pltpu.async_copy(rows_v.at[b], acc_sh.at[didx_v.at[q]], ss[b], add=True)

  def wait_scatter(q, b):
    pltpu.make_async_copy(
        rows_v.at[b], acc_sh.at[didx_v.at[q]], ss[b]).wait()

  for c in range(IAHEAD):
    idx_copy(c, c)
  for c in range(GDEPTH):
    wait_sidx(c, c)
    gather(c, c % NR)

  def step(i, j):
    q = j
    r = j % NR

    @pl.when(i + GDEPTH < NCHUNK)
    def _():
      wait_sidx(i + GDEPTH, (j + GDEPTH) % NQ)

      @pl.when(i >= 2)
      def _():
        wait_scatter((j - 2) % NQ, (j - 2) % NR)

      gather((j + GDEPTH) % NQ, (j + GDEPTH) % NR)

    wait_gather(q, r)
    wait_didx(i, q)
    scatter(q, r)

    @pl.when(i + IAHEAD < NCHUNK)
    def _():
      idx_copy(i + IAHEAD, (j + IAHEAD) % NQ)

  def loop_body(k, _):
    for j in range(NQ):
      i = NQ * k + j

      @pl.when(i < NCHUNK)
      def _():
        step(i, j)

    return 0

  lax.fori_loop(0, (NCHUNK + NQ - 1) // NQ, loop_body, 0)

  for t in range(NCHUNK - NR, NCHUNK):
    wait_scatter(t % NQ, t % NR)

  plsc.subcore_barrier()
  _drain(sid, acc_sh, acc_out.at[cid])


_sc_agg = pl.kernel(
    _sc_agg_body,
    out_type=jax.ShapeDtypeStruct((NC, N_NODES, D), jnp.float32),
    mesh=_mesh,
    scratch_types=[
        pltpu.VMEM((NQ, CHUNK), jnp.int32),
        pltpu.VMEM((NQ, CHUNK), jnp.int32),
        pltpu.VMEM((NR, CHUNK, D), jnp.float32),
        pltpu.VMEM((ZROWS, D), jnp.float32),
        pltpu.VMEM_SHARED((ACC_ROWS, D), jnp.float32),
    ] + [pltpu.SemaphoreType.DMA] * (2 * NQ + 2 * NR),
)


def _sc_deg_body(dst_hbm, deg_out, didx_v, hist_v):
  cid = lax.axis_index("c")
  sid = lax.axis_index("s")
  wid = sid * NC + cid

  zvec = jnp.zeros((16,), jnp.float32)

  def hz(i, _):
    hist_v[pl.ds(i * 16, 16)] = zvec
    return 0

  lax.fori_loop(0, N_NODES // 16, hz, 0)

  pltpu.sync_copy(dst_hbm.at[wid], didx_v)

  def cnt(j, _):
    vals = didx_v[pl.ds(j * 16, 16)]
    ones_d = vals.astype(jnp.float32) * 0.0 + 1.0
    plsc.addupdate_scatter(hist_v, [vals], ones_d)
    return 0

  lax.fori_loop(0, E_PER_W // 16, cnt, 0)

  pltpu.sync_copy(hist_v, deg_out.at[cid, sid])


_sc_deg = pl.kernel(
    _sc_deg_body,
    out_type=jax.ShapeDtypeStruct((NC, NS, N_NODES), jnp.float32),
    mesh=_mesh,
    scratch_types=[
        pltpu.VMEM((E_PER_W,), jnp.int32),
        pltpu.VMEM((N_NODES,), jnp.float32),
    ],
    compiler_params=pltpu.CompilerParams(needs_layout_passes=False),
)


def _tc_layer(p_ref, degp_ref, x_ref, wl_ref, wr_ref, bl_ref, br_ref, o_ref,
              *, relu):
  agg = p_ref[0] + p_ref[1]
  deg = jnp.sum(degp_ref[...], axis=1, keepdims=True)
  mean = agg / jnp.maximum(deg, 1.0)
  h = (jnp.dot(mean, wl_ref[...], preferred_element_type=jnp.float32)
       + jnp.dot(x_ref[...], wr_ref[...], preferred_element_type=jnp.float32)
       + bl_ref[...] + br_ref[...])
  o_ref[...] = jnp.maximum(h, 0.0) if relu else h


_TC_BLK = 2000


def _tc_call(p, degp, x, wl, wr, bl, br, relu):
  return pl.pallas_call(
      functools.partial(_tc_layer, relu=relu),
      grid=(N_NODES // _TC_BLK,),
      in_specs=[
          pl.BlockSpec((NC, _TC_BLK, D), lambda i: (0, i, 0)),
          pl.BlockSpec((_TC_BLK, NW), lambda i: (i, 0)),
          pl.BlockSpec((_TC_BLK, D), lambda i: (i, 0)),
          pl.BlockSpec((D, D), lambda i: (0, 0)),
          pl.BlockSpec((D, D), lambda i: (0, 0)),
          pl.BlockSpec((1, D), lambda i: (0, 0)),
          pl.BlockSpec((1, D), lambda i: (0, 0)),
      ],
      out_specs=pl.BlockSpec((_TC_BLK, D), lambda i: (i, 0)),
      out_shape=jax.ShapeDtypeStruct((N_NODES, D), jnp.float32),
  )(p, degp, x, wl, wr, bl, br)


def kernel(x, edge_index, W1_l, b1_l, W1_r, b1_r, W2_l, b2_l, W2_r, b2_r):
  src = edge_index[0].astype(jnp.int32).reshape(NW, NCHUNK, CHUNK)
  dst = edge_index[1].astype(jnp.int32).reshape(NW, NCHUNK, CHUNK)

  dst_flat = edge_index[1].astype(jnp.int32).reshape(NW, E_PER_W)
  degp = _sc_deg(dst_flat)
  degp = degp.reshape(NW, N_NODES).T
  p1 = _sc_agg(x, src, dst)
  h = _tc_call(p1, degp, x, W1_l, W1_r,
               b1_l.reshape(1, D), b1_r.reshape(1, D), relu=True)
  p2 = _sc_agg(h, src, dst)
  return _tc_call(p2, degp, h, W2_l, W2_r,
                  b2_l.reshape(1, D), b2_r.reshape(1, D), relu=False)

# --- scband reference (transcript-rebuilt; emitter-appended) ---
"""Pipeline reference for scband-graph-sage-56152402427956 (READ-ONLY COPY).

The authoritative reference and input builder live on the scoring server;
editing this copy changes nothing except your own understanding.
"""

import jax, jax.numpy as jnp
import numpy as np

N_NODES = 10000
N_EDGES = 320000
D_IN = 128
D_HID = 128
D_OUT = 128


def setup_inputs(seed: int = 0) -> dict:
    key = jax.random.key(seed)
    ks = jax.random.split(key, 10)
    x = jax.random.normal(ks[0], (N_NODES, D_IN), dtype=jnp.float32)
    edge_index = jax.random.randint(ks[1], (2, N_EDGES), 0, N_NODES, dtype=jnp.int64)
    s1 = 1.0 / np.sqrt(D_IN)
    s2 = 1.0 / np.sqrt(D_HID)
    W1_l = jax.random.uniform(ks[2], (D_IN, D_HID), jnp.float32, -s1, s1)
    b1_l = jnp.zeros((D_HID,), jnp.float32)
    W1_r = jax.random.uniform(ks[3], (D_IN, D_HID), jnp.float32, -s1, s1)
    b1_r = jnp.zeros((D_HID,), jnp.float32)
    W2_l = jax.random.uniform(ks[4], (D_HID, D_OUT), jnp.float32, -s2, s2)
    b2_l = jnp.zeros((D_OUT,), jnp.float32)
    W2_r = jax.random.uniform(ks[5], (D_HID, D_OUT), jnp.float32, -s2, s2)
    b2_r = jnp.zeros((D_OUT,), jnp.float32)
    return {"x": x, "edge_index": edge_index,
            "W1_l": W1_l, "b1_l": b1_l, "W1_r": W1_r, "b1_r": b1_r,
            "W2_l": W2_l, "b2_l": b2_l, "W2_r": W2_r, "b2_r": b2_r}


def _sage_conv(x, edge_index, W_l, b_l, W_r, b_r):
    # PyG SAGEConv with mean aggregation: out = lin_l(mean_{j in N(i)} x_j) + lin_r(x_i)
    src = edge_index[0]
    dst = edge_index[1]
    msgs = jnp.take(x, src, axis=0)                       # gather (SparseCore)
    agg = jax.ops.segment_sum(msgs, dst, num_segments=x.shape[0])  # scatter-add
    deg = jax.ops.segment_sum(jnp.ones((edge_index.shape[1],), x.dtype), dst,
                              num_segments=x.shape[0])
    mean = agg / jnp.clip(deg, 1.0, None)[:, None]
    return mean @ W_l + b_l + x @ W_r + b_r


def reference(x, edge_index, W1_l, b1_l, W1_r, b1_r, W2_l, b2_l, W2_r, b2_r):
    # dropout(p=0.5) is identity in eval mode (training=False)
    h = _sage_conv(x, edge_index, W1_l, b1_l, W1_r, b1_r)
    h = jax.nn.relu(h)
    out = _sage_conv(h, edge_index, W2_l, b2_l, W2_r, b2_r)
    return out

if __name__ == "__main__":
    import jax
    _d = setup_inputs()
    print(jax.jit(kernel)(*tuple(_d.values())))

</pallas_src>

<mosaic_0001>
#map = affine_map<(d0, d1) -> (0, 0)>
#map1 = affine_map<(d0, d1) -> (0, 0, 0)>
module attributes {stable_mosaic.version = 14 : i64} {
  func.func @_sc_agg_body(%arg0: i32, %arg1: i32, %arg2: memref<10000x128xf32, #tpu.memory_space<hbm>>, %arg3: memref<32x250x40xi32, #tpu.memory_space<hbm>>, %arg4: memref<32x250x40xi32, #tpu.memory_space<hbm>>, %arg5: memref<2x10000x128xf32, #tpu.memory_space<hbm>>, %arg6: memref<8x40xi32, #tpu.memory_space<vmem>>, %arg7: memref<8x40xi32, #tpu.memory_space<vmem>>, %arg8: memref<4x40x128xf32, #tpu.memory_space<vmem>>, %arg9: memref<16x128xf32, #tpu.memory_space<vmem>>, %arg10: memref<10000x128xf32, #tpu.memory_space<vmem_shared>>, %arg11: memref<!tpu.dma_semaphore, #tpu.memory_space<semaphore_mem>>, %arg12: memref<!tpu.dma_semaphore, #tpu.memory_space<semaphore_mem>>, %arg13: memref<!tpu.dma_semaphore, #tpu.memory_space<semaphore_mem>>, %arg14: memref<!tpu.dma_semaphore, #tpu.memory_space<semaphore_mem>>, %arg15: memref<!tpu.dma_semaphore, #tpu.memory_space<semaphore_mem>>, %arg16: memref<!tpu.dma_semaphore, #tpu.memory_space<semaphore_mem>>, %arg17: memref<!tpu.dma_semaphore, #tpu.memory_space<semaphore_mem>>, %arg18: memref<!tpu.dma_semaphore, #tpu.memory_space<semaphore_mem>>, %arg19: memref<!tpu.dma_semaphore, #tpu.memory_space<semaphore_mem>>, %arg20: memref<!tpu.dma_semaphore, #tpu.memory_space<semaphore_mem>>, %arg21: memref<!tpu.dma_semaphore, #tpu.memory_space<semaphore_mem>>, %arg22: memref<!tpu.dma_semaphore, #tpu.memory_space<semaphore_mem>>, %arg23: memref<!tpu.dma_semaphore, #tpu.memory_space<semaphore_mem>>, %arg24: memref<!tpu.dma_semaphore, #tpu.memory_space<semaphore_mem>>, %arg25: memref<!tpu.dma_semaphore, #tpu.memory_space<semaphore_mem>>, %arg26: memref<!tpu.dma_semaphore, #tpu.memory_space<semaphore_mem>>, %arg27: memref<!tpu.dma_semaphore, #tpu.memory_space<semaphore_mem>>, %arg28: memref<!tpu.dma_semaphore, #tpu.memory_space<semaphore_mem>>, %arg29: memref<!tpu.dma_semaphore, #tpu.memory_space<semaphore_mem>>, %arg30: memref<!tpu.dma_semaphore, #tpu.memory_space<semaphore_mem>>, %arg31: memref<!tpu.dma_semaphore, #tpu.memory_space<semaphore_mem>>, %arg32: memref<!tpu.dma_semaphore, #tpu.memory_space<semaphore_mem>>, %arg33: memref<!tpu.dma_semaphore, #tpu.memory_space<semaphore_mem>>, %arg34: memref<!tpu.dma_semaphore, #tpu.memory_space<semaphore_mem>>) attributes {dimension_semantics = [#tpu.dimension_semantics<core_parallel>, #tpu.dimension_semantics<subcore_parallel>], iteration_bounds = array<i64: 2, 16>, scalar_prefetch = 0 : i64, scratch_operands = 29 : i64, tpu.core_type = #tpu.core_type<sc_vector_subcore>, window_params = [{transform_indices = #map}, {transform_indices = #map1}, {transform_indices = #map1}, {transform_indices = #map1}]} {
    %mul3A = arith.constant 2 : i32
    %mul3A_0 = arith.muli %arg1, %mul3A : i32
    %add3A = arith.addi %mul3A_0, %arg0 : i32
    %mul3A_1 = arith.constant 624 : i32
    %mul3A_2 = arith.muli %arg1, %mul3A_1 : i32
    %eq3A = arith.constant 15 : i32
    %eq3A_3 = arith.cmpi eq, %arg1, %eq3A : i32
    %jit3A = arith.constant 40 : i32
    %jit3A_4 = arith.constant 39 : i32
    %select_n3A = arith.select %eq3A_3, %jit3A, %jit3A_4 : i32
    %broadcast_in_dim3A = arith.constant 0.000000e+00 : f32
    %broadcast_in_dim3A_5 = vector.broadcast %broadcast_in_dim3A : f32 to vector<16xf32>
    %scan3A = arith.constant 0 : i32
    %scan3A_6 = arith.constant 0 : i32
    %scan3A_7 = arith.constant 128 : i32
    %scan3A_8 = arith.addi %scan3A_6, %scan3A_7 : i32
    %scan3A_9 = arith.constant 1 : i32
    %scan3A_10 = scf.for %scan3A_250 = %scan3A_6 to %scan3A_8 step %scan3A_9 iter_args(%scan3A_251 = %scan3A) -> (i32)  : i32 {
      %jit3A_252 = arith.constant 8 : i32
      %div3A = arith.divsi %scan3A_250, %jit3A_252 : i32
      %sign3A = arith.constant 0 : i32
      %sign3A_253 = arith.cmpi sgt, %scan3A_250, %sign3A : i32
      %sign3A_254 = arith.extui %sign3A_253 : i1 to i32
      %sign3A_255 = arith.constant 0 : i32
      %sign3A_256 = arith.cmpi slt, %scan3A_250, %sign3A_255 : i32
      %sign3A_257 = arith.extui %sign3A_256 : i1 to i32
      %sign3A_258 = arith.subi %sign3A_254, %sign3A_257 : i32
      %sign3A_259 = arith.constant 0 : i32
      %sign3A_260 = arith.cmpi sgt, %jit3A_252, %sign3A_259 : i32
      %sign3A_261 = arith.extui %sign3A_260 : i1 to i32
      %sign3A_262 = arith.constant 0 : i32
      %sign3A_263 = arith.cmpi slt, %jit3A_252, %sign3A_262 : i32
      %sign3A_264 = arith.extui %sign3A_263 : i1 to i32
      %sign3A_265 = arith.subi %sign3A_261, %sign3A_264 : i32
      %ne3A = arith.cmpi ne, %sign3A_258, %sign3A_265 : i32
      %rem3A = arith.remsi %scan3A_250, %jit3A_252 : i32
      %ne3A_266 = arith.constant 0 : i32
      %ne3A_267 = arith.cmpi ne, %rem3A, %ne3A_266 : i32
      %and3A = arith.andi %ne3A, %ne3A_267 : i1
      %sub3A = arith.constant 1 : i32
      %sub3A_268 = arith.subi %div3A, %sub3A : i32
      %select_n3A_269 = arith.select %and3A, %sub3A_268, %div3A : i32
      %jit3A_270 = arith.constant 8 : i32
      %eq3A_271 = arith.constant 0 : i32
      %eq3A_272 = arith.cmpi eq, %jit3A_270, %eq3A_271 : i32
      %jit3A_273 = arith.constant 1 : i32
      %select_n3A_274 = arith.select %eq3A_272, %jit3A_273, %jit3A_270 : i32
      %rem3A_275 = arith.remsi %scan3A_250, %select_n3A_274 : i32
      %ne3A_276 = arith.constant 0 : i32
      %ne3A_277 = arith.cmpi ne, %rem3A_275, %ne3A_276 : i32
      %lt3A_278 = arith.constant 0 : i32
      %lt3A_279 = arith.cmpi slt, %rem3A_275, %lt3A_278 : i32
      %lt3A_280 = arith.constant 0 : i32
      %lt3A_281 = arith.cmpi slt, %select_n3A_274, %lt3A_280 : i32
      %ne3A_282 = arith.xori %lt3A_279, %lt3A_281 : i1
      %and3A_283 = arith.andi %ne3A_282, %ne3A_277 : i1
      %add3A_284 = arith.addi %rem3A_275, %select_n3A_274 : i32
      %select_n3A_285 = arith.select %and3A_283, %add3A_284, %rem3A_275 : i32
      %mul3A_286 = arith.constant 16 : i32
      %mul3A_287 = arith.muli %select_n3A_285, %mul3A_286 : i32
      %swap3A = arith.index_cast %select_n3A_269 : i32 to index
      %swap3A_288 = arith.index_cast %mul3A_287 : i32 to index
      %swap3A_289 = tpu.vector_load %arg9[%swap3A, %swap3A_288] {strides = array<i32>} : memref<16x128xf32, #tpu.memory_space<vmem>>, vector<1x16xf32>,
      %swap3A_290 = vector.shape_cast %swap3A_289 : vector<1x16xf32> to vector<16xf32>
      %swap3A_291 = vector.shape_cast %broadcast_in_dim3A_5 : vector<16xf32> to vector<1x16xf32>
      tpu.vector_store %arg9[%swap3A, %swap3A_288], %swap3A_291 {strides = array<i32>} : memref<16x128xf32, #tpu.memory_space<vmem>>, vector<1x16xf32>,
      %scan3A_292 = arith.constant 0 : i32
      scf.yield %scan3A_292 : i32
    }
    %scan3A_11 = arith.constant 128 : i32
    %while3A = arith.constant 0 : i32
    %while3A_12 = arith.constant 0 : i32
    %while3A_13 = arith.subi %select_n3A, %while3A : i32
    %while3A_14 = arith.addi %while3A, %while3A_13 : i32
    %while3A_15 = arith.constant 1 : i32
    %while3A_16 = arith.divsi %while3A_13, %while3A_15 : i32
    %while3A_17 = arith.muli %while3A_16, %while3A_15 : i32
    %while3A_18 = arith.addi %while3A, %while3A_17 : i32
    %while3A_19 = arith.constant 1 : i32
    %while3A_20 = scf.for %while3A_250 = %while3A to %while3A_18 step %while3A_19 iter_args(%while3A_251 = %while3A_12) -> (i32)  : i32 {
      %mul3A_252 = arith.constant 16 : i32
      %mul3A_253 = arith.muli %while3A_250, %mul3A_252 : i32
      %add3A_254 = arith.addi %mul3A_2, %mul3A_253 : i32
      "tpu.region"() ({
        %run_scoped3A = tpu.sem_alloc : memref<!tpu.dma_semaphore, #tpu.memory_space<semaphore_mem>>
        %dma_start3A_256 = arith.constant 0 : i32
        %dma_start3A_257 = tpu.memref_slice %arg10[%add3A_254, %dma_start3A_256] : memref<10000x128xf32, #tpu.memory_space<vmem_shared>> -> memref<16x128xf32, #tpu.memory_space<vmem_shared>>
        %dma_start3A_258 = arith.constant 0 : i32
        %dma_start3A_259 = tpu.memref_slice %arg10[%add3A_254, %dma_start3A_258] : memref<10000x128xf32, #tpu.memory_space<vmem_shared>> -> memref<16x128xf32, #tpu.memory_space<vmem_shared>>
        tpu.enqueue_dma source(%arg9 : memref<16x128xf32, #tpu.memory_space<vmem>>) target(%dma_start3A_259 : memref<16x128xf32, #tpu.memory_space<vmem_shared>>) target_semaphore(%run_scoped3A : memref<!tpu.dma_semaphore, #tpu.memory_space<semaphore_mem>>)
        %dma_wait3A_260 = arith.constant 0 : i32
        %dma_wait3A_261 = tpu.memref_slice %arg10[%add3A_254, %dma_wait3A_260] : memref<10000x128xf32, #tpu.memory_space<vmem_shared>> -> memref<16x128xf32, #tpu.memory_space<vmem_shared>>
        %dma_wait3A_262 = arith.constant 0 : i32
        %dma_wait3A_263 = tpu.memref_slice %arg10[%add3A_254, %dma_wait3A_262] : memref<10000x128xf32, #tpu.memory_space<vmem_shared>> -> memref<16x128xf32, #tpu.memory_space<vmem_shared>>
        tpu.wait_dma2 semaphore(%run_scoped3A : memref<!tpu.dma_semaphore, #tpu.memory_space<semaphore_mem>>) src(%arg9 : memref<16x128xf32, #tpu.memory_space<vmem>>) dst(%dma_wait3A_263 : memref<16x128xf32, #tpu.memory_space<vmem_shared>>)
        tpu.yield
      }) : () -> ()
      %while3A_255 = arith.constant 0 : i32
      scf.yield %while3A_255 : i32
    }
    %while3A_21 = arith.constant 1 : i32
    %while3A_22 = scf.for %while3A_250 = %while3A_18 to %while3A_14 step %while3A_21 iter_args(%while3A_251 = %while3A_20) -> (i32)  : i32 {
      %mul3A_252 = arith.constant 16 : i32
      %mul3A_253 = arith.muli %while3A_250, %mul3A_252 : i32
      %add3A_254 = arith.addi %mul3A_2, %mul3A_253 : i32
      "tpu.region"() ({
        %run_scoped3A = tpu.sem_alloc : memref<!tpu.dma_semaphore, #tpu.memory_space<semaphore_mem>>
        %dma_start3A_256 = arith.constant 0 : i32
        %dma_start3A_257 = tpu.memref_slice %arg10[%add3A_254, %dma_start3A_256] : memref<10000x128xf32, #tpu.memory_space<vmem_shared>> -> memref<16x128xf32, #tpu.memory_space<vmem_shared>>
        %dma_start3A_258 = arith.constant 0 : i32
        %dma_start3A_259 = tpu.memref_slice %arg10[%add3A_254, %dma_start3A_258] : memref<10000x128xf32, #tpu.memory_space<vmem_shared>> -> memref<16x128xf32, #tpu.memory_space<vmem_shared>>
        tpu.enqueue_dma source(%arg9 : memref<16x128xf32, #tpu.memory_space<vmem>>) target(%dma_start3A_259 : memref<16x128xf32, #tpu.memory_space<vmem_shared>>) target_semaphore(%run_scoped3A : memref<!tpu.dma_semaphore, #tpu.memory_space<semaphore_mem>>)
        %dma_wait3A_260 = arith.constant 0 : i32
        %dma_wait3A_261 = tpu.memref_slice %arg10[%add3A_254, %dma_wait3A_260] : memref<10000x128xf32, #tpu.memory_space<vmem_shared>> -> memref<16x128xf32, #tpu.memory_space<vmem_shared>>
        %dma_wait3A_262 = arith.constant 0 : i32
        %dma_wait3A_263 = tpu.memref_slice %arg10[%add3A_254, %dma_wait3A_262] : memref<10000x128xf32, #tpu.memory_space<vmem_shared>> -> memref<16x128xf32, #tpu.memory_space<vmem_shared>>
        tpu.wait_dma2 semaphore(%run_scoped3A : memref<!tpu.dma_semaphore, #tpu.memory_space<semaphore_mem>>) src(%arg9 : memref<16x128xf32, #tpu.memory_space<vmem>>) dst(%dma_wait3A_263 : memref<16x128xf32, #tpu.memory_space<vmem_shared>>)
        tpu.yield
      }) : () -> ()
      %while3A_255 = arith.constant 0 : i32
      scf.yield %while3A_255 : i32
    }
    %barrier3A = arith.constant 0 : index
    tpu.barrier barrier_id(%barrier3A)
    %dma_start3A = arith.constant 0 : i32
    %dma_start3A_23 = arith.constant 0 : i32
    %dma_start3A_24 = arith.constant 0 : i32
    %dma_start3A_25 = tpu.memref_slice %arg6[%dma_start3A_23, %dma_start3A_24] : memref<8x40xi32, #tpu.memory_space<vmem>> -> memref<1x40xi32, #tpu.memory_space<vmem>>
    %dma_start3A_26 = tpu.memref_squeeze %dma_start3A_25 : memref<1x40xi32, #tpu.memory_space<vmem>> -> memref<40xi32, #tpu.memory_space<vmem>>
    %dma_start3A_27 = arith.constant 0 : i32
    %dma_start3A_28 = tpu.memref_slice %arg3[%add3A, %dma_start3A, %dma_start3A_27] : memref<32x250x40xi32, #tpu.memory_space<hbm>> -> memref<1x1x40xi32, #tpu.memory_space<hbm>>
    %dma_start3A_29 = tpu.memref_squeeze %dma_start3A_28 : memref<1x1x40xi32, #tpu.memory_space<hbm>> -> memref<40xi32, #tpu.memory_space<hbm>>
    %dma_start3A_30 = arith.constant 0 : i32
    %dma_start3A_31 = tpu.memref_slice %arg6[%dma_start3A_23, %dma_start3A_30] : memref<8x40xi32, #tpu.memory_space<vmem>> -> memref<1x40xi32, #tpu.memory_space<vmem>>
    %dma_start3A_32 = tpu.memref_squeeze %dma_start3A_31 : memref<1x40xi32, #tpu.memory_space<vmem>> -> memref<40xi32, #tpu.memory_space<vmem>>
    %dma_start3A_33 = arith.constant 0 : i32
    %dma_start3A_34 = tpu.memref_slice %arg3[%add3A, %dma_start3A, %dma_start3A_33] : memref<32x250x40xi32, #tpu.memory_space<hbm>> -> memref<1x1x40xi32, #tpu.memory_space<hbm>>
    %dma_start3A_35 = tpu.memref_squeeze %dma_start3A_34 : memref<1x1x40xi32, #tpu.memory_space<hbm>> -> memref<40xi32, #tpu.memory_space<hbm>>
    tpu.enqueue_dma source(%dma_start3A_35 : memref<40xi32, #tpu.memory_space<hbm>>) target(%dma_start3A_32 : memref<40xi32, #tpu.memory_space<vmem>>) target_semaphore(%arg11 : memref<!tpu.dma_semaphore, #tpu.memory_space<semaphore_mem>>)
    %dma_start3A_36 = arith.constant 0 : i32
    %dma_start3A_37 = arith.constant 0 : i32
    %dma_start3A_38 = arith.constant 0 : i32
    %dma_start3A_39 = tpu.memref_slice %arg7[%dma_start3A_37, %dma_start3A_38] : memref<8x40xi32, #tpu.memory_space<vmem>> -> memref<1x40xi32, #tpu.memory_space<vmem>>
    %dma_start3A_40 = tpu.memref_squeeze %dma_start3A_39 : memref<1x40xi32, #tpu.memory_space<vmem>> -> memref<40xi32, #tpu.memory_space<vmem>>
    %dma_start3A_41 = arith.constant 0 : i32
    %dma_start3A_42 = tpu.memref_slice %arg4[%add3A, %dma_start3A_36, %dma_start3A_41] : memref<32x250x40xi32, #tpu.memory_space<hbm>> -> memref<1x1x40xi32, #tpu.memory_space<hbm>>
    %dma_start3A_43 = tpu.memref_squeeze %dma_start3A_42 : memref<1x1x40xi32, #tpu.memory_space<hbm>> -> memref<40xi32, #tpu.memory_space<hbm>>
    %dma_start3A_44 = arith.constant 0 : i32
    %dma_start3A_45 = tpu.memref_slice %arg7[%dma_start3A_37, %dma_start3A_44] : memref<8x40xi32, #tpu.memory_space<vmem>> -> memref<1x40xi32, #tpu.memory_space<vmem>>
    %dma_start3A_46 = tpu.memref_squeeze %dma_start3A_45 : memref<1x40xi32, #tpu.memory_space<vmem>> -> memref<40xi32, #tpu.memory_space<vmem>>
    %dma_start3A_47 = arith.constant 0 : i32
    %dma_start3A_48 = tpu.memref_slice %arg4[%add3A, %dma_start3A_36, %dma_start3A_47] : memref<32x250x40xi32, #tpu.memory_space<hbm>> -> memref<1x1x40xi32, #tpu.memory_space<hbm>>
    %dma_start3A_49 = tpu.memref_squeeze %dma_start3A_48 : memref<1x1x40xi32, #tpu.memory_space<hbm>> -> memref<40xi32, #tpu.memory_space<hbm>>
    tpu.enqueue_dma source(%dma_start3A_49 : memref<40xi32, #tpu.memory_space<hbm>>) target(%dma_start3A_46 : memref<40xi32, #tpu.memory_space<vmem>>) target_semaphore(%arg19 : memref<!tpu.dma_semaphore, #tpu.memory_space<semaphore_mem>>)
    %dma_start3A_50 = arith.constant 1 : i32
    %dma_start3A_51 = arith.constant 1 : i32
    %dma_start3A_52 = arith.constant 0 : i32
    %dma_start3A_53 = tpu.memref_slice %arg6[%dma_start3A_51, %dma_start3A_52] : memref<8x40xi32, #tpu.memory_space<vmem>> -> memref<1x40xi32, #tpu.memory_space<vmem>>
    %dma_start3A_54 = tpu.memref_squeeze %dma_start3A_53 : memref<1x40xi32, #tpu.memory_space<vmem>> -> memref<40xi32, #tpu.memory_space<vmem>>
    %dma_start3A_55 = arith.constant 0 : i32
    %dma_start3A_56 = tpu.memref_slice %arg3[%add3A, %dma_start3A_50, %dma_start3A_55] : memref<32x250x40xi32, #tpu.memory_space<hbm>> -> memref<1x1x40xi32, #tpu.memory_space<hbm>>
    %dma_start3A_57 = tpu.memref_squeeze %dma_start3A_56 : memref<1x1x40xi32, #tpu.memory_space<hbm>> -> memref<40xi32, #tpu.memory_space<hbm>>
    %dma_start3A_58 = arith.constant 0 : i32
    %dma_start3A_59 = tpu.memref_slice %arg6[%dma_start3A_51, %dma_start3A_58] : memref<8x40xi32, #tpu.memory_space<vmem>> -> memref<1x40xi32, #tpu.memory_space<vmem>>
    %dma_start3A_60 = tpu.memref_squeeze %dma_start3A_59 : memref<1x40xi32, #tpu.memory_space<vmem>> -> memref<40xi32, #tpu.memory_space<vmem>>
    %dma_start3A_61 = arith.constant 0 : i32
    %dma_start3A_62 = tpu.memref_slice %arg3[%add3A, %dma_start3A_50, %dma_start3A_61] : memref<32x250x40xi32, #tpu.memory_space<hbm>> -> memref<1x1x40xi32, #tpu.memory_space<hbm>>
    %dma_start3A_63 = tpu.memref_squeeze %dma_start3A_62 : memref<1x1x40xi32, #tpu.memory_space<hbm>> -> memref<40xi32, #tpu.memory_space<hbm>>
    tpu.enqueue_dma source(%dma_start3A_63 : memref<40xi32, #tpu.memory_space<hbm>>) target(%dma_start3A_60 : memref<40xi32, #tpu.memory_space<vmem>>) target_semaphore(%arg12 : memref<!tpu.dma_semaphore, #tpu.memory_space<semaphore_mem>>)
    %dma_start3A_64 = arith.constant 1 : i32
    %dma_start3A_65 = arith.constant 1 : i32
    %dma_start3A_66 = arith.constant 0 : i32
    %dma_start3A_67 = tpu.memref_slice %arg7[%dma_start3A_65, %dma_start3A_66] : memref<8x40xi32, #tpu.memory_space<vmem>> -> memref<1x40xi32, #tpu.memory_space<vmem>>
    %dma_start3A_68 = tpu.memref_squeeze %dma_start3A_67 : memref<1x40xi32, #tpu.memory_space<vmem>> -> memref<40xi32, #tpu.memory_space<vmem>>
    %dma_start3A_69 = arith.constant 0 : i32
    %dma_start3A_70 = tpu.memref_slice %arg4[%add3A, %dma_start3A_64, %dma_start3A_69] : memref<32x250x40xi32, #tpu.memory_space<hbm>> -> memref<1x1x40xi32, #tpu.memory_space<hbm>>
    %dma_start3A_71 = tpu.memref_squeeze %dma_start3A_70 : memref<1x1x40xi32, #tpu.memory_space<hbm>> -> memref<40xi32, #tpu.memory_space<hbm>>
    %dma_start3A_72 = arith.constant 0 : i32
    %dma_start3A_73 = tpu.memref_slice %arg7[%dma_start3A_65, %dma_start3A_72] : memref<8x40xi32, #tpu.memory_space<vmem>> -> memref<1x40xi32, #tpu.memory_space<vmem>>
    %dma_start3A_74 = tpu.memref_squeeze %dma_start3A_73 : memref<1x40xi32, #tpu.memory_space<vmem>> -> memref<40xi32, #tpu.memory_space<vmem>>
    %dma_start3A_75 = arith.constant 0 : i32
    %dma_start3A_76 = tpu.memref_slice %arg4[%add3A, %dma_start3A_64, %dma_start3A_75] : memref<32x250x40xi32, #tpu.memory_space<hbm>> -> memref<1x1x40xi32, #tpu.memory_space<hbm>>
    %dma_start3A_77 = tpu.memref_squeeze %dma_start3A_76 : memref<1x1x40xi32, #tpu.memory_space<hbm>> -> memref<40xi32, #tpu.memory_space<hbm>>
    tpu.enqueue_dma source(%dma_start3A_77 : memref<40xi32, #tpu.memory_space<hbm>>) target(%dma_start3A_74 : memref<40xi32, #tpu.memory_space<vmem>>) target_semaphore(%arg20 : memref<!tpu.dma_semaphore, #tpu.memory_space<semaphore_mem>>)
    %dma_start3A_78 = arith.constant 2 : i32
    %dma_start3A_79 = arith.constant 2 : i32
    %dma_start3A_80 = arith.constant 0 : i32
    %dma_start3A_81 = tpu.memref_slice %arg6[%dma_start3A_79, %dma_start3A_80] : memref<8x40xi32, #tpu.memory_space<vmem>> -> memref<1x40xi32, #tpu.memory_space<vmem>>
    %dma_start3A_82 = tpu.memref_squeeze %dma_start3A_81 : memref<1x40xi32, #tpu.memory_space<vmem>> -> memref<40xi32, #tpu.memory_space<vmem>>
    %dma_start3A_83 = arith.constant 0 : i32
    %dma_start3A_84 = tpu.memref_slice %arg3[%add3A, %dma_start3A_78, %dma_start3A_83] : memref<32x250x40xi32, #tpu.memory_space<hbm>> -> memref<1x1x40xi32, #tpu.memory_space<hbm>>
    %dma_start3A_85 = tpu.memref_squeeze %dma_start3A_84 : memref<1x1x40xi32, #tpu.memory_space<hbm>> -> memref<40xi32, #tpu.memory_space<hbm>>
    %dma_start3A_86 = arith.constant 0 : i32
    %dma_start3A_87 = tpu.memref_slice %arg6[%dma_start3A_79, %dma_start3A_86] : memref<8x40xi32, #tpu.memory_space<vmem>> -> memref<1x40xi32, #tpu.memory_space<vmem>>
    %dma_start3A_88 = tpu.memref_squeeze %dma_start3A_87 : memref<1x40xi32, #tpu.memory_space<vmem>> -> memref<40xi32, #tpu.memory_space<vmem>>
    %dma_start3A_89 = arith.constant 0 : i32
    %dma_start3A_90 = tpu.memref_slice %arg3[%add3A, %dma_start3A_78, %dma_start3A_89] : memref<32x250x40xi32, #tpu.memory_space<hbm>> -> memref<1x1x40xi32, #tpu.memory_space<hbm>>
    %dma_start3A_91 = tpu.memref_squeeze %dma_start3A_90 : memref<1x1x40xi32, #tpu.memory_space<hbm>> -> memref<40xi32, #tpu.memory_space<hbm>>
    tpu.enqueue_dma source(%dma_start3A_91 : memref<40xi32, #tpu.memory_space<hbm>>) target(%dma_start3A_88 : memref<40xi32, #tpu.memory_space<vmem>>) target_semaphore(%arg13 : memref<!tpu.dma_semaphore, #tpu.memory_space<semaphore_mem>>)
    %dma_start3A_92 = arith.constant 2 : i32
    %dma_start3A_93 = arith.constant 2 : i32
    %dma_start3A_94 = arith.constant 0 : i32
    %dma_start3A_95 = tpu.memref_slice %arg7[%dma_start3A_93, %dma_start3A_94] : memref<8x40xi32, #tpu.memory_space<vmem>> -> memref<1x40xi32, #tpu.memory_space<vmem>>
    %dma_start3A_96 = tpu.memref_squeeze %dma_start3A_95 : memref<1x40xi32, #tpu.memory_space<vmem>> -> memref<40xi32, #tpu.memory_space<vmem>>
    %dma_start3A_97 = arith.constant 0 : i32
    %dma_start3A_98 = tpu.memref_slice %arg4[%add3A, %dma_start3A_92, %dma_start3A_97] : memref<32x250x40xi32, #tpu.memory_space<hbm>> -> memref<1x1x40xi32, #tpu.memory_space<hbm>>
    %dma_start3A_99 = tpu.memref_squeeze %dma_start3A_98 : memref<1x1x40xi32, #tpu.memory_space<hbm>> -> memref<40xi32, #tpu.memory_space<hbm>>
    %dma_start3A_100 = arith.constant 0 : i32
    %dma_start3A_101 = tpu.memref_slice %arg7[%dma_start3A_93, %dma_start3A_100] : memref<8x40xi32, #tpu.memory_space<vmem>> -> memref<1x40xi32, #tpu.memory_space<vmem>>
    %dma_start3A_102 = tpu.memref_squeeze %dma_start3A_101 : memref<1x40xi32, #tpu.memory_space<vmem>> -> memref<40xi32, #tpu.memory_space<vmem>>
    %dma_start3A_103 = arith.constant 0 : i32
    %dma_start3A_104 = tpu.memref_slice %arg4[%add3A, %dma_start3A_92, %dma_start3A_103] : memref<32x250x40xi32, #tpu.memory_space<hbm>> -> memref<1x1x40xi32, #tpu.memory_space<hbm>>
    %dma_start3A_105 = tpu.memref_squeeze %dma_start3A_104 : memref<1x1x40xi32, #tpu.memory_space<hbm>> -> memref<40xi32, #tpu.memory_space<hbm>>
    tpu.enqueue_dma source(%dma_start3A_105 : memref<40xi32, #tpu.memory_space<hbm>>) target(%dma_start3A_102 : memref<40xi32, #tpu.memory_space<vmem>>) target_semaphore(%arg21 : memref<!tpu.dma_semaphore, #tpu.memory_space<semaphore_mem>>)
    %dma_start3A_106 = arith.constant 3 : i32
    %dma_start3A_107 = arith.constant 3 : i32
    %dma_start3A_108 = arith.constant 0 : i32
    %dma_start3A_109 = tpu.memref_slice %arg6[%dma_start3A_107, %dma_start3A_108] : memref<8x40xi32, #tpu.memory_space<vmem>> -> memref<1x40xi32, #tpu.memory_space<vmem>>
    %dma_start3A_110 = tpu.memref_squeeze %dma_start3A_109 : memref<1x40xi32, #tpu.memory_space<vmem>> -> memref<40xi32, #tpu.memory_space<vmem>>
    %dma_start3A_111 = arith.constant 0 : i32
    %dma_start3A_112 = tpu.memref_slice %arg3[%add3A, %dma_start3A_106, %dma_start3A_111] : memref<32x250x40xi32, #tpu.memory_space<hbm>> -> memref<1x1x40xi32, #tpu.memory_space<hbm>>
    %dma_start3A_113 = tpu.memref_squeeze %dma_start3A_112 : memref<1x1x40xi32, #tpu.memory_space<hbm>> -> memref<40xi32, #tpu.memory_space<hbm>>
    %dma_start3A_114 = arith.constant 0 : i32
    %dma_start3A_115 = tpu.memref_slice %arg6[%dma_start3A_107, %dma_start3A_114] : memref<8x40xi32, #tpu.memory_space<vmem>> -> memref<1x40xi32, #tpu.memory_space<vmem>>
    %dma_start3A_116 = tpu.memref_squeeze %dma_start3A_115 : memref<1x40xi32, #tpu.memory_space<vmem>> -> memref<40xi32, #tpu.memory_space<vmem>>
    %dma_start3A_117 = arith.constant 0 : i32
    %dma_start3A_118 = tpu.memref_slice %arg3[%add3A, %dma_start3A_106, %dma_start3A_117] : memref<32x250x40xi32, #tpu.memory_space<hbm>> -> memref<1x1x40xi32, #tpu.memory_space<hbm>>
    %dma_start3A_119 = tpu.memref_squeeze %dma_start3A_118 : memref<1x1x40xi32, #tpu.memory_space<hbm>> -> memref<40xi32, #tpu.memory_space<hbm>>
    tpu.enqueue_dma source(%dma_start3A_119 : memref<40xi32, #tpu.memory_space<hbm>>) target(%dma_start3A_116 : memref<40xi32, #tpu.memory_space<vmem>>) target_semaphore(%arg14 : memref<!tpu.dma_semaphore, #tpu.memory_space<semaphore_mem>>)
    %dma_start3A_120 = arith.constant 3 : i32
    %dma_start3A_121 = arith.constant 3 : i32
    %dma_start3A_122 = arith.constant 0 : i32
    %dma_start3A_123 = tpu.memref_slice %arg7[%dma_start3A_121, %dma_start3A_122] : memref<8x40xi32, #tpu.memory_space<vmem>> -> memref<1x40xi32, #tpu.memory_space<vmem>>
    %dma_start3A_124 = tpu.memref_squeeze %dma_start3A_123 : memref<1x40xi32, #tpu.memory_space<vmem>> -> memref<40xi32, #tpu.memory_space<vmem>>
    %dma_start3A_125 = arith.constant 0 : i32
    %dma_start3A_126 = tpu.memref_slice %arg4[%add3A, %dma_start3A_120, %dma_start3A_125] : memref<32x250x40xi32, #tpu.memory_space<hbm>> -> memref<1x1x40xi32, #tpu.memory_space<hbm>>
    %dma_start3A_127 = tpu.memref_squeeze %dma_start3A_126 : memref<1x1x40xi32, #tpu.memory_space<hbm>> -> memref<40xi32, #tpu.memory_space<hbm>>
    %dma_start3A_128 = arith.constant 0 : i32
    %dma_start3A_129 = tpu.memref_slice %arg7[%dma_start3A_121, %dma_start3A_128] : memref<8x40xi32, #tpu.memory_space<vmem>> -> memref<1x40xi32, #tpu.memory_space<vmem>>
    %dma_start3A_130 = tpu.memref_squeeze %dma_start3A_129 : memref<1x40xi32, #tpu.memory_space<vmem>> -> memref<40xi32, #tpu.memory_space<vmem>>
    %dma_start3A_131 = arith.constant 0 : i32
    %dma_start3A_132 = tpu.memref_slice %arg4[%add3A, %dma_start3A_120, %dma_start3A_131] : memref<32x250x40xi32, #tpu.memory_space<hbm>> -> memref<1x1x40xi32, #tpu.memory_space<hbm>>
    %dma_start3A_133 = tpu.memref_squeeze %dma_start3A_132 : memref<1x1x40xi32, #tpu.memory_space<hbm>> -> memref<40xi32, #tpu.memory_space<hbm>>
    tpu.enqueue_dma source(%dma_start3A_133 : memref<40xi32, #tpu.memory_space<hbm>>) target(%dma_start3A_130 : memref<40xi32, #tpu.memory_space<vmem>>) target_semaphore(%arg22 : memref<!tpu.dma_semaphore, #tpu.memory_space<semaphore_mem>>)
    %dma_wait3A = arith.constant 0 : i32
    %dma_wait3A_134 = arith.constant 0 : i32
    %dma_wait3A_135 = arith.constant 0 : i32
    %dma_wait3A_136 = tpu.memref_slice %arg6[%dma_wait3A_134, %dma_wait3A_135] : memref<8x40xi32, #tpu.memory_space<vmem>> -> memref<1x40xi32, #tpu.memory_space<vmem>>
    %dma_wait3A_137 = tpu.memref_squeeze %dma_wait3A_136 : memref<1x40xi32, #tpu.memory_space<vmem>> -> memref<40xi32, #tpu.memory_space<vmem>>
    %dma_wait3A_138 = arith.constant 0 : i32
    %dma_wait3A_139 = tpu.memref_slice %arg3[%add3A, %dma_wait3A, %dma_wait3A_138] : memref<32x250x40xi32, #tpu.memory_space<hbm>> -> memref<1x1x40xi32, #tpu.memory_space<hbm>>
    %dma_wait3A_140 = tpu.memref_squeeze %dma_wait3A_139 : memref<1x1x40xi32, #tpu.memory_space<hbm>> -> memref<40xi32, #tpu.memory_space<hbm>>
    %dma_wait3A_141 = arith.constant 0 : i32
    %dma_wait3A_142 = tpu.memref_slice %arg6[%dma_wait3A_134, %dma_wait3A_141] : memref<8x40xi32, #tpu.memory_space<vmem>> -> memref<1x40xi32, #tpu.memory_space<vmem>>
    %dma_wait3A_143 = tpu.memref_squeeze %dma_wait3A_142 : memref<1x40xi32, #tpu.memory_space<vmem>> -> memref<40xi32, #tpu.memory_space<vmem>>
    %dma_wait3A_144 = arith.constant 0 : i32
    %dma_wait3A_145 = tpu.memref_slice %arg3[%add3A, %dma_wait3A, %dma_wait3A_144] : memref<32x250x40xi32, #tpu.memory_space<hbm>> -> memref<1x1x40xi32, #tpu.memory_space<hbm>>
    %dma_wait3A_146 = tpu.memref_squeeze %dma_wait3A_145 : memref<1x1x40xi32, #tpu.memory_space<hbm>> -> memref<40xi32, #tpu.memory_space<hbm>>
    tpu.wait_dma2 semaphore(%arg11 : memref<!tpu.dma_semaphore, #tpu.memory_space<semaphore_mem>>) src(%dma_wait3A_146 : memref<40xi32, #tpu.memory_space<hbm>>) dst(%dma_wait3A_143 : memref<40xi32, #tpu.memory_space<vmem>>)
    %dma_start3A_147 = arith.constant 0 : i32
    %dma_start3A_148 = arith.constant 0 : i32
    %dma_start3A_149 = arith.constant 0 : i32
    %dma_start3A_150 = arith.constant 0 : i32
    %dma_start3A_151 = tpu.memref_slice %arg8[%dma_start3A_148, %dma_start3A_149, %dma_start3A_150] : memref<4x40x128xf32, #tpu.memory_space<vmem>> -> memref<1x40x128xf32, #tpu.memory_space<vmem>>
    %dma_start3A_152 = tpu.memref_squeeze %dma_start3A_151 : memref<1x40x128xf32, #tpu.memory_space<vmem>> -> memref<40x128xf32, #tpu.memory_space<vmem>>
    %dma_start3A_153 = arith.constant 0 : i32
    %dma_start3A_154 = tpu.memref_slice %arg6[%dma_start3A_147, %dma_start3A_153] : memref<8x40xi32, #tpu.memory_space<vmem>> -> memref<1x40xi32, #tpu.memory_space<vmem>>
    %dma_start3A_155 = tpu.memref_squeeze %dma_start3A_154 : memref<1x40xi32, #tpu.memory_space<vmem>> -> memref<40xi32, #tpu.memory_space<vmem>>
    %dma_start3A_156 = arith.constant 0 : i32
    %dma_start3A_157 = arith.constant 0 : i32
    %dma_start3A_158 = tpu.memref_slice %arg2[%dma_start3A_156, %dma_start3A_157] : memref<10000x128xf32, #tpu.memory_space<hbm>> -> memref<10000x128xf32, #tpu.memory_space<hbm>>
    tpu.enqueue_indirect_dma source(%dma_start3A_158 : memref<10000x128xf32, #tpu.memory_space<hbm>>) target(%dma_start3A_152 : memref<40x128xf32, #tpu.memory_space<vmem>>) offsets(%dma_start3A_155 : memref<40xi32, #tpu.memory_space<vmem>>) semaphore(%arg27 : memref<!tpu.dma_semaphore, #tpu.memory_space<semaphore_mem>>)
    %dma_wait3A_159 = arith.constant 1 : i32
    %dma_wait3A_160 = arith.constant 1 : i32
    %dma_wait3A_161 = arith.constant 0 : i32
    %dma_wait3A_162 = tpu.memref_slice %arg6[%dma_wait3A_160, %dma_wait3A_161] : memref<8x40xi32, #tpu.memory_space<vmem>> -> memref<1x40xi32, #tpu.memory_space<vmem>>
    %dma_wait3A_163 = tpu.memref_squeeze %dma_wait3A_162 : memref<1x40xi32, #tpu.memory_space<vmem>> -> memref<40xi32, #tpu.memory_space<vmem>>
    %dma_wait3A_164 = arith.constant 0 : i32
    %dma_wait3A_165 = tpu.memref_slice %arg3[%add3A, %dma_wait3A_159, %dma_wait3A_164] : memref<32x250x40xi32, #tpu.memory_space<hbm>> -> memref<1x1x40xi32, #tpu.memory_space<hbm>>
    %dma_wait3A_166 = tpu.memref_squeeze %dma_wait3A_165 : memref<1x1x40xi32, #tpu.memory_space<hbm>> -> memref<40xi32, #tpu.memory_space<hbm>>
    %dma_wait3A_167 = arith.constant 0 : i32
    %dma_wait3A_168 = tpu.memref_slice %arg6[%dma_wait3A_160, %dma_wait3A_167] : memref<8x40xi32, #tpu.memory_space<vmem>> -> memref<1x40xi32, #tpu.memory_space<vmem>>
    %dma_wait3A_169 = tpu.memref_squeeze %dma_wait3A_168 : memref<1x40xi32, #tpu.memory_space<vmem>> -> memref<40xi32, #tpu.memory_space<vmem>>
    %dma_wait3A_170 = arith.constant 0 : i32
    %dma_wait3A_171 = tpu.memref_slice %arg3[%add3A, %dma_wait3A_159, %dma_wait3A_170] : memref<32x250x40xi32, #tpu.memory_space<hbm>> -> memref<1x1x40xi32, #tpu.memory_space<hbm>>
    %dma_wait3A_172 = tpu.memref_squeeze %dma_wait3A_171 : memref<1x1x40xi32, #tpu.memory_space<hbm>> -> memref<40xi32, #tpu.memory_space<hbm>>
    tpu.wait_dma2 semaphore(%arg12 : memref<!tpu.dma_semaphore, #tpu.memory_space<semaphore_mem>>) src(%dma_wait3A_172 : memref<40xi32, #tpu.memory_space<hbm>>) dst(%dma_wait3A_169 : memref<40xi32, #tpu.memory_space<vmem>>)
    %dma_start3A_173 = arith.constant 1 : i32
    %dma_start3A_174 = arith.constant 1 : i32
    %dma_start3A_175 = arith.constant 0 : i32
    %dma_start3A_176 = arith.constant 0 : i32
    %dma_start3A_177 = tpu.memref_slice %arg8[%dma_start3A_174, %dma_start3A_175, %dma_start3A_176] : memref<4x40x128xf32, #tpu.memory_space<vmem>> -> memref<1x40x128xf32, #tpu.memory_space<vmem>>
    %dma_start3A_178 = tpu.memref_squeeze %dma_start3A_177 : memref<1x40x128xf32, #tpu.memory_space<vmem>> -> memref<40x128xf32, #tpu.memory_space<vmem>>
    %dma_start3A_179 = arith.constant 0 : i32
    %dma_start3A_180 = tpu.memref_slice %arg6[%dma_start3A_173, %dma_start3A_179] : memref<8x40xi32, #tpu.memory_space<vmem>> -> memref<1x40xi32, #tpu.memory_space<vmem>>
    %dma_start3A_181 = tpu.memref_squeeze %dma_start3A_180 : memref<1x40xi32, #tpu.memory_space<vmem>> -> memref<40xi32, #tpu.memory_space<vmem>>
    %dma_start3A_182 = arith.constant 0 : i32
    %dma_start3A_183 = arith.constant 0 : i32
    %dma_start3A_184 = tpu.memref_slice %arg2[%dma_start3A_182, %dma_start3A_183] : memref<10000x128xf32, #tpu.memory_space<hbm>> -> memref<10000x128xf32, #tpu.memory_space<hbm>>
    tpu.enqueue_indirect_dma source(%dma_start3A_184 : memref<10000x128xf32, #tpu.memory_space<hbm>>) target(%dma_start3A_178 : memref<40x128xf32, #tpu.memory_space<vmem>>) offsets(%dma_start3A_181 : memref<40xi32, #tpu.memory_space<vmem>>) semaphore(%arg28 : memref<!tpu.dma_semaphore, #tpu.memory_space<semaphore_mem>>)
    %scan3A_185 = arith.constant 0 : i32
    %scan3A_186 = arith.constant 0 : i32
    %scan3A_187 = arith.constant 32 : i32
    %scan3A_188 = arith.addi %scan3A_186, %scan3A_187 : i32
    %scan3A_189 = arith.constant 1 : i32
    %scan3A_190 = scf.for %scan3A_250 = %scan3A_186 to %scan3A_188 step %scan3A_189 iter_args(%scan3A_251 = %scan3A_185) -> (i32)  : i32 {
      %mul3A_252 = arith.constant 8 : i32
      %mul3A_253 = arith.muli %mul3A_252, %scan3A_250 : i32
      %add3A_254 = arith.constant 0 : i32
      %add3A_255 = arith.addi %mul3A_253, %add3A_254 : i32
      %lt3A_256 = arith.constant 250 : i32
      %lt3A_257 = arith.cmpi slt, %add3A_255, %lt3A_256 : i32
      %convert_element_type3A_258 = arith.extui %lt3A_257 : i1 to i32
      %cond3A_259 = arith.constant 0 : i32
      %cond3A_260 = arith.cmpi ne, %convert_element_type3A_258, %cond3A_259 : i32
      scf.if %cond3A_260 {
        %add3A_325 = arith.constant 2 : i32
        %add3A_326 = arith.addi %add3A_255, %add3A_325 : i32
        %lt3A_327 = arith.constant 250 : i32
        %lt3A_328 = arith.cmpi slt, %add3A_326, %lt3A_327 : i32
        %convert_element_type3A_329 = arith.extui %lt3A_328 : i1 to i32
        %cond3A_330 = arith.constant 0 : i32
        %cond3A_331 = arith.cmpi ne, %convert_element_type3A_329, %cond3A_330 : i32
        scf.if %cond3A_331 {
          %add3A_376 = arith.constant 2 : i32
          %add3A_377 = arith.addi %add3A_255, %add3A_376 : i32
          %dma_wait3A_378 = arith.constant 2 : i32
          %dma_wait3A_379 = arith.constant 0 : i32
          %dma_wait3A_380 = tpu.memref_slice %arg6[%dma_wait3A_378, %dma_wait3A_379] : memref<8x40xi32, #tpu.memory_space<vmem>> -> memref<1x40xi32, #tpu.memory_space<vmem>>
          %dma_wait3A_381 = tpu.memref_squeeze %dma_wait3A_380 : memref<1x40xi32, #tpu.memory_space<vmem>> -> memref<40xi32, #tpu.memory_space<vmem>>
          %dma_wait3A_382 = arith.constant 0 : i32
          %dma_wait3A_383 = tpu.memref_slice %arg3[%add3A, %add3A_377, %dma_wait3A_382] : memref<32x250x40xi32, #tpu.memory_space<hbm>> -> memref<1x1x40xi32, #tpu.memory_space<hbm>>
          %dma_wait3A_384 = tpu.memref_squeeze %dma_wait3A_383 : memref<1x1x40xi32, #tpu.memory_space<hbm>> -> memref<40xi32, #tpu.memory_space<hbm>>
          %dma_wait3A_385 = arith.constant 0 : i32
          %dma_wait3A_386 = tpu.memref_slice %arg6[%dma_wait3A_378, %dma_wait3A_385] : memref<8x40xi32, #tpu.memory_space<vmem>> -> memref<1x40xi32, #tpu.memory_space<vmem>>
          %dma_wait3A_387 = tpu.memref_squeeze %dma_wait3A_386 : memref<1x40xi32, #tpu.memory_space<vmem>> -> memref<40xi32, #tpu.memory_space<vmem>>
          %dma_wait3A_388 = arith.constant 0 : i32
          %dma_wait3A_389 = tpu.memref_slice %arg3[%add3A, %add3A_377, %dma_wait3A_388] : memref<32x250x40xi32, #tpu.memory_space<hbm>> -> memref<1x1x40xi32, #tpu.memory_space<hbm>>
          %dma_wait3A_390 = tpu.memref_squeeze %dma_wait3A_389 : memref<1x1x40xi32, #tpu.memory_space<hbm>> -> memref<40xi32, #tpu.memory_space<hbm>>
          tpu.wait_dma2 semaphore(%arg13 : memref<!tpu.dma_semaphore, #tpu.memory_space<semaphore_mem>>) src(%dma_wait3A_390 : memref<40xi32, #tpu.memory_space<hbm>>) dst(%dma_wait3A_387 : memref<40xi32, #tpu.memory_space<vmem>>)
          %ge3A = arith.constant 2 : i32
          %ge3A_391 = arith.cmpi sge, %add3A_255, %ge3A : i32
          %convert_element_type3A_392 = arith.extui %ge3A_391 : i1 to i32
          %cond3A_393 = arith.constant 0 : i32
          %cond3A_394 = arith.cmpi ne, %convert_element_type3A_392, %cond3A_393 : i32
          scf.if %cond3A_394 {
            %dma_wait3A_407 = arith.constant 2 : i32
            %dma_wait3A_408 = arith.constant 6 : i32
            %dma_wait3A_409 = arith.constant 0 : i32
            %dma_wait3A_410 = arith.constant 0 : i32
            %dma_wait3A_411 = tpu.memref_slice %arg8[%dma_wait3A_407, %dma_wait3A_409, %dma_wait3A_410] : memref<4x40x128xf32, #tpu.memory_space<vmem>> -> memref<1x40x128xf32, #tpu.memory_space<vmem>>
            %dma_wait3A_412 = tpu.memref_squeeze %dma_wait3A_411 : memref<1x40x128xf32, #tpu.memory_space<vmem>> -> memref<40x128xf32, #tpu.memory_space<vmem>>
            %dma_wait3A_413 = arith.constant 0 : i32
            %dma_wait3A_414 = tpu.memref_slice %arg7[%dma_wait3A_408, %dma_wait3A_413] : memref<8x40xi32, #tpu.memory_space<vmem>> -> memref<1x40xi32, #tpu.memory_space<vmem>>
            %dma_wait3A_415 = tpu.memref_squeeze %dma_wait3A_414 : memref<1x40xi32, #tpu.memory_space<vmem>> -> memref<40xi32, #tpu.memory_space<vmem>>
            %dma_wait3A_416 = arith.constant 0 : i32
            %dma_wait3A_417 = arith.constant 0 : i32
            %dma_wait3A_418 = tpu.memref_slice %arg10[%dma_wait3A_416, %dma_wait3A_417] : memref<10000x128xf32, #tpu.memory_space<vmem_shared>> -> memref<10000x128xf32, #tpu.memory_space<vmem_shared>>
            tpu.wait_indirect_dma semaphore(%arg33 : memref<!tpu.dma_semaphore, #tpu.memory_space<semaphore_mem>>) src(%dma_wait3A_412 : memref<40x128xf32, #tpu.memory_space<vmem>>) dst(%dma_wait3A_418 : memref<10000x128xf32, #tpu.memory_space<vmem_shared>>)
          } else {
          }
          %dma_start3A_395 = arith.constant 2 : i32
          %dma_start3A_396 = arith.constant 2 : i32
          %dma_start3A_397 = arith.constant 0 : i32
          %dma_start3A_398 = arith.constant 0 : i32
          %dma_start3A_399 = tpu.memref_slice %arg8[%dma_start3A_396, %dma_start3A_397, %dma_start3A_398] : memref<4x40x128xf32, #tpu.memory_space<vmem>> -> memref<1x40x128xf32, #tpu.memory_space<vmem>>
          %dma_start3A_400 = tpu.memref_squeeze %dma_start3A_399 : memref<1x40x128xf32, #tpu.memory_space<vmem>> -> memref<40x128xf32, #tpu.memory_space<vmem>>
          %dma_start3A_401 = arith.constant 0 : i32
          %dma_start3A_402 = tpu.memref_slice %arg6[%dma_start3A_395, %dma_start3A_401] : memref<8x40xi32, #tpu.memory_space<vmem>> -> memref<1x40xi32, #tpu.memory_space<vmem>>
          %dma_start3A_403 = tpu.memref_squeeze %dma_start3A_402 : memref<1x40xi32, #tpu.memory_space<vmem>> -> memref<40xi32, #tpu.memory_space<vmem>>
          %dma_start3A_404 = arith.constant 0 : i32
          %dma_start3A_405 = arith.constant 0 : i32
          %dma_start3A_406 = tpu.memref_slice %arg2[%dma_start3A_404, %dma_start3A_405] : memref<10000x128xf32, #tpu.memory_space<hbm>> -> memref<10000x128xf32, #tpu.memory_space<hbm>>
          tpu.enqueue_indirect_dma source(%dma_start3A_406 : memref<10000x128xf32, #tpu.memory_space<hbm>>) target(%dma_start3A_400 : memref<40x128xf32, #tpu.memory_space<vmem>>) offsets(%dma_start3A_403 : memref<40xi32, #tpu.memory_space<vmem>>) semaphore(%arg29 : memref<!tpu.dma_semaphore, #tpu.memory_space<semaphore_mem>>)
        } else {
        }
        %dma_wait3A_332 = arith.constant 0 : i32
        %dma_wait3A_333 = arith.constant 0 : i32
        %dma_wait3A_334 = arith.constant 0 : i32
        %dma_wait3A_335 = arith.constant 0 : i32
        %dma_wait3A_336 = tpu.memref_slice %arg8[%dma_wait3A_333, %dma_wait3A_334, %dma_wait3A_335] : memref<4x40x128xf32, #tpu.memory_space<vmem>> -> memref<1x40x128xf32, #tpu.memory_space<vmem>>
        %dma_wait3A_337 = tpu.memref_squeeze %dma_wait3A_336 : memref<1x40x128xf32, #tpu.memory_space<vmem>> -> memref<40x128xf32, #tpu.memory_space<vmem>>
        %dma_wait3A_338 = arith.constant 0 : i32
        %dma_wait3A_339 = tpu.memref_slice %arg6[%dma_wait3A_332, %dma_wait3A_338] : memref<8x40xi32, #tpu.memory_space<vmem>> -> memref<1x40xi32, #tpu.memory_space<vmem>>
        %dma_wait3A_340 = tpu.memref_squeeze %dma_wait3A_339 : memref<1x40xi32, #tpu.memory_space<vmem>> -> memref<40xi32, #tpu.memory_space<vmem>>
        %dma_wait3A_341 = arith.constant 0 : i32
        %dma_wait3A_342 = arith.constant 0 : i32
        %dma_wait3A_343 = tpu.memref_slice %arg2[%dma_wait3A_341, %dma_wait3A_342] : memref<10000x128xf32, #tpu.memory_space<hbm>> -> memref<10000x128xf32, #tpu.memory_space<hbm>>
        tpu.wait_indirect_dma semaphore(%arg27 : memref<!tpu.dma_semaphore, #tpu.memory_space<semaphore_mem>>) src(%dma_wait3A_343 : memref<10000x128xf32, #tpu.memory_space<hbm>>) dst(%dma_wait3A_337 : memref<40x128xf32, #tpu.memory_space<vmem>>)
        %dma_wait3A_344 = arith.constant 0 : i32
        %dma_wait3A_345 = arith.constant 0 : i32
        %dma_wait3A_346 = tpu.memref_slice %arg7[%dma_wait3A_344, %dma_wait3A_345] : memref<8x40xi32, #tpu.memory_space<vmem>> -> memref<1x40xi32, #tpu.memory_space<vmem>>
        %dma_wait3A_347 = tpu.memref_squeeze %dma_wait3A_346 : memref<1x40xi32, #tpu.memory_space<vmem>> -> memref<40xi32, #tpu.memory_space<vmem>>
        %dma_wait3A_348 = arith.constant 0 : i32
        %dma_wait3A_349 = tpu.memref_slice %arg4[%add3A, %add3A_255, %dma_wait3A_348] : memref<32x250x40xi32, #tpu.memory_space<hbm>> -> memref<1x1x40xi32, #tpu.memory_space<hbm>>
        %dma_wait3A_350 = tpu.memref_squeeze %dma_wait3A_349 : memref<1x1x40xi32, #tpu.memory_space<hbm>> -> memref<40xi32, #tpu.memory_space<hbm>>
        %dma_wait3A_351 = arith.constant 0 : i32
        %dma_wait3A_352 = tpu.memref_slice %arg7[%dma_wait3A_344, %dma_wait3A_351] : memref<8x40xi32, #tpu.memory_space<vmem>> -> memref<1x40xi32, #tpu.memory_space<vmem>>
        %dma_wait3A_353 = tpu.memref_squeeze %dma_wait3A_352 : memref<1x40xi32, #tpu.memory_space<vmem>> -> memref<40xi32, #tpu.memory_space<vmem>>
        %dma_wait3A_354 = arith.constant 0 : i32
        %dma_wait3A_355 = tpu.memref_slice %arg4[%add3A, %add3A_255, %dma_wait3A_354] : memref<32x250x40xi32, #tpu.memory_space<hbm>> -> memref<1x1x40xi32, #tpu.memory_space<hbm>>
        %dma_wait3A_356 = tpu.memref_squeeze %dma_wait3A_355 : memref<1x1x40xi32, #tpu.memory_space<hbm>> -> memref<40xi32, #tpu.memory_space<hbm>>
        tpu.wait_dma2 semaphore(%arg19 : memref<!tpu.dma_semaphore, #tpu.memory_space<semaphore_mem>>) src(%dma_wait3A_356 : memref<40xi32, #tpu.memory_space<hbm>>) dst(%dma_wait3A_353 : memref<40xi32, #tpu.memory_space<vmem>>)
        %dma_start3A_357 = arith.constant 0 : i32
        %dma_start3A_358 = arith.constant 0 : i32
        %dma_start3A_359 = arith.constant 0 : i32
        %dma_start3A_360 = arith.constant 0 : i32
        %dma_start3A_361 = tpu.memref_slice %arg8[%dma_start3A_357, %dma_start3A_359, %dma_start3A_360] : memref<4x40x128xf32, #tpu.memory_space<vmem>> -> memref<1x40x128xf32, #tpu.memory_space<vmem>>
        %dma_start3A_362 = tpu.memref_squeeze %dma_start3A_361 : memref<1x40x128xf32, #tpu.memory_space<vmem>> -> memref<40x128xf32, #tpu.memory_space<vmem>>
        %dma_start3A_363 = arith.constant 0 : i32
        %dma_start3A_364 = tpu.memref_slice %arg7[%dma_start3A_358, %dma_start3A_363] : memref<8x40xi32, #tpu.memory_space<vmem>> -> memref<1x40xi32, #tpu.memory_space<vmem>>
        %dma_start3A_365 = tpu.memref_squeeze %dma_start3A_364 : memref<1x40xi32, #tpu.memory_space<vmem>> -> memref<40xi32, #tpu.memory_space<vmem>>
        %dma_start3A_366 = arith.constant 0 : i32
        %dma_start3A_367 = arith.constant 0 : i32
        %dma_start3A_368 = tpu.memref_slice %arg10[%dma_start3A_366, %dma_start3A_367] : memref<10000x128xf32, #tpu.memory_space<vmem_shared>> -> memref<10000x128xf32, #tpu.memory_space<vmem_shared>>
        tpu.enqueue_indirect_dma source(%dma_start3A_362 : memref<40x128xf32, #tpu.memory_space<vmem>>) target(%dma_start3A_368 : memref<10000x128xf32, #tpu.memory_space<vmem_shared>>) offsets(%dma_start3A_365 : memref<40xi32, #tpu.memory_space<vmem>>) semaphore(%arg31 : memref<!tpu.dma_semaphore, #tpu.memory_space<semaphore_mem>>) {add = true}
        %add3A_369 = arith.constant 4 : i32
        %add3A_370 = arith.addi %add3A_255, %add3A_369 : i32
        %lt3A_371 = arith.constant 250 : i32
        %lt3A_372 = arith.cmpi slt, %add3A_370, %lt3A_371 : i32
        %convert_element_type3A_373 = arith.extui %lt3A_372 : i1 to i32
        %cond3A_374 = arith.constant 0 : i32
        %cond3A_375 = arith.cmpi ne, %convert_element_type3A_373, %cond3A_374 : i32
        scf.if %cond3A_375 {
          %add3A_376 = arith.constant 4 : i32
          %add3A_377 = arith.addi %add3A_255, %add3A_376 : i32
          %dma_start3A_378 = arith.constant 4 : i32
          %dma_start3A_379 = arith.constant 0 : i32
          %dma_start3A_380 = tpu.memref_slice %arg6[%dma_start3A_378, %dma_start3A_379] : memref<8x40xi32, #tpu.memory_space<vmem>> -> memref<1x40xi32, #tpu.memory_space<vmem>>
          %dma_start3A_381 = tpu.memref_squeeze %dma_start3A_380 : memref<1x40xi32, #tpu.memory_space<vmem>> -> memref<40xi32, #tpu.memory_space<vmem>>
          %dma_start3A_382 = arith.constant 0 : i32
          %dma_start3A_383 = tpu.memref_slice %arg3[%add3A, %add3A_377, %dma_start3A_382] : memref<32x250x40xi32, #tpu.memory_space<hbm>> -> memref<1x1x40xi32, #tpu.memory_space<hbm>>
          %dma_start3A_384 = tpu.memref_squeeze %dma_start3A_383 : memref<1x1x40xi32, #tpu.memory_space<hbm>> -> memref<40xi32, #tpu.memory_space<hbm>>
          %dma_start3A_385 = arith.constant 0 : i32
          %dma_start3A_386 = tpu.memref_slice %arg6[%dma_start3A_378, %dma_start3A_385] : memref<8x40xi32, #tpu.memory_space<vmem>> -> memref<1x40xi32, #tpu.memory_space<vmem>>
          %dma_start3A_387 = tpu.memref_squeeze %dma_start3A_386 : memref<1x40xi32, #tpu.memory_space<vmem>> -> memref<40xi32, #tpu.memory_space<vmem>>
          %dma_start3A_388 = arith.constant 0 : i32
          %dma_start3A_389 = tpu.memref_slice %arg3[%add3A, %add3A_377, %dma_start3A_388] : memref<32x250x40xi32, #tpu.memory_space<hbm>> -> memref<1x1x40xi32, #tpu.memory_space<hbm>>
          %dma_start3A_390 = tpu.memref_squeeze %dma_start3A_389 : memref<1x1x40xi32, #tpu.memory_space<hbm>> -> memref<40xi32, #tpu.memory_space<hbm>>
          tpu.enqueue_dma source(%dma_start3A_390 : memref<40xi32, #tpu.memory_space<hbm>>) target(%dma_start3A_387 : memref<40xi32, #tpu.memory_space<vmem>>) target_semaphore(%arg15 : memref<!tpu.dma_semaphore, #tpu.memory_space<semaphore_mem>>)
          %dma_start3A_391 = arith.constant 4 : i32
          %dma_start3A_392 = arith.constant 0 : i32
          %dma_start3A_393 = tpu.memref_slice %arg7[%dma_start3A_391, %dma_start3A_392] : memref<8x40xi32, #tpu.memory_space<vmem>> -> memref<1x40xi32, #tpu.memory_space<vmem>>
          %dma_start3A_394 = tpu.memref_squeeze %dma_start3A_393 : memref<1x40xi32, #tpu.memory_space<vmem>> -> memref<40xi32, #tpu.memory_space<vmem>>
          %dma_start3A_395 = arith.constant 0 : i32
          %dma_start3A_396 = tpu.memref_slice %arg4[%add3A, %add3A_377, %dma_start3A_395] : memref<32x250x40xi32, #tpu.memory_space<hbm>> -> memref<1x1x40xi32, #tpu.memory_space<hbm>>
          %dma_start3A_397 = tpu.memref_squeeze %dma_start3A_396 : memref<1x1x40xi32, #tpu.memory_space<hbm>> -> memref<40xi32, #tpu.memory_space<hbm>>
          %dma_start3A_398 = arith.constant 0 : i32
          %dma_start3A_399 = tpu.memref_slice %arg7[%dma_start3A_391, %dma_start3A_398] : memref<8x40xi32, #tpu.memory_space<vmem>> -> memref<1x40xi32, #tpu.memory_space<vmem>>
          %dma_start3A_400 = tpu.memref_squeeze %dma_start3A_399 : memref<1x40xi32, #tpu.memory_space<vmem>> -> memref<40xi32, #tpu.memory_space<vmem>>
          %dma_start3A_401 = arith.constant 0 : i32
          %dma_start3A_402 = tpu.memref_slice %arg4[%add3A, %add3A_377, %dma_start3A_401] : memref<32x250x40xi32, #tpu.memory_space<hbm>> -> memref<1x1x40xi32, #tpu.memory_space<hbm>>
          %dma_start3A_403 = tpu.memref_squeeze %dma_start3A_402 : memref<1x1x40xi32, #tpu.memory_space<hbm>> -> memref<40xi32, #tpu.memory_space<hbm>>
          tpu.enqueue_dma source(%dma_start3A_403 : memref<40xi32, #tpu.memory_space<hbm>>) target(%dma_start3A_400 : memref<40xi32, #tpu.memory_space<vmem>>) target_semaphore(%arg23 : memref<!tpu.dma_semaphore, #tpu.memory_space<semaphore_mem>>)
        } else {
        }
      } else {
      }
      %mul3A_261 = arith.constant 8 : i32
      %mul3A_262 = arith.muli %mul3A_261, %scan3A_250 : i32
      %add3A_263 = arith.constant 1 : i32
      %add3A_264 = arith.addi %mul3A_262, %add3A_263 : i32
      %lt3A_265 = arith.constant 250 : i32
      %lt3A_266 = arith.cmpi slt, %add3A_264, %lt3A_265 : i32
      %convert_element_type3A_267 = arith.extui %lt3A_266 : i1 to i32
      %cond3A_268 = arith.constant 0 : i32
      %cond3A_269 = arith.cmpi ne, %convert_element_type3A_267, %cond3A_268 : i32
      scf.if %cond3A_269 {
        %add3A_325 = arith.constant 2 : i32
        %add3A_326 = arith.addi %add3A_264, %add3A_325 : i32
        %lt3A_327 = arith.constant 250 : i32
        %lt3A_328 = arith.cmpi slt, %add3A_326, %lt3A_327 : i32
        %convert_element_type3A_329 = arith.extui %lt3A_328 : i1 to i32
        %cond3A_330 = arith.constant 0 : i32
        %cond3A_331 = arith.cmpi ne, %convert_element_type3A_329, %cond3A_330 : i32
        scf.if %cond3A_331 {
          %add3A_376 = arith.constant 2 : i32
          %add3A_377 = arith.addi %add3A_264, %add3A_376 : i32
          %dma_wait3A_378 = arith.constant 3 : i32
          %dma_wait3A_379 = arith.constant 0 : i32
          %dma_wait3A_380 = tpu.memref_slice %arg6[%dma_wait3A_378, %dma_wait3A_379] : memref<8x40xi32, #tpu.memory_space<vmem>> -> memref<1x40xi32, #tpu.memory_space<vmem>>
          %dma_wait3A_381 = tpu.memref_squeeze %dma_wait3A_380 : memref<1x40xi32, #tpu.memory_space<vmem>> -> memref<40xi32, #tpu.memory_space<vmem>>
          %dma_wait3A_382 = arith.constant 0 : i32
          %dma_wait3A_383 = tpu.memref_slice %arg3[%add3A, %add3A_377, %dma_wait3A_382] : memref<32x250x40xi32, #tpu.memory_space<hbm>> -> memref<1x1x40xi32, #tpu.memory_space<hbm>>
          %dma_wait3A_384 = tpu.memref_squeeze %dma_wait3A_383 : memref<1x1x40xi32, #tpu.memory_space<hbm>> -> memref<40xi32, #tpu.memory_space<hbm>>
          %dma_wait3A_385 = arith.constant 0 : i32
          %dma_wait3A_386 = tpu.memref_slice %arg6[%dma_wait3A_378, %dma_wait3A_385] : memref<8x40xi32, #tpu.memory_space<vmem>> -> memref<1x40xi32, #tpu.memory_space<vmem>>
          %dma_wait3A_387 = tpu.memref_squeeze %dma_wait3A_386 : memref<1x40xi32, #tpu.memory_space<vmem>> -> memref<40xi32, #tpu.memory_space<vmem>>
          %dma_wait3A_388 = arith.constant 0 : i32
          %dma_wait3A_389 = tpu.memref_slice %arg3[%add3A, %add3A_377, %dma_wait3A_388] : memref<32x250x40xi32, #tpu.memory_space<hbm>> -> memref<1x1x40xi32, #tpu.memory_space<hbm>>
          %dma_wait3A_390 = tpu.memref_squeeze %dma_wait3A_389 : memref<1x1x40xi32, #tpu.memory_space<hbm>> -> memref<40xi32, #tpu.memory_space<hbm>>
          tpu.wait_dma2 semaphore(%arg14 : memref<!tpu.dma_semaphore, #tpu.memory_space<semaphore_mem>>) src(%dma_wait3A_390 : memref<40xi32, #tpu.memory_space<hbm>>) dst(%dma_wait3A_387 : memref<40xi32, #tpu.memory_space<vmem>>)
          %ge3A = arith.constant 2 : i32
          %ge3A_391 = arith.cmpi sge, %add3A_264, %ge3A : i32
          %convert_element_type3A_392 = arith.extui %ge3A_391 : i1 to i32
          %cond3A_393 = arith.constant 0 : i32
          %cond3A_394 = arith.cmpi ne, %convert_element_type3A_392, %cond3A_393 : i32
          scf.if %cond3A_394 {
            %dma_wait3A_407 = arith.constant 3 : i32
            %dma_wait3A_408 = arith.constant 7 : i32
            %dma_wait3A_409 = arith.constant 0 : i32
            %dma_wait3A_410 = arith.constant 0 : i32
            %dma_wait3A_411 = tpu.memref_slice %arg8[%dma_wait3A_407, %dma_wait3A_409, %dma_wait3A_410] : memref<4x40x128xf32, #tpu.memory_space<vmem>> -> memref<1x40x128xf32, #tpu.memory_space<vmem>>
            %dma_wait3A_412 = tpu.memref_squeeze %dma_wait3A_411 : memref<1x40x128xf32, #tpu.memory_space<vmem>> -> memref<40x128xf32, #tpu.memory_space<vmem>>
            %dma_wait3A_413 = arith.constant 0 : i32
            %dma_wait3A_414 = tpu.memref_slice %arg7[%dma_wait3A_408, %dma_wait3A_413] : memref<8x40xi32, #tpu.memory_space<vmem>> -> memref<1x40xi32, #tpu.memory_space<vmem>>
            %dma_wait3A_415 = tpu.memref_squeeze %dma_wait3A_414 : memref<1x40xi32, #tpu.memory_space<vmem>> -> memref<40xi32, #tpu.memory_space<vmem>>
            %dma_wait3A_416 = arith.constant 0 : i32
            %dma_wait3A_417 = arith.constant 0 : i32
            %dma_wait3A_418 = tpu.memref_slice %arg10[%dma_wait3A_416, %dma_wait3A_417] : memref<10000x128xf32, #tpu.memory_space<vmem_shared>> -> memref<10000x128xf32, #tpu.memory_space<vmem_shared>>
            tpu.wait_indirect_dma semaphore(%arg34 : memref<!tpu.dma_semaphore, #tpu.memory_space<semaphore_mem>>) src(%dma_wait3A_412 : memref<40x128xf32, #tpu.memory_space<vmem>>) dst(%dma_wait3A_418 : memref<10000x128xf32, #tpu.memory_space<vmem_shared>>)
          } else {
          }
          %dma_start3A_395 = arith.constant 3 : i32
          %dma_start3A_396 = arith.constant 3 : i32
          %dma_start3A_397 = arith.constant 0 : i32
          %dma_start3A_398 = arith.constant 0 : i32
          %dma_start3A_399 = tpu.memref_slice %arg8[%dma_start3A_396, %dma_start3A_397, %dma_start3A_398] : memref<4x40x128xf32, #tpu.memory_space<vmem>> -> memref<1x40x128xf32, #tpu.memory_space<vmem>>
          %dma_start3A_400 = tpu.memref_squeeze %dma_start3A_399 : memref<1x40x128xf32, #tpu.memory_space<vmem>> -> memref<40x128xf32, #tpu.memory_space<vmem>>
          %dma_start3A_401 = arith.constant 0 : i32
          %dma_start3A_402 = tpu.memref_slice %arg6[%dma_start3A_395, %dma_start3A_401] : memref<8x40xi32, #tpu.memory_space<vmem>> -> memref<1x40xi32, #tpu.memory_space<vmem>>
          %dma_start3A_403 = tpu.memref_squeeze %dma_start3A_402 : memref<1x40xi32, #tpu.memory_space<vmem>> -> memref<40xi32, #tpu.memory_space<vmem>>
          %dma_start3A_404 = arith.constant 0 : i32
          %dma_start3A_405 = arith.constant 0 : i32
          %dma_start3A_406 = tpu.memref_slice %arg2[%dma_start3A_404, %dma_start3A_405] : memref<10000x128xf32, #tpu.memory_space<hbm>> -> memref<10000x128xf32, #tpu.memory_space<hbm>>
          tpu.enqueue_indirect_dma source(%dma_start3A_406 : memref<10000x128xf32, #tpu.memory_space<hbm>>) target(%dma_start3A_400 : memref<40x128xf32, #tpu.memory_space<vmem>>) offsets(%dma_start3A_403 : memref<40xi32, #tpu.memory_space<vmem>>) semaphore(%arg30 : memref<!tpu.dma_semaphore, #tpu.memory_space<semaphore_mem>>)
        } else {
        }
        %dma_wait3A_332 = arith.constant 1 : i32
        %dma_wait3A_333 = arith.constant 1 : i32
        %dma_wait3A_334 = arith.constant 0 : i32
        %dma_wait3A_335 = arith.constant 0 : i32
        %dma_wait3A_336 = tpu.memref_slice %arg8[%dma_wait3A_333, %dma_wait3A_334, %dma_wait3A_335] : memref<4x40x128xf32, #tpu.memory_space<vmem>> -> memref<1x40x128xf32, #tpu.memory_space<vmem>>
        %dma_wait3A_337 = tpu.memref_squeeze %dma_wait3A_336 : memref<1x40x128xf32, #tpu.memory_space<vmem>> -> memref<40x128xf32, #tpu.memory_space<vmem>>
        %dma_wait3A_338 = arith.constant 0 : i32
        %dma_wait3A_339 = tpu.memref_slice %arg6[%dma_wait3A_332, %dma_wait3A_338] : memref<8x40xi32, #tpu.memory_space<vmem>> -> memref<1x40xi32, #tpu.memory_space<vmem>>
        %dma_wait3A_340 = tpu.memref_squeeze %dma_wait3A_339 : memref<1x40xi32, #tpu.memory_space<vmem>> -> memref<40xi32, #tpu.memory_space<vmem>>
        %dma_wait3A_341 = arith.constant 0 : i32
        %dma_wait3A_342 = arith.constant 0 : i32
        %dma_wait3A_343 = tpu.memref_slice %arg2[%dma_wait3A_341, %dma_wait3A_342] : memref<10000x128xf32, #tpu.memory_space<hbm>> -> memref<10000x128xf32, #tpu.memory_space<hbm>>
        tpu.wait_indirect_dma semaphore(%arg28 : memref<!tpu.dma_semaphore, #tpu.memory_space<semaphore_mem>>) src(%dma_wait3A_343 : memref<10000x128xf32, #tpu.memory_space<hbm>>) dst(%dma_wait3A_337 : memref<40x128xf32, #tpu.memory_space<vmem>>)
        %dma_wait3A_344 = arith.constant 1 : i32
        %dma_wait3A_345 = arith.constant 0 : i32
        %dma_wait3A_346 = tpu.memref_slice %arg7[%dma_wait3A_344, %dma_wait3A_345] : memref<8x40xi32, #tpu.memory_space<vmem>> -> memref<1x40xi32, #tpu.memory_space<vmem>>
        %dma_wait3A_347 = tpu.memref_squeeze %dma_wait3A_346 : memref<1x40xi32, #tpu.memory_space<vmem>> -> memref<40xi32, #tpu.memory_space<vmem>>
        %dma_wait3A_348 = arith.constant 0 : i32
        %dma_wait3A_349 = tpu.memref_slice %arg4[%add3A, %add3A_264, %dma_wait3A_348] : memref<32x250x40xi32, #tpu.memory_space<hbm>> -> memref<1x1x40xi32, #tpu.memory_space<hbm>>
        %dma_wait3A_350 = tpu.memref_squeeze %dma_wait3A_349 : memref<1x1x40xi32, #tpu.memory_space<hbm>> -> memref<40xi32, #tpu.memory_space<hbm>>
        %dma_wait3A_351 = arith.constant 0 : i32
        %dma_wait3A_352 = tpu.memref_slice %arg7[%dma_wait3A_344, %dma_wait3A_351] : memref<8x40xi32, #tpu.memory_space<vmem>> -> memref<1x40xi32, #tpu.memory_space<vmem>>
        %dma_wait3A_353 = tpu.memref_squeeze %dma_wait3A_352 : memref<1x40xi32, #tpu.memory_space<vmem>> -> memref<40xi32, #tpu.memory_space<vmem>>
        %dma_wait3A_354 = arith.constant 0 : i32
        %dma_wait3A_355 = tpu.memref_slice %arg4[%add3A, %add3A_264, %dma_wait3A_354] : memref<32x250x40xi32, #tpu.memory_space<hbm>> -> memref<1x1x40xi32, #tpu.memory_space<hbm>>
        %dma_wait3A_356 = tpu.memref_squeeze %dma_wait3A_355 : memref<1x1x40xi32, #tpu.memory_space<hbm>> -> memref<40xi32, #tpu.memory_space<hbm>>
        tpu.wait_dma2 semaphore(%arg20 : memref<!tpu.dma_semaphore, #tpu.memory_space<semaphore_mem>>) src(%dma_wait3A_356 : memref<40xi32, #tpu.memory_space<hbm>>) dst(%dma_wait3A_353 : memref<40xi32, #tpu.memory_space<vmem>>)
        %dma_start3A_357 = arith.constant 1 : i32
        %dma_start3A_358 = arith.constant 1 : i32
        %dma_start3A_359 = arith.constant 0 : i32
        %dma_start3A_360 = arith.constant 0 : i32
        %dma_start3A_361 = tpu.memref_slice %arg8[%dma_start3A_357, %dma_start3A_359, %dma_start3A_360] : memref<4x40x128xf32, #tpu.memory_space<vmem>> -> memref<1x40x128xf32, #tpu.memory_space<vmem>>
        %dma_start3A_362 = tpu.memref_squeeze %dma_start3A_361 : memref<1x40x128xf32, #tpu.memory_space<vmem>> -> memref<40x128xf32, #tpu.memory_space<vmem>>
        %dma_start3A_363 = arith.constant 0 : i32
        %dma_start3A_364 = tpu.memref_slice %arg7[%dma_start3A_358, %dma_start3A_363] : memref<8x40xi32, #tpu.memory_space<vmem>> -> memref<1x40xi32, #tpu.memory_space<vmem>>
        %dma_start3A_365 = tpu.memref_squeeze %dma_start3A_364 : memref<1x40xi32, #tpu.memory_space<vmem>> -> memref<40xi32, #tpu.memory_space<vmem>>
        %dma_start3A_366 = arith.constant 0 : i32
        %dma_start3A_367 = arith.constant 0 : i32
        %dma_start3A_368 = tpu.memref_slice %arg10[%dma_start3A_366, %dma_start3A_367] : memref<10000x128xf32, #tpu.memory_space<vmem_shared>> -> memref<10000x128xf32, #tpu.memory_space<vmem_shared>>
        tpu.enqueue_indirect_dma source(%dma_start3A_362 : memref<40x128xf32, #tpu.memory_space<vmem>>) target(%dma_start3A_368 : memref<10000x128xf32, #tpu.memory_space<vmem_shared>>) offsets(%dma_start3A_365 : memref<40xi32, #tpu.memory_space<vmem>>) semaphore(%arg32 : memref<!tpu.dma_semaphore, #tpu.memory_space<semaphore_mem>>) {add = true}
        %add3A_369 = arith.constant 4 : i32
        %add3A_370 = arith.addi %add3A_264, %add3A_369 : i32
        %lt3A_371 = arith.constant 250 : i32
        %lt3A_372 = arith.cmpi slt, %add3A_370, %lt3A_371 : i32
        %convert_element_type3A_373 = arith.extui %lt3A_372 : i1 to i32
        %cond3A_374 = arith.constant 0 : i32
        %cond3A_375 = arith.cmpi ne, %convert_element_type3A_373, %cond3A_374 : i32
        scf.if %cond3A_375 {
          %add3A_376 = arith.constant 4 : i32
          %add3A_377 = arith.addi %add3A_264, %add3A_376 : i32
          %dma_start3A_378 = arith.constant 5 : i32
          %dma_start3A_379 = arith.constant 0 : i32
          %dma_start3A_380 = tpu.memref_slice %arg6[%dma_start3A_378, %dma_start3A_379] : memref<8x40xi32, #tpu.memory_space<vmem>> -> memref<1x40xi32, #tpu.memory_space<vmem>>
          %dma_start3A_381 = tpu.memref_squeeze %dma_start3A_380 : memref<1x40xi32, #tpu.memory_space<vmem>> -> memref<40xi32, #tpu.memory_space<vmem>>
          %dma_start3A_382 = arith.constant 0 : i32
          %dma_start3A_383 = tpu.memref_slice %arg3[%add3A, %add3A_377, %dma_start3A_382] : memref<32x250x40xi32, #tpu.memory_space<hbm>> -> memref<1x1x40xi32, #tpu.memory_space<hbm>>
          %dma_start3A_384 = tpu.memref_squeeze %dma_start3A_383 : memref<1x1x40xi32, #tpu.memory_space<hbm>> -> memref<40xi32, #tpu.memory_space<hbm>>
          %dma_start3A_385 = arith.constant 0 : i32
          %dma_start3A_386 = tpu.memref_slice %arg6[%dma_start3A_378, %dma_start3A_385] : memref<8x40xi32, #tpu.memory_space<vmem>> -> memref<1x40xi32, #tpu.memory_space<vmem>>
          %dma_start3A_387 = tpu.memref_squeeze %dma_start3A_386 : memref<1x40xi32, #tpu.memory_space<vmem>> -> memref<40xi32, #tpu.memory_space<vmem>>
          %dma_start3A_388 = arith.constant 0 : i32
          %dma_start3A_389 = tpu.memref_slice %arg3[%add3A, %add3A_377, %dma_start3A_388] : memref<32x250x40xi32, #tpu.memory_space<hbm>> -> memref<1x1x40xi32, #tpu.memory_space<hbm>>
          %dma_start3A_390 = tpu.memref_squeeze %dma_start3A_389 : memref<1x1x40xi32, #tpu.memory_space<hbm>> -> memref<40xi32, #tpu.memory_space<hbm>>
          tpu.enqueue_dma source(%dma_start3A_390 : memref<40xi32, #tpu.memory_space<hbm>>) target(%dma_start3A_387 : memref<40xi32, #tpu.memory_space<vmem>>) target_semaphore(%arg16 : memref<!tpu.dma_semaphore, #tpu.memory_space<semaphore_mem>>)
          %dma_start3A_391 = arith.constant 5 : i32
          %dma_start3A_392 = arith.constant 0 : i32
          %dma_start3A_393 = tpu.memref_slice %arg7[%dma_start3A_391, %dma_start3A_392] : memref<8x40xi32, #tpu.memory_space<vmem>> -> memref<1x40xi32, #tpu.memory_space<vmem>>
          %dma_start3A_394 = tpu.memref_squeeze %dma_start3A_393 : memref<1x40xi32, #tpu.memory_space<vmem>> -> memref<40xi32, #tpu.memory_space<vmem>>
          %dma_start3A_395 = arith.constant 0 : i32
          %dma_start3A_396 = tpu.memref_slice %arg4[%add3A, %add3A_377, %dma_start3A_395] : memref<32x250x40xi32, #tpu.memory_space<hbm>> -> memref<1x1x40xi32, #tpu.memory_space<hbm>>
          %dma_start3A_397 = tpu.memref_squeeze %dma_start3A_396 : memref<1x1x40xi32, #tpu.memory_space<hbm>> -> memref<40xi32, #tpu.memory_space<hbm>>
          %dma_start3A_398 = arith.constant 0 : i32
          %dma_start3A_399 = tpu.memref_slice %arg7[%dma_start3A_391, %dma_start3A_398] : memref<8x40xi32, #tpu.memory_space<vmem>> -> memref<1x40xi32, #tpu.memory_space<vmem>>
          %dma_start3A_400 = tpu.memref_squeeze %dma_start3A_399 : memref<1x40xi32, #tpu.memory_space<vmem>> -> memref<40xi32, #tpu.memory_space<vmem>>
          %dma_start3A_401 = arith.constant 0 : i32
          %dma_start3A_402 = tpu.memref_slice %arg4[%add3A, %add3A_377, %dma_start3A_401] : memref<32x250x40xi32, #tpu.memory_space<hbm>> -> memref<1x1x40xi32, #tpu.memory_space<hbm>>
          %dma_start3A_403 = tpu.memref_squeeze %dma_start3A_402 : memref<1x1x40xi32, #tpu.memory_space<hbm>> -> memref<40xi32, #tpu.memory_space<hbm>>
          tpu.enqueue_dma source(%dma_start3A_403 : memref<40xi32, #tpu.memory_space<hbm>>) target(%dma_start3A_400 : memref<40xi32, #tpu.memory_space<vmem>>) target_semaphore(%arg24 : memref<!tpu.dma_semaphore, #tpu.memory_space<semaphore_mem>>)
        } else {
        }
      } else {
      }
      %mul3A_270 = arith.constant 8 : i32
      %mul3A_271 = arith.muli %mul3A_270, %scan3A_250 : i32
      %add3A_272 = arith.constant 2 : i32
      %add3A_273 = arith.addi %mul3A_271, %add3A_272 : i32
      %lt3A_274 = arith.constant 250 : i32
      %lt3A_275 = arith.cmpi slt, %add3A_273, %lt3A_274 : i32
      %convert_element_type3A_276 = arith.extui %lt3A_275 : i1 to i32
      %cond3A_277 = arith.constant 0 : i32
      %cond3A_278 = arith.cmpi ne, %convert_element_type3A_276, %cond3A_277 : i32
      scf.if %cond3A_278 {
        %add3A_325 = arith.constant 2 : i32
        %add3A_326 = arith.addi %add3A_273, %add3A_325 : i32
        %lt3A_327 = arith.constant 250 : i32
        %lt3A_328 = arith.cmpi slt, %add3A_326, %lt3A_327 : i32
        %convert_element_type3A_329 = arith.extui %lt3A_328 : i1 to i32
        %cond3A_330 = arith.constant 0 : i32
        %cond3A_331 = arith.cmpi ne, %convert_element_type3A_329, %cond3A_330 : i32
        scf.if %cond3A_331 {
          %add3A_376 = arith.constant 2 : i32
          %add3A_377 = arith.addi %add3A_273, %add3A_376 : i32
          %dma_wait3A_378 = arith.constant 4 : i32
          %dma_wait3A_379 = arith.constant 0 : i32
          %dma_wait3A_380 = tpu.memref_slice %arg6[%dma_wait3A_378, %dma_wait3A_379] : memref<8x40xi32, #tpu.memory_space<vmem>> -> memref<1x40xi32, #tpu.memory_space<vmem>>
          %dma_wait3A_381 = tpu.memref_squeeze %dma_wait3A_380 : memref<1x40xi32, #tpu.memory_space<vmem>> -> memref<40xi32, #tpu.memory_space<vmem>>
          %dma_wait3A_382 = arith.constant 0 : i32
          %dma_wait3A_383 = tpu.memref_slice %arg3[%add3A, %add3A_377, %dma_wait3A_382] : memref<32x250x40xi32, #tpu.memory_space<hbm>> -> memref<1x1x40xi32, #tpu.memory_space<hbm>>
          %dma_wait3A_384 = tpu.memref_squeeze %dma_wait3A_383 : memref<1x1x40xi32, #tpu.memory_space<hbm>> -> memref<40xi32, #tpu.memory_space<hbm>>
          %dma_wait3A_385 = arith.constant 0 : i32
          %dma_wait3A_386 = tpu.memref_slice %arg6[%dma_wait3A_378, %dma_wait3A_385] : memref<8x40xi32, #tpu.memory_space<vmem>> -> memref<1x40xi32, #tpu.memory_space<vmem>>
          %dma_wait3A_387 = tpu.memref_squeeze %dma_wait3A_386 : memref<1x40xi32, #tpu.memory_space<vmem>> -> memref<40xi32, #tpu.memory_space<vmem>>
          %dma_wait3A_388 = arith.constant 0 : i32
          %dma_wait3A_389 = tpu.memref_slice %arg3[%add3A, %add3A_377, %dma_wait3A_388] : memref<32x250x40xi32, #tpu.memory_space<hbm>> -> memref<1x1x40xi32, #tpu.memory_space<hbm>>
          %dma_wait3A_390 = tpu.memref_squeeze %dma_wait3A_389 : memref<1x1x40xi32, #tpu.memory_space<hbm>> -> memref<40xi32, #tpu.memory_space<hbm>>
          tpu.wait_dma2 semaphore(%arg15 : memref<!tpu.dma_semaphore, #tpu.memory_space<semaphore_mem>>) src(%dma_wait3A_390 : memref<40xi32, #tpu.memory_space<hbm>>) dst(%dma_wait3A_387 : memref<40xi32, #tpu.memory_space<vmem>>)
          %ge3A = arith.constant 2 : i32
          %ge3A_391 = arith.cmpi sge, %add3A_273, %ge3A : i32
          %convert_element_type3A_392 = arith.extui %ge3A_391 : i1 to i32
          %cond3A_393 = arith.constant 0 : i32
          %cond3A_394 = arith.cmpi ne, %convert_element_type3A_392, %cond3A_393 : i32
          scf.if %cond3A_394 {
            %dma_wait3A_407 = arith.constant 0 : i32
            %dma_wait3A_408 = arith.constant 0 : i32
            %dma_wait3A_409 = arith.constant 0 : i32
            %dma_wait3A_410 = arith.constant 0 : i32
            %dma_wait3A_411 = tpu.memref_slice %arg8[%dma_wait3A_407, %dma_wait3A_409, %dma_wait3A_410] : memref<4x40x128xf32, #tpu.memory_space<vmem>> -> memref<1x40x128xf32, #tpu.memory_space<vmem>>
            %dma_wait3A_412 = tpu.memref_squeeze %dma_wait3A_411 : memref<1x40x128xf32, #tpu.memory_space<vmem>> -> memref<40x128xf32, #tpu.memory_space<vmem>>
            %dma_wait3A_413 = arith.constant 0 : i32
            %dma_wait3A_414 = tpu.memref_slice %arg7[%dma_wait3A_408, %dma_wait3A_413] : memref<8x40xi32, #tpu.memory_space<vmem>> -> memref<1x40xi32, #tpu.memory_space<vmem>>
            %dma_wait3A_415 = tpu.memref_squeeze %dma_wait3A_414 : memref<1x40xi32, #tpu.memory_space<vmem>> -> memref<40xi32, #tpu.memory_space<vmem>>
            %dma_wait3A_416 = arith.constant 0 : i32
            %dma_wait3A_417 = arith.constant 0 : i32
            %dma_wait3A_418 = tpu.memref_slice %arg10[%dma_wait3A_416, %dma_wait3A_417] : memref<10000x128xf32, #tpu.memory_space<vmem_shared>> -> memref<10000x128xf32, #tpu.memory_space<vmem_shared>>
            tpu.wait_indirect_dma semaphore(%arg31 : memref<!tpu.dma_semaphore, #tpu.memory_space<semaphore_mem>>) src(%dma_wait3A_412 : memref<40x128xf32, #tpu.memory_space<vmem>>) dst(%dma_wait3A_418 : memref<10000x128xf32, #tpu.memory_space<vmem_shared>>)
          } else {
          }
          %dma_start3A_395 = arith.constant 4 : i32
          %dma_start3A_396 = arith.constant 0 : i32
          %dma_start3A_397 = arith.constant 0 : i32
          %dma_start3A_398 = arith.constant 0 : i32
          %dma_start3A_399 = tpu.memref_slice %arg8[%dma_start3A_396, %dma_start3A_397, %dma_start3A_398] : memref<4x40x128xf32, #tpu.memory_space<vmem>> -> memref<1x40x128xf32, #tpu.memory_space<vmem>>
          %dma_start3A_400 = tpu.memref_squeeze %dma_start3A_399 : memref<1x40x128xf32, #tpu.memory_space<vmem>> -> memref<40x128xf32, #tpu.memory_space<vmem>>
          %dma_start3A_401 = arith.constant 0 : i32
          %dma_start3A_402 = tpu.memref_slice %arg6[%dma_start3A_395, %dma_start3A_401] : memref<8x40xi32, #tpu.memory_space<vmem>> -> memref<1x40xi32, #tpu.memory_space<vmem>>
          %dma_start3A_403 = tpu.memref_squeeze %dma_start3A_402 : memref<1x40xi32, #tpu.memory_space<vmem>> -> memref<40xi32, #tpu.memory_space<vmem>>
          %dma_start3A_404 = arith.constant 0 : i32
          %dma_start3A_405 = arith.constant 0 : i32
          %dma_start3A_406 = tpu.memref_slice %arg2[%dma_start3A_404, %dma_start3A_405] : memref<10000x128xf32, #tpu.memory_space<hbm>> -> memref<10000x128xf32, #tpu.memory_space<hbm>>
          tpu.enqueue_indirect_dma source(%dma_start3A_406 : memref<10000x128xf32, #tpu.memory_space<hbm>>) target(%dma_start3A_400 : memref<40x128xf32, #tpu.memory_space<vmem>>) offsets(%dma_start3A_403 : memref<40xi32, #tpu.memory_space<vmem>>) semaphore(%arg27 : memref<!tpu.dma_semaphore, #tpu.memory_space<semaphore_mem>>)
        } else {
        }
        %dma_wait3A_332 = arith.constant 2 : i32
        %dma_wait3A_333 = arith.constant 2 : i32
        %dma_wait3A_334 = arith.constant 0 : i32
        %dma_wait3A_335 = arith.constant 0 : i32
        %dma_wait3A_336 = tpu.memref_slice %arg8[%dma_wait3A_333, %dma_wait3A_334, %dma_wait3A_335] : memref<4x40x128xf32, #tpu.memory_space<vmem>> -> memref<1x40x128xf32, #tpu.memory_space<vmem>>
        %dma_wait3A_337 = tpu.memref_squeeze %dma_wait3A_336 : memref<1x40x128xf32, #tpu.memory_space<vmem>> -> memref<40x128xf32, #tpu.memory_space<vmem>>
        %dma_wait3A_338 = arith.constant 0 : i32
        %dma_wait3A_339 = tpu.memref_slice %arg6[%dma_wait3A_332, %dma_wait3A_338] : memref<8x40xi32, #tpu.memory_space<vmem>> -> memref<1x40xi32, #tpu.memory_space<vmem>>
        %dma_wait3A_340 = tpu.memref_squeeze %dma_wait3A_339 : memref<1x40xi32, #tpu.memory_space<vmem>> -> memref<40xi32, #tpu.memory_space<vmem>>
        %dma_wait3A_341 = arith.constant 0 : i32
        %dma_wait3A_342 = arith.constant 0 : i32
        %dma_wait3A_343 = tpu.memref_slice %arg2[%dma_wait3A_341, %dma_wait3A_342] : memref<10000x128xf32, #tpu.memory_space<hbm>> -> memref<10000x128xf32, #tpu.memory_space<hbm>>
        tpu.wait_indirect_dma semaphore(%arg29 : memref<!tpu.dma_semaphore, #tpu.memory_space<semaphore_mem>>) src(%dma_wait3A_343 : memref<10000x128xf32, #tpu.memory_space<hbm>>) dst(%dma_wait3A_337 : memref<40x128xf32, #tpu.memory_space<vmem>>)
        %dma_wait3A_344 = arith.constant 2 : i32
        %dma_wait3A_345 = arith.constant 0 : i32
        %dma_wait3A_346 = tpu.memref_slice %arg7[%dma_wait3A_344, %dma_wait3A_345] : memref<8x40xi32, #tpu.memory_space<vmem>> -> memref<1x40xi32, #tpu.memory_space<vmem>>
        %dma_wait3A_347 = tpu.memref_squeeze %dma_wait3A_346 : memref<1x40xi32, #tpu.memory_space<vmem>> -> memref<40xi32, #tpu.memory_space<vmem>>
        %dma_wait3A_348 = arith.constant 0 : i32
        %dma_wait3A_349 = tpu.memref_slice %arg4[%add3A, %add3A_273, %dma_wait3A_348] : memref<32x250x40xi32, #tpu.memory_space<hbm>> -> memref<1x1x40xi32, #tpu.memory_space<hbm>>
        %dma_wait3A_350 = tpu.memref_squeeze %dma_wait3A_349 : memref<1x1x40xi32, #tpu.memory_space<hbm>> -> memref<40xi32, #tpu.memory_space<hbm>>
        %dma_wait3A_351 = arith.constant 0 : i32
        %dma_wait3A_352 = tpu.memref_slice %arg7[%dma_wait3A_344, %dma_wait3A_351] : memref<8x40xi32, #tpu.memory_space<vmem>> -> memref<1x40xi32, #tpu.memory_space<vmem>>
        %dma_wait3A_353 = tpu.memref_squeeze %dma_wait3A_352 : memref<1x40xi32, #tpu.memory_space<vmem>> -> memref<40xi32, #tpu.memory_space<vmem>>
        %dma_wait3A_354 = arith.constant 0 : i32
        %dma_wait3A_355 = tpu.memref_slice %arg4[%add3A, %add3A_273, %dma_wait3A_354] : memref<32x250x40xi32, #tpu.memory_space<hbm>> -> memref<1x1x40xi32, #tpu.memory_space<hbm>>
        %dma_wait3A_356 = tpu.memref_squeeze %dma_wait3A_355 : memref<1x1x40xi32, #tpu.memory_space<hbm>> -> memref<40xi32, #tpu.memory_space<hbm>>
        tpu.wait_dma2 semaphore(%arg21 : memref<!tpu.dma_semaphore, #tpu.memory_space<semaphore_mem>>) src(%dma_wait3A_356 : memref<40xi32, #tpu.memory_space<hbm>>) dst(%dma_wait3A_353 : memref<40xi32, #tpu.memory_space<vmem>>)
        %dma_start3A_357 = arith.constant 2 : i32
        %dma_start3A_358 = arith.constant 2 : i32
        %dma_start3A_359 = arith.constant 0 : i32
        %dma_start3A_360 = arith.constant 0 : i32
        %dma_start3A_361 = tpu.memref_slice %arg8[%dma_start3A_357, %dma_start3A_359, %dma_start3A_360] : memref<4x40x128xf32, #tpu.memory_space<vmem>> -> memref<1x40x128xf32, #tpu.memory_space<vmem>>
        %dma_start3A_362 = tpu.memref_squeeze %dma_start3A_361 : memref<1x40x128xf32, #tpu.memory_space<vmem>> -> memref<40x128xf32, #tpu.memory_space<vmem>>
        %dma_start3A_363 = arith.constant 0 : i32
        %dma_start3A_364 = tpu.memref_slice %arg7[%dma_start3A_358, %dma_start3A_363] : memref<8x40xi32, #tpu.memory_space<vmem>> -> memref<1x40xi32, #tpu.memory_space<vmem>>
        %dma_start3A_365 = tpu.memref_squeeze %dma_start3A_364 : memref<1x40xi32, #tpu.memory_space<vmem>> -> memref<40xi32, #tpu.memory_space<vmem>>
        %dma_start3A_366 = arith.constant 0 : i32
        %dma_start3A_367 = arith.constant 0 : i32
        %dma_start3A_368 = tpu.memref_slice %arg10[%dma_start3A_366, %dma_start3A_367] : memref<10000x128xf32, #tpu.memory_space<vmem_shared>> -> memref<10000x128xf32, #tpu.memory_space<vmem_shared>>
        tpu.enqueue_indirect_dma source(%dma_start3A_362 : memref<40x128xf32, #tpu.memory_space<vmem>>) target(%dma_start3A_368 : memref<10000x128xf32, #tpu.memory_space<vmem_shared>>) offsets(%dma_start3A_365 : memref<40xi32, #tpu.memory_space<vmem>>) semaphore(%arg33 : memref<!tpu.dma_semaphore, #tpu.memory_space<semaphore_mem>>) {add = true}
        %add3A_369 = arith.constant 4 : i32
        %add3A_370 = arith.addi %add3A_273, %add3A_369 : i32
        %lt3A_371 = arith.constant 250 : i32
        %lt3A_372 = arith.cmpi slt, %add3A_370, %lt3A_371 : i32
        %convert_element_type3A_373 = arith.extui %lt3A_372 : i1 to i32
        %cond3A_374 = arith.constant 0 : i32
        %cond3A_375 = arith.cmpi ne, %convert_element_type3A_373, %cond3A_374 : i32
        scf.if %cond3A_375 {
          %add3A_376 = arith.constant 4 : i32
          %add3A_377 = arith.addi %add3A_273, %add3A_376 : i32
          %dma_start3A_378 = arith.constant 6 : i32
          %dma_start3A_379 = arith.constant 0 : i32
          %dma_start3A_380 = tpu.memref_slice %arg6[%dma_start3A_378, %dma_start3A_379] : memref<8x40xi32, #tpu.memory_space<vmem>> -> memref<1x40xi32, #tpu.memory_space<vmem>>
          %dma_start3A_381 = tpu.memref_squeeze %dma_start3A_380 : memref<1x40xi32, #tpu.memory_space<vmem>> -> memref<40xi32, #tpu.memory_space<vmem>>
          %dma_start3A_382 = arith.constant 0 : i32
          %dma_start3A_383 = tpu.memref_slice %arg3[%add3A, %add3A_377, %dma_start3A_382] : memref<32x250x40xi32, #tpu.memory_space<hbm>> -> memref<1x1x40xi32, #tpu.memory_space<hbm>>
          %dma_start3A_384 = tpu.memref_squeeze %dma_start3A_383 : memref<1x1x40xi32, #tpu.memory_space<hbm>> -> memref<40xi32, #tpu.memory_space<hbm>>
          %dma_start3A_385 = arith.constant 0 : i32
          %dma_start3A_386 = tpu.memref_slice %arg6[%dma_start3A_378, %dma_start3A_385] : memref<8x40xi32, #tpu.memory_space<vmem>> -> memref<1x40xi32, #tpu.memory_space<vmem>>
          %dma_start3A_387 = tpu.memref_squeeze %dma_start3A_386 : memref<1x40xi32, #tpu.memory_space<vmem>> -> memref<40xi32, #tpu.memory_space<vmem>>
          %dma_start3A_388 = arith.constant 0 : i32
          %dma_start3A_389 = tpu.memref_slice %arg3[%add3A, %add3A_377, %dma_start3A_388] : memref<32x250x40xi32, #tpu.memory_space<hbm>> -> memref<1x1x40xi32, #tpu.memory_space<hbm>>
          %dma_start3A_390 = tpu.memref_squeeze %dma_start3A_389 : memref<1x1x40xi32, #tpu.memory_space<hbm>> -> memref<40xi32, #tpu.memory_space<hbm>>
          tpu.enqueue_dma source(%dma_start3A_390 : memref<40xi32, #tpu.memory_space<hbm>>) target(%dma_start3A_387 : memref<40xi32, #tpu.memory_space<vmem>>) target_semaphore(%arg17 : memref<!tpu.dma_semaphore, #tpu.memory_space<semaphore_mem>>)
          %dma_start3A_391 = arith.constant 6 : i32
          %dma_start3A_392 = arith.constant 0 : i32
          %dma_start3A_393 = tpu.memref_slice %arg7[%dma_start3A_391, %dma_start3A_392] : memref<8x40xi32, #tpu.memory_space<vmem>> -> memref<1x40xi32, #tpu.memory_space<vmem>>
          %dma_start3A_394 = tpu.memref_squeeze %dma_start3A_393 : memref<1x40xi32, #tpu.memory_space<vmem>> -> memref<40xi32, #tpu.memory_space<vmem>>
          %dma_start3A_395 = arith.constant 0 : i32
          %dma_start3A_396 = tpu.memref_slice %arg4[%add3A, %add3A_377, %dma_start3A_395] : memref<32x250x40xi32, #tpu.memory_space<hbm>> -> memref<1x1x40xi32, #tpu.memory_space<hbm>>
          %dma_start3A_397 = tpu.memref_squeeze %dma_start3A_396 : memref<1x1x40xi32, #tpu.memory_space<hbm>> -> memref<40xi32, #tpu.memory_space<hbm>>
          %dma_start3A_398 = arith.constant 0 : i32
          %dma_start3A_399 = tpu.memref_slice %arg7[%dma_start3A_391, %dma_start3A_398] : memref<8x40xi32, #tpu.memory_space<vmem>> -> memref<1x40xi32, #tpu.memory_space<vmem>>
          %dma_start3A_400 = tpu.memref_squeeze %dma_start3A_399 : memref<1x40xi32, #tpu.memory_space<vmem>> -> memref<40xi32, #tpu.memory_space<vmem>>
          %dma_start3A_401 = arith.constant 0 : i32
          %dma_start3A_402 = tpu.memref_slice %arg4[%add3A, %add3A_377, %dma_start3A_401] : memref<32x250x40xi32, #tpu.memory_space<hbm>> -> memref<1x1x40xi32, #tpu.memory_space<hbm>>
          %dma_start3A_403 = tpu.memref_squeeze %dma_start3A_402 : memref<1x1x40xi32, #tpu.memory_space<hbm>> -> memref<40xi32, #tpu.memory_space<hbm>>
          tpu.enqueue_dma source(%dma_start3A_403 : memref<40xi32, #tpu.memory_space<hbm>>) target(%dma_start3A_400 : memref<40xi32, #tpu.memory_space<vmem>>) target_semaphore(%arg25 : memref<!tpu.dma_semaphore, #tpu.memory_space<semaphore_mem>>)
        } else {
        }
      } else {
      }
      %mul3A_279 = arith.constant 8 : i32
      %mul3A_280 = arith.muli %mul3A_279, %scan3A_250 : i32
      %add3A_281 = arith.constant 3 : i32
      %add3A_282 = arith.addi %mul3A_280, %add3A_281 : i32
      %lt3A_283 = arith.constant 250 : i32
      %lt3A_284 = arith.cmpi slt, %add3A_282, %lt3A_283 : i32
      %convert_element_type3A_285 = arith.extui %lt3A_284 : i1 to i32
      %cond3A_286 = arith.constant 0 : i32
      %cond3A_287 = arith.cmpi ne, %convert_element_type3A_285, %cond3A_286 : i32
      scf.if %cond3A_287 {
        %add3A_325 = arith.constant 2 : i32
        %add3A_326 = arith.addi %add3A_282, %add3A_325 : i32
        %lt3A_327 = arith.constant 250 : i32
        %lt3A_328 = arith.cmpi slt, %add3A_326, %lt3A_327 : i32
        %convert_element_type3A_329 = arith.extui %lt3A_328 : i1 to i32
        %cond3A_330 = arith.constant 0 : i32
        %cond3A_331 = arith.cmpi ne, %convert_element_type3A_329, %cond3A_330 : i32
        scf.if %cond3A_331 {
          %add3A_376 = arith.constant 2 : i32
          %add3A_377 = arith.addi %add3A_282, %add3A_376 : i32
          %dma_wait3A_378 = arith.constant 5 : i32
          %dma_wait3A_379 = arith.constant 0 : i32
          %dma_wait3A_380 = tpu.memref_slice %arg6[%dma_wait3A_378, %dma_wait3A_379] : memref<8x40xi32, #tpu.memory_space<vmem>> -> memref<1x40xi32, #tpu.memory_space<vmem>>
          %dma_wait3A_381 = tpu.memref_squeeze %dma_wait3A_380 : memref<1x40xi32, #tpu.memory_space<vmem>> -> memref<40xi32, #tpu.memory_space<vmem>>
          %dma_wait3A_382 = arith.constant 0 : i32
          %dma_wait3A_383 = tpu.memref_slice %arg3[%add3A, %add3A_377, %dma_wait3A_382] : memref<32x250x40xi32, #tpu.memory_space<hbm>> -> memref<1x1x40xi32, #tpu.memory_space<hbm>>
          %dma_wait3A_384 = tpu.memref_squeeze %dma_wait3A_383 : memref<1x1x40xi32, #tpu.memory_space<hbm>> -> memref<40xi32, #tpu.memory_space<hbm>>
          %dma_wait3A_385 = arith.constant 0 : i32
          %dma_wait3A_386 = tpu.memref_slice %arg6[%dma_wait3A_378, %dma_wait3A_385] : memref<8x40xi32, #tpu.memory_space<vmem>> -> memref<1x40xi32, #tpu.memory_space<vmem>>
          %dma_wait3A_387 = tpu.memref_squeeze %dma_wait3A_386 : memref<1x40xi32, #tpu.memory_space<vmem>> -> memref<40xi32, #tpu.memory_space<vmem>>
          %dma_wait3A_388 = arith.constant 0 : i32
          %dma_wait3A_389 = tpu.memref_slice %arg3[%add3A, %add3A_377, %dma_wait3A_388] : memref<32x250x40xi32, #tpu.memory_space<hbm>> -> memref<1x1x40xi32, #tpu.memory_space<hbm>>
          %dma_wait3A_390 = tpu.memref_squeeze %dma_wait3A_389 : memref<1x1x40xi32, #tpu.memory_space<hbm>> -> memref<40xi32, #tpu.memory_space<hbm>>
          tpu.wait_dma2 semaphore(%arg16 : memref<!tpu.dma_semaphore, #tpu.memory_space<semaphore_mem>>) src(%dma_wait3A_390 : memref<40xi32, #tpu.memory_space<hbm>>) dst(%dma_wait3A_387 : memref<40xi32, #tpu.memory_space<vmem>>)
          %ge3A = arith.constant 2 : i32
          %ge3A_391 = arith.cmpi sge, %add3A_282, %ge3A : i32
          %convert_element_type3A_392 = arith.extui %ge3A_391 : i1 to i32
          %cond3A_393 = arith.constant 0 : i32
          %cond3A_394 = arith.cmpi ne, %convert_element_type3A_392, %cond3A_393 : i32
          scf.if %cond3A_394 {
            %dma_wait3A_407 = arith.constant 1 : i32
            %dma_wait3A_408 = arith.constant 1 : i32
            %dma_wait3A_409 = arith.constant 0 : i32
            %dma_wait3A_410 = arith.constant 0 : i32
            %dma_wait3A_411 = tpu.memref_slice %arg8[%dma_wait3A_407, %dma_wait3A_409, %dma_wait3A_410] : memref<4x40x128xf32, #tpu.memory_space<vmem>> -> memref<1x40x128xf32, #tpu.memory_space<vmem>>
            %dma_wait3A_412 = tpu.memref_squeeze %dma_wait3A_411 : memref<1x40x128xf32, #tpu.memory_space<vmem>> -> memref<40x128xf32, #tpu.memory_space<vmem>>
            %dma_wait3A_413 = arith.constant 0 : i32
            %dma_wait3A_414 = tpu.memref_slice %arg7[%dma_wait3A_408, %dma_wait3A_413] : memref<8x40xi32, #tpu.memory_space<vmem>> -> memref<1x40xi32, #tpu.memory_space<vmem>>
            %dma_wait3A_415 = tpu.memref_squeeze %dma_wait3A_414 : memref<1x40xi32, #tpu.memory_space<vmem>> -> memref<40xi32, #tpu.memory_space<vmem>>
            %dma_wait3A_416 = arith.constant 0 : i32
            %dma_wait3A_417 = arith.constant 0 : i32
            %dma_wait3A_418 = tpu.memref_slice %arg10[%dma_wait3A_416, %dma_wait3A_417] : memref<10000x128xf32, #tpu.memory_space<vmem_shared>> -> memref<10000x128xf32, #tpu.memory_space<vmem_shared>>
            tpu.wait_indirect_dma semaphore(%arg32 : memref<!tpu.dma_semaphore, #tpu.memory_space<semaphore_mem>>) src(%dma_wait3A_412 : memref<40x128xf32, #tpu.memory_space<vmem>>) dst(%dma_wait3A_418 : memref<10000x128xf32, #tpu.memory_space<vmem_shared>>)
          } else {
          }
          %dma_start3A_395 = arith.constant 5 : i32
          %dma_start3A_396 = arith.constant 1 : i32
          %dma_start3A_397 = arith.constant 0 : i32
          %dma_start3A_398 = arith.constant 0 : i32
          %dma_start3A_399 = tpu.memref_slice %arg8[%dma_start3A_396, %dma_start3A_397, %dma_start3A_398] : memref<4x40x128xf32, #tpu.memory_space<vmem>> -> memref<1x40x128xf32, #tpu.memory_space<vmem>>
          %dma_start3A_400 = tpu.memref_squeeze %dma_start3A_399 : memref<1x40x128xf32, #tpu.memory_space<vmem>> -> memref<40x128xf32, #tpu.memory_space<vmem>>
          %dma_start3A_401 = arith.constant 0 : i32
          %dma_start3A_402 = tpu.memref_slice %arg6[%dma_start3A_395, %dma_start3A_401] : memref<8x40xi32, #tpu.memory_space<vmem>> -> memref<1x40xi32, #tpu.memory_space<vmem>>
          %dma_start3A_403 = tpu.memref_squeeze %dma_start3A_402 : memref<1x40xi32, #tpu.memory_space<vmem>> -> memref<40xi32, #tpu.memory_space<vmem>>
          %dma_start3A_404 = arith.constant 0 : i32
          %dma_start3A_405 = arith.constant 0 : i32
          %dma_start3A_406 = tpu.memref_slice %arg2[%dma_start3A_404, %dma_start3A_405] : memref<10000x128xf32, #tpu.memory_space<hbm>> -> memref<10000x128xf32, #tpu.memory_space<hbm>>
          tpu.enqueue_indirect_dma source(%dma_start3A_406 : memref<10000x128xf32, #tpu.memory_space<hbm>>) target(%dma_start3A_400 : memref<40x128xf32, #tpu.memory_space<vmem>>) offsets(%dma_start3A_403 : memref<40xi32, #tpu.memory_space<vmem>>) semaphore(%arg28 : memref<!tpu.dma_semaphore, #tpu.memory_space<semaphore_mem>>)
        } else {
        }
        %dma_wait3A_332 = arith.constant 3 : i32
        %dma_wait3A_333 = arith.constant 3 : i32
        %dma_wait3A_334 = arith.constant 0 : i32
        %dma_wait3A_335 = arith.constant 0 : i32
        %dma_wait3A_336 = tpu.memref_slice %arg8[%dma_wait3A_333, %dma_wait3A_334, %dma_wait3A_335] : memref<4x40x128xf32, #tpu.memory_space<vmem>> -> memref<1x40x128xf32, #tpu.memory_space<vmem>>
        %dma_wait3A_337 = tpu.memref_squeeze %dma_wait3A_336 : memref<1x40x128xf32, #tpu.memory_space<vmem>> -> memref<40x128xf32, #tpu.memory_space<vmem>>
        %dma_wait3A_338 = arith.constant 0 : i32
        %dma_wait3A_339 = tpu.memref_slice %arg6[%dma_wait3A_332, %dma_wait3A_338] : memref<8x40xi32, #tpu.memory_space<vmem>> -> memref<1x40xi32, #tpu.memory_space<vmem>>
        %dma_wait3A_340 = tpu.memref_squeeze %dma_wait3A_339 : memref<1x40xi32, #tpu.memory_space<vmem>> -> memref<40xi32, #tpu.memory_space<vmem>>
        %dma_wait3A_341 = arith.constant 0 : i32
        %dma_wait3A_342 = arith.constant 0 : i32
        %dma_wait3A_343 = tpu.memref_slice %arg2[%dma_wait3A_341, %dma_wait3A_342] : memref<10000x128xf32, #tpu.memory_space<hbm>> -> memref<10000x128xf32, #tpu.memory_space<hbm>>
        tpu.wait_indirect_dma semaphore(%arg30 : memref<!tpu.dma_semaphore, #tpu.memory_space<semaphore_mem>>) src(%dma_wait3A_343 : memref<10000x128xf32, #tpu.memory_space<hbm>>) dst(%dma_wait3A_337 : memref<40x128xf32, #tpu.memory_space<vmem>>)
        %dma_wait3A_344 = arith.constant 3 : i32
        %dma_wait3A_345 = arith.constant 0 : i32
        %dma_wait3A_346 = tpu.memref_slice %arg7[%dma_wait3A_344, %dma_wait3A_345] : memref<8x40xi32, #tpu.memory_space<vmem>> -> memref<1x40xi32, #tpu.memory_space<vmem>>
        %dma_wait3A_347 = tpu.memref_squeeze %dma_wait3A_346 : memref<1x40xi32, #tpu.memory_space<vmem>> -> memref<40xi32, #tpu.memory_space<vmem>>
        %dma_wait3A_348 = arith.constant 0 : i32
        %dma_wait3A_349 = tpu.memref_slice %arg4[%add3A, %add3A_282, %dma_wait3A_348] : memref<32x250x40xi32, #tpu.memory_space<hbm>> -> memref<1x1x40xi32, #tpu.memory_space<hbm>>
        %dma_wait3A_350 = tpu.memref_squeeze %dma_wait3A_349 : memref<1x1x40xi32, #tpu.memory_space<hbm>> -> memref<40xi32, #tpu.memory_space<hbm>>
        %dma_wait3A_351 = arith.constant 0 : i32
        %dma_wait3A_352 = tpu.memref_slice %arg7[%dma_wait3A_344, %dma_wait3A_351] : memref<8x40xi32, #tpu.memory_space<vmem>> -> memref<1x40xi32, #tpu.memory_space<vmem>>
        %dma_wait3A_353 = tpu.memref_squeeze %dma_wait3A_352 : memref<1x40xi32, #tpu.memory_space<vmem>> -> memref<40xi32, #tpu.memory_space<vmem>>
        %dma_wait3A_354 = arith.constant 0 : i32
        %dma_wait3A_355 = tpu.memref_slice %arg4[%add3A, %add3A_282, %dma_wait3A_354] : memref<32x250x40xi32, #tpu.memory_space<hbm>> -> memref<1x1x40xi32, #tpu.memory_space<hbm>>
        %dma_wait3A_356 = tpu.memref_squeeze %dma_wait3A_355 : memref<1x1x40xi32, #tpu.memory_space<hbm>> -> memref<40xi32, #tpu.memory_space<hbm>>
        tpu.wait_dma2 semaphore(%arg22 : memref<!tpu.dma_semaphore, #tpu.memory_space<semaphore_mem>>) src(%dma_wait3A_356 : memref<40xi32, #tpu.memory_space<hbm>>) dst(%dma_wait3A_353 : memref<40xi32, #tpu.memory_space<vmem>>)
        %dma_start3A_357 = arith.constant 3 : i32
        %dma_start3A_358 = arith.constant 3 : i32
        %dma_start3A_359 = arith.constant 0 : i32
        %dma_start3A_360 = arith.constant 0 : i32
        %dma_start3A_361 = tpu.memref_slice %arg8[%dma_start3A_357, %dma_start3A_359, %dma_start3A_360] : memref<4x40x128xf32, #tpu.memory_space<vmem>> -> memref<1x40x128xf32, #tpu.memory_space<vmem>>
        %dma_start3A_362 = tpu.memref_squeeze %dma_start3A_361 : memref<1x40x128xf32, #tpu.memory_space<vmem>> -> memref<40x128xf32, #tpu.memory_space<vmem>>
        %dma_start3A_363 = arith.constant 0 : i32
        %dma_start3A_364 = tpu.memref_slice %arg7[%dma_start3A_358, %dma_start3A_363] : memref<8x40xi32, #tpu.memory_space<vmem>> -> memref<1x40xi32, #tpu.memory_space<vmem>>
        %dma_start3A_365 = tpu.memref_squeeze %dma_start3A_364 : memref<1x40xi32, #tpu.memory_space<vmem>> -> memref<40xi32, #tpu.memory_space<vmem>>
        %dma_start3A_366 = arith.constant 0 : i32
        %dma_start3A_367 = arith.constant 0 : i32
        %dma_start3A_368 = tpu.memref_slice %arg10[%dma_start3A_366, %dma_start3A_367] : memref<10000x128xf32, #tpu.memory_space<vmem_shared>> -> memref<10000x128xf32, #tpu.memory_space<vmem_shared>>
        tpu.enqueue_indirect_dma source(%dma_start3A_362 : memref<40x128xf32, #tpu.memory_space<vmem>>) target(%dma_start3A_368 : memref<10000x128xf32, #tpu.memory_space<vmem_shared>>) offsets(%dma_start3A_365 : memref<40xi32, #tpu.memory_space<vmem>>) semaphore(%arg34 : memref<!tpu.dma_semaphore, #tpu.memory_space<semaphore_mem>>) {add = true}
        %add3A_369 = arith.constant 4 : i32
        %add3A_370 = arith.addi %add3A_282, %add3A_369 : i32
        %lt3A_371 = arith.constant 250 : i32
        %lt3A_372 = arith.cmpi slt, %add3A_370, %lt3A_371 : i32
        %convert_element_type3A_373 = arith.extui %lt3A_372 : i1 to i32
        %cond3A_374 = arith.constant 0 : i32
        %cond3A_375 = arith.cmpi ne, %convert_element_type3A_373, %cond3A_374 : i32
        scf.if %cond3A_375 {
          %add3A_376 = arith.constant 4 : i32
          %add3A_377 = arith.addi %add3A_282, %add3A_376 : i32
          %dma_start3A_378 = arith.constant 7 : i32
          %dma_start3A_379 = arith.constant 0 : i32
          %dma_start3A_380 = tpu.memref_slice %arg6[%dma_start3A_378, %dma_start3A_379] : memref<8x40xi32, #tpu.memory_space<vmem>> -> memref<1x40xi32, #tpu.memory_space<vmem>>
          %dma_start3A_381 = tpu.memref_squeeze %dma_start3A_380 : memref<1x40xi32, #tpu.memory_space<vmem>> -> memref<40xi32, #tpu.memory_space<vmem>>
          %dma_start3A_382 = arith.constant 0 : i32
          %dma_start3A_383 = tpu.memref_slice %arg3[%add3A, %add3A_377, %dma_start3A_382] : memref<32x250x40xi32, #tpu.memory_space<hbm>> -> memref<1x1x40xi32, #tpu.memory_space<hbm>>
          %dma_start3A_384 = tpu.memref_squeeze %dma_start3A_383 : memref<1x1x40xi32, #tpu.memory_space<hbm>> -> memref<40xi32, #tpu.memory_space<hbm>>
          %dma_start3A_385 = arith.constant 0 : i32
          %dma_start3A_386 = tpu.memref_slice %arg6[%dma_start3A_378, %dma_start3A_385] : memref<8x40xi32, #tpu.memory_space<vmem>> -> memref<1x40xi32, #tpu.memory_space<vmem>>
          %dma_start3A_387 = tpu.memref_squeeze %dma_start3A_386 : memref<1x40xi32, #tpu.memory_space<vmem>> -> memref<40xi32, #tpu.memory_space<vmem>>
          %dma_start3A_388 = arith.constant 0 : i32
          %dma_start3A_389 = tpu.memref_slice %arg3[%add3A, %add3A_377, %dma_start3A_388] : memref<32x250x40xi32, #tpu.memory_space<hbm>> -> memref<1x1x40xi32, #tpu.memory_space<hbm>>
          %dma_start3A_390 = tpu.memref_squeeze %dma_start3A_389 : memref<1x1x40xi32, #tpu.memory_space<hbm>> -> memref<40xi32, #tpu.memory_space<hbm>>
          tpu.enqueue_dma source(%dma_start3A_390 : memref<40xi32, #tpu.memory_space<hbm>>) target(%dma_start3A_387 : memref<40xi32, #tpu.memory_space<vmem>>) target_semaphore(%arg18 : memref<!tpu.dma_semaphore, #tpu.memory_space<semaphore_mem>>)
          %dma_start3A_391 = arith.constant 7 : i32
          %dma_start3A_392 = arith.constant 0 : i32
          %dma_start3A_393 = tpu.memref_slice %arg7[%dma_start3A_391, %dma_start3A_392] : memref<8x40xi32, #tpu.memory_space<vmem>> -> memref<1x40xi32, #tpu.memory_space<vmem>>
          %dma_start3A_394 = tpu.memref_squeeze %dma_start3A_393 : memref<1x40xi32, #tpu.memory_space<vmem>> -> memref<40xi32, #tpu.memory_space<vmem>>
          %dma_start3A_395 = arith.constant 0 : i32
          %dma_start3A_396 = tpu.memref_slice %arg4[%add3A, %add3A_377, %dma_start3A_395] : memref<32x250x40xi32, #tpu.memory_space<hbm>> -> memref<1x1x40xi32, #tpu.memory_space<hbm>>
          %dma_start3A_397 = tpu.memref_squeeze %dma_start3A_396 : memref<1x1x40xi32, #tpu.memory_space<hbm>> -> memref<40xi32, #tpu.memory_space<hbm>>
          %dma_start3A_398 = arith.constant 0 : i32
          %dma_start3A_399 = tpu.memref_slice %arg7[%dma_start3A_391, %dma_start3A_398] : memref<8x40xi32, #tpu.memory_space<vmem>> -> memref<1x40xi32, #tpu.memory_space<vmem>>
          %dma_start3A_400 = tpu.memref_squeeze %dma_start3A_399 : memref<1x40xi32, #tpu.memory_space<vmem>> -> memref<40xi32, #tpu.memory_space<vmem>>
          %dma_start3A_401 = arith.constant 0 : i32
          %dma_start3A_402 = tpu.memref_slice %arg4[%add3A, %add3A_377, %dma_start3A_401] : memref<32x250x40xi32, #tpu.memory_space<hbm>> -> memref<1x1x40xi32, #tpu.memory_space<hbm>>
          %dma_start3A_403 = tpu.memref_squeeze %dma_start3A_402 : memref<1x1x40xi32, #tpu.memory_space<hbm>> -> memref<40xi32, #tpu.memory_space<hbm>>
          tpu.enqueue_dma source(%dma_start3A_403 : memref<40xi32, #tpu.memory_space<hbm>>) target(%dma_start3A_400 : memref<40xi32, #tpu.memory_space<vmem>>) target_semaphore(%arg26 : memref<!tpu.dma_semaphore, #tpu.memory_space<semaphore_mem>>)
        } else {
        }
      } else {
      }
      %mul3A_288 = arith.constant 8 : i32
      %mul3A_289 = arith.muli %mul3A_288, %scan3A_250 : i32
      %add3A_290 = arith.constant 4 : i32
      %add3A_291 = arith.addi %mul3A_289, %add3A_290 : i32
      %lt3A_292 = arith.constant 250 : i32
      %lt3A_293 = arith.cmpi slt, %add3A_291, %lt3A_292 : i32
      %convert_element_type3A_294 = arith.extui %lt3A_293 : i1 to i32
      %cond3A_295 = arith.constant 0 : i32
      %cond3A_296 = arith.cmpi ne, %convert_element_type3A_294, %cond3A_295 : i32
      scf.if %cond3A_296 {
        %add3A_325 = arith.constant 2 : i32
        %add3A_326 = arith.addi %add3A_291, %add3A_325 : i32
        %lt3A_327 = arith.constant 250 : i32
        %lt3A_328 = arith.cmpi slt, %add3A_326, %lt3A_327 : i32
        %convert_element_type3A_329 = arith.extui %lt3A_328 : i1 to i32
        %cond3A_330 = arith.constant 0 : i32
        %cond3A_331 = arith.cmpi ne, %convert_element_type3A_329, %cond3A_330 : i32
        scf.if %cond3A_331 {
          %add3A_376 = arith.constant 2 : i32
          %add3A_377 = arith.addi %add3A_291, %add3A_376 : i32
          %dma_wait3A_378 = arith.constant 6 : i32
          %dma_wait3A_379 = arith.constant 0 : i32
          %dma_wait3A_380 = tpu.memref_slice %arg6[%dma_wait3A_378, %dma_wait3A_379] : memref<8x40xi32, #tpu.memory_space<vmem>> -> memref<1x40xi32, #tpu.memory_space<vmem>>
          %dma_wait3A_381 = tpu.memref_squeeze %dma_wait3A_380 : memref<1x40xi32, #tpu.memory_space<vmem>> -> memref<40xi32, #tpu.memory_space<vmem>>
          %dma_wait3A_382 = arith.constant 0 : i32
          %dma_wait3A_383 = tpu.memref_slice %arg3[%add3A, %add3A_377, %dma_wait3A_382] : memref<32x250x40xi32, #tpu.memory_space<hbm>> -> memref<1x1x40xi32, #tpu.memory_space<hbm>>
          %dma_wait3A_384 = tpu.memref_squeeze %dma_wait3A_383 : memref<1x1x40xi32, #tpu.memory_space<hbm>> -> memref<40xi32, #tpu.memory_space<hbm>>
          %dma_wait3A_385 = arith.constant 0 : i32
          %dma_wait3A_386 = tpu.memref_slice %arg6[%dma_wait3A_378, %dma_wait3A_385] : memref<8x40xi32, #tpu.memory_space<vmem>> -> memref<1x40xi32, #tpu.memory_space<vmem>>
          %dma_wait3A_387 = tpu.memref_squeeze %dma_wait3A_386 : memref<1x40xi32, #tpu.memory_space<vmem>> -> memref<40xi32, #tpu.memory_space<vmem>>
          %dma_wait3A_388 = arith.constant 0 : i32
          %dma_wait3A_389 = tpu.memref_slice %arg3[%add3A, %add3A_377, %dma_wait3A_388] : memref<32x250x40xi32, #tpu.memory_space<hbm>> -> memref<1x1x40xi32, #tpu.memory_space<hbm>>
          %dma_wait3A_390 = tpu.memref_squeeze %dma_wait3A_389 : memref<1x1x40xi32, #tpu.memory_space<hbm>> -> memref<40xi32, #tpu.memory_space<hbm>>
          tpu.wait_dma2 semaphore(%arg17 : memref<!tpu.dma_semaphore, #tpu.memory_space<semaphore_mem>>) src(%dma_wait3A_390 : memref<40xi32, #tpu.memory_space<hbm>>) dst(%dma_wait3A_387 : memref<40xi32, #tpu.memory_space<vmem>>)
          %ge3A = arith.constant 2 : i32
          %ge3A_391 = arith.cmpi sge, %add3A_291, %ge3A : i32
          %convert_element_type3A_392 = arith.extui %ge3A_391 : i1 to i32
          %cond3A_393 = arith.constant 0 : i32
          %cond3A_394 = arith.cmpi ne, %convert_element_type3A_392, %cond3A_393 : i32
          scf.if %cond3A_394 {
            %dma_wait3A_407 = arith.constant 2 : i32
            %dma_wait3A_408 = arith.constant 2 : i32
            %dma_wait3A_409 = arith.constant 0 : i32
            %dma_wait3A_410 = arith.constant 0 : i32
            %dma_wait3A_411 = tpu.memref_slice %arg8[%dma_wait3A_407, %dma_wait3A_409, %dma_wait3A_410] : memref<4x40x128xf32, #tpu.memory_space<vmem>> -> memref<1x40x128xf32, #tpu.memory_space<vmem>>
            %dma_wait3A_412 = tpu.memref_squeeze %dma_wait3A_411 : memref<1x40x128xf32, #tpu.memory_space<vmem>> -> memref<40x128xf32, #tpu.memory_space<vmem>>
            %dma_wait3A_413 = arith.constant 0 : i32
            %dma_wait3A_414 = tpu.memref_slice %arg7[%dma_wait3A_408, %dma_wait3A_413] : memref<8x40xi32, #tpu.memory_space<vmem>> -> memref<1x40xi32, #tpu.memory_space<vmem>>
            %dma_wait3A_415 = tpu.memref_squeeze %dma_wait3A_414 : memref<1x40xi32, #tpu.memory_space<vmem>> -> memref<40xi32, #tpu.memory_space<vmem>>
            %dma_wait3A_416 = arith.constant 0 : i32
            %dma_wait3A_417 = arith.constant 0 : i32
            %dma_wait3A_418 = tpu.memref_slice %arg10[%dma_wait3A_416, %dma_wait3A_417] : memref<10000x128xf32, #tpu.memory_space<vmem_shared>> -> memref<10000x128xf32, #tpu.memory_space<vmem_shared>>
            tpu.wait_indirect_dma semaphore(%arg33 : memref<!tpu.dma_semaphore, #tpu.memory_space<semaphore_mem>>) src(%dma_wait3A_412 : memref<40x128xf32, #tpu.memory_space<vmem>>) dst(%dma_wait3A_418 : memref<10000x128xf32, #tpu.memory_space<vmem_shared>>)
          } else {
          }
          %dma_start3A_395 = arith.constant 6 : i32
          %dma_start3A_396 = arith.constant 2 : i32
          %dma_start3A_397 = arith.constant 0 : i32
          %dma_start3A_398 = arith.constant 0 : i32
          %dma_start3A_399 = tpu.memref_slice %arg8[%dma_start3A_396, %dma_start3A_397, %dma_start3A_398] : memref<4x40x128xf32, #tpu.memory_space<vmem>> -> memref<1x40x128xf32, #tpu.memory_space<vmem>>
          %dma_start3A_400 = tpu.memref_squeeze %dma_start3A_399 : memref<1x40x128xf32, #tpu.memory_space<vmem>> -> memref<40x128xf32, #tpu.memory_space<vmem>>
          %dma_start3A_401 = arith.constant 0 : i32
          %dma_start3A_402 = tpu.memref_slice %arg6[%dma_start3A_395, %dma_start3A_401] : memref<8x40xi32, #tpu.memory_space<vmem>> -> memref<1x40xi32, #tpu.memory_space<vmem>>
          %dma_start3A_403 = tpu.memref_squeeze %dma_start3A_402 : memref<1x40xi32, #tpu.memory_space<vmem>> -> memref<40xi32, #tpu.memory_space<vmem>>
          %dma_start3A_404 = arith.constant 0 : i32
          %dma_start3A_405 = arith.constant 0 : i32
          %dma_start3A_406 = tpu.memref_slice %arg2[%dma_start3A_404, %dma_start3A_405] : memref<10000x128xf32, #tpu.memory_space<hbm>> -> memref<10000x128xf32, #tpu.memory_space<hbm>>
          tpu.enqueue_indirect_dma source(%dma_start3A_406 : memref<10000x128xf32, #tpu.memory_space<hbm>>) target(%dma_start3A_400 : memref<40x128xf32, #tpu.memory_space<vmem>>) offsets(%dma_start3A_403 : memref<40xi32, #tpu.memory_space<vmem>>) semaphore(%arg29 : memref<!tpu.dma_semaphore, #tpu.memory_space<semaphore_mem>>)
        } else {
        }
        %dma_wait3A_332 = arith.constant 4 : i32
        %dma_wait3A_333 = arith.constant 0 : i32
        %dma_wait3A_334 = arith.constant 0 : i32
        %dma_wait3A_335 = arith.constant 0 : i32
        %dma_wait3A_336 = tpu.memref_slice %arg8[%dma_wait3A_333, %dma_wait3A_334, %dma_wait3A_335] : memref<4x40x128xf32, #tpu.memory_space<vmem>> -> memref<1x40x128xf32, #tpu.memory_space<vmem>>
        %dma_wait3A_337 = tpu.memref_squeeze %dma_wait3A_336 : memref<1x40x128xf32, #tpu.memory_space<vmem>> -> memref<40x128xf32, #tpu.memory_space<vmem>>
        %dma_wait3A_338 = arith.constant 0 : i32
        %dma_wait3A_339 = tpu.memref_slice %arg6[%dma_wait3A_332, %dma_wait3A_338] : memref<8x40xi32, #tpu.memory_space<vmem>> -> memref<1x40xi32, #tpu.memory_space<vmem>>
        %dma_wait3A_340 = tpu.memref_squeeze %dma_wait3A_339 : memref<1x40xi32, #tpu.memory_space<vmem>> -> memref<40xi32, #tpu.memory_space<vmem>>
        %dma_wait3A_341 = arith.constant 0 : i32
        %dma_wait3A_342 = arith.constant 0 : i32
        %dma_wait3A_343 = tpu.memref_slice %arg2[%dma_wait3A_341, %dma_wait3A_342] : memref<10000x128xf32, #tpu.memory_space<hbm>> -> memref<10000x128xf32, #tpu.memory_space<hbm>>
        tpu.wait_indirect_dma semaphore(%arg27 : memref<!tpu.dma_semaphore, #tpu.memory_space<semaphore_mem>>) src(%dma_wait3A_343 : memref<10000x128xf32, #tpu.memory_space<hbm>>) dst(%dma_wait3A_337 : memref<40x128xf32, #tpu.memory_space<vmem>>)
        %dma_wait3A_344 = arith.constant 4 : i32
        %dma_wait3A_345 = arith.constant 0 : i32
        %dma_wait3A_346 = tpu.memref_slice %arg7[%dma_wait3A_344, %dma_wait3A_345] : memref<8x40xi32, #tpu.memory_space<vmem>> -> memref<1x40xi32, #tpu.memory_space<vmem>>
        %dma_wait3A_347 = tpu.memref_squeeze %dma_wait3A_346 : memref<1x40xi32, #tpu.memory_space<vmem>> -> memref<40xi32, #tpu.memory_space<vmem>>
        %dma_wait3A_348 = arith.constant 0 : i32
        %dma_wait3A_349 = tpu.memref_slice %arg4[%add3A, %add3A_291, %dma_wait3A_348] : memref<32x250x40xi32, #tpu.memory_space<hbm>> -> memref<1x1x40xi32, #tpu.memory_space<hbm>>
        %dma_wait3A_350 = tpu.memref_squeeze %dma_wait3A_349 : memref<1x1x40xi32, #tpu.memory_space<hbm>> -> memref<40xi32, #tpu.memory_space<hbm>>
        %dma_wait3A_351 = arith.constant 0 : i32
        %dma_wait3A_352 = tpu.memref_slice %arg7[%dma_wait3A_344, %dma_wait3A_351] : memref<8x40xi32, #tpu.memory_space<vmem>> -> memref<1x40xi32, #tpu.memory_space<vmem>>
        %dma_wait3A_353 = tpu.memref_squeeze %dma_wait3A_352 : memref<1x40xi32, #tpu.memory_space<vmem>> -> memref<40xi32, #tpu.memory_space<vmem>>
        %dma_wait3A_354 = arith.constant 0 : i32
        %dma_wait3A_355 = tpu.memref_slice %arg4[%add3A, %add3A_291, %dma_wait3A_354] : memref<32x250x40xi32, #tpu.memory_space<hbm>> -> memref<1x1x40xi32, #tpu.memory_space<hbm>>
        %dma_wait3A_356 = tpu.memref_squeeze %dma_wait3A_355 : memref<1x1x40xi32, #tpu.memory_space<hbm>> -> memref<40xi32, #tpu.memory_space<hbm>>
        tpu.wait_dma2 semaphore(%arg23 : memref<!tpu.dma_semaphore, #tpu.memory_space<semaphore_mem>>) src(%dma_wait3A_356 : memref<40xi32, #tpu.memory_space<hbm>>) dst(%dma_wait3A_353 : memref<40xi32, #tpu.memory_space<vmem>>)
        %dma_start3A_357 = arith.constant 0 : i32
        %dma_start3A_358 = arith.constant 4 : i32
        %dma_start3A_359 = arith.constant 0 : i32
        %dma_start3A_360 = arith.constant 0 : i32
        %dma_start3A_361 = tpu.memref_slice %arg8[%dma_start3A_357, %dma_start3A_359, %dma_start3A_360] : memref<4x40x128xf32, #tpu.memory_space<vmem>> -> memref<1x40x128xf32, #tpu.memory_space<vmem>>
        %dma_start3A_362 = tpu.memref_squeeze %dma_start3A_361 : memref<1x40x128xf32, #tpu.memory_space<vmem>> -> memref<40x128xf32, #tpu.memory_space<vmem>>
        %dma_start3A_363 = arith.constant 0 : i32
        %dma_start3A_364 = tpu.memref_slice %arg7[%dma_start3A_358, %dma_start3A_363] : memref<8x40xi32, #tpu.memory_space<vmem>> -> memref<1x40xi32, #tpu.memory_space<vmem>>
        %dma_start3A_365 = tpu.memref_squeeze %dma_start3A_364 : memref<1x40xi32, #tpu.memory_space<vmem>> -> memref<40xi32, #tpu.memory_space<vmem>>
        %dma_start3A_366 = arith.constant 0 : i32
        %dma_start3A_367 = arith.constant 0 : i32
        %dma_start3A_368 = tpu.memref_slice %arg10[%dma_start3A_366, %dma_start3A_367] : memref<10000x128xf32, #tpu.memory_space<vmem_shared>> -> memref<10000x128xf32, #tpu.memory_space<vmem_shared>>
        tpu.enqueue_indirect_dma source(%dma_start3A_362 : memref<40x128xf32, #tpu.memory_space<vmem>>) target(%dma_start3A_368 : memref<10000x128xf32, #tpu.memory_space<vmem_shared>>) offsets(%dma_start3A_365 : memref<40xi32, #tpu.memory_space<vmem>>) semaphore(%arg31 : memref<!tpu.dma_semaphore, #tpu.memory_space<semaphore_mem>>) {add = true}
        %add3A_369 = arith.constant 4 : i32
        %add3A_370 = arith.addi %add3A_291, %add3A_369 : i32
        %lt3A_371 = arith.constant 250 : i32
        %lt3A_372 = arith.cmpi slt, %add3A_370, %lt3A_371 : i32
        %convert_element_type3A_373 = arith.extui %lt3A_372 : i1 to i32
        %cond3A_374 = arith.constant 0 : i32
        %cond3A_375 = arith.cmpi ne, %convert_element_type3A_373, %cond3A_374 : i32
        scf.if %cond3A_375 {
          %add3A_376 = arith.constant 4 : i32
          %add3A_377 = arith.addi %add3A_291, %add3A_376 : i32
          %dma_start3A_378 = arith.constant 0 : i32
          %dma_start3A_379 = arith.constant 0 : i32
          %dma_start3A_380 = tpu.memref_slice %arg6[%dma_start3A_378, %dma_start3A_379] : memref<8x40xi32, #tpu.memory_space<vmem>> -> memref<1x40xi32, #tpu.memory_space<vmem>>
          %dma_start3A_381 = tpu.memref_squeeze %dma_start3A_380 : memref<1x40xi32, #tpu.memory_space<vmem>> -> memref<40xi32, #tpu.memory_space<vmem>>
          %dma_start3A_382 = arith.constant 0 : i32
          %dma_start3A_383 = tpu.memref_slice %arg3[%add3A, %add3A_377, %dma_start3A_382] : memref<32x250x40xi32, #tpu.memory_space<hbm>> -> memref<1x1x40xi32, #tpu.memory_space<hbm>>
          %dma_start3A_384 = tpu.memref_squeeze %dma_start3A_383 : memref<1x1x40xi32, #tpu.memory_space<hbm>> -> memref<40xi32, #tpu.memory_space<hbm>>
          %dma_start3A_385 = arith.constant 0 : i32
          %dma_start3A_386 = tpu.memref_slice %arg6[%dma_start3A_378, %dma_start3A_385] : memref<8x40xi32, #tpu.memory_space<vmem>> -> memref<1x40xi32, #tpu.memory_space<vmem>>
          %dma_start3A_387 = tpu.memref_squeeze %dma_start3A_386 : memref<1x40xi32, #tpu.memory_space<vmem>> -> memref<40xi32, #tpu.memory_space<vmem>>
          %dma_start3A_388 = arith.constant 0 : i32
          %dma_start3A_389 = tpu.memref_slice %arg3[%add3A, %add3A_377, %dma_start3A_388] : memref<32x250x40xi32, #tpu.memory_space<hbm>> -> memref<1x1x40xi32, #tpu.memory_space<hbm>>
          %dma_start3A_390 = tpu.memref_squeeze %dma_start3A_389 : memref<1x1x40xi32, #tpu.memory_space<hbm>> -> memref<40xi32, #tpu.memory_space<hbm>>
          tpu.enqueue_dma source(%dma_start3A_390 : memref<40xi32, #tpu.memory_space<hbm>>) target(%dma_start3A_387 : memref<40xi32, #tpu.memory_space<vmem>>) target_semaphore(%arg11 : memref<!tpu.dma_semaphore, #tpu.memory_space<semaphore_mem>>)
          %dma_start3A_391 = arith.constant 0 : i32
          %dma_start3A_392 = arith.constant 0 : i32
          %dma_start3A_393 = tpu.memref_slice %arg7[%dma_start3A_391, %dma_start3A_392] : memref<8x40xi32, #tpu.memory_space<vmem>> -> memref<1x40xi32, #tpu.memory_space<vmem>>
          %dma_start3A_394 = tpu.memref_squeeze %dma_start3A_393 : memref<1x40xi32, #tpu.memory_space<vmem>> -> memref<40xi32, #tpu.memory_space<vmem>>
          %dma_start3A_395 = arith.constant 0 : i32
          %dma_start3A_396 = tpu.memref_slice %arg4[%add3A, %add3A_377, %dma_start3A_395] : memref<32x250x40xi32, #tpu.memory_space<hbm>> -> memref<1x1x40xi32, #tpu.memory_space<hbm>>
          %dma_start3A_397 = tpu.memref_squeeze %dma_start3A_396 : memref<1x1x40xi32, #tpu.memory_space<hbm>> -> memref<40xi32, #tpu.memory_space<hbm>>
          %dma_start3A_398 = arith.constant 0 : i32
          %dma_start3A_399 = tpu.memref_slice %arg7[%dma_start3A_391, %dma_start3A_398] : memref<8x40xi32, #tpu.memory_space<vmem>> -> memref<1x40xi32, #tpu.memory_space<vmem>>
          %dma_start3A_400 = tpu.memref_squeeze %dma_start3A_399 : memref<1x40xi32, #tpu.memory_space<vmem>> -> memref<40xi32, #tpu.memory_space<vmem>>
          %dma_start3A_401 = arith.constant 0 : i32
          %dma_start3A_402 = tpu.memref_slice %arg4[%add3A, %add3A_377, %dma_start3A_401] : memref<32x250x40xi32, #tpu.memory_space<hbm>> -> memref<1x1x40xi32, #tpu.memory_space<hbm>>
          %dma_start3A_403 = tpu.memref_squeeze %dma_start3A_402 : memref<1x1x40xi32, #tpu.memory_space<hbm>> -> memref<40xi32, #tpu.memory_space<hbm>>
          tpu.enqueue_dma source(%dma_start3A_403 : memref<40xi32, #tpu.memory_space<hbm>>) target(%dma_start3A_400 : memref<40xi32, #tpu.memory_space<vmem>>) target_semaphore(%arg19 : memref<!tpu.dma_semaphore, #tpu.memory_space<semaphore_mem>>)
        } else {
        }
      } else {
      }
      %mul3A_297 = arith.constant 8 : i32
      %mul3A_298 = arith.muli %mul3A_297, %scan3A_250 : i32
      %add3A_299 = arith.constant 5 : i32
      %add3A_300 = arith.addi %mul3A_298, %add3A_299 : i32
      %lt3A_301 = arith.constant 250 : i32
      %lt3A_302 = arith.cmpi slt, %add3A_300, %lt3A_301 : i32
      %convert_element_type3A_303 = arith.extui %lt3A_302 : i1 to i32
      %cond3A_304 = arith.constant 0 : i32
      %cond3A_305 = arith.cmpi ne, %convert_element_type3A_303, %cond3A_304 : i32
      scf.if %cond3A_305 {
        %add3A_325 = arith.constant 2 : i32
        %add3A_326 = arith.addi %add3A_300, %add3A_325 : i32
        %lt3A_327 = arith.constant 250 : i32
        %lt3A_328 = arith.cmpi slt, %add3A_326, %lt3A_327 : i32
        %convert_element_type3A_329 = arith.extui %lt3A_328 : i1 to i32
        %cond3A_330 = arith.constant 0 : i32
        %cond3A_331 = arith.cmpi ne, %convert_element_type3A_329, %cond3A_330 : i32
        scf.if %cond3A_331 {
          %add3A_376 = arith.constant 2 : i32
          %add3A_377 = arith.addi %add3A_300, %add3A_376 : i32
          %dma_wait3A_378 = arith.constant 7 : i32
          %dma_wait3A_379 = arith.constant 0 : i32
          %dma_wait3A_380 = tpu.memref_slice %arg6[%dma_wait3A_378, %dma_wait3A_379] : memref<8x40xi32, #tpu.memory_space<vmem>> -> memref<1x40xi32, #tpu.memory_space<vmem>>
          %dma_wait3A_381 = tpu.memref_squeeze %dma_wait3A_380 : memref<1x40xi32, #tpu.memory_space<vmem>> -> memref<40xi32, #tpu.memory_space<vmem>>
          %dma_wait3A_382 = arith.constant 0 : i32
          %dma_wait3A_383 = tpu.memref_slice %arg3[%add3A, %add3A_377, %dma_wait3A_382] : memref<32x250x40xi32, #tpu.memory_space<hbm>> -> memref<1x1x40xi32, #tpu.memory_space<hbm>>
          %dma_wait3A_384 = tpu.memref_squeeze %dma_wait3A_383 : memref<1x1x40xi32, #tpu.memory_space<hbm>> -> memref<40xi32, #tpu.memory_space<hbm>>
          %dma_wait3A_385 = arith.constant 0 : i32
          %dma_wait3A_386 = tpu.memref_slice %arg6[%dma_wait3A_378, %dma_wait3A_385] : memref<8x40xi32, #tpu.memory_space<vmem>> -> memref<1x40xi32, #tpu.memory_space<vmem>>
          %dma_wait3A_387 = tpu.memref_squeeze %dma_wait3A_386 : memref<1x40xi32, #tpu.memory_space<vmem>> -> memref<40xi32, #tpu.memory_space<vmem>>
          %dma_wait3A_388 = arith.constant 0 : i32
          %dma_wait3A_389 = tpu.memref_slice %arg3[%add3A, %add3A_377, %dma_wait3A_388] : memref<32x250x40xi32, #tpu.memory_space<hbm>> -> memref<1x1x40xi32, #tpu.memory_space<hbm>>
          %dma_wait3A_390 = tpu.memref_squeeze %dma_wait3A_389 : memref<1x1x40xi32, #tpu.memory_space<hbm>> -> memref<40xi32, #tpu.memory_space<hbm>>
          tpu.wait_dma2 semaphore(%arg18 : memref<!tpu.dma_semaphore, #tpu.memory_space<semaphore_mem>>) src(%dma_wait3A_390 : memref<40xi32, #tpu.memory_space<hbm>>) dst(%dma_wait3A_387 : memref<40xi32, #tpu.memory_space<vmem>>)
          %ge3A = arith.constant 2 : i32
          %ge3A_391 = arith.cmpi sge, %add3A_300, %ge3A : i32
          %convert_element_type3A_392 = arith.extui %ge3A_391 : i1 to i32
          %cond3A_393 = arith.constant 0 : i32
          %cond3A_394 = arith.cmpi ne, %convert_element_type3A_392, %cond3A_393 : i32
          scf.if %cond3A_394 {
            %dma_wait3A_407 = arith.constant 3 : i32
            %dma_wait3A_408 = arith.constant 3 : i32
            %dma_wait3A_409 = arith.constant 0 : i32
            %dma_wait3A_410 = arith.constant 0 : i32
            %dma_wait3A_411 = tpu.memref_slice %arg8[%dma_wait3A_407, %dma_wait3A_409, %dma_wait3A_410] : memref<4x40x128xf32, #tpu.memory_space<vmem>> -> memref<1x40x128xf32, #tpu.memory_space<vmem>>
            %dma_wait3A_412 = tpu.memref_squeeze %dma_wait3A_411 : memref<1x40x128xf32, #tpu.memory_space<vmem>> -> memref<40x128xf32, #tpu.memory_space<vmem>>
            %dma_wait3A_413 = arith.constant 0 : i32
            %dma_wait3A_414 = tpu.memref_slice %arg7[%dma_wait3A_408, %dma_wait3A_413] : memref<8x40xi32, #tpu.memory_space<vmem>> -> memref<1x40xi32, #tpu.memory_space<vmem>>
            %dma_wait3A_415 = tpu.memref_squeeze %dma_wait3A_414 : memref<1x40xi32, #tpu.memory_space<vmem>> -> memref<40xi32, #tpu.memory_space<vmem>>
            %dma_wait3A_416 = arith.constant 0 : i32
            %dma_wait3A_417 = arith.constant 0 : i32
            %dma_wait3A_418 = tpu.memref_slice %arg10[%dma_wait3A_416, %dma_wait3A_417] : memref<10000x128xf32, #tpu.memory_space<vmem_shared>> -> memref<10000x128xf32, #tpu.memory_space<vmem_shared>>
            tpu.wait_indirect_dma semaphore(%arg34 : memref<!tpu.dma_semaphore, #tpu.memory_space<semaphore_mem>>) src(%dma_wait3A_412 : memref<40x128xf32, #tpu.memory_space<vmem>>) dst(%dma_wait3A_418 : memref<10000x128xf32, #tpu.memory_space<vmem_shared>>)
          } else {
          }
          %dma_start3A_395 = arith.constant 7 : i32
          %dma_start3A_396 = arith.constant 3 : i32
          %dma_start3A_397 = arith.constant 0 : i32
          %dma_start3A_398 = arith.constant 0 : i32
          %dma_start3A_399 = tpu.memref_slice %arg8[%dma_start3A_396, %dma_start3A_397, %dma_start3A_398] : memref<4x40x128xf32, #tpu.memory_space<vmem>> -> memref<1x40x128xf32, #tpu.memory_space<vmem>>
          %dma_start3A_400 = tpu.memref_squeeze %dma_start3A_399 : memref<1x40x128xf32, #tpu.memory_space<vmem>> -> memref<40x128xf32, #tpu.memory_space<vmem>>
          %dma_start3A_401 = arith.constant 0 : i32
          %dma_start3A_402 = tpu.memref_slice %arg6[%dma_start3A_395, %dma_start3A_401] : memref<8x40xi32, #tpu.memory_space<vmem>> -> memref<1x40xi32, #tpu.memory_space<vmem>>
          %dma_start3A_403 = tpu.memref_squeeze %dma_start3A_402 : memref<1x40xi32, #tpu.memory_space<vmem>> -> memref<40xi32, #tpu.memory_space<vmem>>
          %dma_start3A_404 = arith.constant 0 : i32
          %dma_start3A_405 = arith.constant 0 : i32
          %dma_start3A_406 = tpu.memref_slice %arg2[%dma_start3A_404, %dma_start3A_405] : memref<10000x128xf32, #tpu.memory_space<hbm>> -> memref<10000x128xf32, #tpu.memory_space<hbm>>
          tpu.enqueue_indirect_dma source(%dma_start3A_406 : memref<10000x128xf32, #tpu.memory_space<hbm>>) target(%dma_start3A_400 : memref<40x128xf32, #tpu.memory_space<vmem>>) offsets(%dma_start3A_403 : memref<40xi32, #tpu.memory_space<vmem>>) semaphore(%arg30 : memref<!tpu.dma_semaphore, #tpu.memory_space<semaphore_mem>>)
        } else {
        }
        %dma_wait3A_332 = arith.constant 5 : i32
        %dma_wait3A_333 = arith.constant 1 : i32
        %dma_wait3A_334 = arith.constant 0 : i32
        %dma_wait3A_335 = arith.constant 0 : i32
        %dma_wait3A_336 = tpu.memref_slice %arg8[%dma_wait3A_333, %dma_wait3A_334, %dma_wait3A_335] : memref<4x40x128xf32, #tpu.memory_space<vmem>> -> memref<1x40x128xf32, #tpu.memory_space<vmem>>
        %dma_wait3A_337 = tpu.memref_squeeze %dma_wait3A_336 : memref<1x40x128xf32, #tpu.memory_space<vmem>> -> memref<40x128xf32, #tpu.memory_space<vmem>>
        %dma_wait3A_338 = arith.constant 0 : i32
        %dma_wait3A_339 = tpu.memref_slice %arg6[%dma_wait3A_332, %dma_wait3A_338] : memref<8x40xi32, #tpu.memory_space<vmem>> -> memref<1x40xi32, #tpu.memory_space<vmem>>
        %dma_wait3A_340 = tpu.memref_squeeze %dma_wait3A_339 : memref<1x40xi32, #tpu.memory_space<vmem>> -> memref<40xi32, #tpu.memory_space<vmem>>
        %dma_wait3A_341 = arith.constant 0 : i32
        %dma_wait3A_342 = arith.constant 0 : i32
        %dma_wait3A_343 = tpu.memref_slice %arg2[%dma_wait3A_341, %dma_wait3A_342] : memref<10000x128xf32, #tpu.memory_space<hbm>> -> memref<10000x128xf32, #tpu.memory_space<hbm>>
        tpu.wait_indirect_dma semaphore(%arg28 : memref<!tpu.dma_semaphore, #tpu.memory_space<semaphore_mem>>) src(%dma_wait3A_343 : memref<10000x128xf32, #tpu.memory_space<hbm>>) dst(%dma_wait3A_337 : memref<40x128xf32, #tpu.memory_space<vmem>>)
        %dma_wait3A_344 = arith.constant 5 : i32
        %dma_wait3A_345 = arith.constant 0 : i32
        %dma_wait3A_346 = tpu.memref_slice %arg7[%dma_wait3A_344, %dma_wait3A_345] : memref<8x40xi32, #tpu.memory_space<vmem>> -> memref<1x40xi32, #tpu.memory_space<vmem>>
        %dma_wait3A_347 = tpu.memref_squeeze %dma_wait3A_346 : memref<1x40xi32, #tpu.memory_space<vmem>> -> memref<40xi32, #tpu.memory_space<vmem>>
        %dma_wait3A_348 = arith.constant 0 : i32
        %dma_wait3A_349 = tpu.memref_slice %arg4[%add3A, %add3A_300, %dma_wait3A_348] : memref<32x250x40xi32, #tpu.memory_space<hbm>> -> memref<1x1x40xi32, #tpu.memory_space<hbm>>
        %dma_wait3A_350 = tpu.memref_squeeze %dma_wait3A_349 : memref<1x1x40xi32, #tpu.memory_space<hbm>> -> memref<40xi32, #tpu.memory_space<hbm>>
        %dma_wait3A_351 = arith.constant 0 : i32
        %dma_wait3A_352 = tpu.memref_slice %arg7[%dma_wait3A_344, %dma_wait3A_351] : memref<8x40xi32, #tpu.memory_space<vmem>> -> memref<1x40xi32, #tpu.memory_space<vmem>>
        %dma_wait3A_353 = tpu.memref_squeeze %dma_wait3A_352 : memref<1x40xi32, #tpu.memory_space<vmem>> -> memref<40xi32, #tpu.memory_space<vmem>>
        %dma_wait3A_354 = arith.constant 0 : i32
        %dma_wait3A_355 = tpu.memref_slice %arg4[%add3A, %add3A_300, %dma_wait3A_354] : memref<32x250x40xi32, #tpu.memory_space<hbm>> -> memref<1x1x40xi32, #tpu.memory_space<hbm>>
        %dma_wait3A_356 = tpu.memref_squeeze %dma_wait3A_355 : memref<1x1x40xi32, #tpu.memory_space<hbm>> -> memref<40xi32, #tpu.memory_space<hbm>>
        tpu.wait_dma2 semaphore(%arg24 : memref<!tpu.dma_semaphore, #tpu.memory_space<semaphore_mem>>) src(%dma_wait3A_356 : memref<40xi32, #tpu.memory_space<hbm>>) dst(%dma_wait3A_353 : memref<40xi32, #tpu.memory_space<vmem>>)
        %dma_start3A_357 = arith.constant 1 : i32
        %dma_start3A_358 = arith.constant 5 : i32
        %dma_start3A_359 = arith.constant 0 : i32
        %dma_start3A_360 = arith.constant 0 : i32
        %dma_start3A_361 = tpu.memref_slice %arg8[%dma_start3A_357, %dma_start3A_359, %dma_start3A_360] : memref<4x40x128xf32, #tpu.memory_space<vmem>> -> memref<1x40x128xf32, #tpu.memory_space<vmem>>
        %dma_start3A_362 = tpu.memref_squeeze %dma_start3A_361 : memref<1x40x128xf32, #tpu.memory_space<vmem>> -> memref<40x128xf32, #tpu.memory_space<vmem>>
        %dma_start3A_363 = arith.constant 0 : i32
        %dma_start3A_364 = tpu.memref_slice %arg7[%dma_start3A_358, %dma_start3A_363] : memref<8x40xi32, #tpu.memory_space<vmem>> -> memref<1x40xi32, #tpu.memory_space<vmem>>
        %dma_start3A_365 = tpu.memref_squeeze %dma_start3A_364 : memref<1x40xi32, #tpu.memory_space<vmem>> -> memref<40xi32, #tpu.memory_space<vmem>>
        %dma_start3A_366 = arith.constant 0 : i32
        %dma_start3A_367 = arith.constant 0 : i32
        %dma_start3A_368 = tpu.memref_slice %arg10[%dma_start3A_366, %dma_start3A_367] : memref<10000x128xf32, #tpu.memory_space<vmem_shared>> -> memref<10000x128xf32, #tpu.memory_space<vmem_shared>>
        tpu.enqueue_indirect_dma source(%dma_start3A_362 : memref<40x128xf32, #tpu.memory_space<vmem>>) target(%dma_start3A_368 : memref<10000x128xf32, #tpu.memory_space<vmem_shared>>) offsets(%dma_start3A_365 : memref<40xi32, #tpu.memory_space<vmem>>) semaphore(%arg32 : memref<!tpu.dma_semaphore, #tpu.memory_space<semaphore_mem>>) {add = true}
        %add3A_369 = arith.constant 4 : i32
        %add3A_370 = arith.addi %add3A_300, %add3A_369 : i32
        %lt3A_371 = arith.constant 250 : i32
        %lt3A_372 = arith.cmpi slt, %add3A_370, %lt3A_371 : i32
        %convert_element_type3A_373 = arith.extui %lt3A_372 : i1 to i32
        %cond3A_374 = arith.constant 0 : i32
        %cond3A_375 = arith.cmpi ne, %convert_element_type3A_373, %cond3A_374 : i32
        scf.if %cond3A_375 {
          %add3A_376 = arith.constant 4 : i32
          %add3A_377 = arith.addi %add3A_300, %add3A_376 : i32
          %dma_start3A_378 = arith.constant 1 : i32
          %dma_start3A_379 = arith.constant 0 : i32
          %dma_start3A_380 = tpu.memref_slice %arg6[%dma_start3A_378, %dma_start3A_379] : memref<8x40xi32, #tpu.memory_space<vmem>> -> memref<1x40xi32, #tpu.memory_space<vmem>>
          %dma_start3A_381 = tpu.memref_squeeze %dma_start3A_380 : memref<1x40xi32, #tpu.memory_space<vmem>> -> memref<40xi32, #tpu.memory_space<vmem>>
          %dma_start3A_382 = arith.constant 0 : i32
          %dma_start3A_383 = tpu.memref_slice %arg3[%add3A, %add3A_377, %dma_start3A_382] : memref<32x250x40xi32, #tpu.memory_space<hbm>> -> memref<1x1x40xi32, #tpu.memory_space<hbm>>
          %dma_start3A_384 = tpu.memref_squeeze %dma_start3A_383 : memref<1x1x40xi32, #tpu.memory_space<hbm>> -> memref<40xi32, #tpu.memory_space<hbm>>
          %dma_start3A_385 = arith.constant 0 : i32
          %dma_start3A_386 = tpu.memref_slice %arg6[%dma_start3A_378, %dma_start3A_385] : memref<8x40xi32, #tpu.memory_space<vmem>> -> memref<1x40xi32, #tpu.memory_space<vmem>>
          %dma_start3A_387 = tpu.memref_squeeze %dma_start3A_386 : memref<1x40xi32, #tpu.memory_space<vmem>> -> memref<40xi32, #tpu.memory_space<vmem>>
          %dma_start3A_388 = arith.constant 0 : i32
          %dma_start3A_389 = tpu.memref_slice %arg3[%add3A, %add3A_377, %dma_start3A_388] : memref<32x250x40xi32, #tpu.memory_space<hbm>> -> memref<1x1x40xi32, #tpu.memory_space<hbm>>
          %dma_start3A_390 = tpu.memref_squeeze %dma_start3A_389 : memref<1x1x40xi32, #tpu.memory_space<hbm>> -> memref<40xi32, #tpu.memory_space<hbm>>
          tpu.enqueue_dma source(%dma_start3A_390 : memref<40xi32, #tpu.memory_space<hbm>>) target(%dma_start3A_387 : memref<40xi32, #tpu.memory_space<vmem>>) target_semaphore(%arg12 : memref<!tpu.dma_semaphore, #tpu.memory_space<semaphore_mem>>)
          %dma_start3A_391 = arith.constant 1 : i32
          %dma_start3A_392 = arith.constant 0 : i32
          %dma_start3A_393 = tpu.memref_slice %arg7[%dma_start3A_391, %dma_start3A_392] : memref<8x40xi32, #tpu.memory_space<vmem>> -> memref<1x40xi32, #tpu.memory_space<vmem>>
          %dma_start3A_394 = tpu.memref_squeeze %dma_start3A_393 : memref<1x40xi32, #tpu.memory_space<vmem>> -> memref<40xi32, #tpu.memory_space<vmem>>
          %dma_start3A_395 = arith.constant 0 : i32
          %dma_start3A_396 = tpu.memref_slice %arg4[%add3A, %add3A_377, %dma_start3A_395] : memref<32x250x40xi32, #tpu.memory_space<hbm>> -> memref<1x1x40xi32, #tpu.memory_space<hbm>>
          %dma_start3A_397 = tpu.memref_squeeze %dma_start3A_396 : memref<1x1x40xi32, #tpu.memory_space<hbm>> -> memref<40xi32, #tpu.memory_space<hbm>>
          %dma_start3A_398 = arith.constant 0 : i32
          %dma_start3A_399 = tpu.memref_slice %arg7[%dma_start3A_391, %dma_start3A_398] : memref<8x40xi32, #tpu.memory_space<vmem>> -> memref<1x40xi32, #tpu.memory_space<vmem>>
          %dma_start3A_400 = tpu.memref_squeeze %dma_start3A_399 : memref<1x40xi32, #tpu.memory_space<vmem>> -> memref<40xi32, #tpu.memory_space<vmem>>
          %dma_start3A_401 = arith.constant 0 : i32
          %dma_start3A_402 = tpu.memref_slice %arg4[%add3A, %add3A_377, %dma_start3A_401] : memref<32x250x40xi32, #tpu.memory_space<hbm>> -> memref<1x1x40xi32, #tpu.memory_space<hbm>>
          %dma_start3A_403 = tpu.memref_squeeze %dma_start3A_402 : memref<1x1x40xi32, #tpu.memory_space<hbm>> -> memref<40xi32, #tpu.memory_space<hbm>>
          tpu.enqueue_dma source(%dma_start3A_403 : memref<40xi32, #tpu.memory_space<hbm>>) target(%dma_start3A_400 : memref<40xi32, #tpu.memory_space<vmem>>) target_semaphore(%arg20 : memref<!tpu.dma_semaphore, #tpu.memory_space<semaphore_mem>>)
        } else {
        }
      } else {
      }
      %mul3A_306 = arith.constant 8 : i32
      %mul3A_307 = arith.muli %mul3A_306, %scan3A_250 : i32
      %add3A_308 = arith.constant 6 : i32
      %add3A_309 = arith.addi %mul3A_307, %add3A_308 : i32
      %lt3A_310 = arith.constant 250 : i32
      %lt3A_311 = arith.cmpi slt, %add3A_309, %lt3A_310 : i32
      %convert_element_type3A_312 = arith.extui %lt3A_311 : i1 to i32
      %cond3A_313 = arith.constant 0 : i32
      %cond3A_314 = arith.cmpi ne, %convert_element_type3A_312, %cond3A_313 : i32
      scf.if %cond3A_314 {
        %add3A_325 = arith.constant 2 : i32
        %add3A_326 = arith.addi %add3A_309, %add3A_325 : i32
        %lt3A_327 = arith.constant 250 : i32
        %lt3A_328 = arith.cmpi slt, %add3A_326, %lt3A_327 : i32
        %convert_element_type3A_329 = arith.extui %lt3A_328 : i1 to i32
        %cond3A_330 = arith.constant 0 : i32
        %cond3A_331 = arith.cmpi ne, %convert_element_type3A_329, %cond3A_330 : i32
        scf.if %cond3A_331 {
          %add3A_376 = arith.constant 2 : i32
          %add3A_377 = arith.addi %add3A_309, %add3A_376 : i32
          %dma_wait3A_378 = arith.constant 0 : i32
          %dma_wait3A_379 = arith.constant 0 : i32
          %dma_wait3A_380 = tpu.memref_slice %arg6[%dma_wait3A_378, %dma_wait3A_379] : memref<8x40xi32, #tpu.memory_space<vmem>> -> memref<1x40xi32, #tpu.memory_space<vmem>>
          %dma_wait3A_381 = tpu.memref_squeeze %dma_wait3A_380 : memref<1x40xi32, #tpu.memory_space<vmem>> -> memref<40xi32, #tpu.memory_space<vmem>>
          %dma_wait3A_382 = arith.constant 0 : i32
          %dma_wait3A_383 = tpu.memref_slice %arg3[%add3A, %add3A_377, %dma_wait3A_382] : memref<32x250x40xi32, #tpu.memory_space<hbm>> -> memref<1x1x40xi32, #tpu.memory_space<hbm>>
          %dma_wait3A_384 = tpu.memref_squeeze %dma_wait3A_383 : memref<1x1x40xi32, #tpu.memory_space<hbm>> -> memref<40xi32, #tpu.memory_space<hbm>>
          %dma_wait3A_385 = arith.constant 0 : i32
          %dma_wait3A_386 = tpu.memref_slice %arg6[%dma_wait3A_378, %dma_wait3A_385] : memref<8x40xi32, #tpu.memory_space<vmem>> -> memref<1x40xi32, #tpu.memory_space<vmem>>
          %dma_wait3A_387 = tpu.memref_squeeze %dma_wait3A_386 : memref<1x40xi32, #tpu.memory_space<vmem>> -> memref<40xi32, #tpu.memory_space<vmem>>
          %dma_wait3A_388 = arith.constant 0 : i32
          %dma_wait3A_389 = tpu.memref_slice %arg3[%add3A, %add3A_377, %dma_wait3A_388] : memref<32x250x40xi32, #tpu.memory_space<hbm>> -> memref<1x1x40xi32, #tpu.memory_space<hbm>>
          %dma_wait3A_390 = tpu.memref_squeeze %dma_wait3A_389 : memref<1x1x40xi32, #tpu.memory_space<hbm>> -> memref<40xi32, #tpu.memory_space<hbm>>
          tpu.wait_dma2 semaphore(%arg11 : memref<!tpu.dma_semaphore, #tpu.memory_space<semaphore_mem>>) src(%dma_wait3A_390 : memref<40xi32, #tpu.memory_space<hbm>>) dst(%dma_wait3A_387 : memref<40xi32, #tpu.memory_space<vmem>>)
          %ge3A = arith.constant 2 : i32
          %ge3A_391 = arith.cmpi sge, %add3A_309, %ge3A : i32
          %convert_element_type3A_392 = arith.extui %ge3A_391 : i1 to i32
          %cond3A_393 = arith.constant 0 : i32
          %cond3A_394 = arith.cmpi ne, %convert_element_type3A_392, %cond3A_393 : i32
          scf.if %cond3A_394 {
            %dma_wait3A_407 = arith.constant 0 : i32
            %dma_wait3A_408 = arith.constant 4 : i32
            %dma_wait3A_409 = arith.constant 0 : i32
            %dma_wait3A_410 = arith.constant 0 : i32
            %dma_wait3A_411 = tpu.memref_slice %arg8[%dma_wait3A_407, %dma_wait3A_409, %dma_wait3A_410] : memref<4x40x128xf32, #tpu.memory_space<vmem>> -> memref<1x40x128xf32, #tpu.memory_space<vmem>>
            %dma_wait3A_412 = tpu.memref_squeeze %dma_wait3A_411 : memref<1x40x128xf32, #tpu.memory_space<vmem>> -> memref<40x128xf32, #tpu.memory_space<vmem>>
            %dma_wait3A_413 = arith.constant 0 : i32
            %dma_wait3A_414 = tpu.memref_slice %arg7[%dma_wait3A_408, %dma_wait3A_413] : memref<8x40xi32, #tpu.memory_space<vmem>> -> memref<1x40xi32, #tpu.memory_space<vmem>>
            %dma_wait3A_415 = tpu.memref_squeeze %dma_wait3A_414 : memref<1x40xi32, #tpu.memory_space<vmem>> -> memref<40xi32, #tpu.memory_space<vmem>>
            %dma_wait3A_416 = arith.constant 0 : i32
            %dma_wait3A_417 = arith.constant 0 : i32
            %dma_wait3A_418 = tpu.memref_slice %arg10[%dma_wait3A_416, %dma_wait3A_417] : memref<10000x128xf32, #tpu.memory_space<vmem_shared>> -> memref<10000x128xf32, #tpu.memory_space<vmem_shared>>
            tpu.wait_indirect_dma semaphore(%arg31 : memref<!tpu.dma_semaphore, #tpu.memory_space<semaphore_mem>>) src(%dma_wait3A_412 : memref<40x128xf32, #tpu.memory_space<vmem>>) dst(%dma_wait3A_418 : memref<10000x128xf32, #tpu.memory_space<vmem_shared>>)
          } else {
          }
          %dma_start3A_395 = arith.constant 0 : i32
          %dma_start3A_396 = arith.constant 0 : i32
          %dma_start3A_397 = arith.constant 0 : i32
          %dma_start3A_398 = arith.constant 0 : i32
          %dma_start3A_399 = tpu.memref_slice %arg8[%dma_start3A_396, %dma_start3A_397, %dma_start3A_398] : memref<4x40x128xf32, #tpu.memory_space<vmem>> -> memref<1x40x128xf32, #tpu.memory_space<vmem>>
          %dma_start3A_400 = tpu.memref_squeeze %dma_start3A_399 : memref<1x40x128xf32, #tpu.memory_space<vmem>> -> memref<40x128xf32, #tpu.memory_space<vmem>>
          %dma_start3A_401 = arith.constant 0 : i32
          %dma_start3A_402 = tpu.memref_slice %arg6[%dma_start3A_395, %dma_start3A_401] : memref<8x40xi32, #tpu.memory_space<vmem>> -> memref<1x40xi32, #tpu.memory_space<vmem>>
          %dma_start3A_403 = tpu.memref_squeeze %dma_start3A_402 : memref<1x40xi32, #tpu.memory_space<vmem>> -> memref<40xi32, #tpu.memory_space<vmem>>
          %dma_start3A_404 = arith.constant 0 : i32
          %dma_start3A_405 = arith.constant 0 : i32
          %dma_start3A_406 = tpu.memref_slice %arg2[%dma_start3A_404, %dma_start3A_405] : memref<10000x128xf32, #tpu.memory_space<hbm>> -> memref<10000x128xf32, #tpu.memory_space<hbm>>
          tpu.enqueue_indirect_dma source(%dma_start3A_406 : memref<10000x128xf32, #tpu.memory_space<hbm>>) target(%dma_start3A_400 : memref<40x128xf32, #tpu.memory_space<vmem>>) offsets(%dma_start3A_403 : memref<40xi32, #tpu.memory_space<vmem>>) semaphore(%arg27 : memref<!tpu.dma_semaphore, #tpu.memory_space<semaphore_mem>>)
        } else {
        }
        %dma_wait3A_332 = arith.constant 6 : i32
        %dma_wait3A_333 = arith.constant 2 : i32
        %dma_wait3A_334 = arith.constant 0 : i32
        %dma_wait3A_335 = arith.constant 0 : i32
        %dma_wait3A_336 = tpu.memref_slice %arg8[%dma_wait3A_333, %dma_wait3A_334, %dma_wait3A_335] : memref<4x40x128xf32, #tpu.memory_space<vmem>> -> memref<1x40x128xf32, #tpu.memory_space<vmem>>
        %dma_wait3A_337 = tpu.memref_squeeze %dma_wait3A_336 : memref<1x40x128xf32, #tpu.memory_space<vmem>> -> memref<40x128xf32, #tpu.memory_space<vmem>>
        %dma_wait3A_338 = arith.constant 0 : i32
        %dma_wait3A_339 = tpu.memref_slice %arg6[%dma_wait3A_332, %dma_wait3A_338] : memref<8x40xi32, #tpu.memory_space<vmem>> -> memref<1x40xi32, #tpu.memory_space<vmem>>
        %dma_wait3A_340 = tpu.memref_squeeze %dma_wait3A_339 : memref<1x40xi32, #tpu.memory_space<vmem>> -> memref<40xi32, #tpu.memory_space<vmem>>
        %dma_wait3A_341 = arith.constant 0 : i32
        %dma_wait3A_342 = arith.constant 0 : i32
        %dma_wait3A_343 = tpu.memref_slice %arg2[%dma_wait3A_341, %dma_wait3A_342] : memref<10000x128xf32, #tpu.memory_space<hbm>> -> memref<10000x128xf32, #tpu.memory_space<hbm>>
        tpu.wait_indirect_dma semaphore(%arg29 : memref<!tpu.dma_semaphore, #tpu.memory_space<semaphore_mem>>) src(%dma_wait3A_343 : memref<10000x128xf32, #tpu.memory_space<hbm>>) dst(%dma_wait3A_337 : memref<40x128xf32, #tpu.memory_space<vmem>>)
        %dma_wait3A_344 = arith.constant 6 : i32
        %dma_wait3A_345 = arith.constant 0 : i32
        %dma_wait3A_346 = tpu.memref_slice %arg7[%dma_wait3A_344, %dma_wait3A_345] : memref<8x40xi32, #tpu.memory_space<vmem>> -> memref<1x40xi32, #tpu.memory_space<vmem>>
        %dma_wait3A_347 = tpu.memref_squeeze %dma_wait3A_346 : memref<1x40xi32, #tpu.memory_space<vmem>> -> memref<40xi32, #tpu.memory_space<vmem>>
        %dma_wait3A_348 = arith.constant 0 : i32
        %dma_wait3A_349 = tpu.memref_slice %arg4[%add3A, %add3A_309, %dma_wait3A_348] : memref<32x250x40xi32, #tpu.memory_space<hbm>> -> memref<1x1x40xi32, #tpu.memory_space<hbm>>
        %dma_wait3A_350 = tpu.memref_squeeze %dma_wait3A_349 : memref<1x1x40xi32, #tpu.memory_space<hbm>> -> memref<40xi32, #tpu.memory_space<hbm>>
        %dma_wait3A_351 = arith.constant 0 : i32
        %dma_wait3A_352 = tpu.memref_slice %arg7[%dma_wait3A_344, %dma_wait3A_351] : memref<8x40xi32, #tpu.memory_space<vmem>> -> memref<1x40xi32, #tpu.memory_space<vmem>>
        %dma_wait3A_353 = tpu.memref_squeeze %dma_wait3A_352 : memref<1x40xi32, #tpu.memory_space<vmem>> -> memref<40xi32, #tpu.memory_space<vmem>>
        %dma_wait3A_354 = arith.constant 0 : i32
        %dma_wait3A_355 = tpu.memref_slice %arg4[%add3A, %add3A_309, %dma_wait3A_354] : memref<32x250x40xi32, #tpu.memory_space<hbm>> -> memref<1x1x40xi32, #tpu.memory_space<hbm>>
        %dma_wait3A_356 = tpu.memref_squeeze %dma_wait3A_355 : memref<1x1x40xi32, #tpu.memory_space<hbm>> -> memref<40xi32, #tpu.memory_space<hbm>>
        tpu.wait_dma2 semaphore(%arg25 : memref<!tpu.dma_semaphore, #tpu.memory_space<semaphore_mem>>) src(%dma_wait3A_356 : memref<40xi32, #tpu.memory_space<hbm>>) dst(%dma_wait3A_353 : memref<40xi32, #tpu.memory_space<vmem>>)
        %dma_start3A_357 = arith.constant 2 : i32
        %dma_start3A_358 = arith.constant 6 : i32
        %dma_start3A_359 = arith.constant 0 : i32
        %dma_start3A_360 = arith.constant 0 : i32
        %dma_start3A_361 = tpu.memref_slice %arg8[%dma_start3A_357, %dma_start3A_359, %dma_start3A_360] : memref<4x40x128xf32, #tpu.memory_space<vmem>> -> memref<1x40x128xf32, #tpu.memory_space<vmem>>
        %dma_start3A_362 = tpu.memref_squeeze %dma_start3A_361 : memref<1x40x128xf32, #tpu.memory_space<vmem>> -> memref<40x128xf32, #tpu.memory_space<vmem>>
        %dma_start3A_363 = arith.constant 0 : i32
        %dma_start3A_364 = tpu.memref_slice %arg7[%dma_start3A_358, %dma_start3A_363] : memref<8x40xi32, #tpu.memory_space<vmem>> -> memref<1x40xi32, #tpu.memory_space<vmem>>
        %dma_start3A_365 = tpu.memref_squeeze %dma_start3A_364 : memref<1x40xi32, #tpu.memory_space<vmem>> -> memref<40xi32, #tpu.memory_space<vmem>>
        %dma_start3A_366 = arith.constant 0 : i32
        %dma_start3A_367 = arith.constant 0 : i32
        %dma_start3A_368 = tpu.memref_slice %arg10[%dma_start3A_366, %dma_start3A_367] : memref<10000x128xf32, #tpu.memory_space<vmem_shared>> -> memref<10000x128xf32, #tpu.memory_space<vmem_shared>>
        tpu.enqueue_indirect_dma source(%dma_start3A_362 : memref<40x128xf32, #tpu.memory_space<vmem>>) target(%dma_start3A_368 : memref<10000x128xf32, #tpu.memory_space<vmem_shared>>) offsets(%dma_start3A_365 : memref<40xi32, #tpu.memory_space<vmem>>) semaphore(%arg33 : memref<!tpu.dma_semaphore, #tpu.memory_space<semaphore_mem>>) {add = true}
        %add3A_369 = arith.constant 4 : i32
        %add3A_370 = arith.addi %add3A_309, %add3A_369 : i32
        %lt3A_371 = arith.constant 250 : i32
        %lt3A_372 = arith.cmpi slt, %add3A_370, %lt3A_371 : i32
        %convert_element_type3A_373 = arith.extui %lt3A_372 : i1 to i32
        %cond3A_374 = arith.constant 0 : i32
        %cond3A_375 = arith.cmpi ne, %convert_element_type3A_373, %cond3A_374 : i32
        scf.if %cond3A_375 {
          %add3A_376 = arith.constant 4 : i32
          %add3A_377 = arith.addi %add3A_309, %add3A_376 : i32
          %dma_start3A_378 = arith.constant 2 : i32
          %dma_start3A_379 = arith.constant 0 : i32
          %dma_start3A_380 = tpu.memref_slice %arg6[%dma_start3A_378, %dma_start3A_379] : memref<8x40xi32, #tpu.memory_space<vmem>> -> memref<1x40xi32, #tpu.memory_space<vmem>>
          %dma_start3A_381 = tpu.memref_squeeze %dma_start3A_380 : memref<1x40xi32, #tpu.memory_space<vmem>> -> memref<40xi32, #tpu.memory_space<vmem>>
          %dma_start3A_382 = arith.constant 0 : i32
          %dma_start3A_383 = tpu.memref_slice %arg3[%add3A, %add3A_377, %dma_start3A_382] : memref<32x250x40xi32, #tpu.memory_space<hbm>> -> memref<1x1x40xi32, #tpu.memory_space<hbm>>
          %dma_start3A_384 = tpu.memref_squeeze %dma_start3A_383 : memref<1x1x40xi32, #tpu.memory_space<hbm>> -> memref<40xi32, #tpu.memory_space<hbm>>
          %dma_start3A_385 = arith.constant 0 : i32
          %dma_start3A_386 = tpu.memref_slice %arg6[%dma_start3A_378, %dma_start3A_385] : memref<8x40xi32, #tpu.memory_space<vmem>> -> memref<1x40xi32, #tpu.memory_space<vmem>>
          %dma_start3A_387 = tpu.memref_squeeze %dma_start3A_386 : memref<1x40xi32, #tpu.memory_space<vmem>> -> memref<40xi32, #tpu.memory_space<vmem>>
          %dma_start3A_388 = arith.constant 0 : i32
          %dma_start3A_389 = tpu.memref_slice %arg3[%add3A, %add3A_377, %dma_start3A_388] : memref<32x250x40xi32, #tpu.memory_space<hbm>> -> memref<1x1x40xi32, #tpu.memory_space<hbm>>
          %dma_start3A_390 = tpu.memref_squeeze %dma_start3A_389 : memref<1x1x40xi32, #tpu.memory_space<hbm>> -> memref<40xi32, #tpu.memory_space<hbm>>
          tpu.enqueue_dma source(%dma_start3A_390 : memref<40xi32, #tpu.memory_space<hbm>>) target(%dma_start3A_387 : memref<40xi32, #tpu.memory_space<vmem>>) target_semaphore(%arg13 : memref<!tpu.dma_semaphore, #tpu.memory_space<semaphore_mem>>)
          %dma_start3A_391 = arith.constant 2 : i32
          %dma_start3A_392 = arith.constant 0 : i32
          %dma_start3A_393 = tpu.memref_slice %arg7[%dma_start3A_391, %dma_start3A_392] : memref<8x40xi32, #tpu.memory_space<vmem>> -> memref<1x40xi32, #tpu.memory_space<vmem>>
          %dma_start3A_394 = tpu.memref_squeeze %dma_start3A_393 : memref<1x40xi32, #tpu.memory_space<vmem>> -> memref<40xi32, #tpu.memory_space<vmem>>
          %dma_start3A_395 = arith.constant 0 : i32
          %dma_start3A_396 = tpu.memref_slice %arg4[%add3A, %add3A_377, %dma_start3A_395] : memref<32x250x40xi32, #tpu.memory_space<hbm>> -> memref<1x1x40xi32, #tpu.memory_space<hbm>>
          %dma_start3A_397 = tpu.memref_squeeze %dma_start3A_396 : memref<1x1x40xi32, #tpu.memory_space<hbm>> -> memref<40xi32, #tpu.memory_space<hbm>>
          %dma_start3A_398 = arith.constant 0 : i32
          %dma_start3A_399 = tpu.memref_slice %arg7[%dma_start3A_391, %dma_start3A_398] : memref<8x40xi32, #tpu.memory_space<vmem>> -> memref<1x40xi32, #tpu.memory_space<vmem>>
          %dma_start3A_400 = tpu.memref_squeeze %dma_start3A_399 : memref<1x40xi32, #tpu.memory_space<vmem>> -> memref<40xi32, #tpu.memory_space<vmem>>
          %dma_start3A_401 = arith.constant 0 : i32
          %dma_start3A_402 = tpu.memref_slice %arg4[%add3A, %add3A_377, %dma_start3A_401] : memref<32x250x40xi32, #tpu.memory_space<hbm>> -> memref<1x1x40xi32, #tpu.memory_space<hbm>>
          %dma_start3A_403 = tpu.memref_squeeze %dma_start3A_402 : memref<1x1x40xi32, #tpu.memory_space<hbm>> -> memref<40xi32, #tpu.memory_space<hbm>>
          tpu.enqueue_dma source(%dma_start3A_403 : memref<40xi32, #tpu.memory_space<hbm>>) target(%dma_start3A_400 : memref<40xi32, #tpu.memory_space<vmem>>) target_semaphore(%arg21 : memref<!tpu.dma_semaphore, #tpu.memory_space<semaphore_mem>>)
        } else {
        }
      } else {
      }
      %mul3A_315 = arith.constant 8 : i32
      %mul3A_316 = arith.muli %mul3A_315, %scan3A_250 : i32
      %add3A_317 = arith.constant 7 : i32
      %add3A_318 = arith.addi %mul3A_316, %add3A_317 : i32
      %lt3A_319 = arith.constant 250 : i32
      %lt3A_320 = arith.cmpi slt, %add3A_318, %lt3A_319 : i32
      %convert_element_type3A_321 = arith.extui %lt3A_320 : i1 to i32
      %cond3A_322 = arith.constant 0 : i32
      %cond3A_323 = arith.cmpi ne, %convert_element_type3A_321, %cond3A_322 : i32
      scf.if %cond3A_323 {
        %add3A_325 = arith.constant 2 : i32
        %add3A_326 = arith.addi %add3A_318, %add3A_325 : i32
        %lt3A_327 = arith.constant 250 : i32
        %lt3A_328 = arith.cmpi slt, %add3A_326, %lt3A_327 : i32
        %convert_element_type3A_329 = arith.extui %lt3A_328 : i1 to i32
        %cond3A_330 = arith.constant 0 : i32
        %cond3A_331 = arith.cmpi ne, %convert_element_type3A_329, %cond3A_330 : i32
        scf.if %cond3A_331 {
          %add3A_376 = arith.constant 2 : i32
          %add3A_377 = arith.addi %add3A_318, %add3A_376 : i32
          %dma_wait3A_378 = arith.constant 1 : i32
          %dma_wait3A_379 = arith.constant 0 : i32
          %dma_wait3A_380 = tpu.memref_slice %arg6[%dma_wait3A_378, %dma_wait3A_379] : memref<8x40xi32, #tpu.memory_space<vmem>> -> memref<1x40xi32, #tpu.memory_space<vmem>>
          %dma_wait3A_381 = tpu.memref_squeeze %dma_wait3A_380 : memref<1x40xi32, #tpu.memory_space<vmem>> -> memref<40xi32, #tpu.memory_space<vmem>>
          %dma_wait3A_382 = arith.constant 0 : i32
          %dma_wait3A_383 = tpu.memref_slice %arg3[%add3A, %add3A_377, %dma_wait3A_382] : memref<32x250x40xi32, #tpu.memory_space<hbm>> -> memref<1x1x40xi32, #tpu.memory_space<hbm>>
          %dma_wait3A_384 = tpu.memref_squeeze %dma_wait3A_383 : memref<1x1x40xi32, #tpu.memory_space<hbm>> -> memref<40xi32, #tpu.memory_space<hbm>>
          %dma_wait3A_385 = arith.constant 0 : i32
          %dma_wait3A_386 = tpu.memref_slice %arg6[%dma_wait3A_378, %dma_wait3A_385] : memref<8x40xi32, #tpu.memory_space<vmem>> -> memref<1x40xi32, #tpu.memory_space<vmem>>
          %dma_wait3A_387 = tpu.memref_squeeze %dma_wait3A_386 : memref<1x40xi32, #tpu.memory_space<vmem>> -> memref<40xi32, #tpu.memory_space<vmem>>
          %dma_wait3A_388 = arith.constant 0 : i32
          %dma_wait3A_389 = tpu.memref_slice %arg3[%add3A, %add3A_377, %dma_wait3A_388] : memref<32x250x40xi32, #tpu.memory_space<hbm>> -> memref<1x1x40xi32, #tpu.memory_space<hbm>>
          %dma_wait3A_390 = tpu.memref_squeeze %dma_wait3A_389 : memref<1x1x40xi32, #tpu.memory_space<hbm>> -> memref<40xi32, #tpu.memory_space<hbm>>
          tpu.wait_dma2 semaphore(%arg12 : memref<!tpu.dma_semaphore, #tpu.memory_space<semaphore_mem>>) src(%dma_wait3A_390 : memref<40xi32, #tpu.memory_space<hbm>>) dst(%dma_wait3A_387 : memref<40xi32, #tpu.memory_space<vmem>>)
          %ge3A = arith.constant 2 : i32
          %ge3A_391 = arith.cmpi sge, %add3A_318, %ge3A : i32
          %convert_element_type3A_392 = arith.extui %ge3A_391 : i1 to i32
          %cond3A_393 = arith.constant 0 : i32
          %cond3A_394 = arith.cmpi ne, %convert_element_type3A_392, %cond3A_393 : i32
          scf.if %cond3A_394 {
            %dma_wait3A_407 = arith.constant 1 : i32
            %dma_wait3A_408 = arith.constant 5 : i32
            %dma_wait3A_409 = arith.constant 0 : i32
            %dma_wait3A_410 = arith.constant 0 : i32
            %dma_wait3A_411 = tpu.memref_slice %arg8[%dma_wait3A_407, %dma_wait3A_409, %dma_wait3A_410] : memref<4x40x128xf32, #tpu.memory_space<vmem>> -> memref<1x40x128xf32, #tpu.memory_space<vmem>>
            %dma_wait3A_412 = tpu.memref_squeeze %dma_wait3A_411 : memref<1x40x128xf32, #tpu.memory_space<vmem>> -> memref<40x128xf32, #tpu.memory_space<vmem>>
            %dma_wait3A_413 = arith.constant 0 : i32
            %dma_wait3A_414 = tpu.memref_slice %arg7[%dma_wait3A_408, %dma_wait3A_413] : memref<8x40xi32, #tpu.memory_space<vmem>> -> memref<1x40xi32, #tpu.memory_space<vmem>>
            %dma_wait3A_415 = tpu.memref_squeeze %dma_wait3A_414 : memref<1x40xi32, #tpu.memory_space<vmem>> -> memref<40xi32, #tpu.memory_space<vmem>>
            %dma_wait3A_416 = arith.constant 0 : i32
            %dma_wait3A_417 = arith.constant 0 : i32
            %dma_wait3A_418 = tpu.memref_slice %arg10[%dma_wait3A_416, %dma_wait3A_417] : memref<10000x128xf32, #tpu.memory_space<vmem_shared>> -> memref<10000x128xf32, #tpu.memory_space<vmem_shared>>
            tpu.wait_indirect_dma semaphore(%arg32 : memref<!tpu.dma_semaphore, #tpu.memory_space<semaphore_mem>>) src(%dma_wait3A_412 : memref<40x128xf32, #tpu.memory_space<vmem>>) dst(%dma_wait3A_418 : memref<10000x128xf32, #tpu.memory_space<vmem_shared>>)
          } else {
          }
          %dma_start3A_395 = arith.constant 1 : i32
          %dma_start3A_396 = arith.constant 1 : i32
          %dma_start3A_397 = arith.constant 0 : i32
          %dma_start3A_398 = arith.constant 0 : i32
          %dma_start3A_399 = tpu.memref_slice %arg8[%dma_start3A_396, %dma_start3A_397, %dma_start3A_398] : memref<4x40x128xf32, #tpu.memory_space<vmem>> -> memref<1x40x128xf32, #tpu.memory_space<vmem>>
          %dma_start3A_400 = tpu.memref_squeeze %dma_start3A_399 : memref<1x40x128xf32, #tpu.memory_space<vmem>> -> memref<40x128xf32, #tpu.memory_space<vmem>>
          %dma_start3A_401 = arith.constant 0 : i32
          %dma_start3A_402 = tpu.memref_slice %arg6[%dma_start3A_395, %dma_start3A_401] : memref<8x40xi32, #tpu.memory_space<vmem>> -> memref<1x40xi32, #tpu.memory_space<vmem>>
          %dma_start3A_403 = tpu.memref_squeeze %dma_start3A_402 : memref<1x40xi32, #tpu.memory_space<vmem>> -> memref<40xi32, #tpu.memory_space<vmem>>
          %dma_start3A_404 = arith.constant 0 : i32
          %dma_start3A_405 = arith.constant 0 : i32
          %dma_start3A_406 = tpu.memref_slice %arg2[%dma_start3A_404, %dma_start3A_405] : memref<10000x128xf32, #tpu.memory_space<hbm>> -> memref<10000x128xf32, #tpu.memory_space<hbm>>
          tpu.enqueue_indirect_dma source(%dma_start3A_406 : memref<10000x128xf32, #tpu.memory_space<hbm>>) target(%dma_start3A_400 : memref<40x128xf32, #tpu.memory_space<vmem>>) offsets(%dma_start3A_403 : memref<40xi32, #tpu.memory_space<vmem>>) semaphore(%arg28 : memref<!tpu.dma_semaphore, #tpu.memory_space<semaphore_mem>>)
        } else {
        }
        %dma_wait3A_332 = arith.constant 7 : i32
        %dma_wait3A_333 = arith.constant 3 : i32
        %dma_wait3A_334 = arith.constant 0 : i32
        %dma_wait3A_335 = arith.constant 0 : i32
        %dma_wait3A_336 = tpu.memref_slice %arg8[%dma_wait3A_333, %dma_wait3A_334, %dma_wait3A_335] : memref<4x40x128xf32, #tpu.memory_space<vmem>> -> memref<1x40x128xf32, #tpu.memory_space<vmem>>
        %dma_wait3A_337 = tpu.memref_squeeze %dma_wait3A_336 : memref<1x40x128xf32, #tpu.memory_space<vmem>> -> memref<40x128xf32, #tpu.memory_space<vmem>>
        %dma_wait3A_338 = arith.constant 0 : i32
        %dma_wait3A_339 = tpu.memref_slice %arg6[%dma_wait3A_332, %dma_wait3A_338] : memref<8x40xi32, #tpu.memory_space<vmem>> -> memref<1x40xi32, #tpu.memory_space<vmem>>
        %dma_wait3A_340 = tpu.memref_squeeze %dma_wait3A_339 : memref<1x40xi32, #tpu.memory_space<vmem>> -> memref<40xi32, #tpu.memory_space<vmem>>
        %dma_wait3A_341 = arith.constant 0 : i32
        %dma_wait3A_342 = arith.constant 0 : i32
        %dma_wait3A_343 = tpu.memref_slice %arg2[%dma_wait3A_341, %dma_wait3A_342] : memref<10000x128xf32, #tpu.memory_space<hbm>> -> memref<10000x128xf32, #tpu.memory_space<hbm>>
        tpu.wait_indirect_dma semaphore(%arg30 : memref<!tpu.dma_semaphore, #tpu.memory_space<semaphore_mem>>) src(%dma_wait3A_343 : memref<10000x128xf32, #tpu.memory_space<hbm>>) dst(%dma_wait3A_337 : memref<40x128xf32, #tpu.memory_space<vmem>>)
        %dma_wait3A_344 = arith.constant 7 : i32
        %dma_wait3A_345 = arith.constant 0 : i32
        %dma_wait3A_346 = tpu.memref_slice %arg7[%dma_wait3A_344, %dma_wait3A_345] : memref<8x40xi32, #tpu.memory_space<vmem>> -> memref<1x40xi32, #tpu.memory_space<vmem>>
        %dma_wait3A_347 = tpu.memref_squeeze %dma_wait3A_346 : memref<1x40xi32, #tpu.memory_space<vmem>> -> memref<40xi32, #tpu.memory_space<vmem>>
        %dma_wait3A_348 = arith.constant 0 : i32
        %dma_wait3A_349 = tpu.memref_slice %arg4[%add3A, %add3A_318, %dma_wait3A_348] : memref<32x250x40xi32, #tpu.memory_space<hbm>> -> memref<1x1x40xi32, #tpu.memory_space<hbm>>
        %dma_wait3A_350 = tpu.memref_squeeze %dma_wait3A_349 : memref<1x1x40xi32, #tpu.memory_space<hbm>> -> memref<40xi32, #tpu.memory_space<hbm>>
        %dma_wait3A_351 = arith.constant 0 : i32
        %dma_wait3A_352 = tpu.memref_slice %arg7[%dma_wait3A_344, %dma_wait3A_351] : memref<8x40xi32, #tpu.memory_space<vmem>> -> memref<1x40xi32, #tpu.memory_space<vmem>>
        %dma_wait3A_353 = tpu.memref_squeeze %dma_wait3A_352 : memref<1x40xi32, #tpu.memory_space<vmem>> -> memref<40xi32, #tpu.memory_space<vmem>>
        %dma_wait3A_354 = arith.constant 0 : i32
        %dma_wait3A_355 = tpu.memref_slice %arg4[%add3A, %add3A_318, %dma_wait3A_354] : memref<32x250x40xi32, #tpu.memory_space<hbm>> -> memref<1x1x40xi32, #tpu.memory_space<hbm>>
        %dma_wait3A_356 = tpu.memref_squeeze %dma_wait3A_355 : memref<1x1x40xi32, #tpu.memory_space<hbm>> -> memref<40xi32, #tpu.memory_space<hbm>>
        tpu.wait_dma2 semaphore(%arg26 : memref<!tpu.dma_semaphore, #tpu.memory_space<semaphore_mem>>) src(%dma_wait3A_356 : memref<40xi32, #tpu.memory_space<hbm>>) dst(%dma_wait3A_353 : memref<40xi32, #tpu.memory_space<vmem>>)
        %dma_start3A_357 = arith.constant 3 : i32
        %dma_start3A_358 = arith.constant 7 : i32
        %dma_start3A_359 = arith.constant 0 : i32
        %dma_start3A_360 = arith.constant 0 : i32
        %dma_start3A_361 = tpu.memref_slice %arg8[%dma_start3A_357, %dma_start3A_359, %dma_start3A_360] : memref<4x40x128xf32, #tpu.memory_space<vmem>> -> memref<1x40x128xf32, #tpu.memory_space<vmem>>
        %dma_start3A_362 = tpu.memref_squeeze %dma_start3A_361 : memref<1x40x128xf32, #tpu.memory_space<vmem>> -> memref<40x128xf32, #tpu.memory_space<vmem>>
        %dma_start3A_363 = arith.constant 0 : i32
        %dma_start3A_364 = tpu.memref_slice %arg7[%dma_start3A_358, %dma_start3A_363] : memref<8x40xi32, #tpu.memory_space<vmem>> -> memref<1x40xi32, #tpu.memory_space<vmem>>
        %dma_start3A_365 = tpu.memref_squeeze %dma_start3A_364 : memref<1x40xi32, #tpu.memory_space<vmem>> -> memref<40xi32, #tpu.memory_space<vmem>>
        %dma_start3A_366 = arith.constant 0 : i32
        %dma_start3A_367 = arith.constant 0 : i32
        %dma_start3A_368 = tpu.memref_slice %arg10[%dma_start3A_366, %dma_start3A_367] : memref<10000x128xf32, #tpu.memory_space<vmem_shared>> -> memref<10000x128xf32, #tpu.memory_space<vmem_shared>>
        tpu.enqueue_indirect_dma source(%dma_start3A_362 : memref<40x128xf32, #tpu.memory_space<vmem>>) target(%dma_start3A_368 : memref<10000x128xf32, #tpu.memory_space<vmem_shared>>) offsets(%dma_start3A_365 : memref<40xi32, #tpu.memory_space<vmem>>) semaphore(%arg34 : memref<!tpu.dma_semaphore, #tpu.memory_space<semaphore_mem>>) {add = true}
        %add3A_369 = arith.constant 4 : i32
        %add3A_370 = arith.addi %add3A_318, %add3A_369 : i32
        %lt3A_371 = arith.constant 250 : i32
        %lt3A_372 = arith.cmpi slt, %add3A_370, %lt3A_371 : i32
        %convert_element_type3A_373 = arith.extui %lt3A_372 : i1 to i32
        %cond3A_374 = arith.constant 0 : i32
        %cond3A_375 = arith.cmpi ne, %convert_element_type3A_373, %cond3A_374 : i32
        scf.if %cond3A_375 {
          %add3A_376 = arith.constant 4 : i32
          %add3A_377 = arith.addi %add3A_318, %add3A_376 : i32
          %dma_start3A_378 = arith.constant 3 : i32
          %dma_start3A_379 = arith.constant 0 : i32
          %dma_start3A_380 = tpu.memref_slice %arg6[%dma_start3A_378, %dma_start3A_379] : memref<8x40xi32, #tpu.memory_space<vmem>> -> memref<1x40xi32, #tpu.memory_space<vmem>>
          %dma_start3A_381 = tpu.memref_squeeze %dma_start3A_380 : memref<1x40xi32, #tpu.memory_space<vmem>> -> memref<40xi32, #tpu.memory_space<vmem>>
          %dma_start3A_382 = arith.constant 0 : i32
          %dma_start3A_383 = tpu.memref_slice %arg3[%add3A, %add3A_377, %dma_start3A_382] : memref<32x250x40xi32, #tpu.memory_space<hbm>> -> memref<1x1x40xi32, #tpu.memory_space<hbm>>
          %dma_start3A_384 = tpu.memref_squeeze %dma_start3A_383 : memref<1x1x40xi32, #tpu.memory_space<hbm>> -> memref<40xi32, #tpu.memory_space<hbm>>
          %dma_start3A_385 = arith.constant 0 : i32
          %dma_start3A_386 = tpu.memref_slice %arg6[%dma_start3A_378, %dma_start3A_385] : memref<8x40xi32, #tpu.memory_space<vmem>> -> memref<1x40xi32, #tpu.memory_space<vmem>>
          %dma_start3A_387 = tpu.memref_squeeze %dma_start3A_386 : memref<1x40xi32, #tpu.memory_space<vmem>> -> memref<40xi32, #tpu.memory_space<vmem>>
          %dma_start3A_388 = arith.constant 0 : i32
          %dma_start3A_389 = tpu.memref_slice %arg3[%add3A, %add3A_377, %dma_start3A_388] : memref<32x250x40xi32, #tpu.memory_space<hbm>> -> memref<1x1x40xi32, #tpu.memory_space<hbm>>
          %dma_start3A_390 = tpu.memref_squeeze %dma_start3A_389 : memref<1x1x40xi32, #tpu.memory_space<hbm>> -> memref<40xi32, #tpu.memory_space<hbm>>
          tpu.enqueue_dma source(%dma_start3A_390 : memref<40xi32, #tpu.memory_space<hbm>>) target(%dma_start3A_387 : memref<40xi32, #tpu.memory_space<vmem>>) target_semaphore(%arg14 : memref<!tpu.dma_semaphore, #tpu.memory_space<semaphore_mem>>)
          %dma_start3A_391 = arith.constant 3 : i32
          %dma_start3A_392 = arith.constant 0 : i32
          %dma_start3A_393 = tpu.memref_slice %arg7[%dma_start3A_391, %dma_start3A_392] : memref<8x40xi32, #tpu.memory_space<vmem>> -> memref<1x40xi32, #tpu.memory_space<vmem>>
          %dma_start3A_394 = tpu.memref_squeeze %dma_start3A_393 : memref<1x40xi32, #tpu.memory_space<vmem>> -> memref<40xi32, #tpu.memory_space<vmem>>
          %dma_start3A_395 = arith.constant 0 : i32
          %dma_start3A_396 = tpu.memref_slice %arg4[%add3A, %add3A_377, %dma_start3A_395] : memref<32x250x40xi32, #tpu.memory_space<hbm>> -> memref<1x1x40xi32, #tpu.memory_space<hbm>>
          %dma_start3A_397 = tpu.memref_squeeze %dma_start3A_396 : memref<1x1x40xi32, #tpu.memory_space<hbm>> -> memref<40xi32, #tpu.memory_space<hbm>>
          %dma_start3A_398 = arith.constant 0 : i32
          %dma_start3A_399 = tpu.memref_slice %arg7[%dma_start3A_391, %dma_start3A_398] : memref<8x40xi32, #tpu.memory_space<vmem>> -> memref<1x40xi32, #tpu.memory_space<vmem>>
          %dma_start3A_400 = tpu.memref_squeeze %dma_start3A_399 : memref<1x40xi32, #tpu.memory_space<vmem>> -> memref<40xi32, #tpu.memory_space<vmem>>
          %dma_start3A_401 = arith.constant 0 : i32
          %dma_start3A_402 = tpu.memref_slice %arg4[%add3A, %add3A_377, %dma_start3A_401] : memref<32x250x40xi32, #tpu.memory_space<hbm>> -> memref<1x1x40xi32, #tpu.memory_space<hbm>>
          %dma_start3A_403 = tpu.memref_squeeze %dma_start3A_402 : memref<1x1x40xi32, #tpu.memory_space<hbm>> -> memref<40xi32, #tpu.memory_space<hbm>>
          tpu.enqueue_dma source(%dma_start3A_403 : memref<40xi32, #tpu.memory_space<hbm>>) target(%dma_start3A_400 : memref<40xi32, #tpu.memory_space<vmem>>) target_semaphore(%arg22 : memref<!tpu.dma_semaphore, #tpu.memory_space<semaphore_mem>>)
        } else {
        }
      } else {
      }
      %scan3A_324 = arith.constant 0 : i32
      scf.yield %scan3A_324 : i32
    }
    %scan3A_191 = arith.constant 32 : i32
    %dma_wait3A_192 = arith.constant 2 : i32
    %dma_wait3A_193 = arith.constant 6 : i32
    %dma_wait3A_194 = arith.constant 0 : i32
    %dma_wait3A_195 = arith.constant 0 : i32
    %dma_wait3A_196 = tpu.memref_slice %arg8[%dma_wait3A_192, %dma_wait3A_194, %dma_wait3A_195] : memref<4x40x128xf32, #tpu.memory_space<vmem>> -> memref<1x40x128xf32, #tpu.memory_space<vmem>>
    %dma_wait3A_197 = tpu.memref_squeeze %dma_wait3A_196 : memref<1x40x128xf32, #tpu.memory_space<vmem>> -> memref<40x128xf32, #tpu.memory_space<vmem>>
    %dma_wait3A_198 = arith.constant 0 : i32
    %dma_wait3A_199 = tpu.memref_slice %arg7[%dma_wait3A_193, %dma_wait3A_198] : memref<8x40xi32, #tpu.memory_space<vmem>> -> memref<1x40xi32, #tpu.memory_space<vmem>>
    %dma_wait3A_200 = tpu.memref_squeeze %dma_wait3A_199 : memref<1x40xi32, #tpu.memory_space<vmem>> -> memref<40xi32, #tpu.memory_space<vmem>>
    %dma_wait3A_201 = arith.constant 0 : i32
    %dma_wait3A_202 = arith.constant 0 : i32
    %dma_wait3A_203 = tpu.memref_slice %arg10[%dma_wait3A_201, %dma_wait3A_202] : memref<10000x128xf32, #tpu.memory_space<vmem_shared>> -> memref<10000x128xf32, #tpu.memory_space<vmem_shared>>
    tpu.wait_indirect_dma semaphore(%arg33 : memref<!tpu.dma_semaphore, #tpu.memory_space<semaphore_mem>>) src(%dma_wait3A_197 : memref<40x128xf32, #tpu.memory_space<vmem>>) dst(%dma_wait3A_203 : memref<10000x128xf32, #tpu.memory_space<vmem_shared>>)
    %dma_wait3A_204 = arith.constant 3 : i32
    %dma_wait3A_205 = arith.constant 7 : i32
    %dma_wait3A_206 = arith.constant 0 : i32
    %dma_wait3A_207 = arith.constant 0 : i32
    %dma_wait3A_208 = tpu.memref_slice %arg8[%dma_wait3A_204, %dma_wait3A_206, %dma_wait3A_207] : memref<4x40x128xf32, #tpu.memory_space<vmem>> -> memref<1x40x128xf32, #tpu.memory_space<vmem>>
    %dma_wait3A_209 = tpu.memref_squeeze %dma_wait3A_208 : memref<1x40x128xf32, #tpu.memory_space<vmem>> -> memref<40x128xf32, #tpu.memory_space<vmem>>
    %dma_wait3A_210 = arith.constant 0 : i32
    %dma_wait3A_211 = tpu.memref_slice %arg7[%dma_wait3A_205, %dma_wait3A_210] : memref<8x40xi32, #tpu.memory_space<vmem>> -> memref<1x40xi32, #tpu.memory_space<vmem>>
    %dma_wait3A_212 = tpu.memref_squeeze %dma_wait3A_211 : memref<1x40xi32, #tpu.memory_space<vmem>> -> memref<40xi32, #tpu.memory_space<vmem>>
    %dma_wait3A_213 = arith.constant 0 : i32
    %dma_wait3A_214 = arith.constant 0 : i32
    %dma_wait3A_215 = tpu.memref_slice %arg10[%dma_wait3A_213, %dma_wait3A_214] : memref<10000x128xf32, #tpu.memory_space<vmem_shared>> -> memref<10000x128xf32, #tpu.memory_space<vmem_shared>>
    tpu.wait_indirect_dma semaphore(%arg34 : memref<!tpu.dma_semaphore, #tpu.memory_space<semaphore_mem>>) src(%dma_wait3A_209 : memref<40x128xf32, #tpu.memory_space<vmem>>) dst(%dma_wait3A_215 : memref<10000x128xf32, #tpu.memory_space<vmem_shared>>)
    %dma_wait3A_216 = arith.constant 0 : i32
    %dma_wait3A_217 = arith.constant 0 : i32
    %dma_wait3A_218 = arith.constant 0 : i32
    %dma_wait3A_219 = arith.constant 0 : i32
    %dma_wait3A_220 = tpu.memref_slice %arg8[%dma_wait3A_216, %dma_wait3A_218, %dma_wait3A_219] : memref<4x40x128xf32, #tpu.memory_space<vmem>> -> memref<1x40x128xf32, #tpu.memory_space<vmem>>
    %dma_wait3A_221 = tpu.memref_squeeze %dma_wait3A_220 : memref<1x40x128xf32, #tpu.memory_space<vmem>> -> memref<40x128xf32, #tpu.memory_space<vmem>>
    %dma_wait3A_222 = arith.constant 0 : i32
    %dma_wait3A_223 = tpu.memref_slice %arg7[%dma_wait3A_217, %dma_wait3A_222] : memref<8x40xi32, #tpu.memory_space<vmem>> -> memref<1x40xi32, #tpu.memory_space<vmem>>
    %dma_wait3A_224 = tpu.memref_squeeze %dma_wait3A_223 : memref<1x40xi32, #tpu.memory_space<vmem>> -> memref<40xi32, #tpu.memory_space<vmem>>
    %dma_wait3A_225 = arith.constant 0 : i32
    %dma_wait3A_226 = arith.constant 0 : i32
    %dma_wait3A_227 = tpu.memref_slice %arg10[%dma_wait3A_225, %dma_wait3A_226] : memref<10000x128xf32, #tpu.memory_space<vmem_shared>> -> memref<10000x128xf32, #tpu.memory_space<vmem_shared>>
    tpu.wait_indirect_dma semaphore(%arg31 : memref<!tpu.dma_semaphore, #tpu.memory_space<semaphore_mem>>) src(%dma_wait3A_221 : memref<40x128xf32, #tpu.memory_space<vmem>>) dst(%dma_wait3A_227 : memref<10000x128xf32, #tpu.memory_space<vmem_shared>>)
    %dma_wait3A_228 = arith.constant 1 : i32
    %dma_wait3A_229 = arith.constant 1 : i32
    %dma_wait3A_230 = arith.constant 0 : i32
    %dma_wait3A_231 = arith.constant 0 : i32
    %dma_wait3A_232 = tpu.memref_slice %arg8[%dma_wait3A_228, %dma_wait3A_230, %dma_wait3A_231] : memref<4x40x128xf32, #tpu.memory_space<vmem>> -> memref<1x40x128xf32, #tpu.memory_space<vmem>>
    %dma_wait3A_233 = tpu.memref_squeeze %dma_wait3A_232 : memref<1x40x128xf32, #tpu.memory_space<vmem>> -> memref<40x128xf32, #tpu.memory_space<vmem>>
    %dma_wait3A_234 = arith.constant 0 : i32
    %dma_wait3A_235 = tpu.memref_slice %arg7[%dma_wait3A_229, %dma_wait3A_234] : memref<8x40xi32, #tpu.memory_space<vmem>> -> memref<1x40xi32, #tpu.memory_space<vmem>>
    %dma_wait3A_236 = tpu.memref_squeeze %dma_wait3A_235 : memref<1x40xi32, #tpu.memory_space<vmem>> -> memref<40xi32, #tpu.memory_space<vmem>>
    %dma_wait3A_237 = arith.constant 0 : i32
    %dma_wait3A_238 = arith.constant 0 : i32
    %dma_wait3A_239 = tpu.memref_slice %arg10[%dma_wait3A_237, %dma_wait3A_238] : memref<10000x128xf32, #tpu.memory_space<vmem_shared>> -> memref<10000x128xf32, #tpu.memory_space<vmem_shared>>
    tpu.wait_indirect_dma semaphore(%arg32 : memref<!tpu.dma_semaphore, #tpu.memory_space<semaphore_mem>>) src(%dma_wait3A_233 : memref<40x128xf32, #tpu.memory_space<vmem>>) dst(%dma_wait3A_239 : memref<10000x128xf32, #tpu.memory_space<vmem_shared>>)
    %barrier3A_240 = arith.constant 0 : index
    tpu.barrier barrier_id(%barrier3A_240)
    %mul3A_241 = arith.constant 624 : i32
    %mul3A_242 = arith.muli %arg1, %mul3A_241 : i32
    %lt3A = arith.constant 15 : i32
    %lt3A_243 = arith.cmpi slt, %arg1, %lt3A : i32
    %convert_element_type3A = arith.extui %lt3A_243 : i1 to i32
    %cond3A = arith.constant 0 : i32
    %cond3A_244 = arith.cmpi ne, %convert_element_type3A, %cond3A : i32
    scf.if %cond3A_244 {
      "tpu.region"() ({
        %run_scoped3A = tpu.sem_alloc : memref<!tpu.dma_semaphore, #tpu.memory_space<semaphore_mem>>
        %dma_start3A_250 = arith.constant 0 : i32
        %dma_start3A_251 = arith.constant 0 : i32
        %dma_start3A_252 = tpu.memref_slice %arg5[%arg0, %dma_start3A_250, %dma_start3A_251] : memref<2x10000x128xf32, #tpu.memory_space<hbm>> -> memref<1x10000x128xf32, #tpu.memory_space<hbm>>
        %dma_start3A_253 = tpu.memref_squeeze %dma_start3A_252 : memref<1x10000x128xf32, #tpu.memory_space<hbm>> -> memref<10000x128xf32, #tpu.memory_space<hbm>>
        %dma_start3A_254 = arith.constant 0 : i32
        %dma_start3A_255 = tpu.memref_slice %dma_start3A_253[%mul3A_242, %dma_start3A_254] : memref<10000x128xf32, #tpu.memory_space<hbm>> -> memref<624x128xf32, #tpu.memory_space<hbm>>
        %dma_start3A_256 = arith.constant 0 : i32
        %dma_start3A_257 = tpu.memref_slice %arg10[%mul3A_242, %dma_start3A_256] : memref<10000x128xf32, #tpu.memory_space<vmem_shared>> -> memref<624x128xf32, #tpu.memory_space<vmem_shared>>
        tpu.enqueue_dma source(%dma_start3A_257 : memref<624x128xf32, #tpu.memory_space<vmem_shared>>) target(%dma_start3A_255 : memref<624x128xf32, #tpu.memory_space<hbm>>) target_semaphore(%run_scoped3A : memref<!tpu.dma_semaphore, #tpu.memory_space<semaphore_mem>>)
        %dma_wait3A_258 = arith.constant 0 : i32
        %dma_wait3A_259 = arith.constant 0 : i32
        %dma_wait3A_260 = tpu.memref_slice %arg5[%arg0, %dma_wait3A_258, %dma_wait3A_259] : memref<2x10000x128xf32, #tpu.memory_space<hbm>> -> memref<1x10000x128xf32, #tpu.memory_space<hbm>>
        %dma_wait3A_261 = tpu.memref_squeeze %dma_wait3A_260 : memref<1x10000x128xf32, #tpu.memory_space<hbm>> -> memref<10000x128xf32, #tpu.memory_space<hbm>>
        %dma_wait3A_262 = arith.constant 0 : i32
        %dma_wait3A_263 = tpu.memref_slice %dma_wait3A_261[%mul3A_242, %dma_wait3A_262] : memref<10000x128xf32, #tpu.memory_space<hbm>> -> memref<624x128xf32, #tpu.memory_space<hbm>>
        %dma_wait3A_264 = arith.constant 0 : i32
        %dma_wait3A_265 = tpu.memref_slice %arg10[%mul3A_242, %dma_wait3A_264] : memref<10000x128xf32, #tpu.memory_space<vmem_shared>> -> memref<624x128xf32, #tpu.memory_space<vmem_shared>>
        tpu.wait_dma2 semaphore(%run_scoped3A : memref<!tpu.dma_semaphore, #tpu.memory_space<semaphore_mem>>) src(%dma_wait3A_265 : memref<624x128xf32, #tpu.memory_space<vmem_shared>>) dst(%dma_wait3A_263 : memref<624x128xf32, #tpu.memory_space<hbm>>)
        tpu.yield
      }) : () -> ()
    } else {
    }
    %eq3A_245 = arith.constant 15 : i32
    %eq3A_246 = arith.cmpi eq, %arg1, %eq3A_245 : i32
    %convert_element_type3A_247 = arith.extui %eq3A_246 : i1 to i32
    %cond3A_248 = arith.constant 0 : i32
    %cond3A_249 = arith.cmpi ne, %convert_element_type3A_247, %cond3A_248 : i32
    scf.if %cond3A_249 {
      "tpu.region"() ({
        %run_scoped3A = tpu.sem_alloc : memref<!tpu.dma_semaphore, #tpu.memory_space<semaphore_mem>>
        %dma_start3A_250 = arith.constant 0 : i32
        %dma_start3A_251 = arith.constant 0 : i32
        %dma_start3A_252 = tpu.memref_slice %arg5[%arg0, %dma_start3A_250, %dma_start3A_251] : memref<2x10000x128xf32, #tpu.memory_space<hbm>> -> memref<1x10000x128xf32, #tpu.memory_space<hbm>>
        %dma_start3A_253 = tpu.memref_squeeze %dma_start3A_252 : memref<1x10000x128xf32, #tpu.memory_space<hbm>> -> memref<10000x128xf32, #tpu.memory_space<hbm>>
        %dma_start3A_254 = arith.constant 0 : i32
        %dma_start3A_255 = tpu.memref_slice %dma_start3A_253[%mul3A_242, %dma_start3A_254] : memref<10000x128xf32, #tpu.memory_space<hbm>> -> memref<640x128xf32, #tpu.memory_space<hbm>>
        %dma_start3A_256 = arith.constant 0 : i32
        %dma_start3A_257 = tpu.memref_slice %arg10[%mul3A_242, %dma_start3A_256] : memref<10000x128xf32, #tpu.memory_space<vmem_shared>> -> memref<640x128xf32, #tpu.memory_space<vmem_shared>>
        tpu.enqueue_dma source(%dma_start3A_257 : memref<640x128xf32, #tpu.memory_space<vmem_shared>>) target(%dma_start3A_255 : memref<640x128xf32, #tpu.memory_space<hbm>>) target_semaphore(%run_scoped3A : memref<!tpu.dma_semaphore, #tpu.memory_space<semaphore_mem>>)
        %dma_wait3A_258 = arith.constant 0 : i32
        %dma_wait3A_259 = arith.constant 0 : i32
        %dma_wait3A_260 = tpu.memref_slice %arg5[%arg0, %dma_wait3A_258, %dma_wait3A_259] : memref<2x10000x128xf32, #tpu.memory_space<hbm>> -> memref<1x10000x128xf32, #tpu.memory_space<hbm>>
        %dma_wait3A_261 = tpu.memref_squeeze %dma_wait3A_260 : memref<1x10000x128xf32, #tpu.memory_space<hbm>> -> memref<10000x128xf32, #tpu.memory_space<hbm>>
        %dma_wait3A_262 = arith.constant 0 : i32
        %dma_wait3A_263 = tpu.memref_slice %dma_wait3A_261[%mul3A_242, %dma_wait3A_262] : memref<10000x128xf32, #tpu.memory_space<hbm>> -> memref<640x128xf32, #tpu.memory_space<hbm>>
        %dma_wait3A_264 = arith.constant 0 : i32
        %dma_wait3A_265 = tpu.memref_slice %arg10[%mul3A_242, %dma_wait3A_264] : memref<10000x128xf32, #tpu.memory_space<vmem_shared>> -> memref<640x128xf32, #tpu.memory_space<vmem_shared>>
        tpu.wait_dma2 semaphore(%run_scoped3A : memref<!tpu.dma_semaphore, #tpu.memory_space<semaphore_mem>>) src(%dma_wait3A_265 : memref<640x128xf32, #tpu.memory_space<vmem_shared>>) dst(%dma_wait3A_263 : memref<640x128xf32, #tpu.memory_space<hbm>>)
        tpu.yield
      }) : () -> ()
    } else {
    }
    return
  }
}

#map = affine_map<(d0, d1) -> (0, 0)>
#map1 = affine_map<(d0, d1) -> (0, 0, 0)>
module attributes {stable_mosaic.version = 14 : i64} {
  func.func @_sc_deg_body(%arg0: i32, %arg1: i32, %arg2: memref<32x10000xi32, #tpu.memory_space<hbm>>, %arg3: memref<2x16x10000xf32, #tpu.memory_space<hbm>>, %arg4: memref<10000xi32, #tpu.memory_space<vmem>>, %arg5: memref<10000xf32, #tpu.memory_space<vmem>>) attributes {dimension_semantics = [#tpu.dimension_semantics<core_parallel>, #tpu.dimension_semantics<subcore_parallel>], iteration_bounds = array<i64: 2, 16>, scalar_prefetch = 0 : i64, scratch_operands = 2 : i64, tpu.core_type = #tpu.core_type<sc_vector_subcore>, window_params = [{transform_indices = #map}, {transform_indices = #map1}]} {
    %mul3A = arith.constant 2 : i32
    %mul3A_0 = arith.muli %arg1, %mul3A : i32
    %add3A = arith.addi %mul3A_0, %arg0 : i32
    %broadcast_in_dim3A = arith.constant 0.000000e+00 : f32
    %broadcast_in_dim3A_1 = vector.broadcast %broadcast_in_dim3A : f32 to vector<16xf32>
    %scan3A = arith.constant 0 : i32
    %scan3A_2 = arith.constant 0 : i32
    %scan3A_3 = arith.constant 625 : i32
    %scan3A_4 = arith.addi %scan3A_2, %scan3A_3 : i32
    %scan3A_5 = arith.constant 1 : i32
    %scan3A_6 = scf.for %scan3A_15 = %scan3A_2 to %scan3A_4 step %scan3A_5 iter_args(%scan3A_16 = %scan3A) -> (i32)  : i32 {
      %mul3A_17 = arith.constant 16 : i32
      %mul3A_18 = arith.muli %scan3A_15, %mul3A_17 : i32
      %swap3A = arith.index_cast %mul3A_18 : i32 to index
      %swap3A_19 = tpu.vector_load %arg5[%swap3A] {strides = array<i32>} : memref<10000xf32, #tpu.memory_space<vmem>>, vector<16xf32>,
      tpu.vector_store %arg5[%swap3A], %broadcast_in_dim3A_1 {strides = array<i32>} : memref<10000xf32, #tpu.memory_space<vmem>>, vector<16xf32>,
      %scan3A_20 = arith.constant 0 : i32
      scf.yield %scan3A_20 : i32
    }
    %scan3A_7 = arith.constant 625 : i32
    "tpu.region"() ({
      %run_scoped3A = tpu.sem_alloc : memref<!tpu.dma_semaphore, #tpu.memory_space<semaphore_mem>>
      %dma_start3A = arith.constant 0 : i32
      %dma_start3A_15 = tpu.memref_slice %arg2[%add3A, %dma_start3A] : memref<32x10000xi32, #tpu.memory_space<hbm>> -> memref<1x10000xi32, #tpu.memory_space<hbm>>
      %dma_start3A_16 = tpu.memref_squeeze %dma_start3A_15 : memref<1x10000xi32, #tpu.memory_space<hbm>> -> memref<10000xi32, #tpu.memory_space<hbm>>
      %dma_start3A_17 = arith.constant 0 : i32
      %dma_start3A_18 = tpu.memref_slice %arg2[%add3A, %dma_start3A_17] : memref<32x10000xi32, #tpu.memory_space<hbm>> -> memref<1x10000xi32, #tpu.memory_space<hbm>>
      %dma_start3A_19 = tpu.memref_squeeze %dma_start3A_18 : memref<1x10000xi32, #tpu.memory_space<hbm>> -> memref<10000xi32, #tpu.memory_space<hbm>>
      tpu.enqueue_dma source(%dma_start3A_19 : memref<10000xi32, #tpu.memory_space<hbm>>) target(%arg4 : memref<10000xi32, #tpu.memory_space<vmem>>) target_semaphore(%run_scoped3A : memref<!tpu.dma_semaphore, #tpu.memory_space<semaphore_mem>>)
      %dma_wait3A = arith.constant 0 : i32
      %dma_wait3A_20 = tpu.memref_slice %arg2[%add3A, %dma_wait3A] : memref<32x10000xi32, #tpu.memory_space<hbm>> -> memref<1x10000xi32, #tpu.memory_space<hbm>>
      %dma_wait3A_21 = tpu.memref_squeeze %dma_wait3A_20 : memref<1x10000xi32, #tpu.memory_space<hbm>> -> memref<10000xi32, #tpu.memory_space<hbm>>
      %dma_wait3A_22 = arith.constant 0 : i32
      %dma_wait3A_23 = tpu.memref_slice %arg2[%add3A, %dma_wait3A_22] : memref<32x10000xi32, #tpu.memory_space<hbm>> -> memref<1x10000xi32, #tpu.memory_space<hbm>>
      %dma_wait3A_24 = tpu.memref_squeeze %dma_wait3A_23 : memref<1x10000xi32, #tpu.memory_space<hbm>> -> memref<10000xi32, #tpu.memory_space<hbm>>
      tpu.wait_dma2 semaphore(%run_scoped3A : memref<!tpu.dma_semaphore, #tpu.memory_space<semaphore_mem>>) src(%dma_wait3A_24 : memref<10000xi32, #tpu.memory_space<hbm>>) dst(%arg4 : memref<10000xi32, #tpu.memory_space<vmem>>)
      tpu.yield
    }) : () -> ()
    %scan3A_8 = arith.constant 0 : i32
    %scan3A_9 = arith.constant 0 : i32
    %scan3A_10 = arith.constant 625 : i32
    %scan3A_11 = arith.addi %scan3A_9, %scan3A_10 : i32
    %scan3A_12 = arith.constant 1 : i32
    %scan3A_13 = scf.for %scan3A_15 = %scan3A_9 to %scan3A_11 step %scan3A_12 iter_args(%scan3A_16 = %scan3A_8) -> (i32)  : i32 {
      %mul3A_17 = arith.constant 16 : i32
      %mul3A_18 = arith.muli %scan3A_15, %mul3A_17 : i32
      %get3A = arith.index_cast %mul3A_18 : i32 to index
      %get3A_19 = tpu.vector_load %arg4[%get3A] {strides = array<i32>} : memref<10000xi32, #tpu.memory_space<vmem>>, vector<16xi32>,
      %convert_element_type3A = arith.sitofp %get3A_19 : vector<16xi32> to vector<16xf32>
      %mul3A_20 = arith.constant 0.000000e+00 : f32
      %mul3A_21 = vector.broadcast %mul3A_20 : f32 to vector<16xf32>
      %mul3A_22 = arith.mulf %convert_element_type3A, %mul3A_21 : vector<16xf32>
      %add3A_23 = arith.constant 1.000000e+00 : f32
      %add3A_24 = vector.broadcast %add3A_23 : f32 to vector<16xf32>
      %add3A_25 = arith.addf %mul3A_22, %add3A_24 : vector<16xf32>
      tpu.vector_store_idx %arg5[%get3A_19], %add3A_25 {add = true} : memref<10000xf32, #tpu.memory_space<vmem>>[vector<16xi32>], vector<16xf32>,
      %scan3A_26 = arith.constant 0 : i32
      scf.yield %scan3A_26 : i32
    }
    %scan3A_14 = arith.constant 625 : i32
    "tpu.region"() ({
      %run_scoped3A = tpu.sem_alloc : memref<!tpu.dma_semaphore, #tpu.memory_space<semaphore_mem>>
      %dma_start3A = arith.constant 0 : i32
      %dma_start3A_15 = tpu.memref_slice %arg3[%arg0, %arg1, %dma_start3A] : memref<2x16x10000xf32, #tpu.memory_space<hbm>> -> memref<1x1x10000xf32, #tpu.memory_space<hbm>>
      %dma_start3A_16 = tpu.memref_squeeze %dma_start3A_15 : memref<1x1x10000xf32, #tpu.memory_space<hbm>> -> memref<10000xf32, #tpu.memory_space<hbm>>
      %dma_start3A_17 = arith.constant 0 : i32
      %dma_start3A_18 = tpu.memref_slice %arg3[%arg0, %arg1, %dma_start3A_17] : memref<2x16x10000xf32, #tpu.memory_space<hbm>> -> memref<1x1x10000xf32, #tpu.memory_space<hbm>>
      %dma_start3A_19 = tpu.memref_squeeze %dma_start3A_18 : memref<1x1x10000xf32, #tpu.memory_space<hbm>> -> memref<10000xf32, #tpu.memory_space<hbm>>
      tpu.enqueue_dma source(%arg5 : memref<10000xf32, #tpu.memory_space<vmem>>) target(%dma_start3A_19 : memref<10000xf32, #tpu.memory_space<hbm>>) target_semaphore(%run_scoped3A : memref<!tpu.dma_semaphore, #tpu.memory_space<semaphore_mem>>)
      %dma_wait3A = arith.constant 0 : i32
      %dma_wait3A_20 = tpu.memref_slice %arg3[%arg0, %arg1, %dma_wait3A] : memref<2x16x10000xf32, #tpu.memory_space<hbm>> -> memref<1x1x10000xf32, #tpu.memory_space<hbm>>
      %dma_wait3A_21 = tpu.memref_squeeze %dma_wait3A_20 : memref<1x1x10000xf32, #tpu.memory_space<hbm>> -> memref<10000xf32, #tpu.memory_space<hbm>>
      %dma_wait3A_22 = arith.constant 0 : i32
      %dma_wait3A_23 = tpu.memref_slice %arg3[%arg0, %arg1, %dma_wait3A_22] : memref<2x16x10000xf32, #tpu.memory_space<hbm>> -> memref<1x1x10000xf32, #tpu.memory_space<hbm>>
      %dma_wait3A_24 = tpu.memref_squeeze %dma_wait3A_23 : memref<1x1x10000xf32, #tpu.memory_space<hbm>> -> memref<10000xf32, #tpu.memory_space<hbm>>
      tpu.wait_dma2 semaphore(%run_scoped3A : memref<!tpu.dma_semaphore, #tpu.memory_space<semaphore_mem>>) src(%arg5 : memref<10000xf32, #tpu.memory_space<vmem>>) dst(%dma_wait3A_24 : memref<10000xf32, #tpu.memory_space<hbm>>)
      tpu.yield
    }) : () -> ()
    return
  }
}

#map = affine_map<(d0, d1) -> (0, 0)>
#map1 = affine_map<(d0, d1) -> (0, 0, 0)>
module attributes {stable_mosaic.version = 14 : i64} {
  func.func @_sc_agg_body(%arg0: i32, %arg1: i32, %arg2: memref<10000x128xf32, #tpu.memory_space<hbm>>, %arg3: memref<32x250x40xi32, #tpu.memory_space<hbm>>, %arg4: memref<32x250x40xi32, #tpu.memory_space<hbm>>, %arg5: memref<2x10000x128xf32, #tpu.memory_space<hbm>>, %arg6: memref<8x40xi32, #tpu.memory_space<vmem>>, %arg7: memref<8x40xi32, #tpu.memory_space<vmem>>, %arg8: memref<4x40x128xf32, #tpu.memory_space<vmem>>, %arg9: memref<16x128xf32, #tpu.memory_space<vmem>>, %arg10: memref<10000x128xf32, #tpu.memory_space<vmem_shared>>, %arg11: memref<!tpu.dma_semaphore, #tpu.memory_space<semaphore_mem>>, %arg12: memref<!tpu.dma_semaphore, #tpu.memory_space<semaphore_mem>>, %arg13: memref<!tpu.dma_semaphore, #tpu.memory_space<semaphore_mem>>, %arg14: memref<!tpu.dma_semaphore, #tpu.memory_space<semaphore_mem>>, %arg15: memref<!tpu.dma_semaphore, #tpu.memory_space<semaphore_mem>>, %arg16: memref<!tpu.dma_semaphore, #tpu.memory_space<semaphore_mem>>, %arg17: memref<!tpu.dma_semaphore, #tpu.memory_space<semaphore_mem>>, %arg18: memref<!tpu.dma_semaphore, #tpu.memory_space<semaphore_mem>>, %arg19: memref<!tpu.dma_semaphore, #tpu.memory_space<semaphore_mem>>, %arg20: memref<!tpu.dma_semaphore, #tpu.memory_space<semaphore_mem>>, %arg21: memref<!tpu.dma_semaphore, #tpu.memory_space<semaphore_mem>>, %arg22: memref<!tpu.dma_semaphore, #tpu.memory_space<semaphore_mem>>, %arg23: memref<!tpu.dma_semaphore, #tpu.memory_space<semaphore_mem>>, %arg24: memref<!tpu.dma_semaphore, #tpu.memory_space<semaphore_mem>>, %arg25: memref<!tpu.dma_semaphore, #tpu.memory_space<semaphore_mem>>, %arg26: memref<!tpu.dma_semaphore, #tpu.memory_space<semaphore_mem>>, %arg27: memref<!tpu.dma_semaphore, #tpu.memory_space<semaphore_mem>>, %arg28: memref<!tpu.dma_semaphore, #tpu.memory_space<semaphore_mem>>, %arg29: memref<!tpu.dma_semaphore, #tpu.memory_space<semaphore_mem>>, %arg30: memref<!tpu.dma_semaphore, #tpu.memory_space<semaphore_mem>>, %arg31: memref<!tpu.dma_semaphore, #tpu.memory_space<semaphore_mem>>, %arg32: memref<!tpu.dma_semaphore, #tpu.memory_space<semaphore_mem>>, %arg33: memref<!tpu.dma_semaphore, #tpu.memory_space<semaphore_mem>>, %arg34: memref<!tpu.dma_semaphore, #tpu.memory_space<semaphore_mem>>) attributes {dimension_semantics = [#tpu.dimension_semantics<core_parallel>, #tpu.dimension_semantics<subcore_parallel>], iteration_bounds = array<i64: 2, 16>, scalar_prefetch = 0 : i64, scratch_operands = 29 : i64, tpu.core_type = #tpu.core_type<sc_vector_subcore>, window_params = [{transform_indices = #map}, {transform_indices = #map1}, {transform_indices = #map1}, {transform_indices = #map1}]} {
    %mul3A = arith.constant 2 : i32
    %mul3A_0 = arith.muli %arg1, %mul3A : i32
    %add3A = arith.addi %mul3A_0, %arg0 : i32
    %mul3A_1 = arith.constant 624 : i32
    %mul3A_2 = arith.muli %arg1, %mul3A_1 : i32
    %eq3A = arith.constant 15 : i32
    %eq3A_3 = arith.cmpi eq, %arg1, %eq3A : i32
    %jit3A = arith.constant 40 : i32
    %jit3A_4 = arith.constant 39 : i32
    %select_n3A = arith.select %eq3A_3, %jit3A, %jit3A_4 : i32
    %broadcast_in_dim3A = arith.constant 0.000000e+00 : f32
    %broadcast_in_dim3A_5 = vector.broadcast %broadcast_in_dim3A : f32 to vector<16xf32>
    %scan3A = arith.constant 0 : i32
    %scan3A_6 = arith.constant 0 : i32
    %scan3A_7 = arith.constant 128 : i32
    %scan3A_8 = arith.addi %scan3A_6, %scan3A_7 : i32
    %scan3A_9 = arith.constant 1 : i32
    %scan3A_10 = scf.for %scan3A_250 = %scan3A_6 to %scan3A_8 step %scan3A_9 iter_args(%scan3A_251 = %scan3A) -> (i32)  : i32 {
      %jit3A_252 = arith.constant 8 : i32
      %div3A = arith.divsi %scan3A_250, %jit3A_252 : i32
      %sign3A = arith.constant 0 : i32
      %sign3A_253 = arith.cmpi sgt, %scan3A_250, %sign3A : i32
      %sign3A_254 = arith.extui %sign3A_253 : i1 to i32
      %sign3A_255 = arith.constant 0 : i32
      %sign3A_256 = arith.cmpi slt, %scan3A_250, %sign3A_255 : i32
      %sign3A_257 = arith.extui %sign3A_256 : i1 to i32
      %sign3A_258 = arith.subi %sign3A_254, %sign3A_257 : i32
      %sign3A_259 = arith.constant 0 : i32
      %sign3A_260 = arith.cmpi sgt, %jit3A_252, %sign3A_259 : i32
      %sign3A_261 = arith.extui %sign3A_260 : i1 to i32
      %sign3A_262 = arith.constant 0 : i32
      %sign3A_263 = arith.cmpi slt, %jit3A_252, %sign3A_262 : i32
      %sign3A_264 = arith.extui %sign3A_263 : i1 to i32
      %sign3A_265 = arith.subi %sign3A_261, %sign3A_264 : i32
      %ne3A = arith.cmpi ne, %sign3A_258, %sign3A_265 : i32
      %rem3A = arith.remsi %scan3A_250, %jit3A_252 : i32
      %ne3A_266 = arith.constant 0 : i32
      %ne3A_267 = arith.cmpi ne, %rem3A, %ne3A_266 : i32
      %and3A = arith.andi %ne3A, %ne3A_267 : i1
      %sub3A = arith.constant 1 : i32
      %sub3A_268 = arith.subi %div3A, %sub3A : i32
      %select_n3A_269 = arith.select %and3A, %sub3A_268, %div3A : i32
      %jit3A_270 = arith.constant 8 : i32
      %eq3A_271 = arith.constant 0 : i32
      %eq3A_272 = arith.cmpi eq, %jit3A_270, %eq3A_271 : i32
      %jit3A_273 = arith.constant 1 : i32
      %select_n3A_274 = arith.select %eq3A_272, %jit3A_273, %jit3A_270 : i32
      %rem3A_275 = arith.remsi %scan3A_250, %select_n3A_274 : i32
      %ne3A_276 = arith.constant 0 : i32
      %ne3A_277 = arith.cmpi ne, %rem3A_275, %ne3A_276 : i32
      %lt3A_278 = arith.constant 0 : i32
      %lt3A_279 = arith.cmpi slt, %rem3A_275, %lt3A_278 : i32
      %lt3A_280 = arith.constant 0 : i32
      %lt3A_281 = arith.cmpi slt, %select_n3A_274, %lt3A_280 : i32
      %ne3A_282 = arith.xori %lt3A_279, %lt3A_281 : i1
      %and3A_283 = arith.andi %ne3A_282, %ne3A_277 : i1
      %add3A_284 = arith.addi %rem3A_275, %select_n3A_274 : i32
      %select_n3A_285 = arith.select %and3A_283, %add3A_284, %rem3A_275 : i32
      %mul3A_286 = arith.constant 16 : i32
      %mul3A_287 = arith.muli %select_n3A_285, %mul3A_286 : i32
      %swap3A = arith.index_cast %select_n3A_269 : i32 to index
      %swap3A_288 = arith.index_cast %mul3A_287 : i32 to index
      %swap3A_289 = tpu.vector_load %arg9[%swap3A, %swap3A_288] {strides = array<i32>} : memref<16x128xf32, #tpu.memory_space<vmem>>, vector<1x16xf32>,
      %swap3A_290 = vector.shape_cast %swap3A_289 : vector<1x16xf32> to vector<16xf32>
      %swap3A_291 = vector.shape_cast %broadcast_in_dim3A_5 : vector<16xf32> to vector<1x16xf32>
      tpu.vector_store %arg9[%swap3A, %swap3A_288], %swap3A_291 {strides = array<i32>} : memref<16x128xf32, #tpu.memory_space<vmem>>, vector<1x16xf32>,
      %scan3A_292 = arith.constant 0 : i32
      scf.yield %scan3A_292 : i32
    }
    %scan3A_11 = arith.constant 128 : i32
    %while3A = arith.constant 0 : i32
    %while3A_12 = arith.constant 0 : i32
    %while3A_13 = arith.subi %select_n3A, %while3A : i32
    %while3A_14 = arith.addi %while3A, %while3A_13 : i32
    %while3A_15 = arith.constant 1 : i32
    %while3A_16 = arith.divsi %while3A_13, %while3A_15 : i32
    %while3A_17 = arith.muli %while3A_16, %while3A_15 : i32
    %while3A_18 = arith.addi %while3A, %while3A_17 : i32
    %while3A_19 = arith.constant 1 : i32
    %while3A_20 = scf.for %while3A_250 = %while3A to %while3A_18 step %while3A_19 iter_args(%while3A_251 = %while3A_12) -> (i32)  : i32 {
      %mul3A_252 = arith.constant 16 : i32
      %mul3A_253 = arith.muli %while3A_250, %mul3A_252 : i32
      %add3A_254 = arith.addi %mul3A_2, %mul3A_253 : i32
      "tpu.region"() ({
        %run_scoped3A = tpu.sem_alloc : memref<!tpu.dma_semaphore, #tpu.memory_space<semaphore_mem>>
        %dma_start3A_256 = arith.constant 0 : i32
        %dma_start3A_257 = tpu.memref_slice %arg10[%add3A_254, %dma_start3A_256] : memref<10000x128xf32, #tpu.memory_space<vmem_shared>> -> memref<16x128xf32, #tpu.memory_space<vmem_shared>>
        %dma_start3A_258 = arith.constant 0 : i32
        %dma_start3A_259 = tpu.memref_slice %arg10[%add3A_254, %dma_start3A_258] : memref<10000x128xf32, #tpu.memory_space<vmem_shared>> -> memref<16x128xf32, #tpu.memory_space<vmem_shared>>
        tpu.enqueue_dma source(%arg9 : memref<16x128xf32, #tpu.memory_space<vmem>>) target(%dma_start3A_259 : memref<16x128xf32, #tpu.memory_space<vmem_shared>>) target_semaphore(%run_scoped3A : memref<!tpu.dma_semaphore, #tpu.memory_space<semaphore_mem>>)
        %dma_wait3A_260 = arith.constant 0 : i32
        %dma_wait3A_261 = tpu.memref_slice %arg10[%add3A_254, %dma_wait3A_260] : memref<10000x128xf32, #tpu.memory_space<vmem_shared>> -> memref<16x128xf32, #tpu.memory_space<vmem_shared>>
        %dma_wait3A_262 = arith.constant 0 : i32
        %dma_wait3A_263 = tpu.memref_slice %arg10[%add3A_254, %dma_wait3A_262] : memref<10000x128xf32, #tpu.memory_space<vmem_shared>> -> memref<16x128xf32, #tpu.memory_space<vmem_shared>>
        tpu.wait_dma2 semaphore(%run_scoped3A : memref<!tpu.dma_semaphore, #tpu.memory_space<semaphore_mem>>) src(%arg9 : memref<16x128xf32, #tpu.memory_space<vmem>>) dst(%dma_wait3A_263 : memref<16x128xf32, #tpu.memory_space<vmem_shared>>)
        tpu.yield
      }) : () -> ()
      %while3A_255 = arith.constant 0 : i32
      scf.yield %while3A_255 : i32
    }
    %while3A_21 = arith.constant 1 : i32
    %while3A_22 = scf.for %while3A_250 = %while3A_18 to %while3A_14 step %while3A_21 iter_args(%while3A_251 = %while3A_20) -> (i32)  : i32 {
      %mul3A_252 = arith.constant 16 : i32
      %mul3A_253 = arith.muli %while3A_250, %mul3A_252 : i32
      %add3A_254 = arith.addi %mul3A_2, %mul3A_253 : i32
      "tpu.region"() ({
        %run_scoped3A = tpu.sem_alloc : memref<!tpu.dma_semaphore, #tpu.memory_space<semaphore_mem>>
        %dma_start3A_256 = arith.constant 0 : i32
        %dma_start3A_257 = tpu.memref_slice %arg10[%add3A_254, %dma_start3A_256] : memref<10000x128xf32, #tpu.memory_space<vmem_shared>> -> memref<16x128xf32, #tpu.memory_space<vmem_shared>>
        %dma_start3A_258 = arith.constant 0 : i32
        %dma_start3A_259 = tpu.memref_slice %arg10[%add3A_254, %dma_start3A_258] : memref<10000x128xf32, #tpu.memory_space<vmem_shared>> -> memref<16x128xf32, #tpu.memory_space<vmem_shared>>
        tpu.enqueue_dma source(%arg9 : memref<16x128xf32, #tpu.memory_space<vmem>>) target(%dma_start3A_259 : memref<16x128xf32, #tpu.memory_space<vmem_shared>>) target_semaphore(%run_scoped3A : memref<!tpu.dma_semaphore, #tpu.memory_space<semaphore_mem>>)
        %dma_wait3A_260 = arith.constant 0 : i32
        %dma_wait3A_261 = tpu.memref_slice %arg10[%add3A_254, %dma_wait3A_260] : memref<10000x128xf32, #tpu.memory_space<vmem_shared>> -> memref<16x128xf32, #tpu.memory_space<vmem_shared>>
        %dma_wait3A_262 = arith.constant 0 : i32
        %dma_wait3A_263 = tpu.memref_slice %arg10[%add3A_254, %dma_wait3A_262] : memref<10000x128xf32, #tpu.memory_space<vmem_shared>> -> memref<16x128xf32, #tpu.memory_space<vmem_shared>>
        tpu.wait_dma2 semaphore(%run_scoped3A : memref<!tpu.dma_semaphore, #tpu.memory_space<semaphore_mem>>) src(%arg9 : memref<16x128xf32, #tpu.memory_space<vmem>>) dst(%dma_wait3A_263 : memref<16x128xf32, #tpu.memory_space<vmem_shared>>)
        tpu.yield
      }) : () -> ()
      %while3A_255 = arith.constant 0 : i32
      scf.yield %while3A_255 : i32
    }
    %barrier3A = arith.constant 0 : index
    tpu.barrier barrier_id(%barrier3A)
    %dma_start3A = arith.constant 0 : i32
    %dma_start3A_23 = arith.constant 0 : i32
    %dma_start3A_24 = arith.constant 0 : i32
    %dma_start3A_25 = tpu.memref_slice %arg6[%dma_start3A_23, %dma_start3A_24] : memref<8x40xi32, #tpu.memory_space<vmem>> -> memref<1x40xi32, #tpu.memory_space<vmem>>
    %dma_start3A_26 = tpu.memref_squeeze %dma_start3A_25 : memref<1x40xi32, #tpu.memory_space<vmem>> -> memref<40xi32, #tpu.memory_space<vmem>>
    %dma_start3A_27 = arith.constant 0 : i32
    %dma_start3A_28 = tpu.memref_slice %arg3[%add3A, %dma_start3A, %dma_start3A_27] : memref<32x250x40xi32, #tpu.memory_space<hbm>> -> memref<1x1x40xi32, #tpu.memory_space<hbm>>
    %dma_start3A_29 = tpu.memref_squeeze %dma_start3A_28 : memref<1x1x40xi32, #tpu.memory_space<hbm>> -> memref<40xi32, #tpu.memory_space<hbm>>
    %dma_start3A_30 = arith.constant 0 : i32
    %dma_start3A_31 = tpu.memref_slice %arg6[%dma_start3A_23, %dma_start3A_30] : memref<8x40xi32, #tpu.memory_space<vmem>> -> memref<1x40xi32, #tpu.memory_space<vmem>>
    %dma_start3A_32 = tpu.memref_squeeze %dma_start3A_31 : memref<1x40xi32, #tpu.memory_space<vmem>> -> memref<40xi32, #tpu.memory_space<vmem>>
    %dma_start3A_33 = arith.constant 0 : i32
    %dma_start3A_34 = tpu.memref_slice %arg3[%add3A, %dma_start3A, %dma_start3A_33] : memref<32x250x40xi32, #tpu.memory_space<hbm>> -> memref<1x1x40xi32, #tpu.memory_space<hbm>>
    %dma_start3A_35 = tpu.memref_squeeze %dma_start3A_34 : memref<1x1x40xi32, #tpu.memory_space<hbm>> -> memref<40xi32, #tpu.memory_space<hbm>>
    tpu.enqueue_dma source(%dma_start3A_35 : memref<40xi32, #tpu.memory_space<hbm>>) target(%dma_start3A_32 : memref<40xi32, #tpu.memory_space<vmem>>) target_semaphore(%arg11 : memref<!tpu.dma_semaphore, #tpu.memory_space<semaphore_mem>>)
    %dma_start3A_36 = arith.constant 0 : i32
    %dma_start3A_37 = arith.constant 0 : i32
    %dma_start3A_38 = arith.constant 0 : i32
    %dma_start3A_39 = tpu.memref_slice %arg7[%dma_start3A_37, %dma_start3A_38] : memref<8x40xi32, #tpu.memory_space<vmem>> -> memref<1x40xi32, #tpu.memory_space<vmem>>
    %dma_start3A_40 = tpu.memref_squeeze %dma_start3A_39 : memref<1x40xi32, #tpu.memory_space<vmem>> -> memref<40xi32, #tpu.memory_space<vmem>>
    %dma_start3A_41 = arith.constant 0 : i32
    %dma_start3A_42 = tpu.memref_slice %arg4[%add3A, %dma_start3A_36, %dma_start3A_41] : memref<32x250x40xi32, #tpu.memory_space<hbm>> -> memref<1x1x40xi32, #tpu.memory_space<hbm>>
    %dma_start3A_43 = tpu.memref_squeeze %dma_start3A_42 : memref<1x1x40xi32, #tpu.memory_space<hbm>> -> memref<40xi32, #tpu.memory_space<hbm>>
    %dma_start3A_44 = arith.constant 0 : i32
    %dma_start3A_45 = tpu.memref_slice %arg7[%dma_start3A_37, %dma_start3A_44] : memref<8x40xi32, #tpu.memory_space<vmem>> -> memref<1x40xi32, #tpu.memory_space<vmem>>
    %dma_start3A_46 = tpu.memref_squeeze %dma_start3A_45 : memref<1x40xi32, #tpu.memory_space<vmem>> -> memref<40xi32, #tpu.memory_space<vmem>>
    %dma_start3A_47 = arith.constant 0 : i32
    %dma_start3A_48 = tpu.memref_slice %arg4[%add3A, %dma_start3A_36, %dma_start3A_47] : memref<32x250x40xi32, #tpu.memory_space<hbm>> -> memref<1x1x40xi32, #tpu.memory_space<hbm>>
    %dma_start3A_49 = tpu.memref_squeeze %dma_start3A_48 : memref<1x1x40xi32, #tpu.memory_space<hbm>> -> memref<40xi32, #tpu.memory_space<hbm>>
    tpu.enqueue_dma source(%dma_start3A_49 : memref<40xi32, #tpu.memory_space<hbm>>) target(%dma_start3A_46 : memref<40xi32, #tpu.memory_space<vmem>>) target_semaphore(%arg19 : memref<!tpu.dma_semaphore, #tpu.memory_space<semaphore_mem>>)
    %dma_start3A_50 = arith.constant 1 : i32
    %dma_start3A_51 = arith.constant 1 : i32
    %dma_start3A_52 = arith.constant 0 : i32
    %dma_start3A_53 = tpu.memref_slice %arg6[%dma_start3A_51, %dma_start3A_52] : memref<8x40xi32, #tpu.memory_space<vmem>> -> memref<1x40xi32, #tpu.memory_space<vmem>>
    %dma_start3A_54 = tpu.memref_squeeze %dma_start3A_53 : memref<1x40xi32, #tpu.memory_space<vmem>> -> memref<40xi32, #tpu.memory_space<vmem>>
    %dma_start3A_55 = arith.constant 0 : i32
    %dma_start3A_56 = tpu.memref_slice %arg3[%add3A, %dma_start3A_50, %dma_start3A_55] : memref<32x250x40xi32, #tpu.memory_space<hbm>> -> memref<1x1x40xi32, #tpu.memory_space<hbm>>
    %dma_start3A_57 = tpu.memref_squeeze %dma_start3A_56 : memref<1x1x40xi32, #tpu.memory_space<hbm>> -> memref<40xi32, #tpu.memory_space<hbm>>
    %dma_start3A_58 = arith.constant 0 : i32
    %dma_start3A_59 = tpu.memref_slice %arg6[%dma_start3A_51, %dma_start3A_58] : memref<8x40xi32, #tpu.memory_space<vmem>> -> memref<1x40xi32, #tpu.memory_space<vmem>>
    %dma_start3A_60 = tpu.memref_squeeze %dma_start3A_59 : memref<1x40xi32, #tpu.memory_space<vmem>> -> memref<40xi32, #tpu.memory_space<vmem>>
    %dma_start3A_61 = arith.constant 0 : i32
    %dma_start3A_62 = tpu.memref_slice %arg3[%add3A, %dma_start3A_50, %dma_start3A_61] : memref<32x250x40xi32, #tpu.memory_space<hbm>> -> memref<1x1x40xi32, #tpu.memory_space<hbm>>
    %dma_start3A_63 = tpu.memref_squeeze %dma_start3A_62 : memref<1x1x40xi32, #tpu.memory_space<hbm>> -> memref<40xi32, #tpu.memory_space<hbm>>
    tpu.enqueue_dma source(%dma_start3A_63 : memref<40xi32, #tpu.memory_space<hbm>>) target(%dma_start3A_60 : memref<40xi32, #tpu.memory_space<vmem>>) target_semaphore(%arg12 : memref<!tpu.dma_semaphore, #tpu.memory_space<semaphore_mem>>)
    %dma_start3A_64 = arith.constant 1 : i32
    %dma_start3A_65 = arith.constant 1 : i32
    %dma_start3A_66 = arith.constant 0 : i32
    %dma_start3A_67 = tpu.memref_slice %arg7[%dma_start3A_65, %dma_start3A_66] : memref<8x40xi32, #tpu.memory_space<vmem>> -> memref<1x40xi32, #tpu.memory_space<vmem>>
    %dma_start3A_68 = tpu.memref_squeeze %dma_start3A_67 : memref<1x40xi32, #tpu.memory_space<vmem>> -> memref<40xi32, #tpu.memory_space<vmem>>
    %dma_start3A_69 = arith.constant 0 : i32
    %dma_start3A_70 = tpu.memref_slice %arg4[%add3A, %dma_start3A_64, %dma_start3A_69] : memref<32x250x40xi32, #tpu.memory_space<hbm>> -> memref<1x1x40xi32, #tpu.memory_space<hbm>>
    %dma_start3A_71 = tpu.memref_squeeze %dma_start3A_70 : memref<1x1x40xi32, #tpu.memory_space<hbm>> -> memref<40xi32, #tpu.memory_space<hbm>>
    %dma_start3A_72 = arith.constant 0 : i32
    %dma_start3A_73 = tpu.memref_slice %arg7[%dma_start3A_65, %dma_start3A_72] : memref<8x40xi32, #tpu.memory_space<vmem>> -> memref<1x40xi32, #tpu.memory_space<vmem>>
    %dma_start3A_74 = tpu.memref_squeeze %dma_start3A_73 : memref<1x40xi32, #tpu.memory_space<vmem>> -> memref<40xi32, #tpu.memory_space<vmem>>
    %dma_start3A_75 = arith.constant 0 : i32
    %dma_start3A_76 = tpu.memref_slice %arg4[%add3A, %dma_start3A_64, %dma_start3A_75] : memref<32x250x40xi32, #tpu.memory_space<hbm>> -> memref<1x1x40xi32, #tpu.memory_space<hbm>>
    %dma_start3A_77 = tpu.memref_squeeze %dma_start3A_76 : memref<1x1x40xi32, #tpu.memory_space<hbm>> -> memref<40xi32, #tpu.memory_space<hbm>>
    tpu.enqueue_dma source(%dma_start3A_77 : memref<40xi32, #tpu.memory_space<hbm>>) target(%dma_start3A_74 : memref<40xi32, #tpu.memory_space<vmem>>) target_semaphore(%arg20 : memref<!tpu.dma_semaphore, #tpu.memory_space<semaphore_mem>>)
    %dma_start3A_78 = arith.constant 2 : i32
    %dma_start3A_79 = arith.constant 2 : i32
    %dma_start3A_80 = arith.constant 0 : i32
    %dma_start3A_81 = tpu.memref_slice %arg6[%dma_start3A_79, %dma_start3A_80] : memref<8x40xi32, #tpu.memory_space<vmem>> -> memref<1x40xi32, #tpu.memory_space<vmem>>
    %dma_start3A_82 = tpu.memref_squeeze %dma_start3A_81 : memref<1x40xi32, #tpu.memory_space<vmem>> -> memref<40xi32, #tpu.memory_space<vmem>>
    %dma_start3A_83 = arith.constant 0 : i32
    %dma_start3A_84 = tpu.memref_slice %arg3[%add3A, %dma_start3A_78, %dma_start3A_83] : memref<32x250x40xi32, #tpu.memory_space<hbm>> -> memref<1x1x40xi32, #tpu.memory_space<hbm>>
    %dma_start3A_85 = tpu.memref_squeeze %dma_start3A_84 : memref<1x1x40xi32, #tpu.memory_space<hbm>> -> memref<40xi32, #tpu.memory_space<hbm>>
    %dma_start3A_86 = arith.constant 0 : i32
    %dma_start3A_87 = tpu.memref_slice %arg6[%dma_start3A_79, %dma_start3A_86] : memref<8x40xi32, #tpu.memory_space<vmem>> -> memref<1x40xi32, #tpu.memory_space<vmem>>
    %dma_start3A_88 = tpu.memref_squeeze %dma_start3A_87 : memref<1x40xi32, #tpu.memory_space<vmem>> -> memref<40xi32, #tpu.memory_space<vmem>>
    %dma_start3A_89 = arith.constant 0 : i32
    %dma_start3A_90 = tpu.memref_slice %arg3[%add3A, %dma_start3A_78, %dma_start3A_89] : memref<32x250x40xi32, #tpu.memory_space<hbm>> -> memref<1x1x40xi32, #tpu.memory_space<hbm>>
    %dma_start3A_91 = tpu.memref_squeeze %dma_start3A_90 : memref<1x1x40xi32, #tpu.memory_space<hbm>> -> memref<40xi32, #tpu.memory_space<hbm>>
    tpu.enqueue_dma source(%dma_start3A_91 : memref<40xi32, #tpu.memory_space<hbm>>) target(%dma_start3A_88 : memref<40xi32, #tpu.memory_space<vmem>>) target_semaphore(%arg13 : memref<!tpu.dma_semaphore, #tpu.memory_space<semaphore_mem>>)
    %dma_start3A_92 = arith.constant 2 : i32
    %dma_start3A_93 = arith.constant 2 : i32
    %dma_start3A_94 = arith.constant 0 : i32
    %dma_start3A_95 = tpu.memref_slice %arg7[%dma_start3A_93, %dma_start3A_94] : memref<8x40xi32, #tpu.memory_space<vmem>> -> memref<1x40xi32, #tpu.memory_space<vmem>>
    %dma_start3A_96 = tpu.memref_squeeze %dma_start3A_95 : memref<1x40xi32, #tpu.memory_space<vmem>> -> memref<40xi32, #tpu.memory_space<vmem>>
    %dma_start3A_97 = arith.constant 0 : i32
    %dma_start3A_98 = tpu.memref_slice %arg4[%add3A, %dma_start3A_92, %dma_start3A_97] : memref<32x250x40xi32, #tpu.memory_space<hbm>> -> memref<1x1x40xi32, #tpu.memory_space<hbm>>
    %dma_start3A_99 = tpu.memref_squeeze %dma_start3A_98 : memref<1x1x40xi32, #tpu.memory_space<hbm>> -> memref<40xi32, #tpu.memory_space<hbm>>
    %dma_start3A_100 = arith.constant 0 : i32
    %dma_start3A_101 = tpu.memref_slice %arg7[%dma_start3A_93, %dma_start3A_100] : memref<8x40xi32, #tpu.memory_space<vmem>> -> memref<1x40xi32, #tpu.memory_space<vmem>>
    %dma_start3A_102 = tpu.memref_squeeze %dma_start3A_101 : memref<1x40xi32, #tpu.memory_space<vmem>> -> memref<40xi32, #tpu.memory_space<vmem>>
    %dma_start3A_103 = arith.constant 0 : i32
    %dma_start3A_104 = tpu.memref_slice %arg4[%add3A, %dma_start3A_92, %dma_start3A_103] : memref<32x250x40xi32, #tpu.memory_space<hbm>> -> memref<1x1x40xi32, #tpu.memory_space<hbm>>
    %dma_start3A_105 = tpu.memref_squeeze %dma_start3A_104 : memref<1x1x40xi32, #tpu.memory_space<hbm>> -> memref<40xi32, #tpu.memory_space<hbm>>
    tpu.enqueue_dma source(%dma_start3A_105 : memref<40xi32, #tpu.memory_space<hbm>>) target(%dma_start3A_102 : memref<40xi32, #tpu.memory_space<vmem>>) target_semaphore(%arg21 : memref<!tpu.dma_semaphore, #tpu.memory_space<semaphore_mem>>)
    %dma_start3A_106 = arith.constant 3 : i32
    %dma_start3A_107 = arith.constant 3 : i32
    %dma_start3A_108 = arith.constant 0 : i32
    %dma_start3A_109 = tpu.memref_slice %arg6[%dma_start3A_107, %dma_start3A_108] : memref<8x40xi32, #tpu.memory_space<vmem>> -> memref<1x40xi32, #tpu.memory_space<vmem>>
    %dma_start3A_110 = tpu.memref_squeeze %dma_start3A_109 : memref<1x40xi32, #tpu.memory_space<vmem>> -> memref<40xi32, #tpu.memory_space<vmem>>
    %dma_start3A_111 = arith.constant 0 : i32
    %dma_start3A_112 = tpu.memref_slice %arg3[%add3A, %dma_start3A_106, %dma_start3A_111] : memref<32x250x40xi32, #tpu.memory_space<hbm>> -> memref<1x1x40xi32, #tpu.memory_space<hbm>>
    %dma_start3A_113 = tpu.memref_squeeze %dma_start3A_112 : memref<1x1x40xi32, #tpu.memory_space<hbm>> -> memref<40xi32, #tpu.memory_space<hbm>>
    %dma_start3A_114 = arith.constant 0 : i32
    %dma_start3A_115 = tpu.memref_slice %arg6[%dma_start3A_107, %dma_start3A_114] : memref<8x40xi32, #tpu.memory_space<vmem>> -> memref<1x40xi32, #tpu.memory_space<vmem>>
    %dma_start3A_116 = tpu.memref_squeeze %dma_start3A_115 : memref<1x40xi32, #tpu.memory_space<vmem>> -> memref<40xi32, #tpu.memory_space<vmem>>
    %dma_start3A_117 = arith.constant 0 : i32
    %dma_start3A_118 = tpu.memref_slice %arg3[%add3A, %dma_start3A_106, %dma_start3A_117] : memref<32x250x40xi32, #tpu.memory_space<hbm>> -> memref<1x1x40xi32, #tpu.memory_space<hbm>>
    %dma_start3A_119 = tpu.memref_squeeze %dma_start3A_118 : memref<1x1x40xi32, #tpu.memory_space<hbm>> -> memref<40xi32, #tpu.memory_space<hbm>>
    tpu.enqueue_dma source(%dma_start3A_119 : memref<40xi32, #tpu.memory_space<hbm>>) target(%dma_start3A_116 : memref<40xi32, #tpu.memory_space<vmem>>) target_semaphore(%arg14 : memref<!tpu.dma_semaphore, #tpu.memory_space<semaphore_mem>>)
    %dma_start3A_120 = arith.constant 3 : i32
    %dma_start3A_121 = arith.constant 3 : i32
    %dma_start3A_122 = arith.constant 0 : i32
    %dma_start3A_123 = tpu.memref_slice %arg7[%dma_start3A_121, %dma_start3A_122] : memref<8x40xi32, #tpu.memory_space<vmem>> -> memref<1x40xi32, #tpu.memory_space<vmem>>
    %dma_start3A_124 = tpu.memref_squeeze %dma_start3A_123 : memref<1x40xi32, #tpu.memory_space<vmem>> -> memref<40xi32, #tpu.memory_space<vmem>>
    %dma_start3A_125 = arith.constant 0 : i32
    %dma_start3A_126 = tpu.memref_slice %arg4[%add3A, %dma_start3A_120, %dma_start3A_125] : memref<32x250x40xi32, #tpu.memory_space<hbm>> -> memref<1x1x40xi32, #tpu.memory_space<hbm>>
    %dma_start3A_127 = tpu.memref_squeeze %dma_start3A_126 : memref<1x1x40xi32, #tpu.memory_space<hbm>> -> memref<40xi32, #tpu.memory_space<hbm>>
    %dma_start3A_128 = arith.constant 0 : i32
    %dma_start3A_129 = tpu.memref_slice %arg7[%dma_start3A_121, %dma_start3A_128] : memref<8x40xi32, #tpu.memory_space<vmem>> -> memref<1x40xi32, #tpu.memory_space<vmem>>
    %dma_start3A_130 = tpu.memref_squeeze %dma_start3A_129 : memref<1x40xi32, #tpu.memory_space<vmem>> -> memref<40xi32, #tpu.memory_space<vmem>>
    %dma_start3A_131 = arith.constant 0 : i32
    %dma_start3A_132 = tpu.memref_slice %arg4[%add3A, %dma_start3A_120, %dma_start3A_131] : memref<32x250x40xi32, #tpu.memory_space<hbm>> -> memref<1x1x40xi32, #tpu.memory_space<hbm>>
    %dma_start3A_133 = tpu.memref_squeeze %dma_start3A_132 : memref<1x1x40xi32, #tpu.memory_space<hbm>> -> memref<40xi32, #tpu.memory_space<hbm>>
    tpu.enqueue_dma source(%dma_start3A_133 : memref<40xi32, #tpu.memory_space<hbm>>) target(%dma_start3A_130 : memref<40xi32, #tpu.memory_space<vmem>>) target_semaphore(%arg22 : memref<!tpu.dma_semaphore, #tpu.memory_space<semaphore_mem>>)
    %dma_wait3A = arith.constant 0 : i32
    %dma_wait3A_134 = arith.constant 0 : i32
    %dma_wait3A_135 = arith.constant 0 : i32
    %dma_wait3A_136 = tpu.memref_slice %arg6[%dma_wait3A_134, %dma_wait3A_135] : memref<8x40xi32, #tpu.memory_space<vmem>> -> memref<1x40xi32, #tpu.memory_space<vmem>>
    %dma_wait3A_137 = tpu.memref_squeeze %dma_wait3A_136 : memref<1x40xi32, #tpu.memory_space<vmem>> -> memref<40xi32, #tpu.memory_space<vmem>>
    %dma_wait3A_138 = arith.constant 0 : i32
    %dma_wait3A_139 = tpu.memref_slice %arg3[%add3A, %dma_wait3A, %dma_wait3A_138] : memref<32x250x40xi32, #tpu.memory_space<hbm>> -> memref<1x1x40xi32, #tpu.memory_space<hbm>>
    %dma_wait3A_140 = tpu.memref_squeeze %dma_wait3A_139 : memref<1x1x40xi32, #tpu.memory_space<hbm>> -> memref<40xi32, #tpu.memory_space<hbm>>
    %dma_wait3A_141 = arith.constant 0 : i32
    %dma_wait3A_142 = tpu.memref_slice %arg6[%dma_wait3A_134, %dma_wait3A_141] : memref<8x40xi32, #tpu.memory_space<vmem>> -> memref<1x40xi32, #tpu.memory_space<vmem>>
    %dma_wait3A_143 = tpu.memref_squeeze %dma_wait3A_142 : memref<1x40xi32, #tpu.memory_space<vmem>> -> memref<40xi32, #tpu.memory_space<vmem>>
    %dma_wait3A_144 = arith.constant 0 : i32
    %dma_wait3A_145 = tpu.memref_slice %arg3[%add3A, %dma_wait3A, %dma_wait3A_144] : memref<32x250x40xi32, #tpu.memory_space<hbm>> -> memref<1x1x40xi32, #tpu.memory_space<hbm>>
    %dma_wait3A_146 = tpu.memref_squeeze %dma_wait3A_145 : memref<1x1x40xi32, #tpu.memory_space<hbm>> -> memref<40xi32, #tpu.memory_space<hbm>>
    tpu.wait_dma2 semaphore(%arg11 : memref<!tpu.dma_semaphore, #tpu.memory_space<semaphore_mem>>) src(%dma_wait3A_146 : memref<40xi32, #tpu.memory_space<hbm>>) dst(%dma_wait3A_143 : memref<40xi32, #tpu.memory_space<vmem>>)
    %dma_start3A_147 = arith.constant 0 : i32
    %dma_start3A_148 = arith.constant 0 : i32
    %dma_start3A_149 = arith.constant 0 : i32
    %dma_start3A_150 = arith.constant 0 : i32
    %dma_start3A_151 = tpu.memref_slice %arg8[%dma_start3A_148, %dma_start3A_149, %dma_start3A_150] : memref<4x40x128xf32, #tpu.memory_space<vmem>> -> memref<1x40x128xf32, #tpu.memory_space<vmem>>
    %dma_start3A_152 = tpu.memref_squeeze %dma_start3A_151 : memref<1x40x128xf32, #tpu.memory_space<vmem>> -> memref<40x128xf32, #tpu.memory_space<vmem>>
    %dma_start3A_153 = arith.constant 0 : i32
    %dma_start3A_154 = tpu.memref_slice %arg6[%dma_start3A_147, %dma_start3A_153] : memref<8x40xi32, #tpu.memory_space<vmem>> -> memref<1x40xi32, #tpu.memory_space<vmem>>
    %dma_start3A_155 = tpu.memref_squeeze %dma_start3A_154 : memref<1x40xi32, #tpu.memory_space<vmem>> -> memref<40xi32, #tpu.memory_space<vmem>>
    %dma_start3A_156 = arith.constant 0 : i32
    %dma_start3A_157 = arith.constant 0 : i32
    %dma_start3A_158 = tpu.memref_slice %arg2[%dma_start3A_156, %dma_start3A_157] : memref<10000x128xf32, #tpu.memory_space<hbm>> -> memref<10000x128xf32, #tpu.memory_space<hbm>>
    tpu.enqueue_indirect_dma source(%dma_start3A_158 : memref<10000x128xf32, #tpu.memory_space<hbm>>) target(%dma_start3A_152 : memref<40x128xf32, #tpu.memory_space<vmem>>) offsets(%dma_start3A_155 : memref<40xi32, #tpu.memory_space<vmem>>) semaphore(%arg27 : memref<!tpu.dma_semaphore, #tpu.memory_space<semaphore_mem>>)
    %dma_wait3A_159 = arith.constant 1 : i32
    %dma_wait3A_160 = arith.constant 1 : i32
    %dma_wait3A_161 = arith.constant 0 : i32
    %dma_wait3A_162 = tpu.memref_slice %arg6[%dma_wait3A_160, %dma_wait3A_161] : memref<8x40xi32, #tpu.memory_space<vmem>> -> memref<1x40xi32, #tpu.memory_space<vmem>>
    %dma_wait3A_163 = tpu.memref_squeeze %dma_wait3A_162 : memref<1x40xi32, #tpu.memory_space<vmem>> -> memref<40xi32, #tpu.memory_space<vmem>>
    %dma_wait3A_164 = arith.constant 0 : i32
    %dma_wait3A_165 = tpu.memref_slice %arg3[%add3A, %dma_wait3A_159, %dma_wait3A_164] : memref<32x250x40xi32, #tpu.memory_space<hbm>> -> memref<1x1x40xi32, #tpu.memory_space<hbm>>
    %dma_wait3A_166 = tpu.memref_squeeze %dma_wait3A_165 : memref<1x1x40xi32, #tpu.memory_space<hbm>> -> memref<40xi32, #tpu.memory_space<hbm>>
    %dma_wait3A_167 = arith.constant 0 : i32
    %dma_wait3A_168 = tpu.memref_slice %arg6[%dma_wait3A_160, %dma_wait3A_167] : memref<8x40xi32, #tpu.memory_space<vmem>> -> memref<1x40xi32, #tpu.memory_space<vmem>>
    %dma_wait3A_169 = tpu.memref_squeeze %dma_wait3A_168 : memref<1x40xi32, #tpu.memory_space<vmem>> -> memref<40xi32, #tpu.memory_space<vmem>>
    %dma_wait3A_170 = arith.constant 0 : i32
    %dma_wait3A_171 = tpu.memref_slice %arg3[%add3A, %dma_wait3A_159, %dma_wait3A_170] : memref<32x250x40xi32, #tpu.memory_space<hbm>> -> memref<1x1x40xi32, #tpu.memory_space<hbm>>
    %dma_wait3A_172 = tpu.memref_squeeze %dma_wait3A_171 : memref<1x1x40xi32, #tpu.memory_space<hbm>> -> memref<40xi32, #tpu.memory_space<hbm>>
    tpu.wait_dma2 semaphore(%arg12 : memref<!tpu.dma_semaphore, #tpu.memory_space<semaphore_mem>>) src(%dma_wait3A_172 : memref<40xi32, #tpu.memory_space<hbm>>) dst(%dma_wait3A_169 : memref<40xi32, #tpu.memory_space<vmem>>)
    %dma_start3A_173 = arith.constant 1 : i32
    %dma_start3A_174 = arith.constant 1 : i32
    %dma_start3A_175 = arith.constant 0 : i32
    %dma_start3A_176 = arith.constant 0 : i32
    %dma_start3A_177 = tpu.memref_slice %arg8[%dma_start3A_174, %dma_start3A_175, %dma_start3A_176] : memref<4x40x128xf32, #tpu.memory_space<vmem>> -> memref<1x40x128xf32, #tpu.memory_space<vmem>>
    %dma_start3A_178 = tpu.memref_squeeze %dma_start3A_177 : memref<1x40x128xf32, #tpu.memory_space<vmem>> -> memref<40x128xf32, #tpu.memory_space<vmem>>
    %dma_start3A_179 = arith.constant 0 : i32
    %dma_start3A_180 = tpu.memref_slice %arg6[%dma_start3A_173, %dma_start3A_179] : memref<8x40xi32, #tpu.memory_space<vmem>> -> memref<1x40xi32, #tpu.memory_space<vmem>>
    %dma_start3A_181 = tpu.memref_squeeze %dma_start3A_180 : memref<1x40xi32, #tpu.memory_space<vmem>> -> memref<40xi32, #tpu.memory_space<vmem>>
    %dma_start3A_182 = arith.constant 0 : i32
    %dma_start3A_183 = arith.constant 0 : i32
    %dma_start3A_184 = tpu.memref_slice %arg2[%dma_start3A_182, %dma_start3A_183] : memref<10000x128xf32, #tpu.memory_space<hbm>> -> memref<10000x128xf32, #tpu.memory_space<hbm>>
    tpu.enqueue_indirect_dma source(%dma_start3A_184 : memref<10000x128xf32, #tpu.memory_space<hbm>>) target(%dma_start3A_178 : memref<40x128xf32, #tpu.memory_space<vmem>>) offsets(%dma_start3A_181 : memref<40xi32, #tpu.memory_space<vmem>>) semaphore(%arg28 : memref<!tpu.dma_semaphore, #tpu.memory_space<semaphore_mem>>)
    %scan3A_185 = arith.constant 0 : i32
    %scan3A_186 = arith.constant 0 : i32
    %scan3A_187 = arith.constant 32 : i32
    %scan3A_188 = arith.addi %scan3A_186, %scan3A_187 : i32
    %scan3A_189 = arith.constant 1 : i32
    %scan3A_190 = scf.for %scan3A_250 = %scan3A_186 to %scan3A_188 step %scan3A_189 iter_args(%scan3A_251 = %scan3A_185) -> (i32)  : i32 {
      %mul3A_252 = arith.constant 8 : i32
      %mul3A_253 = arith.muli %mul3A_252, %scan3A_250 : i32
      %add3A_254 = arith.constant 0 : i32
      %add3A_255 = arith.addi %mul3A_253, %add3A_254 : i32
      %lt3A_256 = arith.constant 250 : i32
      %lt3A_257 = arith.cmpi slt, %add3A_255, %lt3A_256 : i32
      %convert_element_type3A_258 = arith.extui %lt3A_257 : i1 to i32
      %cond3A_259 = arith.constant 0 : i32
      %cond3A_260 = arith.cmpi ne, %convert_element_type3A_258, %cond3A_259 : i32
      scf.if %cond3A_260 {
        %add3A_325 = arith.constant 2 : i32
        %add3A_326 = arith.addi %add3A_255, %add3A_325 : i32
        %lt3A_327 = arith.constant 250 : i32
        %lt3A_328 = arith.cmpi slt, %add3A_326, %lt3A_327 : i32
        %convert_element_type3A_329 = arith.extui %lt3A_328 : i1 to i32
        %cond3A_330 = arith.constant 0 : i32
        %cond3A_331 = arith.cmpi ne, %convert_element_type3A_329, %cond3A_330 : i32
        scf.if %cond3A_331 {
          %add3A_376 = arith.constant 2 : i32
          %add3A_377 = arith.addi %add3A_255, %add3A_376 : i32
          %dma_wait3A_378 = arith.constant 2 : i32
          %dma_wait3A_379 = arith.constant 0 : i32
          %dma_wait3A_380 = tpu.memref_slice %arg6[%dma_wait3A_378, %dma_wait3A_379] : memref<8x40xi32, #tpu.memory_space<vmem>> -> memref<1x40xi32, #tpu.memory_space<vmem>>
          %dma_wait3A_381 = tpu.memref_squeeze %dma_wait3A_380 : memref<1x40xi32, #tpu.memory_space<vmem>> -> memref<40xi32, #tpu.memory_space<vmem>>
          %dma_wait3A_382 = arith.constant 0 : i32
          %dma_wait3A_383 = tpu.memref_slice %arg3[%add3A, %add3A_377, %dma_wait3A_382] : memref<32x250x40xi32, #tpu.memory_space<hbm>> -> memref<1x1x40xi32, #tpu.memory_space<hbm>>
          %dma_wait3A_384 = tpu.memref_squeeze %dma_wait3A_383 : memref<1x1x40xi32, #tpu.memory_space<hbm>> -> memref<40xi32, #tpu.memory_space<hbm>>
          %dma_wait3A_385 = arith.constant 0 : i32
          %dma_wait3A_386 = tpu.memref_slice %arg6[%dma_wait3A_378, %dma_wait3A_385] : memref<8x40xi32, #tpu.memory_space<vmem>> -> memref<1x40xi32, #tpu.memory_space<vmem>>
          %dma_wait3A_387 = tpu.memref_squeeze %dma_wait3A_386 : memref<1x40xi32, #tpu.memory_space<vmem>> -> memref<40xi32, #tpu.memory_space<vmem>>
          %dma_wait3A_388 = arith.constant 0 : i32
          %dma_wait3A_389 = tpu.memref_slice %arg3[%add3A, %add3A_377, %dma_wait3A_388] : memref<32x250x40xi32, #tpu.memory_space<hbm>> -> memref<1x1x40xi32, #tpu.memory_space<hbm>>
          %dma_wait3A_390 = tpu.memref_squeeze %dma_wait3A_389 : memref<1x1x40xi32, #tpu.memory_space<hbm>> -> memref<40xi32, #tpu.memory_space<hbm>>
          tpu.wait_dma2 semaphore(%arg13 : memref<!tpu.dma_semaphore, #tpu.memory_space<semaphore_mem>>) src(%dma_wait3A_390 : memref<40xi32, #tpu.memory_space<hbm>>) dst(%dma_wait3A_387 : memref<40xi32, #tpu.memory_space<vmem>>)
          %ge3A = arith.constant 2 : i32
          %ge3A_391 = arith.cmpi sge, %add3A_255, %ge3A : i32
          %convert_element_type3A_392 = arith.extui %ge3A_391 : i1 to i32
          %cond3A_393 = arith.constant 0 : i32
          %cond3A_394 = arith.cmpi ne, %convert_element_type3A_392, %cond3A_393 : i32
          scf.if %cond3A_394 {
            %dma_wait3A_407 = arith.constant 2 : i32
            %dma_wait3A_408 = arith.constant 6 : i32
            %dma_wait3A_409 = arith.constant 0 : i32
            %dma_wait3A_410 = arith.constant 0 : i32
            %dma_wait3A_411 = tpu.memref_slice %arg8[%dma_wait3A_407, %dma_wait3A_409, %dma_wait3A_410] : memref<4x40x128xf32, #tpu.memory_space<vmem>> -> memref<1x40x128xf32, #tpu.memory_space<vmem>>
            %dma_wait3A_412 = tpu.memref_squeeze %dma_wait3A_411 : memref<1x40x128xf32, #tpu.memory_space<vmem>> -> memref<40x128xf32, #tpu.memory_space<vmem>>
            %dma_wait3A_413 = arith.constant 0 : i32
            %dma_wait3A_414 = tpu.memref_slice %arg7[%dma_wait3A_408, %dma_wait3A_413] : memref<8x40xi32, #tpu.memory_space<vmem>> -> memref<1x40xi32, #tpu.memory_space<vmem>>
            %dma_wait3A_415 = tpu.memref_squeeze %dma_wait3A_414 : memref<1x40xi32, #tpu.memory_space<vmem>> -> memref<40xi32, #tpu.memory_space<vmem>>
            %dma_wait3A_416 = arith.constant 0 : i32
            %dma_wait3A_417 = arith.constant 0 : i32
            %dma_wait3A_418 = tpu.memref_slice %arg10[%dma_wait3A_416, %dma_wait3A_417] : memref<10000x128xf32, #tpu.memory_space<vmem_shared>> -> memref<10000x128xf32, #tpu.memory_space<vmem_shared>>
            tpu.wait_indirect_dma semaphore(%arg33 : memref<!tpu.dma_semaphore, #tpu.memory_space<semaphore_mem>>) src(%dma_wait3A_412 : memref<40x128xf32, #tpu.memory_space<vmem>>) dst(%dma_wait3A_418 : memref<10000x128xf32, #tpu.memory_space<vmem_shared>>)
          } else {
          }
          %dma_start3A_395 = arith.constant 2 : i32
          %dma_start3A_396 = arith.constant 2 : i32
          %dma_start3A_397 = arith.constant 0 : i32
          %dma_start3A_398 = arith.constant 0 : i32
          %dma_start3A_399 = tpu.memref_slice %arg8[%dma_start3A_396, %dma_start3A_397, %dma_start3A_398] : memref<4x40x128xf32, #tpu.memory_space<vmem>> -> memref<1x40x128xf32, #tpu.memory_space<vmem>>
          %dma_start3A_400 = tpu.memref_squeeze %dma_start3A_399 : memref<1x40x128xf32, #tpu.memory_space<vmem>> -> memref<40x128xf32, #tpu.memory_space<vmem>>
          %dma_start3A_401 = arith.constant 0 : i32
          %dma_start3A_402 = tpu.memref_slice %arg6[%dma_start3A_395, %dma_start3A_401] : memref<8x40xi32, #tpu.memory_space<vmem>> -> memref<1x40xi32, #tpu.memory_space<vmem>>
          %dma_start3A_403 = tpu.memref_squeeze %dma_start3A_402 : memref<1x40xi32, #tpu.memory_space<vmem>> -> memref<40xi32, #tpu.memory_space<vmem>>
          %dma_start3A_404 = arith.constant 0 : i32
          %dma_start3A_405 = arith.constant 0 : i32
          %dma_start3A_406 = tpu.memref_slice %arg2[%dma_start3A_404, %dma_start3A_405] : memref<10000x128xf32, #tpu.memory_space<hbm>> -> memref<10000x128xf32, #tpu.memory_space<hbm>>
          tpu.enqueue_indirect_dma source(%dma_start3A_406 : memref<10000x128xf32, #tpu.memory_space<hbm>>) target(%dma_start3A_400 : memref<40x128xf32, #tpu.memory_space<vmem>>) offsets(%dma_start3A_403 : memref<40xi32, #tpu.memory_space<vmem>>) semaphore(%arg29 : memref<!tpu.dma_semaphore, #tpu.memory_space<semaphore_mem>>)
        } else {
        }
        %dma_wait3A_332 = arith.constant 0 : i32
        %dma_wait3A_333 = arith.constant 0 : i32
        %dma_wait3A_334 = arith.constant 0 : i32
        %dma_wait3A_335 = arith.constant 0 : i32
        %dma_wait3A_336 = tpu.memref_slice %arg8[%dma_wait3A_333, %dma_wait3A_334, %dma_wait3A_335] : memref<4x40x128xf32, #tpu.memory_space<vmem>> -> memref<1x40x128xf32, #tpu.memory_space<vmem>>
        %dma_wait3A_337 = tpu.memref_squeeze %dma_wait3A_336 : memref<1x40x128xf32, #tpu.memory_space<vmem>> -> memref<40x128xf32, #tpu.memory_space<vmem>>
        %dma_wait3A_338 = arith.constant 0 : i32
        %dma_wait3A_339 = tpu.memref_slice %arg6[%dma_wait3A_332, %dma_wait3A_338] : memref<8x40xi32, #tpu.memory_space<vmem>> -> memref<1x40xi32, #tpu.memory_space<vmem>>
        %dma_wait3A_340 = tpu.memref_squeeze %dma_wait3A_339 : memref<1x40xi32, #tpu.memory_space<vmem>> -> memref<40xi32, #tpu.memory_space<vmem>>
        %dma_wait3A_341 = arith.constant 0 : i32
        %dma_wait3A_342 = arith.constant 0 : i32
        %dma_wait3A_343 = tpu.memref_slice %arg2[%dma_wait3A_341, %dma_wait3A_342] : memref<10000x128xf32, #tpu.memory_space<hbm>> -> memref<10000x128xf32, #tpu.memory_space<hbm>>
        tpu.wait_indirect_dma semaphore(%arg27 : memref<!tpu.dma_semaphore, #tpu.memory_space<semaphore_mem>>) src(%dma_wait3A_343 : memref<10000x128xf32, #tpu.memory_space<hbm>>) dst(%dma_wait3A_337 : memref<40x128xf32, #tpu.memory_space<vmem>>)
        %dma_wait3A_344 = arith.constant 0 : i32
        %dma_wait3A_345 = arith.constant 0 : i32
        %dma_wait3A_346 = tpu.memref_slice %arg7[%dma_wait3A_344, %dma_wait3A_345] : memref<8x40xi32, #tpu.memory_space<vmem>> -> memref<1x40xi32, #tpu.memory_space<vmem>>
        %dma_wait3A_347 = tpu.memref_squeeze %dma_wait3A_346 : memref<1x40xi32, #tpu.memory_space<vmem>> -> memref<40xi32, #tpu.memory_space<vmem>>
        %dma_wait3A_348 = arith.constant 0 : i32
        %dma_wait3A_349 = tpu.memref_slice %arg4[%add3A, %add3A_255, %dma_wait3A_348] : memref<32x250x40xi32, #tpu.memory_space<hbm>> -> memref<1x1x40xi32, #tpu.memory_space<hbm>>
        %dma_wait3A_350 = tpu.memref_squeeze %dma_wait3A_349 : memref<1x1x40xi32, #tpu.memory_space<hbm>> -> memref<40xi32, #tpu.memory_space<hbm>>
        %dma_wait3A_351 = arith.constant 0 : i32
        %dma_wait3A_352 = tpu.memref_slice %arg7[%dma_wait3A_344, %dma_wait3A_351] : memref<8x40xi32, #tpu.memory_space<vmem>> -> memref<1x40xi32, #tpu.memory_space<vmem>>
        %dma_wait3A_353 = tpu.memref_squeeze %dma_wait3A_352 : memref<1x40xi32, #tpu.memory_space<vmem>> -> memref<40xi32, #tpu.memory_space<vmem>>
        %dma_wait3A_354 = arith.constant 0 : i32
        %dma_wait3A_355 = tpu.memref_slice %arg4[%add3A, %add3A_255, %dma_wait3A_354] : memref<32x250x40xi32, #tpu.memory_space<hbm>> -> memref<1x1x40xi32, #tpu.memory_space<hbm>>
        %dma_wait3A_356 = tpu.memref_squeeze %dma_wait3A_355 : memref<1x1x40xi32, #tpu.memory_space<hbm>> -> memref<40xi32, #tpu.memory_space<hbm>>
        tpu.wait_dma2 semaphore(%arg19 : memref<!tpu.dma_semaphore, #tpu.memory_space<semaphore_mem>>) src(%dma_wait3A_356 : memref<40xi32, #tpu.memory_space<hbm>>) dst(%dma_wait3A_353 : memref<40xi32, #tpu.memory_space<vmem>>)
        %dma_start3A_357 = arith.constant 0 : i32
        %dma_start3A_358 = arith.constant 0 : i32
        %dma_start3A_359 = arith.constant 0 : i32
        %dma_start3A_360 = arith.constant 0 : i32
        %dma_start3A_361 = tpu.memref_slice %arg8[%dma_start3A_357, %dma_start3A_359, %dma_start3A_360] : memref<4x40x128xf32, #tpu.memory_space<vmem>> -> memref<1x40x128xf32, #tpu.memory_space<vmem>>
        %dma_start3A_362 = tpu.memref_squeeze %dma_start3A_361 : memref<1x40x128xf32, #tpu.memory_space<vmem>> -> memref<40x128xf32, #tpu.memory_space<vmem>>
        %dma_start3A_363 = arith.constant 0 : i32
        %dma_start3A_364 = tpu.memref_slice %arg7[%dma_start3A_358, %dma_start3A_363] : memref<8x40xi32, #tpu.memory_space<vmem>> -> memref<1x40xi32, #tpu.memory_space<vmem>>
        %dma_start3A_365 = tpu.memref_squeeze %dma_start3A_364 : memref<1x40xi32, #tpu.memory_space<vmem>> -> memref<40xi32, #tpu.memory_space<vmem>>
        %dma_start3A_366 = arith.constant 0 : i32
        %dma_start3A_367 = arith.constant 0 : i32
        %dma_start3A_368 = tpu.memref_slice %arg10[%dma_start3A_366, %dma_start3A_367] : memref<10000x128xf32, #tpu.memory_space<vmem_shared>> -> memref<10000x128xf32, #tpu.memory_space<vmem_shared>>
        tpu.enqueue_indirect_dma source(%dma_start3A_362 : memref<40x128xf32, #tpu.memory_space<vmem>>) target(%dma_start3A_368 : memref<10000x128xf32, #tpu.memory_space<vmem_shared>>) offsets(%dma_start3A_365 : memref<40xi32, #tpu.memory_space<vmem>>) semaphore(%arg31 : memref<!tpu.dma_semaphore, #tpu.memory_space<semaphore_mem>>) {add = true}
        %add3A_369 = arith.constant 4 : i32
        %add3A_370 = arith.addi %add3A_255, %add3A_369 : i32
        %lt3A_371 = arith.constant 250 : i32
        %lt3A_372 = arith.cmpi slt, %add3A_370, %lt3A_371 : i32
        %convert_element_type3A_373 = arith.extui %lt3A_372 : i1 to i32
        %cond3A_374 = arith.constant 0 : i32
        %cond3A_375 = arith.cmpi ne, %convert_element_type3A_373, %cond3A_374 : i32
        scf.if %cond3A_375 {
          %add3A_376 = arith.constant 4 : i32
          %add3A_377 = arith.addi %add3A_255, %add3A_376 : i32
          %dma_start3A_378 = arith.constant 4 : i32
          %dma_start3A_379 = arith.constant 0 : i32
          %dma_start3A_380 = tpu.memref_slice %arg6[%dma_start3A_378, %dma_start3A_379] : memref<8x40xi32, #tpu.memory_space<vmem>> -> memref<1x40xi32, #tpu.memory_space<vmem>>
          %dma_start3A_381 = tpu.memref_squeeze %dma_start3A_380 : memref<1x40xi32, #tpu.memory_space<vmem>> -> memref<40xi32, #tpu.memory_space<vmem>>
          %dma_start3A_382 = arith.constant 0 : i32
          %dma_start3A_383 = tpu.memref_slice %arg3[%add3A, %add3A_377, %dma_start3A_382] : memref<32x250x40xi32, #tpu.memory_space<hbm>> -> memref<1x1x40xi32, #tpu.memory_space<hbm>>
          %dma_start3A_384 = tpu.memref_squeeze %dma_start3A_383 : memref<1x1x40xi32, #tpu.memory_space<hbm>> -> memref<40xi32, #tpu.memory_space<hbm>>
          %dma_start3A_385 = arith.constant 0 : i32
          %dma_start3A_386 = tpu.memref_slice %arg6[%dma_start3A_378, %dma_start3A_385] : memref<8x40xi32, #tpu.memory_space<vmem>> -> memref<1x40xi32, #tpu.memory_space<vmem>>
          %dma_start3A_387 = tpu.memref_squeeze %dma_start3A_386 : memref<1x40xi32, #tpu.memory_space<vmem>> -> memref<40xi32, #tpu.memory_space<vmem>>
          %dma_start3A_388 = arith.constant 0 : i32
          %dma_start3A_389 = tpu.memref_slice %arg3[%add3A, %add3A_377, %dma_start3A_388] : memref<32x250x40xi32, #tpu.memory_space<hbm>> -> memref<1x1x40xi32, #tpu.memory_space<hbm>>
          %dma_start3A_390 = tpu.memref_squeeze %dma_start3A_389 : memref<1x1x40xi32, #tpu.memory_space<hbm>> -> memref<40xi32, #tpu.memory_space<hbm>>
          tpu.enqueue_dma source(%dma_start3A_390 : memref<40xi32, #tpu.memory_space<hbm>>) target(%dma_start3A_387 : memref<40xi32, #tpu.memory_space<vmem>>) target_semaphore(%arg15 : memref<!tpu.dma_semaphore, #tpu.memory_space<semaphore_mem>>)
          %dma_start3A_391 = arith.constant 4 : i32
          %dma_start3A_392 = arith.constant 0 : i32
          %dma_start3A_393 = tpu.memref_slice %arg7[%dma_start3A_391, %dma_start3A_392] : memref<8x40xi32, #tpu.memory_space<vmem>> -> memref<1x40xi32, #tpu.memory_space<vmem>>
          %dma_start3A_394 = tpu.memref_squeeze %dma_start3A_393 : memref<1x40xi32, #tpu.memory_space<vmem>> -> memref<40xi32, #tpu.memory_space<vmem>>
          %dma_start3A_395 = arith.constant 0 : i32
          %dma_start3A_396 = tpu.memref_slice %arg4[%add3A, %add3A_377, %dma_start3A_395] : memref<32x250x40xi32, #tpu.memory_space<hbm>> -> memref<1x1x40xi32, #tpu.memory_space<hbm>>
          %dma_start3A_397 = tpu.memref_squeeze %dma_start3A_396 : memref<1x1x40xi32, #tpu.memory_space<hbm>> -> memref<40xi32, #tpu.memory_space<hbm>>
          %dma_start3A_398 = arith.constant 0 : i32
          %dma_start3A_399 = tpu.memref_slice %arg7[%dma_start3A_391, %dma_start3A_398] : memref<8x40xi32, #tpu.memory_space<vmem>> -> memref<1x40xi32, #tpu.memory_space<vmem>>
          %dma_start3A_400 = tpu.memref_squeeze %dma_start3A_399 : memref<1x40xi32, #tpu.memory_space<vmem>> -> memref<40xi32, #tpu.memory_space<vmem>>
          %dma_start3A_401 = arith.constant 0 : i32
          %dma_start3A_402 = tpu.memref_slice %arg4[%add3A, %add3A_377, %dma_start3A_401] : memref<32x250x40xi32, #tpu.memory_space<hbm>> -> memref<1x1x40xi32, #tpu.memory_space<hbm>>
          %dma_start3A_403 = tpu.memref_squeeze %dma_start3A_402 : memref<1x1x40xi32, #tpu.memory_space<hbm>> -> memref<40xi32, #tpu.memory_space<hbm>>
          tpu.enqueue_dma source(%dma_start3A_403 : memref<40xi32, #tpu.memory_space<hbm>>) target(%dma_start3A_400 : memref<40xi32, #tpu.memory_space<vmem>>) target_semaphore(%arg23 : memref<!tpu.dma_semaphore, #tpu.memory_space<semaphore_mem>>)
        } else {
        }
      } else {
      }
      %mul3A_261 = arith.constant 8 : i32
      %mul3A_262 = arith.muli %mul3A_261, %scan3A_250 : i32
      %add3A_263 = arith.constant 1 : i32
      %add3A_264 = arith.addi %mul3A_262, %add3A_263 : i32
      %lt3A_265 = arith.constant 250 : i32
      %lt3A_266 = arith.cmpi slt, %add3A_264, %lt3A_265 : i32
      %convert_element_type3A_267 = arith.extui %lt3A_266 : i1 to i32
      %cond3A_268 = arith.constant 0 : i32
      %cond3A_269 = arith.cmpi ne, %convert_element_type3A_267, %cond3A_268 : i32
      scf.if %cond3A_269 {
        %add3A_325 = arith.constant 2 : i32
        %add3A_326 = arith.addi %add3A_264, %add3A_325 : i32
        %lt3A_327 = arith.constant 250 : i32
        %lt3A_328 = arith.cmpi slt, %add3A_326, %lt3A_327 : i32
        %convert_element_type3A_329 = arith.extui %lt3A_328 : i1 to i32
        %cond3A_330 = arith.constant 0 : i32
        %cond3A_331 = arith.cmpi ne, %convert_element_type3A_329, %cond3A_330 : i32
        scf.if %cond3A_331 {
          %add3A_376 = arith.constant 2 : i32
          %add3A_377 = arith.addi %add3A_264, %add3A_376 : i32
          %dma_wait3A_378 = arith.constant 3 : i32
          %dma_wait3A_379 = arith.constant 0 : i32
          %dma_wait3A_380 = tpu.memref_slice %arg6[%dma_wait3A_378, %dma_wait3A_379] : memref<8x40xi32, #tpu.memory_space<vmem>> -> memref<1x40xi32, #tpu.memory_space<vmem>>
          %dma_wait3A_381 = tpu.memref_squeeze %dma_wait3A_380 : memref<1x40xi32, #tpu.memory_space<vmem>> -> memref<40xi32, #tpu.memory_space<vmem>>
          %dma_wait3A_382 = arith.constant 0 : i32
          %dma_wait3A_383 = tpu.memref_slice %arg3[%add3A, %add3A_377, %dma_wait3A_382] : memref<32x250x40xi32, #tpu.memory_space<hbm>> -> memref<1x1x40xi32, #tpu.memory_space<hbm>>
          %dma_wait3A_384 = tpu.memref_squeeze %dma_wait3A_383 : memref<1x1x40xi32, #tpu.memory_space<hbm>> -> memref<40xi32, #tpu.memory_space<hbm>>
          %dma_wait3A_385 = arith.constant 0 : i32
          %dma_wait3A_386 = tpu.memref_slice %arg6[%dma_wait3A_378, %dma_wait3A_385] : memref<8x40xi32, #tpu.memory_space<vmem>> -> memref<1x40xi32, #tpu.memory_space<vmem>>
          %dma_wait3A_387 = tpu.memref_squeeze %dma_wait3A_386 : memref<1x40xi32, #tpu.memory_space<vmem>> -> memref<40xi32, #tpu.memory_space<vmem>>
          %dma_wait3A_388 = arith.constant 0 : i32
          %dma_wait3A_389 = tpu.memref_slice %arg3[%add3A, %add3A_377, %dma_wait3A_388] : memref<32x250x40xi32, #tpu.memory_space<hbm>> -> memref<1x1x40xi32, #tpu.memory_space<hbm>>
          %dma_wait3A_390 = tpu.memref_squeeze %dma_wait3A_389 : memref<1x1x40xi32, #tpu.memory_space<hbm>> -> memref<40xi32, #tpu.memory_space<hbm>>
          tpu.wait_dma2 semaphore(%arg14 : memref<!tpu.dma_semaphore, #tpu.memory_space<semaphore_mem>>) src(%dma_wait3A_390 : memref<40xi32, #tpu.memory_space<hbm>>) dst(%dma_wait3A_387 : memref<40xi32, #tpu.memory_space<vmem>>)
          %ge3A = arith.constant 2 : i32
          %ge3A_391 = arith.cmpi sge, %add3A_264, %ge3A : i32
          %convert_element_type3A_392 = arith.extui %ge3A_391 : i1 to i32
          %cond3A_393 = arith.constant 0 : i32
          %cond3A_394 = arith.cmpi ne, %convert_element_type3A_392, %cond3A_393 : i32
          scf.if %cond3A_394 {
            %dma_wait3A_407 = arith.constant 3 : i32
            %dma_wait3A_408 = arith.constant 7 : i32
            %dma_wait3A_409 = arith.constant 0 : i32
            %dma_wait3A_410 = arith.constant 0 : i32
            %dma_wait3A_411 = tpu.memref_slice %arg8[%dma_wait3A_407, %dma_wait3A_409, %dma_wait3A_410] : memref<4x40x128xf32, #tpu.memory_space<vmem>> -> memref<1x40x128xf32, #tpu.memory_space<vmem>>
            %dma_wait3A_412 = tpu.memref_squeeze %dma_wait3A_411 : memref<1x40x128xf32, #tpu.memory_space<vmem>> -> memref<40x128xf32, #tpu.memory_space<vmem>>
            %dma_wait3A_413 = arith.constant 0 : i32
            %dma_wait3A_414 = tpu.memref_slice %arg7[%dma_wait3A_408, %dma_wait3A_413] : memref<8x40xi32, #tpu.memory_space<vmem>> -> memref<1x40xi32, #tpu.memory_space<vmem>>
            %dma_wait3A_415 = tpu.memref_squeeze %dma_wait3A_414 : memref<1x40xi32, #tpu.memory_space<vmem>> -> memref<40xi32, #tpu.memory_space<vmem>>
            %dma_wait3A_416 = arith.constant 0 : i32
            %dma_wait3A_417 = arith.constant 0 : i32
            %dma_wait3A_418 = tpu.memref_slice %arg10[%dma_wait3A_416, %dma_wait3A_417] : memref<10000x128xf32, #tpu.memory_space<vmem_shared>> -> memref<10000x128xf32, #tpu.memory_space<vmem_shared>>
            tpu.wait_indirect_dma semaphore(%arg34 : memref<!tpu.dma_semaphore, #tpu.memory_space<semaphore_mem>>) src(%dma_wait3A_412 : memref<40x128xf32, #tpu.memory_space<vmem>>) dst(%dma_wait3A_418 : memref<10000x128xf32, #tpu.memory_space<vmem_shared>>)
          } else {
          }
          %dma_start3A_395 = arith.constant 3 : i32
          %dma_start3A_396 = arith.constant 3 : i32
          %dma_start3A_397 = arith.constant 0 : i32
          %dma_start3A_398 = arith.constant 0 : i32
          %dma_start3A_399 = tpu.memref_slice %arg8[%dma_start3A_396, %dma_start3A_397, %dma_start3A_398] : memref<4x40x128xf32, #tpu.memory_space<vmem>> -> memref<1x40x128xf32, #tpu.memory_space<vmem>>
          %dma_start3A_400 = tpu.memref_squeeze %dma_start3A_399 : memref<1x40x128xf32, #tpu.memory_space<vmem>> -> memref<40x128xf32, #tpu.memory_space<vmem>>
          %dma_start3A_401 = arith.constant 0 : i32
          %dma_start3A_402 = tpu.memref_slice %arg6[%dma_start3A_395, %dma_start3A_401] : memref<8x40xi32, #tpu.memory_space<vmem>> -> memref<1x40xi32, #tpu.memory_space<vmem>>
          %dma_start3A_403 = tpu.memref_squeeze %dma_start3A_402 : memref<1x40xi32, #tpu.memory_space<vmem>> -> memref<40xi32, #tpu.memory_space<vmem>>
          %dma_start3A_404 = arith.constant 0 : i32
          %dma_start3A_405 = arith.constant 0 : i32
          %dma_start3A_406 = tpu.memref_slice %arg2[%dma_start3A_404, %dma_start3A_405] : memref<10000x128xf32, #tpu.memory_space<hbm>> -> memref<10000x128xf32, #tpu.memory_space<hbm>>
          tpu.enqueue_indirect_dma source(%dma_start3A_406 : memref<10000x128xf32, #tpu.memory_space<hbm>>) target(%dma_start3A_400 : memref<40x128xf32, #tpu.memory_space<vmem>>) offsets(%dma_start3A_403 : memref<40xi32, #tpu.memory_space<vmem>>) semaphore(%arg30 : memref<!tpu.dma_semaphore, #tpu.memory_space<semaphore_mem>>)
        } else {
        }
        %dma_wait3A_332 = arith.constant 1 : i32
        %dma_wait3A_333 = arith.constant 1 : i32
        %dma_wait3A_334 = arith.constant 0 : i32
        %dma_wait3A_335 = arith.constant 0 : i32
        %dma_wait3A_336 = tpu.memref_slice %arg8[%dma_wait3A_333, %dma_wait3A_334, %dma_wait3A_335] : memref<4x40x128xf32, #tpu.memory_space<vmem>> -> memref<1x40x128xf32, #tpu.memory_space<vmem>>
        %dma_wait3A_337 = tpu.memref_squeeze %dma_wait3A_336 : memref<1x40x128xf32, #tpu.memory_space<vmem>> -> memref<40x128xf32, #tpu.memory_space<vmem>>
        %dma_wait3A_338 = arith.constant 0 : i32
        %dma_wait3A_339 = tpu.memref_slice %arg6[%dma_wait3A_332, %dma_wait3A_338] : memref<8x40xi32, #tpu.memory_space<vmem>> -> memref<1x40xi32, #tpu.memory_space<vmem>>
        %dma_wait3A_340 = tpu.memref_squeeze %dma_wait3A_339 : memref<1x40xi32, #tpu.memory_space<vmem>> -> memref<40xi32, #tpu.memory_space<vmem>>
        %dma_wait3A_341 = arith.constant 0 : i32
        %dma_wait3A_342 = arith.constant 0 : i32
        %dma_wait3A_343 = tpu.memref_slice %arg2[%dma_wait3A_341, %dma_wait3A_342] : memref<10000x128xf32, #tpu.memory_space<hbm>> -> memref<10000x128xf32, #tpu.memory_space<hbm>>
        tpu.wait_indirect_dma semaphore(%arg28 : memref<!tpu.dma_semaphore, #tpu.memory_space<semaphore_mem>>) src(%dma_wait3A_343 : memref<10000x128xf32, #tpu.memory_space<hbm>>) dst(%dma_wait3A_337 : memref<40x128xf32, #tpu.memory_space<vmem>>)
        %dma_wait3A_344 = arith.constant 1 : i32
        %dma_wait3A_345 = arith.constant 0 : i32
        %dma_wait3A_346 = tpu.memref_slice %arg7[%dma_wait3A_344, %dma_wait3A_345] : memref<8x40xi32, #tpu.memory_space<vmem>> -> memref<1x40xi32, #tpu.memory_space<vmem>>
        %dma_wait3A_347 = tpu.memref_squeeze %dma_wait3A_346 : memref<1x40xi32, #tpu.memory_space<vmem>> -> memref<40xi32, #tpu.memory_space<vmem>>
        %dma_wait3A_348 = arith.constant 0 : i32
        %dma_wait3A_349 = tpu.memref_slice %arg4[%add3A, %add3A_264, %dma_wait3A_348] : memref<32x250x40xi32, #tpu.memory_space<hbm>> -> memref<1x1x40xi32, #tpu.memory_space<hbm>>
        %dma_wait3A_350 = tpu.memref_squeeze %dma_wait3A_349 : memref<1x1x40xi32, #tpu.memory_space<hbm>> -> memref<40xi32, #tpu.memory_space<hbm>>
        %dma_wait3A_351 = arith.constant 0 : i32
        %dma_wait3A_352 = tpu.memref_slice %arg7[%dma_wait3A_344, %dma_wait3A_351] : memref<8x40xi32, #tpu.memory_space<vmem>> -> memref<1x40xi32, #tpu.memory_space<vmem>>
        %dma_wait3A_353 = tpu.memref_squeeze %dma_wait3A_352 : memref<1x40xi32, #tpu.memory_space<vmem>> -> memref<40xi32, #tpu.memory_space<vmem>>
        %dma_wait3A_354 = arith.constant 0 : i32
        %dma_wait3A_355 = tpu.memref_slice %arg4[%add3A, %add3A_264, %dma_wait3A_354] : memref<32x250x40xi32, #tpu.memory_space<hbm>> -> memref<1x1x40xi32, #tpu.memory_space<hbm>>
        %dma_wait3A_356 = tpu.memref_squeeze %dma_wait3A_355 : memref<1x1x40xi32, #tpu.memory_space<hbm>> -> memref<40xi32, #tpu.memory_space<hbm>>
        tpu.wait_dma2 semaphore(%arg20 : memref<!tpu.dma_semaphore, #tpu.memory_space<semaphore_mem>>) src(%dma_wait3A_356 : memref<40xi32, #tpu.memory_space<hbm>>) dst(%dma_wait3A_353 : memref<40xi32, #tpu.memory_space<vmem>>)
        %dma_start3A_357 = arith.constant 1 : i32
        %dma_start3A_358 = arith.constant 1 : i32
        %dma_start3A_359 = arith.constant 0 : i32
        %dma_start3A_360 = arith.constant 0 : i32
        %dma_start3A_361 = tpu.memref_slice %arg8[%dma_start3A_357, %dma_start3A_359, %dma_start3A_360] : memref<4x40x128xf32, #tpu.memory_space<vmem>> -> memref<1x40x128xf32, #tpu.memory_space<vmem>>
        %dma_start3A_362 = tpu.memref_squeeze %dma_start3A_361 : memref<1x40x128xf32, #tpu.memory_space<vmem>> -> memref<40x128xf32, #tpu.memory_space<vmem>>
        %dma_start3A_363 = arith.constant 0 : i32
        %dma_start3A_364 = tpu.memref_slice %arg7[%dma_start3A_358, %dma_start3A_363] : memref<8x40xi32, #tpu.memory_space<vmem>> -> memref<1x40xi32, #tpu.memory_space<vmem>>
        %dma_start3A_365 = tpu.memref_squeeze %dma_start3A_364 : memref<1x40xi32, #tpu.memory_space<vmem>> -> memref<40xi32, #tpu.memory_space<vmem>>
        %dma_start3A_366 = arith.constant 0 : i32
        %dma_start3A_367 = arith.constant 0 : i32
        %dma_start3A_368 = tpu.memref_slice %arg10[%dma_start3A_366, %dma_start3A_367] : memref<10000x128xf32, #tpu.memory_space<vmem_shared>> -> memref<10000x128xf32, #tpu.memory_space<vmem_shared>>
        tpu.enqueue_indirect_dma source(%dma_start3A_362 : memref<40x128xf32, #tpu.memory_space<vmem>>) target(%dma_start3A_368 : memref<10000x128xf32, #tpu.memory_space<vmem_shared>>) offsets(%dma_start3A_365 : memref<40xi32, #tpu.memory_space<vmem>>) semaphore(%arg32 : memref<!tpu.dma_semaphore, #tpu.memory_space<semaphore_mem>>) {add = true}
        %add3A_369 = arith.constant 4 : i32
        %add3A_370 = arith.addi %add3A_264, %add3A_369 : i32
        %lt3A_371 = arith.constant 250 : i32
        %lt3A_372 = arith.cmpi slt, %add3A_370, %lt3A_371 : i32
        %convert_element_type3A_373 = arith.extui %lt3A_372 : i1 to i32
        %cond3A_374 = arith.constant 0 : i32
        %cond3A_375 = arith.cmpi ne, %convert_element_type3A_373, %cond3A_374 : i32
        scf.if %cond3A_375 {
          %add3A_376 = arith.constant 4 : i32
          %add3A_377 = arith.addi %add3A_264, %add3A_376 : i32
          %dma_start3A_378 = arith.constant 5 : i32
          %dma_start3A_379 = arith.constant 0 : i32
          %dma_start3A_380 = tpu.memref_slice %arg6[%dma_start3A_378, %dma_start3A_379] : memref<8x40xi32, #tpu.memory_space<vmem>> -> memref<1x40xi32, #tpu.memory_space<vmem>>
          %dma_start3A_381 = tpu.memref_squeeze %dma_start3A_380 : memref<1x40xi32, #tpu.memory_space<vmem>> -> memref<40xi32, #tpu.memory_space<vmem>>
          %dma_start3A_382 = arith.constant 0 : i32
          %dma_start3A_383 = tpu.memref_slice %arg3[%add3A, %add3A_377, %dma_start3A_382] : memref<32x250x40xi32, #tpu.memory_space<hbm>> -> memref<1x1x40xi32, #tpu.memory_space<hbm>>
          %dma_start3A_384 = tpu.memref_squeeze %dma_start3A_383 : memref<1x1x40xi32, #tpu.memory_space<hbm>> -> memref<40xi32, #tpu.memory_space<hbm>>
          %dma_start3A_385 = arith.constant 0 : i32
          %dma_start3A_386 = tpu.memref_slice %arg6[%dma_start3A_378, %dma_start3A_385] : memref<8x40xi32, #tpu.memory_space<vmem>> -> memref<1x40xi32, #tpu.memory_space<vmem>>
          %dma_start3A_387 = tpu.memref_squeeze %dma_start3A_386 : memref<1x40xi32, #tpu.memory_space<vmem>> -> memref<40xi32, #tpu.memory_space<vmem>>
          %dma_start3A_388 = arith.constant 0 : i32
          %dma_start3A_389 = tpu.memref_slice %arg3[%add3A, %add3A_377, %dma_start3A_388] : memref<32x250x40xi32, #tpu.memory_space<hbm>> -> memref<1x1x40xi32, #tpu.memory_space<hbm>>
          %dma_start3A_390 = tpu.memref_squeeze %dma_start3A_389 : memref<1x1x40xi32, #tpu.memory_space<hbm>> -> memref<40xi32, #tpu.memory_space<hbm>>
          tpu.enqueue_dma source(%dma_start3A_390 : memref<40xi32, #tpu.memory_space<hbm>>) target(%dma_start3A_387 : memref<40xi32, #tpu.memory_space<vmem>>) target_semaphore(%arg16 : memref<!tpu.dma_semaphore, #tpu.memory_space<semaphore_mem>>)
          %dma_start3A_391 = arith.constant 5 : i32
          %dma_start3A_392 = arith.constant 0 : i32
          %dma_start3A_393 = tpu.memref_slice %arg7[%dma_start3A_391, %dma_start3A_392] : memref<8x40xi32, #tpu.memory_space<vmem>> -> memref<1x40xi32, #tpu.memory_space<vmem>>
          %dma_start3A_394 = tpu.memref_squeeze %dma_start3A_393 : memref<1x40xi32, #tpu.memory_space<vmem>> -> memref<40xi32, #tpu.memory_space<vmem>>
          %dma_start3A_395 = arith.constant 0 : i32
          %dma_start3A_396 = tpu.memref_slice %arg4[%add3A, %add3A_377, %dma_start3A_395] : memref<32x250x40xi32, #tpu.memory_space<hbm>> -> memref<1x1x40xi32, #tpu.memory_space<hbm>>
          %dma_start3A_397 = tpu.memref_squeeze %dma_start3A_396 : memref<1x1x40xi32, #tpu.memory_space<hbm>> -> memref<40xi32, #tpu.memory_space<hbm>>
          %dma_start3A_398 = arith.constant 0 : i32
          %dma_start3A_399 = tpu.memref_slice %arg7[%dma_start3A_391, %dma_start3A_398] : memref<8x40xi32, #tpu.memory_space<vmem>> -> memref<1x40xi32, #tpu.memory_space<vmem>>
          %dma_start3A_400 = tpu.memref_squeeze %dma_start3A_399 : memref<1x40xi32, #tpu.memory_space<vmem>> -> memref<40xi32, #tpu.memory_space<vmem>>
          %dma_start3A_401 = arith.constant 0 : i32
          %dma_start3A_402 = tpu.memref_slice %arg4[%add3A, %add3A_377, %dma_start3A_401] : memref<32x250x40xi32, #tpu.memory_space<hbm>> -> memref<1x1x40xi32, #tpu.memory_space<hbm>>
          %dma_start3A_403 = tpu.memref_squeeze %dma_start3A_402 : memref<1x1x40xi32, #tpu.memory_space<hbm>> -> memref<40xi32, #tpu.memory_space<hbm>>
          tpu.enqueue_dma source(%dma_start3A_403 : memref<40xi32, #tpu.memory_space<hbm>>) target(%dma_start3A_400 : memref<40xi32, #tpu.memory_space<vmem>>) target_semaphore(%arg24 : memref<!tpu.dma_semaphore, #tpu.memory_space<semaphore_mem>>)
        } else {
        }
      } else {
      }
      %mul3A_270 = arith.constant 8 : i32
      %mul3A_271 = arith.muli %mul3A_270, %scan3A_250 : i32
      %add3A_272 = arith.constant 2 : i32
      %add3A_273 = arith.addi %mul3A_271, %add3A_272 : i32
      %lt3A_274 = arith.constant 250 : i32
      %lt3A_275 = arith.cmpi slt, %add3A_273, %lt3A_274 : i32
      %convert_element_type3A_276 = arith.extui %lt3A_275 : i1 to i32
      %cond3A_277 = arith.constant 0 : i32
      %cond3A_278 = arith.cmpi ne, %convert_element_type3A_276, %cond3A_277 : i32
      scf.if %cond3A_278 {
        %add3A_325 = arith.constant 2 : i32
        %add3A_326 = arith.addi %add3A_273, %add3A_325 : i32
        %lt3A_327 = arith.constant 250 : i32
        %lt3A_328 = arith.cmpi slt, %add3A_326, %lt3A_327 : i32
        %convert_element_type3A_329 = arith.extui %lt3A_328 : i1 to i32
        %cond3A_330 = arith.constant 0 : i32
        %cond3A_331 = arith.cmpi ne, %convert_element_type3A_329, %cond3A_330 : i32
        scf.if %cond3A_331 {
          %add3A_376 = arith.constant 2 : i32
          %add3A_377 = arith.addi %add3A_273, %add3A_376 : i32
          %dma_wait3A_378 = arith.constant 4 : i32
          %dma_wait3A_379 = arith.constant 0 : i32
          %dma_wait3A_380 = tpu.memref_slice %arg6[%dma_wait3A_378, %dma_wait3A_379] : memref<8x40xi32, #tpu.memory_space<vmem>> -> memref<1x40xi32, #tpu.memory_space<vmem>>
          %dma_wait3A_381 = tpu.memref_squeeze %dma_wait3A_380 : memref<1x40xi32, #tpu.memory_space<vmem>> -> memref<40xi32, #tpu.memory_space<vmem>>
          %dma_wait3A_382 = arith.constant 0 : i32
          %dma_wait3A_383 = tpu.memref_slice %arg3[%add3A, %add3A_377, %dma_wait3A_382] : memref<32x250x40xi32, #tpu.memory_space<hbm>> -> memref<1x1x40xi32, #tpu.memory_space<hbm>>
          %dma_wait3A_384 = tpu.memref_squeeze %dma_wait3A_383 : memref<1x1x40xi32, #tpu.memory_space<hbm>> -> memref<40xi32, #tpu.memory_space<hbm>>
          %dma_wait3A_385 = arith.constant 0 : i32
          %dma_wait3A_386 = tpu.memref_slice %arg6[%dma_wait3A_378, %dma_wait3A_385] : memref<8x40xi32, #tpu.memory_space<vmem>> -> memref<1x40xi32, #tpu.memory_space<vmem>>
          %dma_wait3A_387 = tpu.memref_squeeze %dma_wait3A_386 : memref<1x40xi32, #tpu.memory_space<vmem>> -> memref<40xi32, #tpu.memory_space<vmem>>
          %dma_wait3A_388 = arith.constant 0 : i32
          %dma_wait3A_389 = tpu.memref_slice %arg3[%add3A, %add3A_377, %dma_wait3A_388] : memref<32x250x40xi32, #tpu.memory_space<hbm>> -> memref<1x1x40xi32, #tpu.memory_space<hbm>>
          %dma_wait3A_390 = tpu.memref_squeeze %dma_wait3A_389 : memref<1x1x40xi32, #tpu.memory_space<hbm>> -> memref<40xi32, #tpu.memory_space<hbm>>
          tpu.wait_dma2 semaphore(%arg15 : memref<!tpu.dma_semaphore, #tpu.memory_space<semaphore_mem>>) src(%dma_wait3A_390 : memref<40xi32, #tpu.memory_space<hbm>>) dst(%dma_wait3A_387 : memref<40xi32, #tpu.memory_space<vmem>>)
          %ge3A = arith.constant 2 : i32
          %ge3A_391 = arith.cmpi sge, %add3A_273, %ge3A : i32
          %convert_element_type3A_392 = arith.extui %ge3A_391 : i1 to i32
          %cond3A_393 = arith.constant 0 : i32
          %cond3A_394 = arith.cmpi ne, %convert_element_type3A_392, %cond3A_393 : i32
          scf.if %cond3A_394 {
            %dma_wait3A_407 = arith.constant 0 : i32
            %dma_wait3A_408 = arith.constant 0 : i32
            %dma_wait3A_409 = arith.constant 0 : i32
            %dma_wait3A_410 = arith.constant 0 : i32
            %dma_wait3A_411 = tpu.memref_slice %arg8[%dma_wait3A_407, %dma_wait3A_409, %dma_wait3A_410] : memref<4x40x128xf32, #tpu.memory_space<vmem>> -> memref<1x40x128xf32, #tpu.memory_space<vmem>>
            %dma_wait3A_412 = tpu.memref_squeeze %dma_wait3A_411 : memref<1x40x128xf32, #tpu.memory_space<vmem>> -> memref<40x128xf32, #tpu.memory_space<vmem>>
            %dma_wait3A_413 = arith.constant 0 : i32
            %dma_wait3A_414 = tpu.memref_slice %arg7[%dma_wait3A_408, %dma_wait3A_413] : memref<8x40xi32, #tpu.memory_space<vmem>> -> memref<1x40xi32, #tpu.memory_space<vmem>>
            %dma_wait3A_415 = tpu.memref_squeeze %dma_wait3A_414 : memref<1x40xi32, #tpu.memory_space<vmem>> -> memref<40xi32, #tpu.memory_space<vmem>>
            %dma_wait3A_416 = arith.constant 0 : i32
            %dma_wait3A_417 = arith.constant 0 : i32
            %dma_wait3A_418 = tpu.memref_slice %arg10[%dma_wait3A_416, %dma_wait3A_417] : memref<10000x128xf32, #tpu.memory_space<vmem_shared>> -> memref<10000x128xf32, #tpu.memory_space<vmem_shared>>
            tpu.wait_indirect_dma semaphore(%arg31 : memref<!tpu.dma_semaphore, #tpu.memory_space<semaphore_mem>>) src(%dma_wait3A_412 : memref<40x128xf32, #tpu.memory_space<vmem>>) dst(%dma_wait3A_418 : memref<10000x128xf32, #tpu.memory_space<vmem_shared>>)
          } else {
          }
          %dma_start3A_395 = arith.constant 4 : i32
          %dma_start3A_396 = arith.constant 0 : i32
          %dma_start3A_397 = arith.constant 0 : i32
          %dma_start3A_398 = arith.constant 0 : i32
          %dma_start3A_399 = tpu.memref_slice %arg8[%dma_start3A_396, %dma_start3A_397, %dma_start3A_398] : memref<4x40x128xf32, #tpu.memory_space<vmem>> -> memref<1x40x128xf32, #tpu.memory_space<vmem>>
          %dma_start3A_400 = tpu.memref_squeeze %dma_start3A_399 : memref<1x40x128xf32, #tpu.memory_space<vmem>> -> memref<40x128xf32, #tpu.memory_space<vmem>>
          %dma_start3A_401 = arith.constant 0 : i32
          %dma_start3A_402 = tpu.memref_slice %arg6[%dma_start3A_395, %dma_start3A_401] : memref<8x40xi32, #tpu.memory_space<vmem>> -> memref<1x40xi32, #tpu.memory_space<vmem>>
          %dma_start3A_403 = tpu.memref_squeeze %dma_start3A_402 : memref<1x40xi32, #tpu.memory_space<vmem>> -> memref<40xi32, #tpu.memory_space<vmem>>
          %dma_start3A_404 = arith.constant 0 : i32
          %dma_start3A_405 = arith.constant 0 : i32
          %dma_start3A_406 = tpu.memref_slice %arg2[%dma_start3A_404, %dma_start3A_405] : memref<10000x128xf32, #tpu.memory_space<hbm>> -> memref<10000x128xf32, #tpu.memory_space<hbm>>
          tpu.enqueue_indirect_dma source(%dma_start3A_406 : memref<10000x128xf32, #tpu.memory_space<hbm>>) target(%dma_start3A_400 : memref<40x128xf32, #tpu.memory_space<vmem>>) offsets(%dma_start3A_403 : memref<40xi32, #tpu.memory_space<vmem>>) semaphore(%arg27 : memref<!tpu.dma_semaphore, #tpu.memory_space<semaphore_mem>>)
        } else {
        }
        %dma_wait3A_332 = arith.constant 2 : i32
        %dma_wait3A_333 = arith.constant 2 : i32
        %dma_wait3A_334 = arith.constant 0 : i32
        %dma_wait3A_335 = arith.constant 0 : i32
        %dma_wait3A_336 = tpu.memref_slice %arg8[%dma_wait3A_333, %dma_wait3A_334, %dma_wait3A_335] : memref<4x40x128xf32, #tpu.memory_space<vmem>> -> memref<1x40x128xf32, #tpu.memory_space<vmem>>
        %dma_wait3A_337 = tpu.memref_squeeze %dma_wait3A_336 : memref<1x40x128xf32, #tpu.memory_space<vmem>> -> memref<40x128xf32, #tpu.memory_space<vmem>>
        %dma_wait3A_338 = arith.constant 0 : i32
        %dma_wait3A_339 = tpu.memref_slice %arg6[%dma_wait3A_332, %dma_wait3A_338] : memref<8x40xi32, #tpu.memory_space<vmem>> -> memref<1x40xi32, #tpu.memory_space<vmem>>
        %dma_wait3A_340 = tpu.memref_squeeze %dma_wait3A_339 : memref<1x40xi32, #tpu.memory_space<vmem>> -> memref<40xi32, #tpu.memory_space<vmem>>
        %dma_wait3A_341 = arith.constant 0 : i32
        %dma_wait3A_342 = arith.constant 0 : i32
        %dma_wait3A_343 = tpu.memref_slice %arg2[%dma_wait3A_341, %dma_wait3A_342] : memref<10000x128xf32, #tpu.memory_space<hbm>> -> memref<10000x128xf32, #tpu.memory_space<hbm>>
        tpu.wait_indirect_dma semaphore(%arg29 : memref<!tpu.dma_semaphore, #tpu.memory_space<semaphore_mem>>) src(%dma_wait3A_343 : memref<10000x128xf32, #tpu.memory_space<hbm>>) dst(%dma_wait3A_337 : memref<40x128xf32, #tpu.memory_space<vmem>>)
        %dma_wait3A_344 = arith.constant 2 : i32
        %dma_wait3A_345 = arith.constant 0 : i32
        %dma_wait3A_346 = tpu.memref_slice %arg7[%dma_wait3A_344, %dma_wait3A_345] : memref<8x40xi32, #tpu.memory_space<vmem>> -> memref<1x40xi32, #tpu.memory_space<vmem>>
        %dma_wait3A_347 = tpu.memref_squeeze %dma_wait3A_346 : memref<1x40xi32, #tpu.memory_space<vmem>> -> memref<40xi32, #tpu.memory_space<vmem>>
        %dma_wait3A_348 = arith.constant 0 : i32
        %dma_wait3A_349 = tpu.memref_slice %arg4[%add3A, %add3A_273, %dma_wait3A_348] : memref<32x250x40xi32, #tpu.memory_space<hbm>> -> memref<1x1x40xi32, #tpu.memory_space<hbm>>
        %dma_wait3A_350 = tpu.memref_squeeze %dma_wait3A_349 : memref<1x1x40xi32, #tpu.memory_space<hbm>> -> memref<40xi32, #tpu.memory_space<hbm>>
        %dma_wait3A_351 = arith.constant 0 : i32
        %dma_wait3A_352 = tpu.memref_slice %arg7[%dma_wait3A_344, %dma_wait3A_351] : memref<8x40xi32, #tpu.memory_space<vmem>> -> memref<1x40xi32, #tpu.memory_space<vmem>>
        %dma_wait3A_353 = tpu.memref_squeeze %dma_wait3A_352 : memref<1x40xi32, #tpu.memory_space<vmem>> -> memref<40xi32, #tpu.memory_space<vmem>>
        %dma_wait3A_354 = arith.constant 0 : i32
        %dma_wait3A_355 = tpu.memref_slice %arg4[%add3A, %add3A_273, %dma_wait3A_354] : memref<32x250x40xi32, #tpu.memory_space<hbm>> -> memref<1x1x40xi32, #tpu.memory_space<hbm>>
        %dma_wait3A_356 = tpu.memref_squeeze %dma_wait3A_355 : memref<1x1x40xi32, #tpu.memory_space<hbm>> -> memref<40xi32, #tpu.memory_space<hbm>>
        tpu.wait_dma2 semaphore(%arg21 : memref<!tpu.dma_semaphore, #tpu.memory_space<semaphore_mem>>) src(%dma_wait3A_356 : memref<40xi32, #tpu.memory_space<hbm>>) dst(%dma_wait3A_353 : memref<40xi32, #tpu.memory_space<vmem>>)
        %dma_start3A_357 = arith.constant 2 : i32
        %dma_start3A_358 = arith.constant 2 : i32
        %dma_start3A_359 = arith.constant 0 : i32
        %dma_start3A_360 = arith.constant 0 : i32
        %dma_start3A_361 = tpu.memref_slice %arg8[%dma_start3A_357, %dma_start3A_359, %dma_start3A_360] : memref<4x40x128xf32, #tpu.memory_space<vmem>> -> memref<1x40x128xf32, #tpu.memory_space<vmem>>
        %dma_start3A_362 = tpu.memref_squeeze %dma_start3A_361 : memref<1x40x128xf32, #tpu.memory_space<vmem>> -> memref<40x128xf32, #tpu.memory_space<vmem>>
        %dma_start3A_363 = arith.constant 0 : i32
        %dma_start3A_364 = tpu.memref_slice %arg7[%dma_start3A_358, %dma_start3A_363] : memref<8x40xi32, #tpu.memory_space<vmem>> -> memref<1x40xi32, #tpu.memory_space<vmem>>
        %dma_start3A_365 = tpu.memref_squeeze %dma_start3A_364 : memref<1x40xi32, #tpu.memory_space<vmem>> -> memref<40xi32, #tpu.memory_space<vmem>>
        %dma_start3A_366 = arith.constant 0 : i32
        %dma_start3A_367 = arith.constant 0 : i32
        %dma_start3A_368 = tpu.memref_slice %arg10[%dma_start3A_366, %dma_start3A_367] : memref<10000x128xf32, #tpu.memory_space<vmem_shared>> -> memref<10000x128xf32, #tpu.memory_space<vmem_shared>>
        tpu.enqueue_indirect_dma source(%dma_start3A_362 : memref<40x128xf32, #tpu.memory_space<vmem>>) target(%dma_start3A_368 : memref<10000x128xf32, #tpu.memory_space<vmem_shared>>) offsets(%dma_start3A_365 : memref<40xi32, #tpu.memory_space<vmem>>) semaphore(%arg33 : memref<!tpu.dma_semaphore, #tpu.memory_space<semaphore_mem>>) {add = true}
        %add3A_369 = arith.constant 4 : i32
        %add3A_370 = arith.addi %add3A_273, %add3A_369 : i32
        %lt3A_371 = arith.constant 250 : i32
        %lt3A_372 = arith.cmpi slt, %add3A_370, %lt3A_371 : i32
        %convert_element_type3A_373 = arith.extui %lt3A_372 : i1 to i32
        %cond3A_374 = arith.constant 0 : i32
        %cond3A_375 = arith.cmpi ne, %convert_element_type3A_373, %cond3A_374 : i32
        scf.if %cond3A_375 {
          %add3A_376 = arith.constant 4 : i32
          %add3A_377 = arith.addi %add3A_273, %add3A_376 : i32
          %dma_start3A_378 = arith.constant 6 : i32
          %dma_start3A_379 = arith.constant 0 : i32
          %dma_start3A_380 = tpu.memref_slice %arg6[%dma_start3A_378, %dma_start3A_379] : memref<8x40xi32, #tpu.memory_space<vmem>> -> memref<1x40xi32, #tpu.memory_space<vmem>>
          %dma_start3A_381 = tpu.memref_squeeze %dma_start3A_380 : memref<1x40xi32, #tpu.memory_space<vmem>> -> memref<40xi32, #tpu.memory_space<vmem>>
          %dma_start3A_382 = arith.constant 0 : i32
          %dma_start3A_383 = tpu.memref_slice %arg3[%add3A, %add3A_377, %dma_start3A_382] : memref<32x250x40xi32, #tpu.memory_space<hbm>> -> memref<1x1x40xi32, #tpu.memory_space<hbm>>
          %dma_start3A_384 = tpu.memref_squeeze %dma_start3A_383 : memref<1x1x40xi32, #tpu.memory_space<hbm>> -> memref<40xi32, #tpu.memory_space<hbm>>
          %dma_start3A_385 = arith.constant 0 : i32
          %dma_start3A_386 = tpu.memref_slice %arg6[%dma_start3A_378, %dma_start3A_385] : memref<8x40xi32, #tpu.memory_space<vmem>> -> memref<1x40xi32, #tpu.memory_space<vmem>>
          %dma_start3A_387 = tpu.memref_squeeze %dma_start3A_386 : memref<1x40xi32, #tpu.memory_space<vmem>> -> memref<40xi32, #tpu.memory_space<vmem>>
          %dma_start3A_388 = arith.constant 0 : i32
          %dma_start3A_389 = tpu.memref_slice %arg3[%add3A, %add3A_377, %dma_start3A_388] : memref<32x250x40xi32, #tpu.memory_space<hbm>> -> memref<1x1x40xi32, #tpu.memory_space<hbm>>
          %dma_start3A_390 = tpu.memref_squeeze %dma_start3A_389 : memref<1x1x40xi32, #tpu.memory_space<hbm>> -> memref<40xi32, #tpu.memory_space<hbm>>
          tpu.enqueue_dma source(%dma_start3A_390 : memref<40xi32, #tpu.memory_space<hbm>>) target(%dma_start3A_387 : memref<40xi32, #tpu.memory_space<vmem>>) target_semaphore(%arg17 : memref<!tpu.dma_semaphore, #tpu.memory_space<semaphore_mem>>)
          %dma_start3A_391 = arith.constant 6 : i32
          %dma_start3A_392 = arith.constant 0 : i32
          %dma_start3A_393 = tpu.memref_slice %arg7[%dma_start3A_391, %dma_start3A_392] : memref<8x40xi32, #tpu.memory_space<vmem>> -> memref<1x40xi32, #tpu.memory_space<vmem>>
          %dma_start3A_394 = tpu.memref_squeeze %dma_start3A_393 : memref<1x40xi32, #tpu.memory_space<vmem>> -> memref<40xi32, #tpu.memory_space<vmem>>
          %dma_start3A_395 = arith.constant 0 : i32
          %dma_start3A_396 = tpu.memref_slice %arg4[%add3A, %add3A_377, %dma_start3A_395] : memref<32x250x40xi32, #tpu.memory_space<hbm>> -> memref<1x1x40xi32, #tpu.memory_space<hbm>>
          %dma_start3A_397 = tpu.memref_squeeze %dma_start3A_396 : memref<1x1x40xi32, #tpu.memory_space<hbm>> -> memref<40xi32, #tpu.memory_space<hbm>>
          %dma_start3A_398 = arith.constant 0 : i32
          %dma_start3A_399 = tpu.memref_slice %arg7[%dma_start3A_391, %dma_start3A_398] : memref<8x40xi32, #tpu.memory_space<vmem>> -> memref<1x40xi32, #tpu.memory_space<vmem>>
          %dma_start3A_400 = tpu.memref_squeeze %dma_start3A_399 : memref<1x40xi32, #tpu.memory_space<vmem>> -> memref<40xi32, #tpu.memory_space<vmem>>
          %dma_start3A_401 = arith.constant 0 : i32
          %dma_start3A_402 = tpu.memref_slice %arg4[%add3A, %add3A_377, %dma_start3A_401] : memref<32x250x40xi32, #tpu.memory_space<hbm>> -> memref<1x1x40xi32, #tpu.memory_space<hbm>>
          %dma_start3A_403 = tpu.memref_squeeze %dma_start3A_402 : memref<1x1x40xi32, #tpu.memory_space<hbm>> -> memref<40xi32, #tpu.memory_space<hbm>>
          tpu.enqueue_dma source(%dma_start3A_403 : memref<40xi32, #tpu.memory_space<hbm>>) target(%dma_start3A_400 : memref<40xi32, #tpu.memory_space<vmem>>) target_semaphore(%arg25 : memref<!tpu.dma_semaphore, #tpu.memory_space<semaphore_mem>>)
        } else {
        }
      } else {
      }
      %mul3A_279 = arith.constant 8 : i32
      %mul3A_280 = arith.muli %mul3A_279, %scan3A_250 : i32
      %add3A_281 = arith.constant 3 : i32
      %add3A_282 = arith.addi %mul3A_280, %add3A_281 : i32
      %lt3A_283 = arith.constant 250 : i32
      %lt3A_284 = arith.cmpi slt, %add3A_282, %lt3A_283 : i32
      %convert_element_type3A_285 = arith.extui %lt3A_284 : i1 to i32
      %cond3A_286 = arith.constant 0 : i32
      %cond3A_287 = arith.cmpi ne, %convert_element_type3A_285, %cond3A_286 : i32
      scf.if %cond3A_287 {
        %add3A_325 = arith.constant 2 : i32
        %add3A_326 = arith.addi %add3A_282, %add3A_325 : i32
        %lt3A_327 = arith.constant 250 : i32
        %lt3A_328 = arith.cmpi slt, %add3A_326, %lt3A_327 : i32
        %convert_element_type3A_329 = arith.extui %lt3A_328 : i1 to i32
        %cond3A_330 = arith.constant 0 : i32
        %cond3A_331 = arith.cmpi ne, %convert_element_type3A_329, %cond3A_330 : i32
        scf.if %cond3A_331 {
          %add3A_376 = arith.constant 2 : i32
          %add3A_377 = arith.addi %add3A_282, %add3A_376 : i32
          %dma_wait3A_378 = arith.constant 5 : i32
          %dma_wait3A_379 = arith.constant 0 : i32
          %dma_wait3A_380 = tpu.memref_slice %arg6[%dma_wait3A_378, %dma_wait3A_379] : memref<8x40xi32, #tpu.memory_space<vmem>> -> memref<1x40xi32, #tpu.memory_space<vmem>>
          %dma_wait3A_381 = tpu.memref_squeeze %dma_wait3A_380 : memref<1x40xi32, #tpu.memory_space<vmem>> -> memref<40xi32, #tpu.memory_space<vmem>>
          %dma_wait3A_382 = arith.constant 0 : i32
          %dma_wait3A_383 = tpu.memref_slice %arg3[%add3A, %add3A_377, %dma_wait3A_382] : memref<32x250x40xi32, #tpu.memory_space<hbm>> -> memref<1x1x40xi32, #tpu.memory_space<hbm>>
          %dma_wait3A_384 = tpu.memref_squeeze %dma_wait3A_383 : memref<1x1x40xi32, #tpu.memory_space<hbm>> -> memref<40xi32, #tpu.memory_space<hbm>>
          %dma_wait3A_385 = arith.constant 0 : i32
          %dma_wait3A_386 = tpu.memref_slice %arg6[%dma_wait3A_378, %dma_wait3A_385] : memref<8x40xi32, #tpu.memory_space<vmem>> -> memref<1x40xi32, #tpu.memory_space<vmem>>
          %dma_wait3A_387 = tpu.memref_squeeze %dma_wait3A_386 : memref<1x40xi32, #tpu.memory_space<vmem>> -> memref<40xi32, #tpu.memory_space<vmem>>
          %dma_wait3A_388 = arith.constant 0 : i32
          %dma_wait3A_389 = tpu.memref_slice %arg3[%add3A, %add3A_377, %dma_wait3A_388] : memref<32x250x40xi32, #tpu.memory_space<hbm>> -> memref<1x1x40xi32, #tpu.memory_space<hbm>>
          %dma_wait3A_390 = tpu.memref_squeeze %dma_wait3A_389 : memref<1x1x40xi32, #tpu.memory_space<hbm>> -> memref<40xi32, #tpu.memory_space<hbm>>
          tpu.wait_dma2 semaphore(%arg16 : memref<!tpu.dma_semaphore, #tpu.memory_space<semaphore_mem>>) src(%dma_wait3A_390 : memref<40xi32, #tpu.memory_space<hbm>>) dst(%dma_wait3A_387 : memref<40xi32, #tpu.memory_space<vmem>>)
          %ge3A = arith.constant 2 : i32
          %ge3A_391 = arith.cmpi sge, %add3A_282, %ge3A : i32
          %convert_element_type3A_392 = arith.extui %ge3A_391 : i1 to i32
          %cond3A_393 = arith.constant 0 : i32
          %cond3A_394 = arith.cmpi ne, %convert_element_type3A_392, %cond3A_393 : i32
          scf.if %cond3A_394 {
            %dma_wait3A_407 = arith.constant 1 : i32
            %dma_wait3A_408 = arith.constant 1 : i32
            %dma_wait3A_409 = arith.constant 0 : i32
            %dma_wait3A_410 = arith.constant 0 : i32
            %dma_wait3A_411 = tpu.memref_slice %arg8[%dma_wait3A_407, %dma_wait3A_409, %dma_wait3A_410] : memref<4x40x128xf32, #tpu.memory_space<vmem>> -> memref<1x40x128xf32, #tpu.memory_space<vmem>>
            %dma_wait3A_412 = tpu.memref_squeeze %dma_wait3A_411 : memref<1x40x128xf32, #tpu.memory_space<vmem>> -> memref<40x128xf32, #tpu.memory_space<vmem>>
            %dma_wait3A_413 = arith.constant 0 : i32
            %dma_wait3A_414 = tpu.memref_slice %arg7[%dma_wait3A_408, %dma_wait3A_413] : memref<8x40xi32, #tpu.memory_space<vmem>> -> memref<1x40xi32, #tpu.memory_space<vmem>>
            %dma_wait3A_415 = tpu.memref_squeeze %dma_wait3A_414 : memref<1x40xi32, #tpu.memory_space<vmem>> -> memref<40xi32, #tpu.memory_space<vmem>>
            %dma_wait3A_416 = arith.constant 0 : i32
            %dma_wait3A_417 = arith.constant 0 : i32
            %dma_wait3A_418 = tpu.memref_slice %arg10[%dma_wait3A_416, %dma_wait3A_417] : memref<10000x128xf32, #tpu.memory_space<vmem_shared>> -> memref<10000x128xf32, #tpu.memory_space<vmem_shared>>
            tpu.wait_indirect_dma semaphore(%arg32 : memref<!tpu.dma_semaphore, #tpu.memory_space<semaphore_mem>>) src(%dma_wait3A_412 : memref<40x128xf32, #tpu.memory_space<vmem>>) dst(%dma_wait3A_418 : memref<10000x128xf32, #tpu.memory_space<vmem_shared>>)
          } else {
          }
          %dma_start3A_395 = arith.constant 5 : i32
          %dma_start3A_396 = arith.constant 1 : i32
          %dma_start3A_397 = arith.constant 0 : i32
          %dma_start3A_398 = arith.constant 0 : i32
          %dma_start3A_399 = tpu.memref_slice %arg8[%dma_start3A_396, %dma_start3A_397, %dma_start3A_398] : memref<4x40x128xf32, #tpu.memory_space<vmem>> -> memref<1x40x128xf32, #tpu.memory_space<vmem>>
          %dma_start3A_400 = tpu.memref_squeeze %dma_start3A_399 : memref<1x40x128xf32, #tpu.memory_space<vmem>> -> memref<40x128xf32, #tpu.memory_space<vmem>>
          %dma_start3A_401 = arith.constant 0 : i32
          %dma_start3A_402 = tpu.memref_slice %arg6[%dma_start3A_395, %dma_start3A_401] : memref<8x40xi32, #tpu.memory_space<vmem>> -> memref<1x40xi32, #tpu.memory_space<vmem>>
          %dma_start3A_403 = tpu.memref_squeeze %dma_start3A_402 : memref<1x40xi32, #tpu.memory_space<vmem>> -> memref<40xi32, #tpu.memory_space<vmem>>
          %dma_start3A_404 = arith.constant 0 : i32
          %dma_start3A_405 = arith.constant 0 : i32
          %dma_start3A_406 = tpu.memref_slice %arg2[%dma_start3A_404, %dma_start3A_405] : memref<10000x128xf32, #tpu.memory_space<hbm>> -> memref<10000x128xf32, #tpu.memory_space<hbm>>
          tpu.enqueue_indirect_dma source(%dma_start3A_406 : memref<10000x128xf32, #tpu.memory_space<hbm>>) target(%dma_start3A_400 : memref<40x128xf32, #tpu.memory_space<vmem>>) offsets(%dma_start3A_403 : memref<40xi32, #tpu.memory_space<vmem>>) semaphore(%arg28 : memref<!tpu.dma_semaphore, #tpu.memory_space<semaphore_mem>>)
        } else {
        }
        %dma_wait3A_332 = arith.constant 3 : i32
        %dma_wait3A_333 = arith.constant 3 : i32
        %dma_wait3A_334 = arith.constant 0 : i32
        %dma_wait3A_335 = arith.constant 0 : i32
        %dma_wait3A_336 = tpu.memref_slice %arg8[%dma_wait3A_333, %dma_wait3A_334, %dma_wait3A_335] : memref<4x40x128xf32, #tpu.memory_space<vmem>> -> memref<1x40x128xf32, #tpu.memory_space<vmem>>
        %dma_wait3A_337 = tpu.memref_squeeze %dma_wait3A_336 : memref<1x40x128xf32, #tpu.memory_space<vmem>> -> memref<40x128xf32, #tpu.memory_space<vmem>>
        %dma_wait3A_338 = arith.constant 0 : i32
        %dma_wait3A_339 = tpu.memref_slice %arg6[%dma_wait3A_332, %dma_wait3A_338] : memref<8x40xi32, #tpu.memory_space<vmem>> -> memref<1x40xi32, #tpu.memory_space<vmem>>
        %dma_wait3A_340 = tpu.memref_squeeze %dma_wait3A_339 : memref<1x40xi32, #tpu.memory_space<vmem>> -> memref<40xi32, #tpu.memory_space<vmem>>
        %dma_wait3A_341 = arith.constant 0 : i32
        %dma_wait3A_342 = arith.constant 0 : i32
        %dma_wait3A_343 = tpu.memref_slice %arg2[%dma_wait3A_341, %dma_wait3A_342] : memref<10000x128xf32, #tpu.memory_space<hbm>> -> memref<10000x128xf32, #tpu.memory_space<hbm>>
        tpu.wait_indirect_dma semaphore(%arg30 : memref<!tpu.dma_semaphore, #tpu.memory_space<semaphore_mem>>) src(%dma_wait3A_343 : memref<10000x128xf32, #tpu.memory_space<hbm>>) dst(%dma_wait3A_337 : memref<40x128xf32, #tpu.memory_space<vmem>>)
        %dma_wait3A_344 = arith.constant 3 : i32
        %dma_wait3A_345 = arith.constant 0 : i32
        %dma_wait3A_346 = tpu.memref_slice %arg7[%dma_wait3A_344, %dma_wait3A_345] : memref<8x40xi32, #tpu.memory_space<vmem>> -> memref<1x40xi32, #tpu.memory_space<vmem>>
        %dma_wait3A_347 = tpu.memref_squeeze %dma_wait3A_346 : memref<1x40xi32, #tpu.memory_space<vmem>> -> memref<40xi32, #tpu.memory_space<vmem>>
        %dma_wait3A_348 = arith.constant 0 : i32
        %dma_wait3A_349 = tpu.memref_slice %arg4[%add3A, %add3A_282, %dma_wait3A_348] : memref<32x250x40xi32, #tpu.memory_space<hbm>> -> memref<1x1x40xi32, #tpu.memory_space<hbm>>
        %dma_wait3A_350 = tpu.memref_squeeze %dma_wait3A_349 : memref<1x1x40xi32, #tpu.memory_space<hbm>> -> memref<40xi32, #tpu.memory_space<hbm>>
        %dma_wait3A_351 = arith.constant 0 : i32
        %dma_wait3A_352 = tpu.memref_slice %arg7[%dma_wait3A_344, %dma_wait3A_351] : memref<8x40xi32, #tpu.memory_space<vmem>> -> memref<1x40xi32, #tpu.memory_space<vmem>>
        %dma_wait3A_353 = tpu.memref_squeeze %dma_wait3A_352 : memref<1x40xi32, #tpu.memory_space<vmem>> -> memref<40xi32, #tpu.memory_space<vmem>>
        %dma_wait3A_354 = arith.constant 0 : i32
        %dma_wait3A_355 = tpu.memref_slice %arg4[%add3A, %add3A_282, %dma_wait3A_354] : memref<32x250x40xi32, #tpu.memory_space<hbm>> -> memref<1x1x40xi32, #tpu.memory_space<hbm>>
        %dma_wait3A_356 = tpu.memref_squeeze %dma_wait3A_355 : memref<1x1x40xi32, #tpu.memory_space<hbm>> -> memref<40xi32, #tpu.memory_space<hbm>>
        tpu.wait_dma2 semaphore(%arg22 : memref<!tpu.dma_semaphore, #tpu.memory_space<semaphore_mem>>) src(%dma_wait3A_356 : memref<40xi32, #tpu.memory_space<hbm>>) dst(%dma_wait3A_353 : memref<40xi32, #tpu.memory_space<vmem>>)
        %dma_start3A_357 = arith.constant 3 : i32
        %dma_start3A_358 = arith.constant 3 : i32
        %dma_start3A_359 = arith.constant 0 : i32
        %dma_start3A_360 = arith.constant 0 : i32
        %dma_start3A_361 = tpu.memref_slice %arg8[%dma_start3A_357, %dma_start3A_359, %dma_start3A_360] : memref<4x40x128xf32, #tpu.memory_space<vmem>> -> memref<1x40x128xf32, #tpu.memory_space<vmem>>
        %dma_start3A_362 = tpu.memref_squeeze %dma_start3A_361 : memref<1x40x128xf32, #tpu.memory_space<vmem>> -> memref<40x128xf32, #tpu.memory_space<vmem>>
        %dma_start3A_363 = arith.constant 0 : i32
        %dma_start3A_364 = tpu.memref_slice %arg7[%dma_start3A_358, %dma_start3A_363] : memref<8x40xi32, #tpu.memory_space<vmem>> -> memref<1x40xi32, #tpu.memory_space<vmem>>
        %dma_start3A_365 = tpu.memref_squeeze %dma_start3A_364 : memref<1x40xi32, #tpu.memory_space<vmem>> -> memref<40xi32, #tpu.memory_space<vmem>>
        %dma_start3A_366 = arith.constant 0 : i32
        %dma_start3A_367 = arith.constant 0 : i32
        %dma_start3A_368 = tpu.memref_slice %arg10[%dma_start3A_366, %dma_start3A_367] : memref<10000x128xf32, #tpu.memory_space<vmem_shared>> -> memref<10000x128xf32, #tpu.memory_space<vmem_shared>>
        tpu.enqueue_indirect_dma source(%dma_start3A_362 : memref<40x128xf32, #tpu.memory_space<vmem>>) target(%dma_start3A_368 : memref<10000x128xf32, #tpu.memory_space<vmem_shared>>) offsets(%dma_start3A_365 : memref<40xi32, #tpu.memory_space<vmem>>) semaphore(%arg34 : memref<!tpu.dma_semaphore, #tpu.memory_space<semaphore_mem>>) {add = true}
        %add3A_369 = arith.constant 4 : i32
        %add3A_370 = arith.addi %add3A_282, %add3A_369 : i32
        %lt3A_371 = arith.constant 250 : i32
        %lt3A_372 = arith.cmpi slt, %add3A_370, %lt3A_371 : i32
        %convert_element_type3A_373 = arith.extui %lt3A_372 : i1 to i32
        %cond3A_374 = arith.constant 0 : i32
        %cond3A_375 = arith.cmpi ne, %convert_element_type3A_373, %cond3A_374 : i32
        scf.if %cond3A_375 {
          %add3A_376 = arith.constant 4 : i32
          %add3A_377 = arith.addi %add3A_282, %add3A_376 : i32
          %dma_start3A_378 = arith.constant 7 : i32
          %dma_start3A_379 = arith.constant 0 : i32
          %dma_start3A_380 = tpu.memref_slice %arg6[%dma_start3A_378, %dma_start3A_379] : memref<8x40xi32, #tpu.memory_space<vmem>> -> memref<1x40xi32, #tpu.memory_space<vmem>>
          %dma_start3A_381 = tpu.memref_squeeze %dma_start3A_380 : memref<1x40xi32, #tpu.memory_space<vmem>> -> memref<40xi32, #tpu.memory_space<vmem>>
          %dma_start3A_382 = arith.constant 0 : i32
          %dma_start3A_383 = tpu.memref_slice %arg3[%add3A, %add3A_377, %dma_start3A_382] : memref<32x250x40xi32, #tpu.memory_space<hbm>> -> memref<1x1x40xi32, #tpu.memory_space<hbm>>
          %dma_start3A_384 = tpu.memref_squeeze %dma_start3A_383 : memref<1x1x40xi32, #tpu.memory_space<hbm>> -> memref<40xi32, #tpu.memory_space<hbm>>
          %dma_start3A_385 = arith.constant 0 : i32
          %dma_start3A_386 = tpu.memref_slice %arg6[%dma_start3A_378, %dma_start3A_385] : memref<8x40xi32, #tpu.memory_space<vmem>> -> memref<1x40xi32, #tpu.memory_space<vmem>>
          %dma_start3A_387 = tpu.memref_squeeze %dma_start3A_386 : memref<1x40xi32, #tpu.memory_space<vmem>> -> memref<40xi32, #tpu.memory_space<vmem>>
          %dma_start3A_388 = arith.constant 0 : i32
          %dma_start3A_389 = tpu.memref_slice %arg3[%add3A, %add3A_377, %dma_start3A_388] : memref<32x250x40xi32, #tpu.memory_space<hbm>> -> memref<1x1x40xi32, #tpu.memory_space<hbm>>
          %dma_start3A_390 = tpu.memref_squeeze %dma_start3A_389 : memref<1x1x40xi32, #tpu.memory_space<hbm>> -> memref<40xi32, #tpu.memory_space<hbm>>
          tpu.enqueue_dma source(%dma_start3A_390 : memref<40xi32, #tpu.memory_space<hbm>>) target(%dma_start3A_387 : memref<40xi32, #tpu.memory_space<vmem>>) target_semaphore(%arg18 : memref<!tpu.dma_semaphore, #tpu.memory_space<semaphore_mem>>)
          %dma_start3A_391 = arith.constant 7 : i32
          %dma_start3A_392 = arith.constant 0 : i32
          %dma_start3A_393 = tpu.memref_slice %arg7[%dma_start3A_391, %dma_start3A_392] : memref<8x40xi32, #tpu.memory_space<vmem>> -> memref<1x40xi32, #tpu.memory_space<vmem>>
          %dma_start3A_394 = tpu.memref_squeeze %dma_start3A_393 : memref<1x40xi32, #tpu.memory_space<vmem>> -> memref<40xi32, #tpu.memory_space<vmem>>
          %dma_start3A_395 = arith.constant 0 : i32
          %dma_start3A_396 = tpu.memref_slice %arg4[%add3A, %add3A_377, %dma_start3A_395] : memref<32x250x40xi32, #tpu.memory_space<hbm>> -> memref<1x1x40xi32, #tpu.memory_space<hbm>>
          %dma_start3A_397 = tpu.memref_squeeze %dma_start3A_396 : memref<1x1x40xi32, #tpu.memory_space<hbm>> -> memref<40xi32, #tpu.memory_space<hbm>>
          %dma_start3A_398 = arith.constant 0 : i32
          %dma_start3A_399 = tpu.memref_slice %arg7[%dma_start3A_391, %dma_start3A_398] : memref<8x40xi32, #tpu.memory_space<vmem>> -> memref<1x40xi32, #tpu.memory_space<vmem>>
          %dma_start3A_400 = tpu.memref_squeeze %dma_start3A_399 : memref<1x40xi32, #tpu.memory_space<vmem>> -> memref<40xi32, #tpu.memory_space<vmem>>
          %dma_start3A_401 = arith.constant 0 : i32
          %dma_start3A_402 = tpu.memref_slice %arg4[%add3A, %add3A_377, %dma_start3A_401] : memref<32x250x40xi32, #tpu.memory_space<hbm>> -> memref<1x1x40xi32, #tpu.memory_space<hbm>>
          %dma_start3A_403 = tpu.memref_squeeze %dma_start3A_402 : memref<1x1x40xi32, #tpu.memory_space<hbm>> -> memref<40xi32, #tpu.memory_space<hbm>>
          tpu.enqueue_dma source(%dma_start3A_403 : memref<40xi32, #tpu.memory_space<hbm>>) target(%dma_start3A_400 : memref<40xi32, #tpu.memory_space<vmem>>) target_semaphore(%arg26 : memref<!tpu.dma_semaphore, #tpu.memory_space<semaphore_mem>>)
        } else {
        }
      } else {
      }
      %mul3A_288 = arith.constant 8 : i32
      %mul3A_289 = arith.muli %mul3A_288, %scan3A_250 : i32
      %add3A_290 = arith.constant 4 : i32
      %add3A_291 = arith.addi %mul3A_289, %add3A_290 : i32
      %lt3A_292 = arith.constant 250 : i32
      %lt3A_293 = arith.cmpi slt, %add3A_291, %lt3A_292 : i32
      %convert_element_type3A_294 = arith.extui %lt3A_293 : i1 to i32
      %cond3A_295 = arith.constant 0 : i32
      %cond3A_296 = arith.cmpi ne, %convert_element_type3A_294, %cond3A_295 : i32
      scf.if %cond3A_296 {
        %add3A_325 = arith.constant 2 : i32
        %add3A_326 = arith.addi %add3A_291, %add3A_325 : i32
        %lt3A_327 = arith.constant 250 : i32
        %lt3A_328 = arith.cmpi slt, %add3A_326, %lt3A_327 : i32
        %convert_element_type3A_329 = arith.extui %lt3A_328 : i1 to i32
        %cond3A_330 = arith.constant 0 : i32
        %cond3A_331 = arith.cmpi ne, %convert_element_type3A_329, %cond3A_330 : i32
        scf.if %cond3A_331 {
          %add3A_376 = arith.constant 2 : i32
          %add3A_377 = arith.addi %add3A_291, %add3A_376 : i32
          %dma_wait3A_378 = arith.constant 6 : i32
          %dma_wait3A_379 = arith.constant 0 : i32
          %dma_wait3A_380 = tpu.memref_slice %arg6[%dma_wait3A_378, %dma_wait3A_379] : memref<8x40xi32, #tpu.memory_space<vmem>> -> memref<1x40xi32, #tpu.memory_space<vmem>>
          %dma_wait3A_381 = tpu.memref_squeeze %dma_wait3A_380 : memref<1x40xi32, #tpu.memory_space<vmem>> -> memref<40xi32, #tpu.memory_space<vmem>>
          %dma_wait3A_382 = arith.constant 0 : i32
          %dma_wait3A_383 = tpu.memref_slice %arg3[%add3A, %add3A_377, %dma_wait3A_382] : memref<32x250x40xi32, #tpu.memory_space<hbm>> -> memref<1x1x40xi32, #tpu.memory_space<hbm>>
          %dma_wait3A_384 = tpu.memref_squeeze %dma_wait3A_383 : memref<1x1x40xi32, #tpu.memory_space<hbm>> -> memref<40xi32, #tpu.memory_space<hbm>>
          %dma_wait3A_385 = arith.constant 0 : i32
          %dma_wait3A_386 = tpu.memref_slice %arg6[%dma_wait3A_378, %dma_wait3A_385] : memref<8x40xi32, #tpu.memory_space<vmem>> -> memref<1x40xi32, #tpu.memory_space<vmem>>
          %dma_wait3A_387 = tpu.memref_squeeze %dma_wait3A_386 : memref<1x40xi32, #tpu.memory_space<vmem>> -> memref<40xi32, #tpu.memory_space<vmem>>
          %dma_wait3A_388 = arith.constant 0 : i32
          %dma_wait3A_389 = tpu.memref_slice %arg3[%add3A, %add3A_377, %dma_wait3A_388] : memref<32x250x40xi32, #tpu.memory_space<hbm>> -> memref<1x1x40xi32, #tpu.memory_space<hbm>>
          %dma_wait3A_390 = tpu.memref_squeeze %dma_wait3A_389 : memref<1x1x40xi32, #tpu.memory_space<hbm>> -> memref<40xi32, #tpu.memory_space<hbm>>
          tpu.wait_dma2 semaphore(%arg17 : memref<!tpu.dma_semaphore, #tpu.memory_space<semaphore_mem>>) src(%dma_wait3A_390 : memref<40xi32, #tpu.memory_space<hbm>>) dst(%dma_wait3A_387 : memref<40xi32, #tpu.memory_space<vmem>>)
          %ge3A = arith.constant 2 : i32
          %ge3A_391 = arith.cmpi sge, %add3A_291, %ge3A : i32
          %convert_element_type3A_392 = arith.extui %ge3A_391 : i1 to i32
          %cond3A_393 = arith.constant 0 : i32
          %cond3A_394 = arith.cmpi ne, %convert_element_type3A_392, %cond3A_393 : i32
          scf.if %cond3A_394 {
            %dma_wait3A_407 = arith.constant 2 : i32
            %dma_wait3A_408 = arith.constant 2 : i32
            %dma_wait3A_409 = arith.constant 0 : i32
            %dma_wait3A_410 = arith.constant 0 : i32
            %dma_wait3A_411 = tpu.memref_slice %arg8[%dma_wait3A_407, %dma_wait3A_409, %dma_wait3A_410] : memref<4x40x128xf32, #tpu.memory_space<vmem>> -> memref<1x40x128xf32, #tpu.memory_space<vmem>>
            %dma_wait3A_412 = tpu.memref_squeeze %dma_wait3A_411 : memref<1x40x128xf32, #tpu.memory_space<vmem>> -> memref<40x128xf32, #tpu.memory_space<vmem>>
            %dma_wait3A_413 = arith.constant 0 : i32
            %dma_wait3A_414 = tpu.memref_slice %arg7[%dma_wait3A_408, %dma_wait3A_413] : memref<8x40xi32, #tpu.memory_space<vmem>> -> memref<1x40xi32, #tpu.memory_space<vmem>>
            %dma_wait3A_415 = tpu.memref_squeeze %dma_wait3A_414 : memref<1x40xi32, #tpu.memory_space<vmem>> -> memref<40xi32, #tpu.memory_space<vmem>>
            %dma_wait3A_416 = arith.constant 0 : i32
            %dma_wait3A_417 = arith.constant 0 : i32
            %dma_wait3A_418 = tpu.memref_slice %arg10[%dma_wait3A_416, %dma_wait3A_417] : memref<10000x128xf32, #tpu.memory_space<vmem_shared>> -> memref<10000x128xf32, #tpu.memory_space<vmem_shared>>
            tpu.wait_indirect_dma semaphore(%arg33 : memref<!tpu.dma_semaphore, #tpu.memory_space<semaphore_mem>>) src(%dma_wait3A_412 : memref<40x128xf32, #tpu.memory_space<vmem>>) dst(%dma_wait3A_418 : memref<10000x128xf32, #tpu.memory_space<vmem_shared>>)
          } else {
          }
          %dma_start3A_395 = arith.constant 6 : i32
          %dma_start3A_396 = arith.constant 2 : i32
          %dma_start3A_397 = arith.constant 0 : i32
          %dma_start3A_398 = arith.constant 0 : i32
          %dma_start3A_399 = tpu.memref_slice %arg8[%dma_start3A_396, %dma_start3A_397, %dma_start3A_398] : memref<4x40x128xf32, #tpu.memory_space<vmem>> -> memref<1x40x128xf32, #tpu.memory_space<vmem>>
          %dma_start3A_400 = tpu.memref_squeeze %dma_start3A_399 : memref<1x40x128xf32, #tpu.memory_space<vmem>> -> memref<40x128xf32, #tpu.memory_space<vmem>>
          %dma_start3A_401 = arith.constant 0 : i32
          %dma_start3A_402 = tpu.memref_slice %arg6[%dma_start3A_395, %dma_start3A_401] : memref<8x40xi32, #tpu.memory_space<vmem>> -> memref<1x40xi32, #tpu.memory_space<vmem>>
          %dma_start3A_403 = tpu.memref_squeeze %dma_start3A_402 : memref<1x40xi32, #tpu.memory_space<vmem>> -> memref<40xi32, #tpu.memory_space<vmem>>
          %dma_start3A_404 = arith.constant 0 : i32
          %dma_start3A_405 = arith.constant 0 : i32
          %dma_start3A_406 = tpu.memref_slice %arg2[%dma_start3A_404, %dma_start3A_405] : memref<10000x128xf32, #tpu.memory_space<hbm>> -> memref<10000x128xf32, #tpu.memory_space<hbm>>
          tpu.enqueue_indirect_dma source(%dma_start3A_406 : memref<10000x128xf32, #tpu.memory_space<hbm>>) target(%dma_start3A_400 : memref<40x128xf32, #tpu.memory_space<vmem>>) offsets(%dma_start3A_403 : memref<40xi32, #tpu.memory_space<vmem>>) semaphore(%arg29 : memref<!tpu.dma_semaphore, #tpu.memory_space<semaphore_mem>>)
        } else {
        }
        %dma_wait3A_332 = arith.constant 4 : i32
        %dma_wait3A_333 = arith.constant 0 : i32
        %dma_wait3A_334 = arith.constant 0 : i32
        %dma_wait3A_335 = arith.constant 0 : i32
        %dma_wait3A_336 = tpu.memref_slice %arg8[%dma_wait3A_333, %dma_wait3A_334, %dma_wait3A_335] : memref<4x40x128xf32, #tpu.memory_space<vmem>> -> memref<1x40x128xf32, #tpu.memory_space<vmem>>
        %dma_wait3A_337 = tpu.memref_squeeze %dma_wait3A_336 : memref<1x40x128xf32, #tpu.memory_space<vmem>> -> memref<40x128xf32, #tpu.memory_space<vmem>>
        %dma_wait3A_338 = arith.constant 0 : i32
        %dma_wait3A_339 = tpu.memref_slice %arg6[%dma_wait3A_332, %dma_wait3A_338] : memref<8x40xi32, #tpu.memory_space<vmem>> -> memref<1x40xi32, #tpu.memory_space<vmem>>
        %dma_wait3A_340 = tpu.memref_squeeze %dma_wait3A_339 : memref<1x40xi32, #tpu.memory_space<vmem>> -> memref<40xi32, #tpu.memory_space<vmem>>
        %dma_wait3A_341 = arith.constant 0 : i32
        %dma_wait3A_342 = arith.constant 0 : i32
        %dma_wait3A_343 = tpu.memref_slice %arg2[%dma_wait3A_341, %dma_wait3A_342] : memref<10000x128xf32, #tpu.memory_space<hbm>> -> memref<10000x128xf32, #tpu.memory_space<hbm>>
        tpu.wait_indirect_dma semaphore(%arg27 : memref<!tpu.dma_semaphore, #tpu.memory_space<semaphore_mem>>) src(%dma_wait3A_343 : memref<10000x128xf32, #tpu.memory_space<hbm>>) dst(%dma_wait3A_337 : memref<40x128xf32, #tpu.memory_space<vmem>>)
        %dma_wait3A_344 = arith.constant 4 : i32
        %dma_wait3A_345 = arith.constant 0 : i32
        %dma_wait3A_346 = tpu.memref_slice %arg7[%dma_wait3A_344, %dma_wait3A_345] : memref<8x40xi32, #tpu.memory_space<vmem>> -> memref<1x40xi32, #tpu.memory_space<vmem>>
        %dma_wait3A_347 = tpu.memref_squeeze %dma_wait3A_346 : memref<1x40xi32, #tpu.memory_space<vmem>> -> memref<40xi32, #tpu.memory_space<vmem>>
        %dma_wait3A_348 = arith.constant 0 : i32
        %dma_wait3A_349 = tpu.memref_slice %arg4[%add3A, %add3A_291, %dma_wait3A_348] : memref<32x250x40xi32, #tpu.memory_space<hbm>> -> memref<1x1x40xi32, #tpu.memory_space<hbm>>
        %dma_wait3A_350 = tpu.memref_squeeze %dma_wait3A_349 : memref<1x1x40xi32, #tpu.memory_space<hbm>> -> memref<40xi32, #tpu.memory_space<hbm>>
        %dma_wait3A_351 = arith.constant 0 : i32
        %dma_wait3A_352 = tpu.memref_slice %arg7[%dma_wait3A_344, %dma_wait3A_351] : memref<8x40xi32, #tpu.memory_space<vmem>> -> memref<1x40xi32, #tpu.memory_space<vmem>>
        %dma_wait3A_353 = tpu.memref_squeeze %dma_wait3A_352 : memref<1x40xi32, #tpu.memory_space<vmem>> -> memref<40xi32, #tpu.memory_space<vmem>>
        %dma_wait3A_354 = arith.constant 0 : i32
        %dma_wait3A_355 = tpu.memref_slice %arg4[%add3A, %add3A_291, %dma_wait3A_354] : memref<32x250x40xi32, #tpu.memory_space<hbm>> -> memref<1x1x40xi32, #tpu.memory_space<hbm>>
        %dma_wait3A_356 = tpu.memref_squeeze %dma_wait3A_355 : memref<1x1x40xi32, #tpu.memory_space<hbm>> -> memref<40xi32, #tpu.memory_space<hbm>>
        tpu.wait_dma2 semaphore(%arg23 : memref<!tpu.dma_semaphore, #tpu.memory_space<semaphore_mem>>) src(%dma_wait3A_356 : memref<40xi32, #tpu.memory_space<hbm>>) dst(%dma_wait3A_353 : memref<40xi32, #tpu.memory_space<vmem>>)
        %dma_start3A_357 = arith.constant 0 : i32
        %dma_start3A_358 = arith.constant 4 : i32
        %dma_start3A_359 = arith.constant 0 : i32
        %dma_start3A_360 = arith.constant 0 : i32
        %dma_start3A_361 = tpu.memref_slice %arg8[%dma_start3A_357, %dma_start3A_359, %dma_start3A_360] : memref<4x40x128xf32, #tpu.memory_space<vmem>> -> memref<1x40x128xf32, #tpu.memory_space<vmem>>
        %dma_start3A_362 = tpu.memref_squeeze %dma_start3A_361 : memref<1x40x128xf32, #tpu.memory_space<vmem>> -> memref<40x128xf32, #tpu.memory_space<vmem>>
        %dma_start3A_363 = arith.constant 0 : i32
        %dma_start3A_364 = tpu.memref_slice %arg7[%dma_start3A_358, %dma_start3A_363] : memref<8x40xi32, #tpu.memory_space<vmem>> -> memref<1x40xi32, #tpu.memory_space<vmem>>
        %dma_start3A_365 = tpu.memref_squeeze %dma_start3A_364 : memref<1x40xi32, #tpu.memory_space<vmem>> -> memref<40xi32, #tpu.memory_space<vmem>>
        %dma_start3A_366 = arith.constant 0 : i32
        %dma_start3A_367 = arith.constant 0 : i32
        %dma_start3A_368 = tpu.memref_slice %arg10[%dma_start3A_366, %dma_start3A_367] : memref<10000x128xf32, #tpu.memory_space<vmem_shared>> -> memref<10000x128xf32, #tpu.memory_space<vmem_shared>>
        tpu.enqueue_indirect_dma source(%dma_start3A_362 : memref<40x128xf32, #tpu.memory_space<vmem>>) target(%dma_start3A_368 : memref<10000x128xf32, #tpu.memory_space<vmem_shared>>) offsets(%dma_start3A_365 : memref<40xi32, #tpu.memory_space<vmem>>) semaphore(%arg31 : memref<!tpu.dma_semaphore, #tpu.memory_space<semaphore_mem>>) {add = true}
        %add3A_369 = arith.constant 4 : i32
        %add3A_370 = arith.addi %add3A_291, %add3A_369 : i32
        %lt3A_371 = arith.constant 250 : i32
        %lt3A_372 = arith.cmpi slt, %add3A_370, %lt3A_371 : i32
        %convert_element_type3A_373 = arith.extui %lt3A_372 : i1 to i32
        %cond3A_374 = arith.constant 0 : i32
        %cond3A_375 = arith.cmpi ne, %convert_element_type3A_373, %cond3A_374 : i32
        scf.if %cond3A_375 {
          %add3A_376 = arith.constant 4 : i32
          %add3A_377 = arith.addi %add3A_291, %add3A_376 : i32
          %dma_start3A_378 = arith.constant 0 : i32
          %dma_start3A_379 = arith.constant 0 : i32
          %dma_start3A_380 = tpu.memref_slice %arg6[%dma_start3A_378, %dma_start3A_379] : memref<8x40xi32, #tpu.memory_space<vmem>> -> memref<1x40xi32, #tpu.memory_space<vmem>>
          %dma_start3A_381 = tpu.memref_squeeze %dma_start3A_380 : memref<1x40xi32, #tpu.memory_space<vmem>> -> memref<40xi32, #tpu.memory_space<vmem>>
          %dma_start3A_382 = arith.constant 0 : i32
          %dma_start3A_383 = tpu.memref_slice %arg3[%add3A, %add3A_377, %dma_start3A_382] : memref<32x250x40xi32, #tpu.memory_space<hbm>> -> memref<1x1x40xi32, #tpu.memory_space<hbm>>
          %dma_start3A_384 = tpu.memref_squeeze %dma_start3A_383 : memref<1x1x40xi32, #tpu.memory_space<hbm>> -> memref<40xi32, #tpu.memory_space<hbm>>
          %dma_start3A_385 = arith.constant 0 : i32
          %dma_start3A_386 = tpu.memref_slice %arg6[%dma_start3A_378, %dma_start3A_385] : memref<8x40xi32, #tpu.memory_space<vmem>> -> memref<1x40xi32, #tpu.memory_space<vmem>>
          %dma_start3A_387 = tpu.memref_squeeze %dma_start3A_386 : memref<1x40xi32, #tpu.memory_space<vmem>> -> memref<40xi32, #tpu.memory_space<vmem>>
          %dma_start3A_388 = arith.constant 0 : i32
          %dma_start3A_389 = tpu.memref_slice %arg3[%add3A, %add3A_377, %dma_start3A_388] : memref<32x250x40xi32, #tpu.memory_space<hbm>> -> memref<1x1x40xi32, #tpu.memory_space<hbm>>
          %dma_start3A_390 = tpu.memref_squeeze %dma_start3A_389 : memref<1x1x40xi32, #tpu.memory_space<hbm>> -> memref<40xi32, #tpu.memory_space<hbm>>
          tpu.enqueue_dma source(%dma_start3A_390 : memref<40xi32, #tpu.memory_space<hbm>>) target(%dma_start3A_387 : memref<40xi32, #tpu.memory_space<vmem>>) target_semaphore(%arg11 : memref<!tpu.dma_semaphore, #tpu.memory_space<semaphore_mem>>)
          %dma_start3A_391 = arith.constant 0 : i32
          %dma_start3A_392 = arith.constant 0 : i32
          %dma_start3A_393 = tpu.memref_slice %arg7[%dma_start3A_391, %dma_start3A_392] : memref<8x40xi32, #tpu.memory_space<vmem>> -> memref<1x40xi32, #tpu.memory_space<vmem>>
          %dma_start3A_394 = tpu.memref_squeeze %dma_start3A_393 : memref<1x40xi32, #tpu.memory_space<vmem>> -> memref<40xi32, #tpu.memory_space<vmem>>
          %dma_start3A_395 = arith.constant 0 : i32
          %dma_start3A_396 = tpu.memref_slice %arg4[%add3A, %add3A_377, %dma_start3A_395] : memref<32x250x40xi32, #tpu.memory_space<hbm>> -> memref<1x1x40xi32, #tpu.memory_space<hbm>>
          %dma_start3A_397 = tpu.memref_squeeze %dma_start3A_396 : memref<1x1x40xi32, #tpu.memory_space<hbm>> -> memref<40xi32, #tpu.memory_space<hbm>>
          %dma_start3A_398 = arith.constant 0 : i32
          %dma_start3A_399 = tpu.memref_slice %arg7[%dma_start3A_391, %dma_start3A_398] : memref<8x40xi32, #tpu.memory_space<vmem>> -> memref<1x40xi32, #tpu.memory_space<vmem>>
          %dma_start3A_400 = tpu.memref_squeeze %dma_start3A_399 : memref<1x40xi32, #tpu.memory_space<vmem>> -> memref<40xi32, #tpu.memory_space<vmem>>
          %dma_start3A_401 = arith.constant 0 : i32
          %dma_start3A_402 = tpu.memref_slice %arg4[%add3A, %add3A_377, %dma_start3A_401] : memref<32x250x40xi32, #tpu.memory_space<hbm>> -> memref<1x1x40xi32, #tpu.memory_space<hbm>>
          %dma_start3A_403 = tpu.memref_squeeze %dma_start3A_402 : memref<1x1x40xi32, #tpu.memory_space<hbm>> -> memref<40xi32, #tpu.memory_space<hbm>>
          tpu.enqueue_dma source(%dma_start3A_403 : memref<40xi32, #tpu.memory_space<hbm>>) target(%dma_start3A_400 : memref<40xi32, #tpu.memory_space<vmem>>) target_semaphore(%arg19 : memref<!tpu.dma_semaphore, #tpu.memory_space<semaphore_mem>>)
        } else {
        }
      } else {
      }
      %mul3A_297 = arith.constant 8 : i32
      %mul3A_298 = arith.muli %mul3A_297, %scan3A_250 : i32
      %add3A_299 = arith.constant 5 : i32
      %add3A_300 = arith.addi %mul3A_298, %add3A_299 : i32
      %lt3A_301 = arith.constant 250 : i32
      %lt3A_302 = arith.cmpi slt, %add3A_300, %lt3A_301 : i32
      %convert_element_type3A_303 = arith.extui %lt3A_302 : i1 to i32
      %cond3A_304 = arith.constant 0 : i32
      %cond3A_305 = arith.cmpi ne, %convert_element_type3A_303, %cond3A_304 : i32
      scf.if %cond3A_305 {
        %add3A_325 = arith.constant 2 : i32
        %add3A_326 = arith.addi %add3A_300, %add3A_325 : i32
        %lt3A_327 = arith.constant 250 : i32
        %lt3A_328 = arith.cmpi slt, %add3A_326, %lt3A_327 : i32
        %convert_element_type3A_329 = arith.extui %lt3A_328 : i1 to i32
        %cond3A_330 = arith.constant 0 : i32
        %cond3A_331 = arith.cmpi ne, %convert_element_type3A_329, %cond3A_330 : i32
        scf.if %cond3A_331 {
          %add3A_376 = arith.constant 2 : i32
          %add3A_377 = arith.addi %add3A_300, %add3A_376 : i32
          %dma_wait3A_378 = arith.constant 7 : i32
          %dma_wait3A_379 = arith.constant 0 : i32
          %dma_wait3A_380 = tpu.memref_slice %arg6[%dma_wait3A_378, %dma_wait3A_379] : memref<8x40xi32, #tpu.memory_space<vmem>> -> memref<1x40xi32, #tpu.memory_space<vmem>>
          %dma_wait3A_381 = tpu.memref_squeeze %dma_wait3A_380 : memref<1x40xi32, #tpu.memory_space<vmem>> -> memref<40xi32, #tpu.memory_space<vmem>>
          %dma_wait3A_382 = arith.constant 0 : i32
          %dma_wait3A_383 = tpu.memref_slice %arg3[%add3A, %add3A_377, %dma_wait3A_382] : memref<32x250x40xi32, #tpu.memory_space<hbm>> -> memref<1x1x40xi32, #tpu.memory_space<hbm>>
          %dma_wait3A_384 = tpu.memref_squeeze %dma_wait3A_383 : memref<1x1x40xi32, #tpu.memory_space<hbm>> -> memref<40xi32, #tpu.memory_space<hbm>>
          %dma_wait3A_385 = arith.constant 0 : i32
          %dma_wait3A_386 = tpu.memref_slice %arg6[%dma_wait3A_378, %dma_wait3A_385] : memref<8x40xi32, #tpu.memory_space<vmem>> -> memref<1x40xi32, #tpu.memory_space<vmem>>
          %dma_wait3A_387 = tpu.memref_squeeze %dma_wait3A_386 : memref<1x40xi32, #tpu.memory_space<vmem>> -> memref<40xi32, #tpu.memory_space<vmem>>
          %dma_wait3A_388 = arith.constant 0 : i32
          %dma_wait3A_389 = tpu.memref_slice %arg3[%add3A, %add3A_377, %dma_wait3A_388] : memref<32x250x40xi32, #tpu.memory_space<hbm>> -> memref<1x1x40xi32, #tpu.memory_space<hbm>>
          %dma_wait3A_390 = tpu.memref_squeeze %dma_wait3A_389 : memref<1x1x40xi32, #tpu.memory_space<hbm>> -> memref<40xi32, #tpu.memory_space<hbm>>
          tpu.wait_dma2 semaphore(%arg18 : memref<!tpu.dma_semaphore, #tpu.memory_space<semaphore_mem>>) src(%dma_wait3A_390 : memref<40xi32, #tpu.memory_space<hbm>>) dst(%dma_wait3A_387 : memref<40xi32, #tpu.memory_space<vmem>>)
          %ge3A = arith.constant 2 : i32
          %ge3A_391 = arith.cmpi sge, %add3A_300, %ge3A : i32
          %convert_element_type3A_392 = arith.extui %ge3A_391 : i1 to i32
          %cond3A_393 = arith.constant 0 : i32
          %cond3A_394 = arith.cmpi ne, %convert_element_type3A_392, %cond3A_393 : i32
          scf.if %cond3A_394 {
            %dma_wait3A_407 = arith.constant 3 : i32
            %dma_wait3A_408 = arith.constant 3 : i32
            %dma_wait3A_409 = arith.constant 0 : i32
            %dma_wait3A_410 = arith.constant 0 : i32
            %dma_wait3A_411 = tpu.memref_slice %arg8[%dma_wait3A_407, %dma_wait3A_409, %dma_wait3A_410] : memref<4x40x128xf32, #tpu.memory_space<vmem>> -> memref<1x40x128xf32, #tpu.memory_space<vmem>>
            %dma_wait3A_412 = tpu.memref_squeeze %dma_wait3A_411 : memref<1x40x128xf32, #tpu.memory_space<vmem>> -> memref<40x128xf32, #tpu.memory_space<vmem>>
            %dma_wait3A_413 = arith.constant 0 : i32
            %dma_wait3A_414 = tpu.memref_slice %arg7[%dma_wait3A_408, %dma_wait3A_413] : memref<8x40xi32, #tpu.memory_space<vmem>> -> memref<1x40xi32, #tpu.memory_space<vmem>>
            %dma_wait3A_415 = tpu.memref_squeeze %dma_wait3A_414 : memref<1x40xi32, #tpu.memory_space<vmem>> -> memref<40xi32, #tpu.memory_space<vmem>>
            %dma_wait3A_416 = arith.constant 0 : i32
            %dma_wait3A_417 = arith.constant 0 : i32
            %dma_wait3A_418 = tpu.memref_slice %arg10[%dma_wait3A_416, %dma_wait3A_417] : memref<10000x128xf32, #tpu.memory_space<vmem_shared>> -> memref<10000x128xf32, #tpu.memory_space<vmem_shared>>
            tpu.wait_indirect_dma semaphore(%arg34 : memref<!tpu.dma_semaphore, #tpu.memory_space<semaphore_mem>>) src(%dma_wait3A_412 : memref<40x128xf32, #tpu.memory_space<vmem>>) dst(%dma_wait3A_418 : memref<10000x128xf32, #tpu.memory_space<vmem_shared>>)
          } else {
          }
          %dma_start3A_395 = arith.constant 7 : i32
          %dma_start3A_396 = arith.constant 3 : i32
          %dma_start3A_397 = arith.constant 0 : i32
          %dma_start3A_398 = arith.constant 0 : i32
          %dma_start3A_399 = tpu.memref_slice %arg8[%dma_start3A_396, %dma_start3A_397, %dma_start3A_398] : memref<4x40x128xf32, #tpu.memory_space<vmem>> -> memref<1x40x128xf32, #tpu.memory_space<vmem>>
          %dma_start3A_400 = tpu.memref_squeeze %dma_start3A_399 : memref<1x40x128xf32, #tpu.memory_space<vmem>> -> memref<40x128xf32, #tpu.memory_space<vmem>>
          %dma_start3A_401 = arith.constant 0 : i32
          %dma_start3A_402 = tpu.memref_slice %arg6[%dma_start3A_395, %dma_start3A_401] : memref<8x40xi32, #tpu.memory_space<vmem>> -> memref<1x40xi32, #tpu.memory_space<vmem>>
          %dma_start3A_403 = tpu.memref_squeeze %dma_start3A_402 : memref<1x40xi32, #tpu.memory_space<vmem>> -> memref<40xi32, #tpu.memory_space<vmem>>
          %dma_start3A_404 = arith.constant 0 : i32
          %dma_start3A_405 = arith.constant 0 : i32
          %dma_start3A_406 = tpu.memref_slice %arg2[%dma_start3A_404, %dma_start3A_405] : memref<10000x128xf32, #tpu.memory_space<hbm>> -> memref<10000x128xf32, #tpu.memory_space<hbm>>
          tpu.enqueue_indirect_dma source(%dma_start3A_406 : memref<10000x128xf32, #tpu.memory_space<hbm>>) target(%dma_start3A_400 : memref<40x128xf32, #tpu.memory_space<vmem>>) offsets(%dma_start3A_403 : memref<40xi32, #tpu.memory_space<vmem>>) semaphore(%arg30 : memref<!tpu.dma_semaphore, #tpu.memory_space<semaphore_mem>>)
        } else {
        }
        %dma_wait3A_332 = arith.constant 5 : i32
        %dma_wait3A_333 = arith.constant 1 : i32
        %dma_wait3A_334 = arith.constant 0 : i32
        %dma_wait3A_335 = arith.constant 0 : i32
        %dma_wait3A_336 = tpu.memref_slice %arg8[%dma_wait3A_333, %dma_wait3A_334, %dma_wait3A_335] : memref<4x40x128xf32, #tpu.memory_space<vmem>> -> memref<1x40x128xf32, #tpu.memory_space<vmem>>
        %dma_wait3A_337 = tpu.memref_squeeze %dma_wait3A_336 : memref<1x40x128xf32, #tpu.memory_space<vmem>> -> memref<40x128xf32, #tpu.memory_space<vmem>>
        %dma_wait3A_338 = arith.constant 0 : i32
        %dma_wait3A_339 = tpu.memref_slice %arg6[%dma_wait3A_332, %dma_wait3A_338] : memref<8x40xi32, #tpu.memory_space<vmem>> -> memref<1x40xi32, #tpu.memory_space<vmem>>
        %dma_wait3A_340 = tpu.memref_squeeze %dma_wait3A_339 : memref<1x40xi32, #tpu.memory_space<vmem>> -> memref<40xi32, #tpu.memory_space<vmem>>
        %dma_wait3A_341 = arith.constant 0 : i32
        %dma_wait3A_342 = arith.constant 0 : i32
        %dma_wait3A_343 = tpu.memref_slice %arg2[%dma_wait3A_341, %dma_wait3A_342] : memref<10000x128xf32, #tpu.memory_space<hbm>> -> memref<10000x128xf32, #tpu.memory_space<hbm>>
        tpu.wait_indirect_dma semaphore(%arg28 : memref<!tpu.dma_semaphore, #tpu.memory_space<semaphore_mem>>) src(%dma_wait3A_343 : memref<10000x128xf32, #tpu.memory_space<hbm>>) dst(%dma_wait3A_337 : memref<40x128xf32, #tpu.memory_space<vmem>>)
        %dma_wait3A_344 = arith.constant 5 : i32
        %dma_wait3A_345 = arith.constant 0 : i32
        %dma_wait3A_346 = tpu.memref_slice %arg7[%dma_wait3A_344, %dma_wait3A_345] : memref<8x40xi32, #tpu.memory_space<vmem>> -> memref<1x40xi32, #tpu.memory_space<vmem>>
        %dma_wait3A_347 = tpu.memref_squeeze %dma_wait3A_346 : memref<1x40xi32, #tpu.memory_space<vmem>> -> memref<40xi32, #tpu.memory_space<vmem>>
        %dma_wait3A_348 = arith.constant 0 : i32
        %dma_wait3A_349 = tpu.memref_slice %arg4[%add3A, %add3A_300, %dma_wait3A_348] : memref<32x250x40xi32, #tpu.memory_space<hbm>> -> memref<1x1x40xi32, #tpu.memory_space<hbm>>
        %dma_wait3A_350 = tpu.memref_squeeze %dma_wait3A_349 : memref<1x1x40xi32, #tpu.memory_space<hbm>> -> memref<40xi32, #tpu.memory_space<hbm>>
        %dma_wait3A_351 = arith.constant 0 : i32
        %dma_wait3A_352 = tpu.memref_slice %arg7[%dma_wait3A_344, %dma_wait3A_351] : memref<8x40xi32, #tpu.memory_space<vmem>> -> memref<1x40xi32, #tpu.memory_space<vmem>>
        %dma_wait3A_353 = tpu.memref_squeeze %dma_wait3A_352 : memref<1x40xi32, #tpu.memory_space<vmem>> -> memref<40xi32, #tpu.memory_space<vmem>>
        %dma_wait3A_354 = arith.constant 0 : i32
        %dma_wait3A_355 = tpu.memref_slice %arg4[%add3A, %add3A_300, %dma_wait3A_354] : memref<32x250x40xi32, #tpu.memory_space<hbm>> -> memref<1x1x40xi32, #tpu.memory_space<hbm>>
        %dma_wait3A_356 = tpu.memref_squeeze %dma_wait3A_355 : memref<1x1x40xi32, #tpu.memory_space<hbm>> -> memref<40xi32, #tpu.memory_space<hbm>>
        tpu.wait_dma2 semaphore(%arg24 : memref<!tpu.dma_semaphore, #tpu.memory_space<semaphore_mem>>) src(%dma_wait3A_356 : memref<40xi32, #tpu.memory_space<hbm>>) dst(%dma_wait3A_353 : memref<40xi32, #tpu.memory_space<vmem>>)
        %dma_start3A_357 = arith.constant 1 : i32
        %dma_start3A_358 = arith.constant 5 : i32
        %dma_start3A_359 = arith.constant 0 : i32
        %dma_start3A_360 = arith.constant 0 : i32
        %dma_start3A_361 = tpu.memref_slice %arg8[%dma_start3A_357, %dma_start3A_359, %dma_start3A_360] : memref<4x40x128xf32, #tpu.memory_space<vmem>> -> memref<1x40x128xf32, #tpu.memory_space<vmem>>
        %dma_start3A_362 = tpu.memref_squeeze %dma_start3A_361 : memref<1x40x128xf32, #tpu.memory_space<vmem>> -> memref<40x128xf32, #tpu.memory_space<vmem>>
        %dma_start3A_363 = arith.constant 0 : i32
        %dma_start3A_364 = tpu.memref_slice %arg7[%dma_start3A_358, %dma_start3A_363] : memref<8x40xi32, #tpu.memory_space<vmem>> -> memref<1x40xi32, #tpu.memory_space<vmem>>
        %dma_start3A_365 = tpu.memref_squeeze %dma_start3A_364 : memref<1x40xi32, #tpu.memory_space<vmem>> -> memref<40xi32, #tpu.memory_space<vmem>>
        %dma_start3A_366 = arith.constant 0 : i32
        %dma_start3A_367 = arith.constant 0 : i32
        %dma_start3A_368 = tpu.memref_slice %arg10[%dma_start3A_366, %dma_start3A_367] : memref<10000x128xf32, #tpu.memory_space<vmem_shared>> -> memref<10000x128xf32, #tpu.memory_space<vmem_shared>>
        tpu.enqueue_indirect_dma source(%dma_start3A_362 : memref<40x128xf32, #tpu.memory_space<vmem>>) target(%dma_start3A_368 : memref<10000x128xf32, #tpu.memory_space<vmem_shared>>) offsets(%dma_start3A_365 : memref<40xi32, #tpu.memory_space<vmem>>) semaphore(%arg32 : memref<!tpu.dma_semaphore, #tpu.memory_space<semaphore_mem>>) {add = true}
        %add3A_369 = arith.constant 4 : i32
        %add3A_370 = arith.addi %add3A_300, %add3A_369 : i32
        %lt3A_371 = arith.constant 250 : i32
        %lt3A_372 = arith.cmpi slt, %add3A_370, %lt3A_371 : i32
        %convert_element_type3A_373 = arith.extui %lt3A_372 : i1 to i32
        %cond3A_374 = arith.constant 0 : i32
        %cond3A_375 = arith.cmpi ne, %convert_element_type3A_373, %cond3A_374 : i32
        scf.if %cond3A_375 {
          %add3A_376 = arith.constant 4 : i32
          %add3A_377 = arith.addi %add3A_300, %add3A_376 : i32
          %dma_start3A_378 = arith.constant 1 : i32
          %dma_start3A_379 = arith.constant 0 : i32
          %dma_start3A_380 = tpu.memref_slice %arg6[%dma_start3A_378, %dma_start3A_379] : memref<8x40xi32, #tpu.memory_space<vmem>> -> memref<1x40xi32, #tpu.memory_space<vmem>>
          %dma_start3A_381 = tpu.memref_squeeze %dma_start3A_380 : memref<1x40xi32, #tpu.memory_space<vmem>> -> memref<40xi32, #tpu.memory_space<vmem>>
          %dma_start3A_382 = arith.constant 0 : i32
          %dma_start3A_383 = tpu.memref_slice %arg3[%add3A, %add3A_377, %dma_start3A_382] : memref<32x250x40xi32, #tpu.memory_space<hbm>> -> memref<1x1x40xi32, #tpu.memory_space<hbm>>
          %dma_start3A_384 = tpu.memref_squeeze %dma_start3A_383 : memref<1x1x40xi32, #tpu.memory_space<hbm>> -> memref<40xi32, #tpu.memory_space<hbm>>
          %dma_start3A_385 = arith.constant 0 : i32
          %dma_start3A_386 = tpu.memref_slice %arg6[%dma_start3A_378, %dma_start3A_385] : memref<8x40xi32, #tpu.memory_space<vmem>> -> memref<1x40xi32, #tpu.memory_space<vmem>>
          %dma_start3A_387 = tpu.memref_squeeze %dma_start3A_386 : memref<1x40xi32, #tpu.memory_space<vmem>> -> memref<40xi32, #tpu.memory_space<vmem>>
          %dma_start3A_388 = arith.constant 0 : i32
          %dma_start3A_389 = tpu.memref_slice %arg3[%add3A, %add3A_377, %dma_start3A_388] : memref<32x250x40xi32, #tpu.memory_space<hbm>> -> memref<1x1x40xi32, #tpu.memory_space<hbm>>
          %dma_start3A_390 = tpu.memref_squeeze %dma_start3A_389 : memref<1x1x40xi32, #tpu.memory_space<hbm>> -> memref<40xi32, #tpu.memory_space<hbm>>
          tpu.enqueue_dma source(%dma_start3A_390 : memref<40xi32, #tpu.memory_space<hbm>>) target(%dma_start3A_387 : memref<40xi32, #tpu.memory_space<vmem>>) target_semaphore(%arg12 : memref<!tpu.dma_semaphore, #tpu.memory_space<semaphore_mem>>)
          %dma_start3A_391 = arith.constant 1 : i32
          %dma_start3A_392 = arith.constant 0 : i32
          %dma_start3A_393 = tpu.memref_slice %arg7[%dma_start3A_391, %dma_start3A_392] : memref<8x40xi32, #tpu.memory_space<vmem>> -> memref<1x40xi32, #tpu.memory_space<vmem>>
          %dma_start3A_394 = tpu.memref_squeeze %dma_start3A_393 : memref<1x40xi32, #tpu.memory_space<vmem>> -> memref<40xi32, #tpu.memory_space<vmem>>
          %dma_start3A_395 = arith.constant 0 : i32
          %dma_start3A_396 = tpu.memref_slice %arg4[%add3A, %add3A_377, %dma_start3A_395] : memref<32x250x40xi32, #tpu.memory_space<hbm>> -> memref<1x1x40xi32, #tpu.memory_space<hbm>>
          %dma_start3A_397 = tpu.memref_squeeze %dma_start3A_396 : memref<1x1x40xi32, #tpu.memory_space<hbm>> -> memref<40xi32, #tpu.memory_space<hbm>>
          %dma_start3A_398 = arith.constant 0 : i32
          %dma_start3A_399 = tpu.memref_slice %arg7[%dma_start3A_391, %dma_start3A_398] : memref<8x40xi32, #tpu.memory_space<vmem>> -> memref<1x40xi32, #tpu.memory_space<vmem>>
          %dma_start3A_400 = tpu.memref_squeeze %dma_start3A_399 : memref<1x40xi32, #tpu.memory_space<vmem>> -> memref<40xi32, #tpu.memory_space<vmem>>
          %dma_start3A_401 = arith.constant 0 : i32
          %dma_start3A_402 = tpu.memref_slice %arg4[%add3A, %add3A_377, %dma_start3A_401] : memref<32x250x40xi32, #tpu.memory_space<hbm>> -> memref<1x1x40xi32, #tpu.memory_space<hbm>>
          %dma_start3A_403 = tpu.memref_squeeze %dma_start3A_402 : memref<1x1x40xi32, #tpu.memory_space<hbm>> -> memref<40xi32, #tpu.memory_space<hbm>>
          tpu.enqueue_dma source(%dma_start3A_403 : memref<40xi32, #tpu.memory_space<hbm>>) target(%dma_start3A_400 : memref<40xi32, #tpu.memory_space<vmem>>) target_semaphore(%arg20 : memref<!tpu.dma_semaphore, #tpu.memory_space<semaphore_mem>>)
        } else {
        }
      } else {
      }
      %mul3A_306 = arith.constant 8 : i32
      %mul3A_307 = arith.muli %mul3A_306, %scan3A_250 : i32
      %add3A_308 = arith.constant 6 : i32
      %add3A_309 = arith.addi %mul3A_307, %add3A_308 : i32
      %lt3A_310 = arith.constant 250 : i32
      %lt3A_311 = arith.cmpi slt, %add3A_309, %lt3A_310 : i32
      %convert_element_type3A_312 = arith.extui %lt3A_311 : i1 to i32
      %cond3A_313 = arith.constant 0 : i32
      %cond3A_314 = arith.cmpi ne, %convert_element_type3A_312, %cond3A_313 : i32
      scf.if %cond3A_314 {
        %add3A_325 = arith.constant 2 : i32
        %add3A_326 = arith.addi %add3A_309, %add3A_325 : i32
        %lt3A_327 = arith.constant 250 : i32
        %lt3A_328 = arith.cmpi slt, %add3A_326, %lt3A_327 : i32
        %convert_element_type3A_329 = arith.extui %lt3A_328 : i1 to i32
        %cond3A_330 = arith.constant 0 : i32
        %cond3A_331 = arith.cmpi ne, %convert_element_type3A_329, %cond3A_330 : i32
        scf.if %cond3A_331 {
          %add3A_376 = arith.constant 2 : i32
          %add3A_377 = arith.addi %add3A_309, %add3A_376 : i32
          %dma_wait3A_378 = arith.constant 0 : i32
          %dma_wait3A_379 = arith.constant 0 : i32
          %dma_wait3A_380 = tpu.memref_slice %arg6[%dma_wait3A_378, %dma_wait3A_379] : memref<8x40xi32, #tpu.memory_space<vmem>> -> memref<1x40xi32, #tpu.memory_space<vmem>>
          %dma_wait3A_381 = tpu.memref_squeeze %dma_wait3A_380 : memref<1x40xi32, #tpu.memory_space<vmem>> -> memref<40xi32, #tpu.memory_space<vmem>>
          %dma_wait3A_382 = arith.constant 0 : i32
          %dma_wait3A_383 = tpu.memref_slice %arg3[%add3A, %add3A_377, %dma_wait3A_382] : memref<32x250x40xi32, #tpu.memory_space<hbm>> -> memref<1x1x40xi32, #tpu.memory_space<hbm>>
          %dma_wait3A_384 = tpu.memref_squeeze %dma_wait3A_383 : memref<1x1x40xi32, #tpu.memory_space<hbm>> -> memref<40xi32, #tpu.memory_space<hbm>>
          %dma_wait3A_385 = arith.constant 0 : i32
          %dma_wait3A_386 = tpu.memref_slice %arg6[%dma_wait3A_378, %dma_wait3A_385] : memref<8x40xi32, #tpu.memory_space<vmem>> -> memref<1x40xi32, #tpu.memory_space<vmem>>
          %dma_wait3A_387 = tpu.memref_squeeze %dma_wait3A_386 : memref<1x40xi32, #tpu.memory_space<vmem>> -> memref<40xi32, #tpu.memory_space<vmem>>
          %dma_wait3A_388 = arith.constant 0 : i32
          %dma_wait3A_389 = tpu.memref_slice %arg3[%add3A, %add3A_377, %dma_wait3A_388] : memref<32x250x40xi32, #tpu.memory_space<hbm>> -> memref<1x1x40xi32, #tpu.memory_space<hbm>>
          %dma_wait3A_390 = tpu.memref_squeeze %dma_wait3A_389 : memref<1x1x40xi32, #tpu.memory_space<hbm>> -> memref<40xi32, #tpu.memory_space<hbm>>
          tpu.wait_dma2 semaphore(%arg11 : memref<!tpu.dma_semaphore, #tpu.memory_space<semaphore_mem>>) src(%dma_wait3A_390 : memref<40xi32, #tpu.memory_space<hbm>>) dst(%dma_wait3A_387 : memref<40xi32, #tpu.memory_space<vmem>>)
          %ge3A = arith.constant 2 : i32
          %ge3A_391 = arith.cmpi sge, %add3A_309, %ge3A : i32
          %convert_element_type3A_392 = arith.extui %ge3A_391 : i1 to i32
          %cond3A_393 = arith.constant 0 : i32
          %cond3A_394 = arith.cmpi ne, %convert_element_type3A_392, %cond3A_393 : i32
          scf.if %cond3A_394 {
            %dma_wait3A_407 = arith.constant 0 : i32
            %dma_wait3A_408 = arith.constant 4 : i32
            %dma_wait3A_409 = arith.constant 0 : i32
            %dma_wait3A_410 = arith.constant 0 : i32
            %dma_wait3A_411 = tpu.memref_slice %arg8[%dma_wait3A_407, %dma_wait3A_409, %dma_wait3A_410] : memref<4x40x128xf32, #tpu.memory_space<vmem>> -> memref<1x40x128xf32, #tpu.memory_space<vmem>>
            %dma_wait3A_412 = tpu.memref_squeeze %dma_wait3A_411 : memref<1x40x128xf32, #tpu.memory_space<vmem>> -> memref<40x128xf32, #tpu.memory_space<vmem>>
            %dma_wait3A_413 = arith.constant 0 : i32
            %dma_wait3A_414 = tpu.memref_slice %arg7[%dma_wait3A_408, %dma_wait3A_413] : memref<8x40xi32, #tpu.memory_space<vmem>> -> memref<1x40xi32, #tpu.memory_space<vmem>>
            %dma_wait3A_415 = tpu.memref_squeeze %dma_wait3A_414 : memref<1x40xi32, #tpu.memory_space<vmem>> -> memref<40xi32, #tpu.memory_space<vmem>>
            %dma_wait3A_416 = arith.constant 0 : i32
            %dma_wait3A_417 = arith.constant 0 : i32
            %dma_wait3A_418 = tpu.memref_slice %arg10[%dma_wait3A_416, %dma_wait3A_417] : memref<10000x128xf32, #tpu.memory_space<vmem_shared>> -> memref<10000x128xf32, #tpu.memory_space<vmem_shared>>
            tpu.wait_indirect_dma semaphore(%arg31 : memref<!tpu.dma_semaphore, #tpu.memory_space<semaphore_mem>>) src(%dma_wait3A_412 : memref<40x128xf32, #tpu.memory_space<vmem>>) dst(%dma_wait3A_418 : memref<10000x128xf32, #tpu.memory_space<vmem_shared>>)
          } else {
          }
          %dma_start3A_395 = arith.constant 0 : i32
          %dma_start3A_396 = arith.constant 0 : i32
          %dma_start3A_397 = arith.constant 0 : i32
          %dma_start3A_398 = arith.constant 0 : i32
          %dma_start3A_399 = tpu.memref_slice %arg8[%dma_start3A_396, %dma_start3A_397, %dma_start3A_398] : memref<4x40x128xf32, #tpu.memory_space<vmem>> -> memref<1x40x128xf32, #tpu.memory_space<vmem>>
          %dma_start3A_400 = tpu.memref_squeeze %dma_start3A_399 : memref<1x40x128xf32, #tpu.memory_space<vmem>> -> memref<40x128xf32, #tpu.memory_space<vmem>>
          %dma_start3A_401 = arith.constant 0 : i32
          %dma_start3A_402 = tpu.memref_slice %arg6[%dma_start3A_395, %dma_start3A_401] : memref<8x40xi32, #tpu.memory_space<vmem>> -> memref<1x40xi32, #tpu.memory_space<vmem>>
          %dma_start3A_403 = tpu.memref_squeeze %dma_start3A_402 : memref<1x40xi32, #tpu.memory_space<vmem>> -> memref<40xi32, #tpu.memory_space<vmem>>
          %dma_start3A_404 = arith.constant 0 : i32
          %dma_start3A_405 = arith.constant 0 : i32
          %dma_start3A_406 = tpu.memref_slice %arg2[%dma_start3A_404, %dma_start3A_405] : memref<10000x128xf32, #tpu.memory_space<hbm>> -> memref<10000x128xf32, #tpu.memory_space<hbm>>
          tpu.enqueue_indirect_dma source(%dma_start3A_406 : memref<10000x128xf32, #tpu.memory_space<hbm>>) target(%dma_start3A_400 : memref<40x128xf32, #tpu.memory_space<vmem>>) offsets(%dma_start3A_403 : memref<40xi32, #tpu.memory_space<vmem>>) semaphore(%arg27 : memref<!tpu.dma_semaphore, #tpu.memory_space<semaphore_mem>>)
        } else {
        }
        %dma_wait3A_332 = arith.constant 6 : i32
        %dma_wait3A_333 = arith.constant 2 : i32
        %dma_wait3A_334 = arith.constant 0 : i32
        %dma_wait3A_335 = arith.constant 0 : i32
        %dma_wait3A_336 = tpu.memref_slice %arg8[%dma_wait3A_333, %dma_wait3A_334, %dma_wait3A_335] : memref<4x40x128xf32, #tpu.memory_space<vmem>> -> memref<1x40x128xf32, #tpu.memory_space<vmem>>
        %dma_wait3A_337 = tpu.memref_squeeze %dma_wait3A_336 : memref<1x40x128xf32, #tpu.memory_space<vmem>> -> memref<40x128xf32, #tpu.memory_space<vmem>>
        %dma_wait3A_338 = arith.constant 0 : i32
        %dma_wait3A_339 = tpu.memref_slice %arg6[%dma_wait3A_332, %dma_wait3A_338] : memref<8x40xi32, #tpu.memory_space<vmem>> -> memref<1x40xi32, #tpu.memory_space<vmem>>
        %dma_wait3A_340 = tpu.memref_squeeze %dma_wait3A_339 : memref<1x40xi32, #tpu.memory_space<vmem>> -> memref<40xi32, #tpu.memory_space<vmem>>
        %dma_wait3A_341 = arith.constant 0 : i32
        %dma_wait3A_342 = arith.constant 0 : i32
        %dma_wait3A_343 = tpu.memref_slice %arg2[%dma_wait3A_341, %dma_wait3A_342] : memref<10000x128xf32, #tpu.memory_space<hbm>> -> memref<10000x128xf32, #tpu.memory_space<hbm>>
        tpu.wait_indirect_dma semaphore(%arg29 : memref<!tpu.dma_semaphore, #tpu.memory_space<semaphore_mem>>) src(%dma_wait3A_343 : memref<10000x128xf32, #tpu.memory_space<hbm>>) dst(%dma_wait3A_337 : memref<40x128xf32, #tpu.memory_space<vmem>>)
        %dma_wait3A_344 = arith.constant 6 : i32
        %dma_wait3A_345 = arith.constant 0 : i32
        %dma_wait3A_346 = tpu.memref_slice %arg7[%dma_wait3A_344, %dma_wait3A_345] : memref<8x40xi32, #tpu.memory_space<vmem>> -> memref<1x40xi32, #tpu.memory_space<vmem>>
        %dma_wait3A_347 = tpu.memref_squeeze %dma_wait3A_346 : memref<1x40xi32, #tpu.memory_space<vmem>> -> memref<40xi32, #tpu.memory_space<vmem>>
        %dma_wait3A_348 = arith.constant 0 : i32
        %dma_wait3A_349 = tpu.memref_slice %arg4[%add3A, %add3A_309, %dma_wait3A_348] : memref<32x250x40xi32, #tpu.memory_space<hbm>> -> memref<1x1x40xi32, #tpu.memory_space<hbm>>
        %dma_wait3A_350 = tpu.memref_squeeze %dma_wait3A_349 : memref<1x1x40xi32, #tpu.memory_space<hbm>> -> memref<40xi32, #tpu.memory_space<hbm>>
        %dma_wait3A_351 = arith.constant 0 : i32
        %dma_wait3A_352 = tpu.memref_slice %arg7[%dma_wait3A_344, %dma_wait3A_351] : memref<8x40xi32, #tpu.memory_space<vmem>> -> memref<1x40xi32, #tpu.memory_space<vmem>>
        %dma_wait3A_353 = tpu.memref_squeeze %dma_wait3A_352 : memref<1x40xi32, #tpu.memory_space<vmem>> -> memref<40xi32, #tpu.memory_space<vmem>>
        %dma_wait3A_354 = arith.constant 0 : i32
        %dma_wait3A_355 = tpu.memref_slice %arg4[%add3A, %add3A_309, %dma_wait3A_354] : memref<32x250x40xi32, #tpu.memory_space<hbm>> -> memref<1x1x40xi32, #tpu.memory_space<hbm>>
        %dma_wait3A_356 = tpu.memref_squeeze %dma_wait3A_355 : memref<1x1x40xi32, #tpu.memory_space<hbm>> -> memref<40xi32, #tpu.memory_space<hbm>>
        tpu.wait_dma2 semaphore(%arg25 : memref<!tpu.dma_semaphore, #tpu.memory_space<semaphore_mem>>) src(%dma_wait3A_356 : memref<40xi32, #tpu.memory_space<hbm>>) dst(%dma_wait3A_353 : memref<40xi32, #tpu.memory_space<vmem>>)
        %dma_start3A_357 = arith.constant 2 : i32
        %dma_start3A_358 = arith.constant 6 : i32
        %dma_start3A_359 = arith.constant 0 : i32
        %dma_start3A_360 = arith.constant 0 : i32
        %dma_start3A_361 = tpu.memref_slice %arg8[%dma_start3A_357, %dma_start3A_359, %dma_start3A_360] : memref<4x40x128xf32, #tpu.memory_space<vmem>> -> memref<1x40x128xf32, #tpu.memory_space<vmem>>
        %dma_start3A_362 = tpu.memref_squeeze %dma_start3A_361 : memref<1x40x128xf32, #tpu.memory_space<vmem>> -> memref<40x128xf32, #tpu.memory_space<vmem>>
        %dma_start3A_363 = arith.constant 0 : i32
        %dma_start3A_364 = tpu.memref_slice %arg7[%dma_start3A_358, %dma_start3A_363] : memref<8x40xi32, #tpu.memory_space<vmem>> -> memref<1x40xi32, #tpu.memory_space<vmem>>
        %dma_start3A_365 = tpu.memref_squeeze %dma_start3A_364 : memref<1x40xi32, #tpu.memory_space<vmem>> -> memref<40xi32, #tpu.memory_space<vmem>>
        %dma_start3A_366 = arith.constant 0 : i32
        %dma_start3A_367 = arith.constant 0 : i32
        %dma_start3A_368 = tpu.memref_slice %arg10[%dma_start3A_366, %dma_start3A_367] : memref<10000x128xf32, #tpu.memory_space<vmem_shared>> -> memref<10000x128xf32, #tpu.memory_space<vmem_shared>>
        tpu.enqueue_indirect_dma source(%dma_start3A_362 : memref<40x128xf32, #tpu.memory_space<vmem>>) target(%dma_start3A_368 : memref<10000x128xf32, #tpu.memory_space<vmem_shared>>) offsets(%dma_start3A_365 : memref<40xi32, #tpu.memory_space<vmem>>) semaphore(%arg33 : memref<!tpu.dma_semaphore, #tpu.memory_space<semaphore_mem>>) {add = true}
        %add3A_369 = arith.constant 4 : i32
        %add3A_370 = arith.addi %add3A_309, %add3A_369 : i32
        %lt3A_371 = arith.constant 250 : i32
        %lt3A_372 = arith.cmpi slt, %add3A_370, %lt3A_371 : i32
        %convert_element_type3A_373 = arith.extui %lt3A_372 : i1 to i32
        %cond3A_374 = arith.constant 0 : i32
        %cond3A_375 = arith.cmpi ne, %convert_element_type3A_373, %cond3A_374 : i32
        scf.if %cond3A_375 {
          %add3A_376 = arith.constant 4 : i32
          %add3A_377 = arith.addi %add3A_309, %add3A_376 : i32
          %dma_start3A_378 = arith.constant 2 : i32
          %dma_start3A_379 = arith.constant 0 : i32
          %dma_start3A_380 = tpu.memref_slice %arg6[%dma_start3A_378, %dma_start3A_379] : memref<8x40xi32, #tpu.memory_space<vmem>> -> memref<1x40xi32, #tpu.memory_space<vmem>>
          %dma_start3A_381 = tpu.memref_squeeze %dma_start3A_380 : memref<1x40xi32, #tpu.memory_space<vmem>> -> memref<40xi32, #tpu.memory_space<vmem>>
          %dma_start3A_382 = arith.constant 0 : i32
          %dma_start3A_383 = tpu.memref_slice %arg3[%add3A, %add3A_377, %dma_start3A_382] : memref<32x250x40xi32, #tpu.memory_space<hbm>> -> memref<1x1x40xi32, #tpu.memory_space<hbm>>
          %dma_start3A_384 = tpu.memref_squeeze %dma_start3A_383 : memref<1x1x40xi32, #tpu.memory_space<hbm>> -> memref<40xi32, #tpu.memory_space<hbm>>
          %dma_start3A_385 = arith.constant 0 : i32
          %dma_start3A_386 = tpu.memref_slice %arg6[%dma_start3A_378, %dma_start3A_385] : memref<8x40xi32, #tpu.memory_space<vmem>> -> memref<1x40xi32, #tpu.memory_space<vmem>>
          %dma_start3A_387 = tpu.memref_squeeze %dma_start3A_386 : memref<1x40xi32, #tpu.memory_space<vmem>> -> memref<40xi32, #tpu.memory_space<vmem>>
          %dma_start3A_388 = arith.constant 0 : i32
          %dma_start3A_389 = tpu.memref_slice %arg3[%add3A, %add3A_377, %dma_start3A_388] : memref<32x250x40xi32, #tpu.memory_space<hbm>> -> memref<1x1x40xi32, #tpu.memory_space<hbm>>
          %dma_start3A_390 = tpu.memref_squeeze %dma_start3A_389 : memref<1x1x40xi32, #tpu.memory_space<hbm>> -> memref<40xi32, #tpu.memory_space<hbm>>
          tpu.enqueue_dma source(%dma_start3A_390 : memref<40xi32, #tpu.memory_space<hbm>>) target(%dma_start3A_387 : memref<40xi32, #tpu.memory_space<vmem>>) target_semaphore(%arg13 : memref<!tpu.dma_semaphore, #tpu.memory_space<semaphore_mem>>)
          %dma_start3A_391 = arith.constant 2 : i32
          %dma_start3A_392 = arith.constant 0 : i32
          %dma_start3A_393 = tpu.memref_slice %arg7[%dma_start3A_391, %dma_start3A_392] : memref<8x40xi32, #tpu.memory_space<vmem>> -> memref<1x40xi32, #tpu.memory_space<vmem>>
          %dma_start3A_394 = tpu.memref_squeeze %dma_start3A_393 : memref<1x40xi32, #tpu.memory_space<vmem>> -> memref<40xi32, #tpu.memory_space<vmem>>
          %dma_start3A_395 = arith.constant 0 : i32
          %dma_start3A_396 = tpu.memref_slice %arg4[%add3A, %add3A_377, %dma_start3A_395] : memref<32x250x40xi32, #tpu.memory_space<hbm>> -> memref<1x1x40xi32, #tpu.memory_space<hbm>>
          %dma_start3A_397 = tpu.memref_squeeze %dma_start3A_396 : memref<1x1x40xi32, #tpu.memory_space<hbm>> -> memref<40xi32, #tpu.memory_space<hbm>>
          %dma_start3A_398 = arith.constant 0 : i32
          %dma_start3A_399 = tpu.memref_slice %arg7[%dma_start3A_391, %dma_start3A_398] : memref<8x40xi32, #tpu.memory_space<vmem>> -> memref<1x40xi32, #tpu.memory_space<vmem>>
          %dma_start3A_400 = tpu.memref_squeeze %dma_start3A_399 : memref<1x40xi32, #tpu.memory_space<vmem>> -> memref<40xi32, #tpu.memory_space<vmem>>
          %dma_start3A_401 = arith.constant 0 : i32
          %dma_start3A_402 = tpu.memref_slice %arg4[%add3A, %add3A_377, %dma_start3A_401] : memref<32x250x40xi32, #tpu.memory_space<hbm>> -> memref<1x1x40xi32, #tpu.memory_space<hbm>>
          %dma_start3A_403 = tpu.memref_squeeze %dma_start3A_402 : memref<1x1x40xi32, #tpu.memory_space<hbm>> -> memref<40xi32, #tpu.memory_space<hbm>>
          tpu.enqueue_dma source(%dma_start3A_403 : memref<40xi32, #tpu.memory_space<hbm>>) target(%dma_start3A_400 : memref<40xi32, #tpu.memory_space<vmem>>) target_semaphore(%arg21 : memref<!tpu.dma_semaphore, #tpu.memory_space<semaphore_mem>>)
        } else {
        }
      } else {
      }
      %mul3A_315 = arith.constant 8 : i32
      %mul3A_316 = arith.muli %mul3A_315, %scan3A_250 : i32
      %add3A_317 = arith.constant 7 : i32
      %add3A_318 = arith.addi %mul3A_316, %add3A_317 : i32
      %lt3A_319 = arith.constant 250 : i32
      %lt3A_320 = arith.cmpi slt, %add3A_318, %lt3A_319 : i32
      %convert_element_type3A_321 = arith.extui %lt3A_320 : i1 to i32
      %cond3A_322 = arith.constant 0 : i32
      %cond3A_323 = arith.cmpi ne, %convert_element_type3A_321, %cond3A_322 : i32
      scf.if %cond3A_323 {
        %add3A_325 = arith.constant 2 : i32
        %add3A_326 = arith.addi %add3A_318, %add3A_325 : i32
        %lt3A_327 = arith.constant 250 : i32
        %lt3A_328 = arith.cmpi slt, %add3A_326, %lt3A_327 : i32
        %convert_element_type3A_329 = arith.extui %lt3A_328 : i1 to i32
        %cond3A_330 = arith.constant 0 : i32
        %cond3A_331 = arith.cmpi ne, %convert_element_type3A_329, %cond3A_330 : i32
        scf.if %cond3A_331 {
          %add3A_376 = arith.constant 2 : i32
          %add3A_377 = arith.addi %add3A_318, %add3A_376 : i32
          %dma_wait3A_378 = arith.constant 1 : i32
          %dma_wait3A_379 = arith.constant 0 : i32
          %dma_wait3A_380 = tpu.memref_slice %arg6[%dma_wait3A_378, %dma_wait3A_379] : memref<8x40xi32, #tpu.memory_space<vmem>> -> memref<1x40xi32, #tpu.memory_space<vmem>>
          %dma_wait3A_381 = tpu.memref_squeeze %dma_wait3A_380 : memref<1x40xi32, #tpu.memory_space<vmem>> -> memref<40xi32, #tpu.memory_space<vmem>>
          %dma_wait3A_382 = arith.constant 0 : i32
          %dma_wait3A_383 = tpu.memref_slice %arg3[%add3A, %add3A_377, %dma_wait3A_382] : memref<32x250x40xi32, #tpu.memory_space<hbm>> -> memref<1x1x40xi32, #tpu.memory_space<hbm>>
          %dma_wait3A_384 = tpu.memref_squeeze %dma_wait3A_383 : memref<1x1x40xi32, #tpu.memory_space<hbm>> -> memref<40xi32, #tpu.memory_space<hbm>>
          %dma_wait3A_385 = arith.constant 0 : i32
          %dma_wait3A_386 = tpu.memref_slice %arg6[%dma_wait3A_378, %dma_wait3A_385] : memref<8x40xi32, #tpu.memory_space<vmem>> -> memref<1x40xi32, #tpu.memory_space<vmem>>
          %dma_wait3A_387 = tpu.memref_squeeze %dma_wait3A_386 : memref<1x40xi32, #tpu.memory_space<vmem>> -> memref<40xi32, #tpu.memory_space<vmem>>
          %dma_wait3A_388 = arith.constant 0 : i32
          %dma_wait3A_389 = tpu.memref_slice %arg3[%add3A, %add3A_377, %dma_wait3A_388] : memref<32x250x40xi32, #tpu.memory_space<hbm>> -> memref<1x1x40xi32, #tpu.memory_space<hbm>>
          %dma_wait3A_390 = tpu.memref_squeeze %dma_wait3A_389 : memref<1x1x40xi32, #tpu.memory_space<hbm>> -> memref<40xi32, #tpu.memory_space<hbm>>
          tpu.wait_dma2 semaphore(%arg12 : memref<!tpu.dma_semaphore, #tpu.memory_space<semaphore_mem>>) src(%dma_wait3A_390 : memref<40xi32, #tpu.memory_space<hbm>>) dst(%dma_wait3A_387 : memref<40xi32, #tpu.memory_space<vmem>>)
          %ge3A = arith.constant 2 : i32
          %ge3A_391 = arith.cmpi sge, %add3A_318, %ge3A : i32
          %convert_element_type3A_392 = arith.extui %ge3A_391 : i1 to i32
          %cond3A_393 = arith.constant 0 : i32
          %cond3A_394 = arith.cmpi ne, %convert_element_type3A_392, %cond3A_393 : i32
          scf.if %cond3A_394 {
            %dma_wait3A_407 = arith.constant 1 : i32
            %dma_wait3A_408 = arith.constant 5 : i32
            %dma_wait3A_409 = arith.constant 0 : i32
            %dma_wait3A_410 = arith.constant 0 : i32
            %dma_wait3A_411 = tpu.memref_slice %arg8[%dma_wait3A_407, %dma_wait3A_409, %dma_wait3A_410] : memref<4x40x128xf32, #tpu.memory_space<vmem>> -> memref<1x40x128xf32, #tpu.memory_space<vmem>>
            %dma_wait3A_412 = tpu.memref_squeeze %dma_wait3A_411 : memref<1x40x128xf32, #tpu.memory_space<vmem>> -> memref<40x128xf32, #tpu.memory_space<vmem>>
            %dma_wait3A_413 = arith.constant 0 : i32
            %dma_wait3A_414 = tpu.memref_slice %arg7[%dma_wait3A_408, %dma_wait3A_413] : memref<8x40xi32, #tpu.memory_space<vmem>> -> memref<1x40xi32, #tpu.memory_space<vmem>>
            %dma_wait3A_415 = tpu.memref_squeeze %dma_wait3A_414 : memref<1x40xi32, #tpu.memory_space<vmem>> -> memref<40xi32, #tpu.memory_space<vmem>>
            %dma_wait3A_416 = arith.constant 0 : i32
            %dma_wait3A_417 = arith.constant 0 : i32
            %dma_wait3A_418 = tpu.memref_slice %arg10[%dma_wait3A_416, %dma_wait3A_417] : memref<10000x128xf32, #tpu.memory_space<vmem_shared>> -> memref<10000x128xf32, #tpu.memory_space<vmem_shared>>
            tpu.wait_indirect_dma semaphore(%arg32 : memref<!tpu.dma_semaphore, #tpu.memory_space<semaphore_mem>>) src(%dma_wait3A_412 : memref<40x128xf32, #tpu.memory_space<vmem>>) dst(%dma_wait3A_418 : memref<10000x128xf32, #tpu.memory_space<vmem_shared>>)
          } else {
          }
          %dma_start3A_395 = arith.constant 1 : i32
          %dma_start3A_396 = arith.constant 1 : i32
          %dma_start3A_397 = arith.constant 0 : i32
          %dma_start3A_398 = arith.constant 0 : i32
          %dma_start3A_399 = tpu.memref_slice %arg8[%dma_start3A_396, %dma_start3A_397, %dma_start3A_398] : memref<4x40x128xf32, #tpu.memory_space<vmem>> -> memref<1x40x128xf32, #tpu.memory_space<vmem>>
          %dma_start3A_400 = tpu.memref_squeeze %dma_start3A_399 : memref<1x40x128xf32, #tpu.memory_space<vmem>> -> memref<40x128xf32, #tpu.memory_space<vmem>>
          %dma_start3A_401 = arith.constant 0 : i32
          %dma_start3A_402 = tpu.memref_slice %arg6[%dma_start3A_395, %dma_start3A_401] : memref<8x40xi32, #tpu.memory_space<vmem>> -> memref<1x40xi32, #tpu.memory_space<vmem>>
          %dma_start3A_403 = tpu.memref_squeeze %dma_start3A_402 : memref<1x40xi32, #tpu.memory_space<vmem>> -> memref<40xi32, #tpu.memory_space<vmem>>
          %dma_start3A_404 = arith.constant 0 : i32
          %dma_start3A_405 = arith.constant 0 : i32
          %dma_start3A_406 = tpu.memref_slice %arg2[%dma_start3A_404, %dma_start3A_405] : memref<10000x128xf32, #tpu.memory_space<hbm>> -> memref<10000x128xf32, #tpu.memory_space<hbm>>
          tpu.enqueue_indirect_dma source(%dma_start3A_406 : memref<10000x128xf32, #tpu.memory_space<hbm>>) target(%dma_start3A_400 : memref<40x128xf32, #tpu.memory_space<vmem>>) offsets(%dma_start3A_403 : memref<40xi32, #tpu.memory_space<vmem>>) semaphore(%arg28 : memref<!tpu.dma_semaphore, #tpu.memory_space<semaphore_mem>>)
        } else {
        }
        %dma_wait3A_332 = arith.constant 7 : i32
        %dma_wait3A_333 = arith.constant 3 : i32
        %dma_wait3A_334 = arith.constant 0 : i32
        %dma_wait3A_335 = arith.constant 0 : i32
        %dma_wait3A_336 = tpu.memref_slice %arg8[%dma_wait3A_333, %dma_wait3A_334, %dma_wait3A_335] : memref<4x40x128xf32, #tpu.memory_space<vmem>> -> memref<1x40x128xf32, #tpu.memory_space<vmem>>
        %dma_wait3A_337 = tpu.memref_squeeze %dma_wait3A_336 : memref<1x40x128xf32, #tpu.memory_space<vmem>> -> memref<40x128xf32, #tpu.memory_space<vmem>>
        %dma_wait3A_338 = arith.constant 0 : i32
        %dma_wait3A_339 = tpu.memref_slice %arg6[%dma_wait3A_332, %dma_wait3A_338] : memref<8x40xi32, #tpu.memory_space<vmem>> -> memref<1x40xi32, #tpu.memory_space<vmem>>
        %dma_wait3A_340 = tpu.memref_squeeze %dma_wait3A_339 : memref<1x40xi32, #tpu.memory_space<vmem>> -> memref<40xi32, #tpu.memory_space<vmem>>
        %dma_wait3A_341 = arith.constant 0 : i32
        %dma_wait3A_342 = arith.constant 0 : i32
        %dma_wait3A_343 = tpu.memref_slice %arg2[%dma_wait3A_341, %dma_wait3A_342] : memref<10000x128xf32, #tpu.memory_space<hbm>> -> memref<10000x128xf32, #tpu.memory_space<hbm>>
        tpu.wait_indirect_dma semaphore(%arg30 : memref<!tpu.dma_semaphore, #tpu.memory_space<semaphore_mem>>) src(%dma_wait3A_343 : memref<10000x128xf32, #tpu.memory_space<hbm>>) dst(%dma_wait3A_337 : memref<40x128xf32, #tpu.memory_space<vmem>>)
        %dma_wait3A_344 = arith.constant 7 : i32
        %dma_wait3A_345 = arith.constant 0 : i32
        %dma_wait3A_346 = tpu.memref_slice %arg7[%dma_wait3A_344, %dma_wait3A_345] : memref<8x40xi32, #tpu.memory_space<vmem>> -> memref<1x40xi32, #tpu.memory_space<vmem>>
        %dma_wait3A_347 = tpu.memref_squeeze %dma_wait3A_346 : memref<1x40xi32, #tpu.memory_space<vmem>> -> memref<40xi32, #tpu.memory_space<vmem>>
        %dma_wait3A_348 = arith.constant 0 : i32
        %dma_wait3A_349 = tpu.memref_slice %arg4[%add3A, %add3A_318, %dma_wait3A_348] : memref<32x250x40xi32, #tpu.memory_space<hbm>> -> memref<1x1x40xi32, #tpu.memory_space<hbm>>
        %dma_wait3A_350 = tpu.memref_squeeze %dma_wait3A_349 : memref<1x1x40xi32, #tpu.memory_space<hbm>> -> memref<40xi32, #tpu.memory_space<hbm>>
        %dma_wait3A_351 = arith.constant 0 : i32
        %dma_wait3A_352 = tpu.memref_slice %arg7[%dma_wait3A_344, %dma_wait3A_351] : memref<8x40xi32, #tpu.memory_space<vmem>> -> memref<1x40xi32, #tpu.memory_space<vmem>>
        %dma_wait3A_353 = tpu.memref_squeeze %dma_wait3A_352 : memref<1x40xi32, #tpu.memory_space<vmem>> -> memref<40xi32, #tpu.memory_space<vmem>>
        %dma_wait3A_354 = arith.constant 0 : i32
        %dma_wait3A_355 = tpu.memref_slice %arg4[%add3A, %add3A_318, %dma_wait3A_354] : memref<32x250x40xi32, #tpu.memory_space<hbm>> -> memref<1x1x40xi32, #tpu.memory_space<hbm>>
        %dma_wait3A_356 = tpu.memref_squeeze %dma_wait3A_355 : memref<1x1x40xi32, #tpu.memory_space<hbm>> -> memref<40xi32, #tpu.memory_space<hbm>>
        tpu.wait_dma2 semaphore(%arg26 : memref<!tpu.dma_semaphore, #tpu.memory_space<semaphore_mem>>) src(%dma_wait3A_356 : memref<40xi32, #tpu.memory_space<hbm>>) dst(%dma_wait3A_353 : memref<40xi32, #tpu.memory_space<vmem>>)
        %dma_start3A_357 = arith.constant 3 : i32
        %dma_start3A_358 = arith.constant 7 : i32
        %dma_start3A_359 = arith.constant 0 : i32
        %dma_start3A_360 = arith.constant 0 : i32
        %dma_start3A_361 = tpu.memref_slice %arg8[%dma_start3A_357, %dma_start3A_359, %dma_start3A_360] : memref<4x40x128xf32, #tpu.memory_space<vmem>> -> memref<1x40x128xf32, #tpu.memory_space<vmem>>
        %dma_start3A_362 = tpu.memref_squeeze %dma_start3A_361 : memref<1x40x128xf32, #tpu.memory_space<vmem>> -> memref<40x128xf32, #tpu.memory_space<vmem>>
        %dma_start3A_363 = arith.constant 0 : i32
        %dma_start3A_364 = tpu.memref_slice %arg7[%dma_start3A_358, %dma_start3A_363] : memref<8x40xi32, #tpu.memory_space<vmem>> -> memref<1x40xi32, #tpu.memory_space<vmem>>
        %dma_start3A_365 = tpu.memref_squeeze %dma_start3A_364 : memref<1x40xi32, #tpu.memory_space<vmem>> -> memref<40xi32, #tpu.memory_space<vmem>>
        %dma_start3A_366 = arith.constant 0 : i32
        %dma_start3A_367 = arith.constant 0 : i32
        %dma_start3A_368 = tpu.memref_slice %arg10[%dma_start3A_366, %dma_start3A_367] : memref<10000x128xf32, #tpu.memory_space<vmem_shared>> -> memref<10000x128xf32, #tpu.memory_space<vmem_shared>>
        tpu.enqueue_indirect_dma source(%dma_start3A_362 : memref<40x128xf32, #tpu.memory_space<vmem>>) target(%dma_start3A_368 : memref<10000x128xf32, #tpu.memory_space<vmem_shared>>) offsets(%dma_start3A_365 : memref<40xi32, #tpu.memory_space<vmem>>) semaphore(%arg34 : memref<!tpu.dma_semaphore, #tpu.memory_space<semaphore_mem>>) {add = true}
        %add3A_369 = arith.constant 4 : i32
        %add3A_370 = arith.addi %add3A_318, %add3A_369 : i32
        %lt3A_371 = arith.constant 250 : i32
        %lt3A_372 = arith.cmpi slt, %add3A_370, %lt3A_371 : i32
        %convert_element_type3A_373 = arith.extui %lt3A_372 : i1 to i32
        %cond3A_374 = arith.constant 0 : i32
        %cond3A_375 = arith.cmpi ne, %convert_element_type3A_373, %cond3A_374 : i32
        scf.if %cond3A_375 {
          %add3A_376 = arith.constant 4 : i32
          %add3A_377 = arith.addi %add3A_318, %add3A_376 : i32
          %dma_start3A_378 = arith.constant 3 : i32
          %dma_start3A_379 = arith.constant 0 : i32
          %dma_start3A_380 = tpu.memref_slice %arg6[%dma_start3A_378, %dma_start3A_379] : memref<8x40xi32, #tpu.memory_space<vmem>> -> memref<1x40xi32, #tpu.memory_space<vmem>>
          %dma_start3A_381 = tpu.memref_squeeze %dma_start3A_380 : memref<1x40xi32, #tpu.memory_space<vmem>> -> memref<40xi32, #tpu.memory_space<vmem>>
          %dma_start3A_382 = arith.constant 0 : i32
          %dma_start3A_383 = tpu.memref_slice %arg3[%add3A, %add3A_377, %dma_start3A_382] : memref<32x250x40xi32, #tpu.memory_space<hbm>> -> memref<1x1x40xi32, #tpu.memory_space<hbm>>
          %dma_start3A_384 = tpu.memref_squeeze %dma_start3A_383 : memref<1x1x40xi32, #tpu.memory_space<hbm>> -> memref<40xi32, #tpu.memory_space<hbm>>
          %dma_start3A_385 = arith.constant 0 : i32
          %dma_start3A_386 = tpu.memref_slice %arg6[%dma_start3A_378, %dma_start3A_385] : memref<8x40xi32, #tpu.memory_space<vmem>> -> memref<1x40xi32, #tpu.memory_space<vmem>>
          %dma_start3A_387 = tpu.memref_squeeze %dma_start3A_386 : memref<1x40xi32, #tpu.memory_space<vmem>> -> memref<40xi32, #tpu.memory_space<vmem>>
          %dma_start3A_388 = arith.constant 0 : i32
          %dma_start3A_389 = tpu.memref_slice %arg3[%add3A, %add3A_377, %dma_start3A_388] : memref<32x250x40xi32, #tpu.memory_space<hbm>> -> memref<1x1x40xi32, #tpu.memory_space<hbm>>
          %dma_start3A_390 = tpu.memref_squeeze %dma_start3A_389 : memref<1x1x40xi32, #tpu.memory_space<hbm>> -> memref<40xi32, #tpu.memory_space<hbm>>
          tpu.enqueue_dma source(%dma_start3A_390 : memref<40xi32, #tpu.memory_space<hbm>>) target(%dma_start3A_387 : memref<40xi32, #tpu.memory_space<vmem>>) target_semaphore(%arg14 : memref<!tpu.dma_semaphore, #tpu.memory_space<semaphore_mem>>)
          %dma_start3A_391 = arith.constant 3 : i32
          %dma_start3A_392 = arith.constant 0 : i32
          %dma_start3A_393 = tpu.memref_slice %arg7[%dma_start3A_391, %dma_start3A_392] : memref<8x40xi32, #tpu.memory_space<vmem>> -> memref<1x40xi32, #tpu.memory_space<vmem>>
          %dma_start3A_394 = tpu.memref_squeeze %dma_start3A_393 : memref<1x40xi32, #tpu.memory_space<vmem>> -> memref<40xi32, #tpu.memory_space<vmem>>
          %dma_start3A_395 = arith.constant 0 : i32
          %dma_start3A_396 = tpu.memref_slice %arg4[%add3A, %add3A_377, %dma_start3A_395] : memref<32x250x40xi32, #tpu.memory_space<hbm>> -> memref<1x1x40xi32, #tpu.memory_space<hbm>>
          %dma_start3A_397 = tpu.memref_squeeze %dma_start3A_396 : memref<1x1x40xi32, #tpu.memory_space<hbm>> -> memref<40xi32, #tpu.memory_space<hbm>>
          %dma_start3A_398 = arith.constant 0 : i32
          %dma_start3A_399 = tpu.memref_slice %arg7[%dma_start3A_391, %dma_start3A_398] : memref<8x40xi32, #tpu.memory_space<vmem>> -> memref<1x40xi32, #tpu.memory_space<vmem>>
          %dma_start3A_400 = tpu.memref_squeeze %dma_start3A_399 : memref<1x40xi32, #tpu.memory_space<vmem>> -> memref<40xi32, #tpu.memory_space<vmem>>
          %dma_start3A_401 = arith.constant 0 : i32
          %dma_start3A_402 = tpu.memref_slice %arg4[%add3A, %add3A_377, %dma_start3A_401] : memref<32x250x40xi32, #tpu.memory_space<hbm>> -> memref<1x1x40xi32, #tpu.memory_space<hbm>>
          %dma_start3A_403 = tpu.memref_squeeze %dma_start3A_402 : memref<1x1x40xi32, #tpu.memory_space<hbm>> -> memref<40xi32, #tpu.memory_space<hbm>>
          tpu.enqueue_dma source(%dma_start3A_403 : memref<40xi32, #tpu.memory_space<hbm>>) target(%dma_start3A_400 : memref<40xi32, #tpu.memory_space<vmem>>) target_semaphore(%arg22 : memref<!tpu.dma_semaphore, #tpu.memory_space<semaphore_mem>>)
        } else {
        }
      } else {
      }
      %scan3A_324 = arith.constant 0 : i32
      scf.yield %scan3A_324 : i32
    }
    %scan3A_191 = arith.constant 32 : i32
    %dma_wait3A_192 = arith.constant 2 : i32
    %dma_wait3A_193 = arith.constant 6 : i32
    %dma_wait3A_194 = arith.constant 0 : i32
    %dma_wait3A_195 = arith.constant 0 : i32
    %dma_wait3A_196 = tpu.memref_slice %arg8[%dma_wait3A_192, %dma_wait3A_194, %dma_wait3A_195] : memref<4x40x128xf32, #tpu.memory_space<vmem>> -> memref<1x40x128xf32, #tpu.memory_space<vmem>>
    %dma_wait3A_197 = tpu.memref_squeeze %dma_wait3A_196 : memref<1x40x128xf32, #tpu.memory_space<vmem>> -> memref<40x128xf32, #tpu.memory_space<vmem>>
    %dma_wait3A_198 = arith.constant 0 : i32
    %dma_wait3A_199 = tpu.memref_slice %arg7[%dma_wait3A_193, %dma_wait3A_198] : memref<8x40xi32, #tpu.memory_space<vmem>> -> memref<1x40xi32, #tpu.memory_space<vmem>>
    %dma_wait3A_200 = tpu.memref_squeeze %dma_wait3A_199 : memref<1x40xi32, #tpu.memory_space<vmem>> -> memref<40xi32, #tpu.memory_space<vmem>>
    %dma_wait3A_201 = arith.constant 0 : i32
    %dma_wait3A_202 = arith.constant 0 : i32
    %dma_wait3A_203 = tpu.memref_slice %arg10[%dma_wait3A_201, %dma_wait3A_202] : memref<10000x128xf32, #tpu.memory_space<vmem_shared>> -> memref<10000x128xf32, #tpu.memory_space<vmem_shared>>
    tpu.wait_indirect_dma semaphore(%arg33 : memref<!tpu.dma_semaphore, #tpu.memory_space<semaphore_mem>>) src(%dma_wait3A_197 : memref<40x128xf32, #tpu.memory_space<vmem>>) dst(%dma_wait3A_203 : memref<10000x128xf32, #tpu.memory_space<vmem_shared>>)
    %dma_wait3A_204 = arith.constant 3 : i32
    %dma_wait3A_205 = arith.constant 7 : i32
    %dma_wait3A_206 = arith.constant 0 : i32
    %dma_wait3A_207 = arith.constant 0 : i32
    %dma_wait3A_208 = tpu.memref_slice %arg8[%dma_wait3A_204, %dma_wait3A_206, %dma_wait3A_207] : memref<4x40x128xf32, #tpu.memory_space<vmem>> -> memref<1x40x128xf32, #tpu.memory_space<vmem>>
    %dma_wait3A_209 = tpu.memref_squeeze %dma_wait3A_208 : memref<1x40x128xf32, #tpu.memory_space<vmem>> -> memref<40x128xf32, #tpu.memory_space<vmem>>
    %dma_wait3A_210 = arith.constant 0 : i32
    %dma_wait3A_211 = tpu.memref_slice %arg7[%dma_wait3A_205, %dma_wait3A_210] : memref<8x40xi32, #tpu.memory_space<vmem>> -> memref<1x40xi32, #tpu.memory_space<vmem>>
    %dma_wait3A_212 = tpu.memref_squeeze %dma_wait3A_211 : memref<1x40xi32, #tpu.memory_space<vmem>> -> memref<40xi32, #tpu.memory_space<vmem>>
    %dma_wait3A_213 = arith.constant 0 : i32
    %dma_wait3A_214 = arith.constant 0 : i32
    %dma_wait3A_215 = tpu.memref_slice %arg10[%dma_wait3A_213, %dma_wait3A_214] : memref<10000x128xf32, #tpu.memory_space<vmem_shared>> -> memref<10000x128xf32, #tpu.memory_space<vmem_shared>>
    tpu.wait_indirect_dma semaphore(%arg34 : memref<!tpu.dma_semaphore, #tpu.memory_space<semaphore_mem>>) src(%dma_wait3A_209 : memref<40x128xf32, #tpu.memory_space<vmem>>) dst(%dma_wait3A_215 : memref<10000x128xf32, #tpu.memory_space<vmem_shared>>)
    %dma_wait3A_216 = arith.constant 0 : i32
    %dma_wait3A_217 = arith.constant 0 : i32
    %dma_wait3A_218 = arith.constant 0 : i32
    %dma_wait3A_219 = arith.constant 0 : i32
    %dma_wait3A_220 = tpu.memref_slice %arg8[%dma_wait3A_216, %dma_wait3A_218, %dma_wait3A_219] : memref<4x40x128xf32, #tpu.memory_space<vmem>> -> memref<1x40x128xf32, #tpu.memory_space<vmem>>
    %dma_wait3A_221 = tpu.memref_squeeze %dma_wait3A_220 : memref<1x40x128xf32, #tpu.memory_space<vmem>> -> memref<40x128xf32, #tpu.memory_space<vmem>>
    %dma_wait3A_222 = arith.constant 0 : i32
    %dma_wait3A_223 = tpu.memref_slice %arg7[%dma_wait3A_217, %dma_wait3A_222] : memref<8x40xi32, #tpu.memory_space<vmem>> -> memref<1x40xi32, #tpu.memory_space<vmem>>
    %dma_wait3A_224 = tpu.memref_squeeze %dma_wait3A_223 : memref<1x40xi32, #tpu.memory_space<vmem>> -> memref<40xi32, #tpu.memory_space<vmem>>
    %dma_wait3A_225 = arith.constant 0 : i32
    %dma_wait3A_226 = arith.constant 0 : i32
    %dma_wait3A_227 = tpu.memref_slice %arg10[%dma_wait3A_225, %dma_wait3A_226] : memref<10000x128xf32, #tpu.memory_space<vmem_shared>> -> memref<10000x128xf32, #tpu.memory_space<vmem_shared>>
    tpu.wait_indirect_dma semaphore(%arg31 : memref<!tpu.dma_semaphore, #tpu.memory_space<semaphore_mem>>) src(%dma_wait3A_221 : memref<40x128xf32, #tpu.memory_space<vmem>>) dst(%dma_wait3A_227 : memref<10000x128xf32, #tpu.memory_space<vmem_shared>>)
    %dma_wait3A_228 = arith.constant 1 : i32
    %dma_wait3A_229 = arith.constant 1 : i32
    %dma_wait3A_230 = arith.constant 0 : i32
    %dma_wait3A_231 = arith.constant 0 : i32
    %dma_wait3A_232 = tpu.memref_slice %arg8[%dma_wait3A_228, %dma_wait3A_230, %dma_wait3A_231] : memref<4x40x128xf32, #tpu.memory_space<vmem>> -> memref<1x40x128xf32, #tpu.memory_space<vmem>>
    %dma_wait3A_233 = tpu.memref_squeeze %dma_wait3A_232 : memref<1x40x128xf32, #tpu.memory_space<vmem>> -> memref<40x128xf32, #tpu.memory_space<vmem>>
    %dma_wait3A_234 = arith.constant 0 : i32
    %dma_wait3A_235 = tpu.memref_slice %arg7[%dma_wait3A_229, %dma_wait3A_234] : memref<8x40xi32, #tpu.memory_space<vmem>> -> memref<1x40xi32, #tpu.memory_space<vmem>>
    %dma_wait3A_236 = tpu.memref_squeeze %dma_wait3A_235 : memref<1x40xi32, #tpu.memory_space<vmem>> -> memref<40xi32, #tpu.memory_space<vmem>>
    %dma_wait3A_237 = arith.constant 0 : i32
    %dma_wait3A_238 = arith.constant 0 : i32
    %dma_wait3A_239 = tpu.memref_slice %arg10[%dma_wait3A_237, %dma_wait3A_238] : memref<10000x128xf32, #tpu.memory_space<vmem_shared>> -> memref<10000x128xf32, #tpu.memory_space<vmem_shared>>
    tpu.wait_indirect_dma semaphore(%arg32 : memref<!tpu.dma_semaphore, #tpu.memory_space<semaphore_mem>>) src(%dma_wait3A_233 : memref<40x128xf32, #tpu.memory_space<vmem>>) dst(%dma_wait3A_239 : memref<10000x128xf32, #tpu.memory_space<vmem_shared>>)
    %barrier3A_240 = arith.constant 0 : index
    tpu.barrier barrier_id(%barrier3A_240)
    %mul3A_241 = arith.constant 624 : i32
    %mul3A_242 = arith.muli %arg1, %mul3A_241 : i32
    %lt3A = arith.constant 15 : i32
    %lt3A_243 = arith.cmpi slt, %arg1, %lt3A : i32
    %convert_element_type3A = arith.extui %lt3A_243 : i1 to i32
    %cond3A = arith.constant 0 : i32
    %cond3A_244 = arith.cmpi ne, %convert_element_type3A, %cond3A : i32
    scf.if %cond3A_244 {
      "tpu.region"() ({
        %run_scoped3A = tpu.sem_alloc : memref<!tpu.dma_semaphore, #tpu.memory_space<semaphore_mem>>
        %dma_start3A_250 = arith.constant 0 : i32
        %dma_start3A_251 = arith.constant 0 : i32
        %dma_start3A_252 = tpu.memref_slice %arg5[%arg0, %dma_start3A_250, %dma_start3A_251] : memref<2x10000x128xf32, #tpu.memory_space<hbm>> -> memref<1x10000x128xf32, #tpu.memory_space<hbm>>
        %dma_start3A_253 = tpu.memref_squeeze %dma_start3A_252 : memref<1x10000x128xf32, #tpu.memory_space<hbm>> -> memref<10000x128xf32, #tpu.memory_space<hbm>>
        %dma_start3A_254 = arith.constant 0 : i32
        %dma_start3A_255 = tpu.memref_slice %dma_start3A_253[%mul3A_242, %dma_start3A_254] : memref<10000x128xf32, #tpu.memory_space<hbm>> -> memref<624x128xf32, #tpu.memory_space<hbm>>
        %dma_start3A_256 = arith.constant 0 : i32
        %dma_start3A_257 = tpu.memref_slice %arg10[%mul3A_242, %dma_start3A_256] : memref<10000x128xf32, #tpu.memory_space<vmem_shared>> -> memref<624x128xf32, #tpu.memory_space<vmem_shared>>
        tpu.enqueue_dma source(%dma_start3A_257 : memref<624x128xf32, #tpu.memory_space<vmem_shared>>) target(%dma_start3A_255 : memref<624x128xf32, #tpu.memory_space<hbm>>) target_semaphore(%run_scoped3A : memref<!tpu.dma_semaphore, #tpu.memory_space<semaphore_mem>>)
        %dma_wait3A_258 = arith.constant 0 : i32
        %dma_wait3A_259 = arith.constant 0 : i32
        %dma_wait3A_260 = tpu.memref_slice %arg5[%arg0, %dma_wait3A_258, %dma_wait3A_259] : memref<2x10000x128xf32, #tpu.memory_space<hbm>> -> memref<1x10000x128xf32, #tpu.memory_space<hbm>>
        %dma_wait3A_261 = tpu.memref_squeeze %dma_wait3A_260 : memref<1x10000x128xf32, #tpu.memory_space<hbm>> -> memref<10000x128xf32, #tpu.memory_space<hbm>>
        %dma_wait3A_262 = arith.constant 0 : i32
        %dma_wait3A_263 = tpu.memref_slice %dma_wait3A_261[%mul3A_242, %dma_wait3A_262] : memref<10000x128xf32, #tpu.memory_space<hbm>> -> memref<624x128xf32, #tpu.memory_space<hbm>>
        %dma_wait3A_264 = arith.constant 0 : i32
        %dma_wait3A_265 = tpu.memref_slice %arg10[%mul3A_242, %dma_wait3A_264] : memref<10000x128xf32, #tpu.memory_space<vmem_shared>> -> memref<624x128xf32, #tpu.memory_space<vmem_shared>>
        tpu.wait_dma2 semaphore(%run_scoped3A : memref<!tpu.dma_semaphore, #tpu.memory_space<semaphore_mem>>) src(%dma_wait3A_265 : memref<624x128xf32, #tpu.memory_space<vmem_shared>>) dst(%dma_wait3A_263 : memref<624x128xf32, #tpu.memory_space<hbm>>)
        tpu.yield
      }) : () -> ()
    } else {
    }
    %eq3A_245 = arith.constant 15 : i32
    %eq3A_246 = arith.cmpi eq, %arg1, %eq3A_245 : i32
    %convert_element_type3A_247 = arith.extui %eq3A_246 : i1 to i32
    %cond3A_248 = arith.constant 0 : i32
    %cond3A_249 = arith.cmpi ne, %convert_element_type3A_247, %cond3A_248 : i32
    scf.if %cond3A_249 {
      "tpu.region"() ({
        %run_scoped3A = tpu.sem_alloc : memref<!tpu.dma_semaphore, #tpu.memory_space<semaphore_mem>>
        %dma_start3A_250 = arith.constant 0 : i32
        %dma_start3A_251 = arith.constant 0 : i32
        %dma_start3A_252 = tpu.memref_slice %arg5[%arg0, %dma_start3A_250, %dma_start3A_251] : memref<2x10000x128xf32, #tpu.memory_space<hbm>> -> memref<1x10000x128xf32, #tpu.memory_space<hbm>>
        %dma_start3A_253 = tpu.memref_squeeze %dma_start3A_252 : memref<1x10000x128xf32, #tpu.memory_space<hbm>> -> memref<10000x128xf32, #tpu.memory_space<hbm>>
        %dma_start3A_254 = arith.constant 0 : i32
        %dma_start3A_255 = tpu.memref_slice %dma_start3A_253[%mul3A_242, %dma_start3A_254] : memref<10000x128xf32, #tpu.memory_space<hbm>> -> memref<640x128xf32, #tpu.memory_space<hbm>>
        %dma_start3A_256 = arith.constant 0 : i32
        %dma_start3A_257 = tpu.memref_slice %arg10[%mul3A_242, %dma_start3A_256] : memref<10000x128xf32, #tpu.memory_space<vmem_shared>> -> memref<640x128xf32, #tpu.memory_space<vmem_shared>>
        tpu.enqueue_dma source(%dma_start3A_257 : memref<640x128xf32, #tpu.memory_space<vmem_shared>>) target(%dma_start3A_255 : memref<640x128xf32, #tpu.memory_space<hbm>>) target_semaphore(%run_scoped3A : memref<!tpu.dma_semaphore, #tpu.memory_space<semaphore_mem>>)
        %dma_wait3A_258 = arith.constant 0 : i32
        %dma_wait3A_259 = arith.constant 0 : i32
        %dma_wait3A_260 = tpu.memref_slice %arg5[%arg0, %dma_wait3A_258, %dma_wait3A_259] : memref<2x10000x128xf32, #tpu.memory_space<hbm>> -> memref<1x10000x128xf32, #tpu.memory_space<hbm>>
        %dma_wait3A_261 = tpu.memref_squeeze %dma_wait3A_260 : memref<1x10000x128xf32, #tpu.memory_space<hbm>> -> memref<10000x128xf32, #tpu.memory_space<hbm>>
        %dma_wait3A_262 = arith.constant 0 : i32
        %dma_wait3A_263 = tpu.memref_slice %dma_wait3A_261[%mul3A_242, %dma_wait3A_262] : memref<10000x128xf32, #tpu.memory_space<hbm>> -> memref<640x128xf32, #tpu.memory_space<hbm>>
        %dma_wait3A_264 = arith.constant 0 : i32
        %dma_wait3A_265 = tpu.memref_slice %arg10[%mul3A_242, %dma_wait3A_264] : memref<10000x128xf32, #tpu.memory_space<vmem_shared>> -> memref<640x128xf32, #tpu.memory_space<vmem_shared>>
        tpu.wait_dma2 semaphore(%run_scoped3A : memref<!tpu.dma_semaphore, #tpu.memory_space<semaphore_mem>>) src(%dma_wait3A_265 : memref<640x128xf32, #tpu.memory_space<vmem_shared>>) dst(%dma_wait3A_263 : memref<640x128xf32, #tpu.memory_space<hbm>>)
        tpu.yield
      }) : () -> ()
    } else {
    }
    return
  }
}

module attributes {stable_mosaic.version = 14 : i64} {
  func.func @_tc_layer(%arg0: i32, %arg1: memref<2x2000x128xf32, #tpu.memory_space<vmem>>, %arg2: memref<2000x32xf32, #tpu.memory_space<vmem>>, %arg3: memref<2000x128xf32, #tpu.memory_space<vmem>>, %arg4: memref<128x128xf32, #tpu.memory_space<vmem>>, %arg5: memref<128x128xf32, #tpu.memory_space<vmem>>, %arg6: memref<1x128xf32, #tpu.memory_space<vmem>>, %arg7: memref<1x128xf32, #tpu.memory_space<vmem>>, %arg8: memref<2000x128xf32, #tpu.memory_space<vmem>>) attributes {dimension_semantics = [#tpu.dimension_semantics<arbitrary>], iteration_bounds = array<i64: 5>, scalar_prefetch = 0 : i64, scratch_operands = 0 : i64, tpu.core_type = #tpu.core_type<tc>, window_params = [{transform_indices = @transform_0, window_bounds = array<i64: 2, 2000, 128>}, {transform_indices = @transform_1, window_bounds = array<i64: 2000, 32>}, {transform_indices = @transform_2, window_bounds = array<i64: 2000, 128>}, {pipeline_mode = #tpu.pipeline_mode<synchronous>, transform_indices = @transform_3, window_bounds = array<i64: 128, 128>}, {pipeline_mode = #tpu.pipeline_mode<synchronous>, transform_indices = @transform_4, window_bounds = array<i64: 128, 128>}, {pipeline_mode = #tpu.pipeline_mode<synchronous>, transform_indices = @transform_5, window_bounds = array<i64: 1, 128>}, {pipeline_mode = #tpu.pipeline_mode<synchronous>, transform_indices = @transform_6, window_bounds = array<i64: 1, 128>}, {transform_indices = @transform_7, window_bounds = array<i64: 2000, 128>}]} {
    %get3A = arith.constant 0 : index
    %get3A_0 = arith.constant 0 : index
    %get3A_1 = arith.constant 0 : index
    %get3A_2 = vector.load %arg1[%get3A, %get3A_0, %get3A_1] : memref<2x2000x128xf32, #tpu.memory_space<vmem>>, vector<1x2000x128xf32>
    %get3A_3 = vector.shape_cast %get3A_2 : vector<1x2000x128xf32> to vector<2000x128xf32>
    %get3A_4 = arith.constant 1 : index
    %get3A_5 = arith.constant 0 : index
    %get3A_6 = arith.constant 0 : index
    %get3A_7 = vector.load %arg1[%get3A_4, %get3A_5, %get3A_6] : memref<2x2000x128xf32, #tpu.memory_space<vmem>>, vector<1x2000x128xf32>
    %get3A_8 = vector.shape_cast %get3A_7 : vector<1x2000x128xf32> to vector<2000x128xf32>
    %add3A = arith.addf %get3A_3, %get3A_8 : vector<2000x128xf32>
    %get3A_9 = arith.constant 0 : index
    %get3A_10 = arith.constant 0 : index
    %get3A_11 = vector.load %arg2[%get3A_9, %get3A_10] : memref<2000x32xf32, #tpu.memory_space<vmem>>, vector<2000x32xf32>
    %reduce_sum3A = arith.constant dense<0.000000e+00> : vector<2000xf32>
    %reduce_sum3A_12 = vector.multi_reduction <add>, %get3A_11, %reduce_sum3A [1] : vector<2000x32xf32> to vector<2000xf32>
    %broadcast_in_dim3A = vector.shape_cast %reduce_sum3A_12 : vector<2000xf32> to vector<2000x1xf32>
    %max3A = arith.constant 1.000000e+00 : f32
    %max3A_13 = vector.broadcast %max3A : f32 to vector<2000x1xf32>
    %max3A_14 = arith.maximumf %broadcast_in_dim3A, %max3A_13 : vector<2000x1xf32>
    %div3A = vector.broadcast %max3A_14 : vector<2000x1xf32> to vector<2000x128xf32>
    %div3A_15 = arith.divf %add3A, %div3A : vector<2000x128xf32>
    %get3A_16 = arith.constant 0 : index
    %get3A_17 = arith.constant 0 : index
    %get3A_18 = vector.load %arg4[%get3A_16, %get3A_17] : memref<128x128xf32, #tpu.memory_space<vmem>>, vector<128x128xf32>
    %dot_general3A = arith.constant dense<0.000000e+00> : vector<2000x128xf32>
    %dot_general3A_19 = tpu.matmul %div3A_15, %get3A_18, %dot_general3A {dimension_numbers = #tpu.dot_dimension_numbers<[1], [0], [0], [1], [0, 0, 1, 1], [], []>, transpose_lhs_hint = false} : vector<2000x128xf32>, vector<128x128xf32>, vector<2000x128xf32> -> vector<2000x128xf32>
    %get3A_20 = arith.constant 0 : index
    %get3A_21 = arith.constant 0 : index
    %get3A_22 = vector.load %arg3[%get3A_20, %get3A_21] : memref<2000x128xf32, #tpu.memory_space<vmem>>, vector<2000x128xf32>
    %get3A_23 = arith.constant 0 : index
    %get3A_24 = arith.constant 0 : index
    %get3A_25 = vector.load %arg5[%get3A_23, %get3A_24] : memref<128x128xf32, #tpu.memory_space<vmem>>, vector<128x128xf32>
    %dot_general3A_26 = arith.constant dense<0.000000e+00> : vector<2000x128xf32>
    %dot_general3A_27 = tpu.matmul %get3A_22, %get3A_25, %dot_general3A_26 {dimension_numbers = #tpu.dot_dimension_numbers<[1], [0], [0], [1], [0, 0, 1, 1], [], []>, transpose_lhs_hint = false} : vector<2000x128xf32>, vector<128x128xf32>, vector<2000x128xf32> -> vector<2000x128xf32>
    %add3A_28 = arith.addf %dot_general3A_19, %dot_general3A_27 : vector<2000x128xf32>
    %get3A_29 = arith.constant 0 : index
    %get3A_30 = arith.constant 0 : index
    %get3A_31 = vector.load %arg6[%get3A_29, %get3A_30] : memref<1x128xf32, #tpu.memory_space<vmem>>, vector<1x128xf32>
    %add3A_32 = vector.broadcast %get3A_31 : vector<1x128xf32> to vector<2000x128xf32>
    %add3A_33 = arith.addf %add3A_28, %add3A_32 : vector<2000x128xf32>
    %get3A_34 = arith.constant 0 : index
    %get3A_35 = arith.constant 0 : index
    %get3A_36 = vector.load %arg7[%get3A_34, %get3A_35] : memref<1x128xf32, #tpu.memory_space<vmem>>, vector<1x128xf32>
    %add3A_37 = vector.broadcast %get3A_36 : vector<1x128xf32> to vector<2000x128xf32>
    %add3A_38 = arith.addf %add3A_33, %add3A_37 : vector<2000x128xf32>
    %max3A_39 = arith.constant 0.000000e+00 : f32
    %max3A_40 = vector.broadcast %max3A_39 : f32 to vector<2000x128xf32>
    %max3A_41 = arith.maximumf %add3A_38, %max3A_40 : vector<2000x128xf32>
    %swap3A = arith.constant 0 : index
    %swap3A_42 = arith.constant 0 : index
    %swap3A_43 = vector.load %arg8[%swap3A, %swap3A_42] : memref<2000x128xf32, #tpu.memory_space<vmem>>, vector<2000x128xf32>
    tpu.vector_store %arg8[%swap3A, %swap3A_42], %max3A_41 {strides = array<i32>} : memref<2000x128xf32, #tpu.memory_space<vmem>>, vector<2000x128xf32>,
    return
  }
  func.func @transform_0(%arg0: i32) -> (i32, i32, i32) {
    %c0_i32 = arith.constant 0 : i32
    %c0_i32_0 = arith.constant 0 : i32
    %c0_i32_1 = arith.constant 0 : i32
    return %c0_i32, %arg0, %c0_i32_0 : i32, i32, i32
  }
  func.func @transform_1(%arg0: i32) -> (i32, i32) {
    %c0_i32 = arith.constant 0 : i32
    %c0_i32_0 = arith.constant 0 : i32
    return %arg0, %c0_i32 : i32, i32
  }
  func.func @transform_2(%arg0: i32) -> (i32, i32) {
    %c0_i32 = arith.constant 0 : i32
    %c0_i32_0 = arith.constant 0 : i32
    return %arg0, %c0_i32 : i32, i32
  }
  func.func @transform_3(%arg0: i32) -> (i32, i32) {
    %c0_i32 = arith.constant 0 : i32
    %c0_i32_0 = arith.constant 0 : i32
    %c0_i32_1 = arith.constant 0 : i32
    return %c0_i32, %c0_i32_0 : i32, i32
  }
  func.func @transform_4(%arg0: i32) -> (i32, i32) {
    %c0_i32 = arith.constant 0 : i32
    %c0_i32_0 = arith.constant 0 : i32
    %c0_i32_1 = arith.constant 0 : i32
    return %c0_i32, %c0_i32_0 : i32, i32
  }
  func.func @transform_5(%arg0: i32) -> (i32, i32) {
    %c0_i32 = arith.constant 0 : i32
    %c0_i32_0 = arith.constant 0 : i32
    %c0_i32_1 = arith.constant 0 : i32
    return %c0_i32, %c0_i32_0 : i32, i32
  }
  func.func @transform_6(%arg0: i32) -> (i32, i32) {
    %c0_i32 = arith.constant 0 : i32
    %c0_i32_0 = arith.constant 0 : i32
    %c0_i32_1 = arith.constant 0 : i32
    return %c0_i32, %c0_i32_0 : i32, i32
  }
  func.func @transform_7(%arg0: i32) -> (i32, i32) {
    %c0_i32 = arith.constant 0 : i32
    %c0_i32_0 = arith.constant 0 : i32
    return %arg0, %c0_i32 : i32, i32
  }
}

module attributes {stable_mosaic.version = 14 : i64} {
  func.func @_tc_layer(%arg0: i32, %arg1: memref<2x2000x128xf32, #tpu.memory_space<vmem>>, %arg2: memref<2000x32xf32, #tpu.memory_space<vmem>>, %arg3: memref<2000x128xf32, #tpu.memory_space<vmem>>, %arg4: memref<128x128xf32, #tpu.memory_space<vmem>>, %arg5: memref<128x128xf32, #tpu.memory_space<vmem>>, %arg6: memref<1x128xf32, #tpu.memory_space<vmem>>, %arg7: memref<1x128xf32, #tpu.memory_space<vmem>>, %arg8: memref<2000x128xf32, #tpu.memory_space<vmem>>) attributes {dimension_semantics = [#tpu.dimension_semantics<arbitrary>], iteration_bounds = array<i64: 5>, scalar_prefetch = 0 : i64, scratch_operands = 0 : i64, tpu.core_type = #tpu.core_type<tc>, window_params = [{transform_indices = @transform_0, window_bounds = array<i64: 2, 2000, 128>}, {transform_indices = @transform_1, window_bounds = array<i64: 2000, 32>}, {transform_indices = @transform_2, window_bounds = array<i64: 2000, 128>}, {pipeline_mode = #tpu.pipeline_mode<synchronous>, transform_indices = @transform_3, window_bounds = array<i64: 128, 128>}, {pipeline_mode = #tpu.pipeline_mode<synchronous>, transform_indices = @transform_4, window_bounds = array<i64: 128, 128>}, {pipeline_mode = #tpu.pipeline_mode<synchronous>, transform_indices = @transform_5, window_bounds = array<i64: 1, 128>}, {pipeline_mode = #tpu.pipeline_mode<synchronous>, transform_indices = @transform_6, window_bounds = array<i64: 1, 128>}, {transform_indices = @transform_7, window_bounds = array<i64: 2000, 128>}]} {
    %get3A = arith.constant 0 : index
    %get3A_0 = arith.constant 0 : index
    %get3A_1 = arith.constant 0 : index
    %get3A_2 = vector.load %arg1[%get3A, %get3A_0, %get3A_1] : memref<2x2000x128xf32, #tpu.memory_space<vmem>>, vector<1x2000x128xf32>
    %get3A_3 = vector.shape_cast %get3A_2 : vector<1x2000x128xf32> to vector<2000x128xf32>
    %get3A_4 = arith.constant 1 : index
    %get3A_5 = arith.constant 0 : index
    %get3A_6 = arith.constant 0 : index
    %get3A_7 = vector.load %arg1[%get3A_4, %get3A_5, %get3A_6] : memref<2x2000x128xf32, #tpu.memory_space<vmem>>, vector<1x2000x128xf32>
    %get3A_8 = vector.shape_cast %get3A_7 : vector<1x2000x128xf32> to vector<2000x128xf32>
    %add3A = arith.addf %get3A_3, %get3A_8 : vector<2000x128xf32>
    %get3A_9 = arith.constant 0 : index
    %get3A_10 = arith.constant 0 : index
    %get3A_11 = vector.load %arg2[%get3A_9, %get3A_10] : memref<2000x32xf32, #tpu.memory_space<vmem>>, vector<2000x32xf32>
    %reduce_sum3A = arith.constant dense<0.000000e+00> : vector<2000xf32>
    %reduce_sum3A_12 = vector.multi_reduction <add>, %get3A_11, %reduce_sum3A [1] : vector<2000x32xf32> to vector<2000xf32>
    %broadcast_in_dim3A = vector.shape_cast %reduce_sum3A_12 : vector<2000xf32> to vector<2000x1xf32>
    %max3A = arith.constant 1.000000e+00 : f32
    %max3A_13 = vector.broadcast %max3A : f32 to vector<2000x1xf32>
    %max3A_14 = arith.maximumf %broadcast_in_dim3A, %max3A_13 : vector<2000x1xf32>
    %div3A = vector.broadcast %max3A_14 : vector<2000x1xf32> to vector<2000x128xf32>
    %div3A_15 = arith.divf %add3A, %div3A : vector<2000x128xf32>
    %get3A_16 = arith.constant 0 : index
    %get3A_17 = arith.constant 0 : index
    %get3A_18 = vector.load %arg4[%get3A_16, %get3A_17] : memref<128x128xf32, #tpu.memory_space<vmem>>, vector<128x128xf32>
    %dot_general3A = arith.constant dense<0.000000e+00> : vector<2000x128xf32>
    %dot_general3A_19 = tpu.matmul %div3A_15, %get3A_18, %dot_general3A {dimension_numbers = #tpu.dot_dimension_numbers<[1], [0], [0], [1], [0, 0, 1, 1], [], []>, transpose_lhs_hint = false} : vector<2000x128xf32>, vector<128x128xf32>, vector<2000x128xf32> -> vector<2000x128xf32>
    %get3A_20 = arith.constant 0 : index
    %get3A_21 = arith.constant 0 : index
    %get3A_22 = vector.load %arg3[%get3A_20, %get3A_21] : memref<2000x128xf32, #tpu.memory_space<vmem>>, vector<2000x128xf32>
    %get3A_23 = arith.constant 0 : index
    %get3A_24 = arith.constant 0 : index
    %get3A_25 = vector.load %arg5[%get3A_23, %get3A_24] : memref<128x128xf32, #tpu.memory_space<vmem>>, vector<128x128xf32>
    %dot_general3A_26 = arith.constant dense<0.000000e+00> : vector<2000x128xf32>
    %dot_general3A_27 = tpu.matmul %get3A_22, %get3A_25, %dot_general3A_26 {dimension_numbers = #tpu.dot_dimension_numbers<[1], [0], [0], [1], [0, 0, 1, 1], [], []>, transpose_lhs_hint = false} : vector<2000x128xf32>, vector<128x128xf32>, vector<2000x128xf32> -> vector<2000x128xf32>
    %add3A_28 = arith.addf %dot_general3A_19, %dot_general3A_27 : vector<2000x128xf32>
    %get3A_29 = arith.constant 0 : index
    %get3A_30 = arith.constant 0 : index
    %get3A_31 = vector.load %arg6[%get3A_29, %get3A_30] : memref<1x128xf32, #tpu.memory_space<vmem>>, vector<1x128xf32>
    %add3A_32 = vector.broadcast %get3A_31 : vector<1x128xf32> to vector<2000x128xf32>
    %add3A_33 = arith.addf %add3A_28, %add3A_32 : vector<2000x128xf32>
    %get3A_34 = arith.constant 0 : index
    %get3A_35 = arith.constant 0 : index
    %get3A_36 = vector.load %arg7[%get3A_34, %get3A_35] : memref<1x128xf32, #tpu.memory_space<vmem>>, vector<1x128xf32>
    %add3A_37 = vector.broadcast %get3A_36 : vector<1x128xf32> to vector<2000x128xf32>
    %add3A_38 = arith.addf %add3A_33, %add3A_37 : vector<2000x128xf32>
    %swap3A = arith.constant 0 : index
    %swap3A_39 = arith.constant 0 : index
    %swap3A_40 = vector.load %arg8[%swap3A, %swap3A_39] : memref<2000x128xf32, #tpu.memory_space<vmem>>, vector<2000x128xf32>
    tpu.vector_store %arg8[%swap3A, %swap3A_39], %add3A_38 {strides = array<i32>} : memref<2000x128xf32, #tpu.memory_space<vmem>>, vector<2000x128xf32>,
    return
  }
  func.func @transform_0(%arg0: i32) -> (i32, i32, i32) {
    %c0_i32 = arith.constant 0 : i32
    %c0_i32_0 = arith.constant 0 : i32
    %c0_i32_1 = arith.constant 0 : i32
    return %c0_i32, %arg0, %c0_i32_0 : i32, i32, i32
  }
  func.func @transform_1(%arg0: i32) -> (i32, i32) {
    %c0_i32 = arith.constant 0 : i32
    %c0_i32_0 = arith.constant 0 : i32
    return %arg0, %c0_i32 : i32, i32
  }
  func.func @transform_2(%arg0: i32) -> (i32, i32) {
    %c0_i32 = arith.constant 0 : i32
    %c0_i32_0 = arith.constant 0 : i32
    return %arg0, %c0_i32 : i32, i32
  }
  func.func @transform_3(%arg0: i32) -> (i32, i32) {
    %c0_i32 = arith.constant 0 : i32
    %c0_i32_0 = arith.constant 0 : i32
    %c0_i32_1 = arith.constant 0 : i32
    return %c0_i32, %c0_i32_0 : i32, i32
  }
  func.func @transform_4(%arg0: i32) -> (i32, i32) {
    %c0_i32 = arith.constant 0 : i32
    %c0_i32_0 = arith.constant 0 : i32
    %c0_i32_1 = arith.constant 0 : i32
    return %c0_i32, %c0_i32_0 : i32, i32
  }
  func.func @transform_5(%arg0: i32) -> (i32, i32) {
    %c0_i32 = arith.constant 0 : i32
    %c0_i32_0 = arith.constant 0 : i32
    %c0_i32_1 = arith.constant 0 : i32
    return %c0_i32, %c0_i32_0 : i32, i32
  }
  func.func @transform_6(%arg0: i32) -> (i32, i32) {
    %c0_i32 = arith.constant 0 : i32
    %c0_i32_0 = arith.constant 0 : i32
    %c0_i32_1 = arith.constant 0 : i32
    return %c0_i32, %c0_i32_0 : i32, i32
  }
  func.func @transform_7(%arg0: i32) -> (i32, i32) {
    %c0_i32 = arith.constant 0 : i32
    %c0_i32_0 = arith.constant 0 : i32
    return %arg0, %c0_i32 : i32, i32
  }
}

</mosaic_0001>

<sc_bundles>
// kernel: kernel.10.cloned.1.call-start
scs
__scs_entry_jumppad:
0x0: {  	(pc) =	sbr.rel $0x88, $3  }
0x1: {  	(tag) =	ssettag $0x0;
	lr =	simm.s32 $0x1  }
0x2: {  	[smem:$0x3F97] =	sst lr;
	_ =	strace $0xD0000000  }
0x3: {  	_ = 	snop  }
0x4: {  	_ = 	snop  }
0x5: {  	_ = 	snop  }
0x6: {  	_ = 	snop  }
0x7: {  	_ = 	snop  }
__scs_overlays_trampoline_lowered:
0x8: {  	[smem:$0x3FA6] =	sst s0  }
0x9: {  	[smem:$0x3FA7] =	sst s1  }
0xa: {  	[smem:$0x3FA8] =	sst s2  }
0xb: {  	[smem:$0x3FA9] =	sst s3  }
0xc: {  	[smem:$0x3FAA] =	sst s4  }
0xd: {  	[smem:$0x3FAB] =	sst s5  }
0xe: {  	[smem:$0x3FAC] =	sst s6  }
0xf: {  	[smem:$0x3FAD] =	sst s7  }
0x10: {  	[smem:$0x3FAE] =	sst s8  }
0x11: {  	[smem:$0x3FAF] =	sst s9;
	s0 =	simm.s32 @!p0 $0x0  }
0x12: {  	s1 =	sld [smem:$0x3F95];
	s0 =	simm.s32 @p0 $0x1  }
0x13: {  	[smem:$0x3FB0] =	sst s0;
	s0 =	simm.s32 @!p1 $0x0  }
0x14: {  	s2 =	sld [smem:$0x3F94];
	s0 =	simm.s32 @p1 $0x1  }
0x15: {  	[smem:$0x3FB1] =	sst s0;
	s0 =	simm.s32 @!p2 $0x0  }
0x16: {  	s3 =	sld [smem:$0x3FDB];
	s0 =	simm.s32 @p2 $0x1  }
0x17: {  	s4 =	simm.s32 $0x1BF5;
	[smem:$0x3FB3] =	sst s0  }
0x18: {  	s0 =	sld [smem:$0x3F96];
	_ =	swait.ge [sflag:s4], $0x0  }
0x19: {  	s7 =	sld [smem:$0x3F97]  }
0x1a: {  	s8 =	sadd.s32 $0xFFFFE003, lr  }
0x1b: {  	s9 =	sadd.s32 $0xFFFFFEF7, lr;
	s5 =	simm.s32 $0xFFFFFFFF;
	p2 =	slt.u32 s8, $0xFFFFF086  }
0x1c: {  	p1 =	slt.u32 s9, $0xF7A;
	s5 =	simm.s32 @!p2 $0x0  }
0x1d: {  	s5 =	simm.s32 @p1 $0x1;
	p0 =	seq.s32 s7, s2  }
0x1e: {  	s7 =	smul.u32 @!p0 $0xF7A, s2;
	p2 =	seq.s32 @!p0 s5, $0x0  }
0x1f: {  	s9 =	smul.u32 $0xF7A, s1;
	s8 =	simm.s32 @!p0 $0x1BF5;
	p2 =	por !p2, p0  }
0x20: {  	[sflag:s8] =	ssyncset.s32 @!p0 $0xFFFFF086;
	s6 =	sadd.s32 @!p0 s3, s7;
	s7 =	simm.s32 @!p0 $0x108  }
0x21: {  	s3 =	sadd.s32 s3, s9;
	s6 =	sadd.s32 @!p0 $0x88, s6;
	s7 =	simm.s32 @p2 $0x1082  }
0x22: {  	[simem:s7], [sflag:s8] =	dma.local @!p0 [hbm:s6], $0xF7A  }
0x23: {  	s9 =	sor.u32 $0xD0000000, s2;
	s6 =	simm.s32 $0x108;
	_ =	swait.ge @!p0 [sflag:s8], $0x0  }
0x24: {  	s3 =	sadd.s32 $0x88, s3;
	s6 =	simm.s32 @!p1 $0x1082;
	[sflag:s4] =	ssyncset.s32 $0xFFFFF086  }
0x25: {  	[simem:s6], [sflag:s4] =	dma.local [hbm:s3], $0xF7A  }
0x26: {  	[smem:$0x3F97] =	sst s1;
	(tag) =	ssettag s2;
	_ =	strace s9  }
0x27: {  	s1 =	sld [smem:$0x3FA7]  }
0x28: {  	s2 =	sld [smem:$0x3FA8]  }
0x29: {  	s4 =	sld [smem:$0x3FAA]  }
0x2a: {  	p0 =	seq.s32 s5, $0x0;
	s5 =	sld [smem:$0x3FAB]  }
0x2b: {  	s6 =	sld [smem:$0x3FAC]  }
0x2c: {  	s7 =	sld [smem:$0x3FAD]  }
0x2d: {  	s3 =	simm.s32 $0x108;
	s8 =	sld [smem:$0x3FAE]  }
0x2e: {  	s3 =	simm.s32 @!p0 $0x1082;
	s9 =	sld [smem:$0x3FAF]  }
0x2f: {  	lr =	sadd.s32 s0, s3;
	s0 =	sld [smem:$0x3FA6]  }
0x30: {  	s3 =	sld [smem:$0x3FA9]  }
0x31: {  	[smem:$0x3FB2] =	sst s10  }
0x32: {  	s10 =	sld [smem:$0x3FB0];
	_ =	sdelay $0x3  }
0x33: {  	p0 =	seq.s32 s10, $0x1;
	s10 =	sld [smem:$0x3FB2];
	_ =	sdelay $0x3  }
0x34: {  	[smem:$0x3FB2] =	sst s10  }
0x35: {  	s10 =	sld [smem:$0x3FB1];
	_ =	sdelay $0x3  }
0x36: {  	p1 =	seq.s32 s10, $0x1;
	s10 =	sld [smem:$0x3FB2];
	_ =	sdelay $0x3  }
0x37: {  	[smem:$0x3FB2] =	sst s10  }
0x38: {  	s10 =	sld [smem:$0x3FB3]  }
0x39: {  	_ = 	snop;
	(pc) =	sbr.ind lr, $3  }
0x3a: {  	_ = 	snop  }
0x3b: {  	_ = 	snop  }
0x3c: {  	p2 =	seq.s32 s10, $0x1;
	s10 =	sld [smem:$0x3FB2]  }
0x3d: {  	_ =	shalt  }
0x3e: {  	_ =	shalt  }
0x3f: {  	_ =	shalt  }
0x40: {  	_ =	shalt  }
0x41: {  	_ =	shalt  }
0x42: {  	_ =	shalt  }
0x43: {  	_ =	shalt  }
0x44: {  	_ =	shalt  }
0x45: {  	_ =	shalt  }
0x46: {  	_ =	shalt  }
0x47: {  	_ =	shalt  }
0x48: {  	_ =	shalt  }
0x49: {  	_ =	shalt  }
0x4a: {  	_ =	shalt  }
0x4b: {  	_ =	shalt  }
0x4c: {  	_ =	shalt  }
0x4d: {  	_ =	shalt  }
0x4e: {  	_ =	shalt  }
0x4f: {  	_ =	shalt  }
0x50: {  	_ =	shalt  }
0x51: {  	_ =	shalt  }
0x52: {  	_ =	shalt  }
0x53: {  	_ =	shalt  }
0x54: {  	_ =	shalt  }
0x55: {  	_ =	shalt  }
0x56: {  	_ =	shalt  }
0x57: {  	_ =	shalt  }
0x58: {  	_ =	shalt  }
0x59: {  	_ =	shalt  }
0x5a: {  	_ =	shalt  }
0x5b: {  	_ =	shalt  }
0x5c: {  	_ =	shalt  }
0x5d: {  	_ =	shalt  }
0x5e: {  	_ =	shalt  }
0x5f: {  	_ =	shalt  }
0x60: {  	_ =	shalt  }
0x61: {  	_ =	shalt  }
0x62: {  	_ =	shalt  }
0x63: {  	_ =	shalt  }
0x64: {  	_ =	shalt  }
0x65: {  	_ =	shalt  }
0x66: {  	_ =	shalt  }
0x67: {  	_ =	shalt  }
0x68: {  	_ =	shalt  }
0x69: {  	_ =	shalt  }
0x6a: {  	_ =	shalt  }
0x6b: {  	_ =	shalt  }
0x6c: {  	_ =	shalt  }
0x6d: {  	_ =	shalt  }
0x6e: {  	_ =	shalt  }
0x6f: {  	_ =	shalt  }
0x70: {  	_ =	shalt  }
0x71: {  	_ =	shalt  }
0x72: {  	_ =	shalt  }
0x73: {  	_ =	shalt  }
0x74: {  	_ =	shalt  }
0x75: {  	_ =	shalt  }
0x76: {  	_ =	shalt  }
0x77: {  	_ =	shalt  }
0x78: {  	_ =	shalt  }
0x79: {  	_ =	shalt  }
0x7a: {  	_ =	shalt  }
0x7b: {  	_ =	shalt  }
0x7c: {  	_ =	shalt  }
0x7d: {  	_ =	shalt  }
0x7e: {  	_ =	shalt  }
0x7f: {  	_ =	shalt  }
0x80: {  	_ =	shalt  }
0x81: {  	_ =	shalt  }
0x82: {  	_ =	shalt  }
0x83: {  	_ =	shalt  }
0x84: {  	_ =	shalt  }
0x85: {  	_ =	shalt  }
0x86: {  	_ =	shalt  }
0x87: {  	_ =	shalt  }
.Lfunc_end0:
.L_simem_size_0:
called_computation.1_lowered:
.L_overlay_start_0:
0x88: {  	s2 =	sld [smem:$0x3FD9]  }
0x89: {  	s3 =	sld [smem:$0x3FFE];
	_ =	sdelay $0x1  }
0x8a: {  	s1 =	srdreg.scid  }
0x8b: {  	s0 =	sand.u32 $0x1, s1  }
0x8c: {  	s17 =	sshll.u32 s0, $0xA;
	s2 =	sadd.s32 s3, s2  }
0x8d: {  	s2 =	sadd.s32 s2, s17  }
0x8e: {  	[smem:$0x3FBE] =	sst s2  }
0x8f: {  	_ = 	snop  }
0x90: {  	s18 =	sld [smem:$0x3FC9];
	(tm) =	ssettm $0x1  }
0x91: {  	s19 =	sld [smem:$0x3FFB];
	_ =	sdelay $0x3  }
0x92: {  	_ =	strace s19  }
0x93: {  	s2 =	sld [smem:$0x3FFC];
	_ =	sdelay $0x3  }
0x94: {  	_ =	strace s2  }
0x95: {  	s2 =	sld [smem:$0x3FFD];
	_ =	sdelay $0x3  }
0x96: {  	_ =	strace s2  }
0x97: {  	_ =	strace $0x8FFFFFFF  }
0x98: {  	s20 =	sld [smem:$0x3FDB];
	_ =	sdelay $0x1  }
0x99: {  	s4 =	simm.s32 $_scs_section_size  }
0x9a: {  	s5 =	simm.s32 $_size__tile_overlayer_lowered;
	s6 =	simm.s32 $_tile_overlayer_lowered  }
0x9b: {  	s7 =	simm.s32 $0x1BFF;
	s21 =	sshll.u32 s6, $0x1;
	s4 =	sadd.s32 s4, s20  }
0x9c: {  	s22 =	simm.s32 $0x0;
	s5 =	sshll.u32 s5, $0x1;
	s6 =	sadd.s32 s21, s4  }
0x9d: {  	[timem:s22], [sflag:s7] =	dma.local [hbm:s6], s5  }
0x9e: {  	_ =	swait.ge [sflag:s7], s5  }
0x9f: {  	s5 =	ssub.s32 $0x0, s5;
	[sflag:s7] =	ssyncset.done $0x0  }
0xa0: {  	[sflag:s7] =	ssyncadd.s32 s5;
	_ =	sdelay $0x1  }
0xa1: {  	s23 =	simm.s32 $0x1B8B  }
0xa2: {  	_ =	swait.ge [sflag:s23], $0x1  }
0xa3: {  	[sflag:s23] =	ssyncset.done $0x0  }
0xa4: {  	[sflag:s23] =	ssyncadd.s32 $0xFFFFFFFF  }
0xa5: {  	s5 =	sld [smem:$0x0]  }
0xa6: {  	s6 =	sand.u32 $0xFFFFFFFE, s1  }
0xa7: {  	p0 =	sne.s32 s1, s6  }
0xa8: {  	s6 =	sshll.u32 @p0 s6, $0xE  }
0xa9: {  	s6 =	sadd.s32 @p0 $0x11B8D, s6;
	s7 =	sshll.u32 @p0 s5, $0x11  }
0xaa: {  	s6 =	sor.u32 @p0 s7, s6  }
0xab: {  	[sflag:s6] =	ssyncadd.remote.s32 @p0 $0x1;
	_ =	sdelay $0x1  }
0xac: {  	s6 =	simm.s32 @p0 $0x1B8D  }
0xad: {  	_ =	swait.eq @p0 [sflag:s6], $0x1  }
0xae: {  	[sflag:s6] =	ssyncadd.s32 @p0 $0xFFFFFFFF  }
0xaf: {  	s7 =	sshll.u32 @!p0 s1, $0xE  }
0xb0: {  	s7 =	sor.u32 @!p0 $0x4000, s7;
	s6 =	simm.s32 @!p0 $0x1B8D  }
0xb1: {  	s5 =	sshll.u32 @!p0 s5, $0x11;
	s7 =	sadd.s32 @!p0 $0x11B8D, s7;
	_ =	swait.eq @!p0 [sflag:s6], $0x1  }
0xb2: {  	s5 =	sor.u32 @!p0 s5, s7;
	[sflag:s6] =	ssyncadd.s32 @!p0 $0xFFFFFFFF  }
0xb3: {  	s25 =	simm.s32 $0x1B8E;
	s24 =	sld [smem:$0x3FFE];
	[sflag:s5] =	ssyncadd.remote.s32 @!p0 $0x1  }
0xb4: {  	s26 =	simm.s32 $execute0_lowered;
	[smem:$0x3FD2] =	sst s25  }
0xb5: {  	s6 =	sshll.u32 s26, $0x1;
	_ =	strace $0x80000049;
	[dreg:$0x1] =	wrdreg $0xFFFFFFFF  }
0xb6: {  	s28 =	simm.s32 $_size_execute0_lowered;
	s4 =	sadd.s32 s4, s6;
	[dreg:$0x0] =	wrdreg $0x0  }
0xb7: {  	s6 =	sshll.u32 s28, $0x1;
	[dreg:$0x2] =	wrdreg s4  }
0xb8: {  	[dreg:$0x3] =	wrdreg s6  }
0xb9: {  	[dreg:$0x4] =	wrdreg $0xC0  }
0xba: {  	_ =	task [dreg:s22], $0x5FFFF  }
0xbb: {  	[dreg:$0x1] =	wrdreg $0xFFFFFFFF  }
0xbc: {  	[dreg:$0x0] =	wrdreg $0x60  }
0xbd: {  	[dreg:$0x2] =	wrdreg s18  }
0xbe: {  	[dreg:$0x3] =	wrdreg s24  }
0xbf: {  	[dreg:$0x4] =	wrdreg $0x60000  }
0xc0: {  	[dreg:$0x5] =	wrdreg $0xA  }
0xc1: {  	_ =	task.clear_ibuf [dreg:s22], $0x6FFFF;
	_ =	strace $0x90000049  }
0xc2: {  	s29 =	simm.s32 $0xA;
	_ =	strace $0x8000004B  }
0xc3: {  	_ =	swait.ge [sflag:s29], $0x1  }
0xc4: {  	[sflag:s29] =	ssyncadd.s32 $0xFFFFFFFF  }
0xc5: {  	_ =	strace $0x9000004B  }
0xc6: {  	_ =	sfence  }
0xc7: {  	s30 =	sld [smem:$0x0];
	_ =	sdelay $0x2  }
0xc8: {  	s31 =	sshll.u32 s1, $0xD;
	s1 =	sshrl.u32 s1, $0x2  }
0xc9: {  	s4 =	sand.u32 $0x4000, s31;
	s1 =	sadd.s32 s1, s30  }
0xca: {  	s0 =	sor.u32 s4, s0;
	s1 =	sshll.u32 s1, $0x11  }
0xcb: {  	s0 =	sor.u32 s1, s0  }
0xcc: {  	s0 =	sadd.s32 $0x8F2B, s0  }
0xcd: {  	[sflag:s0] =	ssyncadd.remote.s32 $0x1  }
0xce: {  	_ =	sfence.sel $0xFFFF  }
0xcf: {  	[dreg:$0x0] =	wrdreg $0xFFFFFFFF;
	(pc) =	sbr.abs _section_cstart, $3  }
0xd0: {  	[dreg:$0x1] =	wrdreg $0xFFFFFFFF  }
0xd1: {  	_ =	task.clear_ibuf [dreg:s22], $0x2FFFF;
	_ =	strace $0x9FFFFFFF  }
0xd2: {  	(tm) =	ssettm $0x7FFFFFFF  }
0xd3: {  	_ =	shalt  }
tec
execute0_lowered:
.L_overlay_start_1:
0x0: {  	(tag) =	ssettag $0x1  }
0x1: {  	s1 =	rddreg [dreg:$0x0]  }
0x2: {  	s0 =	rddreg [dreg:$0x1]  }
0x3: {  	s2 =	rddreg [dreg:$0x2]  }
0x4: {  	s3 =	simm.s32 $0x0;
	s4 =	srdreg.scid;
	s13 =	stileid.u32  }
0x5: {  	s20 =	simm.s32 $0x5800;
	s21 =	simm.s32 $0x19;
	s15 =	simm.s32 $0x15  }
0x6: {  	s28 =	simm.s32 $0x3000;
	s22 =	simm.s32 $0x16;
	s29 =	simm.s32 $0x14  }
0x7: {  	s17 =	simm.s32 $0x17;
	s23 =	simm.s32 $0x18;
	s16 =	simm.s32 $0x4400  }
0x8: {  	[smem:$0x7FF] =	sst s3;
	s4 =	sand.u32 $0x1, s4;
	s7 =	sadd.s32 $0x2C000, s0  }
0x9: {  	s10 =	sadd.s32 $0xC000, s0;
	s24 =	smul.u32 $0x4E000, s13;
	s9 =	sshll.u32 s13, $0x10  }
0xa: {  	p0 =	seq.s32 s13, $0xF;
	s5 =	smul.u32 $0x27100, s4;
	s6 =	ssub.s32 $0x2, s4  }
0xb: {  	_ =	strace $0x8000004A;
	s4 =	sshll.u32 s4, $0xF;
	s8 =	sshrl.u32 s6, $0x1  }
0xc: {  	s4 =	sor.u32 s4, s9;
	s9 =	simm.s32 $0x28;
	s0 =	sadd.s32 s5, s0  }
0xd: {  	s6 =	ssub.s32 s6, s8;
	s5 =	simm.s32 $0x28;
	s8 =	sshrl.u32 s24, $0x2  }
0xe: {  	s11 =	sshrl.u32 s4, $0x3;
	s9 =	simm.s32 @!p0 $0x27;
	s31 =	sor.u32 $0x400, s4  }
0xf: {  	s4 =	smul.u32 $0x2700, s13;
	s13 =	simm.s32 $0x800;
	s24 =	simm.s32 $0x13  }
0x10: {  	[dreg:$0x4] =	wrdreg s9;
	s8 =	sadd.s32 s8, s2;
	s12 =	sor.u32 $0x10, s11  }
0x11: {  	s9 =	sadd.s32 s11, s10;
	s6 =	smax.u32 s6, $0x1;
	[dreg:$0x5] =	wrdreg s8  }
0x12: {  	s25 =	sor.u32 $0x20, s11;
	s14 =	sadd.s32 s7, s12;
	[dreg:$0xd] =	wrdreg s6  }
0x13: {  	s8 =	sadd.s32 s11, s7;
	s12 =	sadd.s32 s10, s12;
	[dreg:$0x6] =	wrdreg s14  }
0x14: {  	s11 =	sor.u32 $0x30, s11;
	s26 =	sadd.s32 s7, s25;
	[dreg:$0x7] =	wrdreg s12  }
0x15: {  	s6 =	simm.s32 $0x0;
	[dreg:$0x8] =	wrdreg s26;
	s12 =	sadd.s32 s10, s25  }
0x16: {  	s30 =	sadd.s32 s7, s11;
	s11 =	sadd.s32 s10, s11;
	[dreg:$0x9] =	wrdreg s12  }
0x17: {  	s14 =	simm.s32 $0x480;
	s26 =	simm.s32 $0x4400;
	[dreg:$0xa] =	wrdreg s30  }
.Ltmp0:
0x18: {  	s12 =	sadd.s32 $0x4C000, s0;
	s0 =	sshrl.u32 s31, $0x3;
	(pc) =	sbr.rel .LBB2_1-.Ltmp0, $4  }
0x19: {  	[dreg:$0xb] =	wrdreg s11;
	s11 =	sadd.s32 $0x124800, s2;
	s18 =	sadd.s32 s0, s7  }
0x1a: {  	s19 =	sadd.s32 s0, s10;
	s0 =	sshrl.u32 @p0 s11, $0x3;
	[dreg:$0xc] =	wrdreg s12  }
0x1b: {  	s10 =	simm.s32 $0x12;
	[dreg:$0xe] =	wrdreg s0;
	s0 =	sadd.s32 @!p0 s4, s12  }
0x1c: {  	v0 =	vimm.f32 $0.0e+00;
	s11 =	simm.s32 $0xA;
	s4 =	simm.s32 $0x1C00;
	[dreg:$0xf] =	wrdreg s0  }
.LBB2_14:
0x1d: {  	_ =	swait.ge [sflag:s17], $0x1400  }
0x1e: {  	[sflag:s17] =	ssyncset.done $0x0  }
0x1f: {  	[sflag:s17] =	ssyncadd.s32 $0xFFFFEC00  }
0x20: {  	_ =	swait.ge [sflag:s23], $0x1400  }
0x21: {  	[sflag:s23] =	ssyncset.done $0x0  }
0x22: {  	[sflag:s23] =	ssyncadd.s32 $0xFFFFEC00  }
0x23: {  	_ =	swait.ge [sflag:s15], $0x1400  }
0x24: {  	[sflag:s15] =	ssyncset.done $0x0  }
0x25: {  	[sflag:s15] =	ssyncadd.s32 $0xFFFFEC00  }
0x26: {  	_ =	swait.ge [sflag:s22], $0x1400  }
0x27: {  	[sflag:s22] =	ssyncset.done $0x0  }
0x28: {  	[sflag:s22] =	ssyncadd.s32 $0xFFFFEC00  }
0x29: {  	[bflag:$0x0] =	sbarrier.arrive $0xFFFF  }
0x2a: {  	s0 =	rddreg [dreg:$0xc]  }
0x2b: {  	s7 =	simm.s32 @p0 $0x1FD9;
	s6 =	rddreg [dreg:$0xe];
	s0 =	sadd.s32 @p0 $0x24900, s0  }
0x2c: {  	[hbm:s0], [sflag:s7] =	dma.local @p0 [spmem:s6], $0x2800  }
0x2d: {  	s0 =	simm.s32 @p0 $0x19  }
0x2e: {  	s7 =	stileid.u32;
	_ =	swait.ge @p0 [sflag:s0], $0x2800  }
0x2f: {  	s7 =	sshll.u32 @!p0 s7, $0x6;
	[sflag:s0] =	ssyncset.done @p0 $0x0  }
0x30: {  	[sflag:s0] =	ssyncadd.s32 @p0 $0xFFFFD800;
	s0 =	sor.u32 @!p0 $0x1C19, s7;
	s7 =	rddreg [dreg:$0x5]  }
0x31: {  	s6 =	rddreg [dreg:$0xf];
	s7 =	sshrl.u32 @!p0 s7, $0x3  }
0x32: {  	[hbm:s6], [sflag:s0] =	dma.local @!p0 [spmem:s7], $0x2700  }
0x33: {  	s0 =	simm.s32 @!p0 $0x19  }
0x34: {  	_ =	swait.ge @!p0 [sflag:s0], $0x2700  }
0x35: {  	s30 =	rddreg [dreg:$0x10]  }
0x36: {  	s31 =	rddreg [dreg:$0xd];
	s6 =	sadd.s32 $0x1, s30  }
0x37: {  	p1 =	sne.s32 s6, s31  }
.Ltmp1:
0x38: {  	_ = 	snop;
	(pc) =	sbr.rel @!p1 .LBB2_15-.Ltmp1, $3  }
0x39: {  	_ =	sdelay $0x1  }
0x3a: {  	[sflag:s0] =	ssyncset.done @!p0 $0x0  }
0x3b: {  	[sflag:s0] =	ssyncadd.s32 @!p0 $0xFFFFD900  }
.LBB2_1:
0x3c: {  	s12 =	sand.u32 $0x1E00, s3  }
0x3d: {  	s31 =	sand.u32 $0x70, s3;
	s12 =	sshrl.u32 s12, $0x2  }
0x3e: {  	s25 =	simm.s32 $0x40;
	s12 =	sor.u32 s31, s12;
	s31 =	simm.s32 $0x0  }
.LBB2_2:
0x3f: {  	p1 =	sne.s32 s25, $0x1FC0  }
0x40: {  	[tilespmem:s12+$0x5800] =	vst v0;
	s31 =	sadd.s32 $0x10, s31;
	s12 =	smov.u32 s25;
	s25 =	sadd.s32 $0x40, s25  }
.Ltmp2:
0x41: {  	(pc) =	sbr.rel @p1 .LBB2_2-.Ltmp2, $4  }
0x42: {  	_ = 	snop  }
0x43: {  	s12 =	sand.u32 $0x1E00, s12  }
0x44: {  	s7 =	sand.u32 $0x70, s31;
	s12 =	sshrl.u32 s12, $0x2  }
0x45: {  	s12 =	sor.u32 s7, s12  }
0x46: {  	s0 =	rddreg [dreg:$0x4]  }
0x47: {  	p1 =	sne.s32 s0, $0x1  }
.Ltmp3:
0x48: {  	[dreg:$0x10] =	wrdreg s6;
	(pc) =	sbr.rel @!p1 .LBB2_5-.Ltmp3, $4  }
0x49: {  	[tilespmem:s12+$0x5800] =	vst v0;
	s31 =	rddreg [dreg:$0x5]  }
0x4a: {  	[spmem:s31] =	stream.linear.scatter [tilespmem:s20], [sflag:$0x19], $0x800, $0x38;
	[tilespmem:$0x19880] =	vst v63  }
0x4b: {  	_ =	swait.ge [sflag:s21], $0x800  }
0x4c: {  	s25 =	sadd.s32 $0xFFFFFFFF, s0;
	[sflag:s21] =	ssyncset.done $0x0  }
.LBB2_4:
0x4d: {  	p1 =	sne.s32 s25, $0x1;
	[sflag:s21] =	ssyncadd.s32 $0xFFFFF800;
	s31 =	sadd.s32 $0x800, s31  }
.Ltmp4:
0x4e: {  	s25 =	sadd.s32 $0xFFFFFFFF, s25;
	(pc) =	sbr.rel @p1 .LBB2_4-.Ltmp4, $4  }
0x4f: {  	_ = 	snop  }
0x50: {  	[spmem:s31] =	stream.linear.scatter [tilespmem:s20], [sflag:$0x19], $0x800, $0x38;
	[tilespmem:$0x19880] =	vst v63  }
0x51: {  	_ =	swait.ge [sflag:s21], $0x800  }
0x52: {  	[sflag:s21] =	ssyncset.done $0x0  }
.LBB2_5:
0x53: {  	[sflag:s21] =	ssyncadd.s32 $0xFFFFF800  }
0x54: {  	s25 =	simm.s32 $0x0;
	[bflag:$0x0] =	sbarrier.arrive $0xFFFF  }
0x55: {  	[tilespmem:s25], [sflag:$0x1] =	stream.linear.gather [hbm4b:s8+s25], $0x80, $0x38;
	[tilespmem:$0x19880] =	vst v63  }
0x56: {  	s0 =	simm.s32 $0x400  }
0x57: {  	[tilespmem:s0], [sflag:$0x9] =	stream.linear.gather [hbm4b:s9+s25], $0x80, $0x38;
	[tilespmem:$0x19880] =	vst v63  }
0x58: {  	s7 =	simm.s32 $0x80;
	s6 =	rddreg [dreg:$0x6]  }
0x59: {  	[tilespmem:s7], [sflag:$0x2] =	stream.linear.gather [hbm4b:s6+s25], $0x80, $0x38;
	[tilespmem:$0x19880] =	vst v63  }
0x5a: {  	s12 =	rddreg [dreg:$0x7]  }
0x5b: {  	[tilespmem:s14], [sflag:$0xA] =	stream.linear.gather [hbm4b:s12+s25], $0x80, $0x38;
	[tilespmem:$0x19880] =	vst v63  }
0x5c: {  	s30 =	rddreg [dreg:$0x8];
	s6 =	simm.s32 $0x100  }
0x5d: {  	[tilespmem:s6], [sflag:$0x3] =	stream.linear.gather [hbm4b:s30+s25], $0x80, $0x38;
	[tilespmem:$0x19880] =	vst v63  }
0x5e: {  	s12 =	rddreg [dreg:$0x9];
	s30 =	simm.s32 $0x500  }
0x5f: {  	[tilespmem:s30], [sflag:$0xB] =	stream.linear.gather [hbm4b:s12+s25], $0x80, $0x38;
	[tilespmem:$0x19880] =	vst v63  }
0x60: {  	s12 =	rddreg [dreg:$0xa];
	s30 =	simm.s32 $0x180  }
0x61: {  	[tilespmem:s30], [sflag:$0x4] =	stream.linear.gather [hbm4b:s12+s25], $0x80, $0x38;
	[tilespmem:$0x19880] =	vst v63  }
0x62: {  	s12 =	rddreg [dreg:$0xb];
	s30 =	simm.s32 $0x580  }
0x63: {  	[tilespmem:s30], [sflag:$0xC] =	stream.linear.gather [hbm4b:s12+s25], $0x80, $0x38;
	[tilespmem:$0x19880] =	vst v63  }
0x64: {  	s12 =	simm.s32 $0x1  }
0x65: {  	_ =	swait.ge [sflag:s12], $0x80  }
0x66: {  	[sflag:s12] =	ssyncset.done $0x0  }
0x67: {  	[sflag:s12] =	ssyncadd.s32 $0xFFFFFF80  }
0x68: {  	[tilespmem:s13], [sflag:$0x11] =	stream.indirect.gather [hbm4b:s1+s5], $0x80, s25, s5, $0xb8;
	[tilespmem:$0x19880] =	vst v63  }
.Ltmp5:
0x69: {  	s30 =	simm.s32 $0x2;
	(pc) =	sbr.rel .LBB2_6-.Ltmp5, $4  }
0x6a: {  	_ =	swait.ge [sflag:s30], $0x80  }
0x6b: {  	[sflag:s30] =	ssyncset.done $0x0  }
0x6c: {  	s31 =	simm.s32 $0x0;
	[sflag:s30] =	ssyncadd.s32 $0xFFFFFF80  }
0x6d: {  	[tilespmem:s4], [sflag:$0x12] =	stream.indirect.gather [hbm4b:s1+s5], $0x80, s7, s5, $0xb8;
	[tilespmem:$0x19880] =	vst v63  }
.LBB2_10:
0x6e: {  	s0 =	sadd.s32 s25, s8  }
0x6f: {  	s6 =	simm.s32 $0x300;
	s7 =	sadd.s32 $0x60, s0  }
0x70: {  	[tilespmem:s6], [sflag:$0x7] =	stream.linear.gather [hbm4b:s7+s3], $0x80, $0x38;
	[tilespmem:$0x19880] =	vst v63  }
0x71: {  	s7 =	sadd.s32 s25, s9  }
0x72: {  	s13 =	simm.s32 $0x700;
	s28 =	simm.s32 $0x6;
	s12 =	sadd.s32 $0x60, s7  }
0x73: {  	[tilespmem:s13], [sflag:$0xF] =	stream.linear.gather [hbm4b:s12+s3], $0x80, $0x38;
	[tilespmem:$0x19880] =	vst v63  }
0x74: {  	_ =	swait.ge [sflag:s28], $0x80  }
0x75: {  	[sflag:s28] =	ssyncset.done $0x0  }
0x76: {  	[sflag:s28] =	ssyncadd.s32 $0xFFFFFF80  }
0x77: {  	_ =	swait.ge [sflag:s22], $0x1400  }
0x78: {  	[sflag:s22] =	ssyncset.done $0x0  }
0x79: {  	s30 =	simm.s32 $0x280;
	[sflag:s22] =	ssyncadd.s32 $0xFFFFEC00  }
0x7a: {  	[tilespmem:s4], [sflag:$0x12] =	stream.indirect.gather [hbm4b:s1+s5], $0x80, s30, s5, $0xb8;
	[tilespmem:$0x19880] =	vst v63  }
0x7b: {  	_ =	swait.ge [sflag:s29], $0x1400  }
0x7c: {  	[sflag:s29] =	ssyncset.done $0x0  }
0x7d: {  	s12 =	simm.s32 $0xC;
	[sflag:s29] =	ssyncadd.s32 $0xFFFFEC00  }
0x7e: {  	_ =	swait.ge [sflag:s12], $0x80  }
0x7f: {  	[sflag:s12] =	ssyncset.done $0x0  }
0x80: {  	s13 =	simm.s32 $0x580;
	[sflag:s12] =	ssyncadd.s32 $0xFFFFFF80  }
0x81: {  	[spmem:s2] =	stream.indirect.scatter.add.f32 [tilespmem:s26], [sflag:$0x18], $0x80, s13, s5, $0xb8;
	[tilespmem:$0x19880] =	vst v63  }
0x82: {  	s0 =	sadd.s32 $0x70, s0;
	s26 =	simm.s32 $0x380  }
0x83: {  	[tilespmem:s26], [sflag:$0x8] =	stream.linear.gather [hbm4b:s0+s3], $0x80, $0x38;
	[tilespmem:$0x19880] =	vst v63  }
0x84: {  	s28 =	sadd.s32 $0x70, s7;
	s30 =	simm.s32 $0x780  }
0x85: {  	[tilespmem:s30], [sflag:$0x10] =	stream.linear.gather [hbm4b:s28+s3], $0x80, $0x38;
	[tilespmem:$0x19880] =	vst v63  }
.LBB2_11:
0x86: {  	s0 =	simm.s32 $0x7  }
0x87: {  	_ =	swait.ge [sflag:s0], $0x80  }
0x88: {  	[sflag:s0] =	ssyncset.done $0x0  }
0x89: {  	[sflag:s0] =	ssyncadd.s32 $0xFFFFFF80  }
0x8a: {  	_ =	swait.ge [sflag:s17], $0x1400  }
0x8b: {  	s26 =	simm.s32 $0x3000;
	[sflag:s17] =	ssyncset.done $0x0  }
0x8c: {  	s13 =	simm.s32 $0x300;
	s30 =	simm.s32 $0x11;
	[sflag:s17] =	ssyncadd.s32 $0xFFFFEC00  }
0x8d: {  	[tilespmem:s26], [sflag:$0x13] =	stream.indirect.gather [hbm4b:s1+s5], $0x80, s13, s5, $0xb8;
	[tilespmem:$0x19880] =	vst v63  }
0x8e: {  	_ =	swait.ge [sflag:s30], $0x1400  }
0x8f: {  	[sflag:s30] =	ssyncset.done $0x0  }
0x90: {  	s6 =	simm.s32 $0xD;
	[sflag:s30] =	ssyncadd.s32 $0xFFFFEC00  }
0x91: {  	_ =	swait.ge [sflag:s6], $0x80  }
0x92: {  	[sflag:s6] =	ssyncset.done $0x0  }
0x93: {  	s7 =	simm.s32 $0x600;
	s30 =	simm.s32 $0x800;
	[sflag:s6] =	ssyncadd.s32 $0xFFFFFF80  }
0x94: {  	[spmem:s2] =	stream.indirect.scatter.add.f32 [tilespmem:s30], [sflag:$0x15], $0x80, s7, s5, $0xb8;
	[tilespmem:$0x19880] =	vst v63  }
0x95: {  	s0 =	sadd.s32 s25, s18  }
0x96: {  	[tilespmem:s3], [sflag:$0x1] =	stream.linear.gather [hbm4b:s0+s3], $0x80, $0x38;
	[tilespmem:$0x19880] =	vst v63  }
0x97: {  	s12 =	simm.s32 $0x400;
	s6 =	simm.s32 $0x8;
	s7 =	sadd.s32 s25, s19  }
0x98: {  	[tilespmem:s12], [sflag:$0x9] =	stream.linear.gather [hbm4b:s7+s3], $0x80, $0x38;
	[tilespmem:$0x19880] =	vst v63  }
0x99: {  	_ =	swait.ge [sflag:s6], $0x80  }
0x9a: {  	[sflag:s6] =	ssyncset.done $0x0  }
0x9b: {  	[sflag:s6] =	ssyncadd.s32 $0xFFFFFF80  }
0x9c: {  	_ =	swait.ge [sflag:s23], $0x1400  }
0x9d: {  	[sflag:s23] =	ssyncset.done $0x0  }
0x9e: {  	s12 =	simm.s32 $0x380;
	[sflag:s23] =	ssyncadd.s32 $0xFFFFEC00  }
0x9f: {  	[tilespmem:s16], [sflag:$0x14] =	stream.indirect.gather [hbm4b:s1+s5], $0x80, s12, s5, $0xb8;
	[tilespmem:$0x19880] =	vst v63  }
0xa0: {  	_ =	swait.ge [sflag:s10], $0x1400  }
0xa1: {  	[sflag:s10] =	ssyncset.done $0x0  }
0xa2: {  	s13 =	simm.s32 $0xE;
	[sflag:s10] =	ssyncadd.s32 $0xFFFFEC00  }
0xa3: {  	_ =	swait.ge [sflag:s13], $0x80  }
0xa4: {  	[sflag:s13] =	ssyncset.done $0x0  }
0xa5: {  	s12 =	simm.s32 $0x680;
	[sflag:s13] =	ssyncadd.s32 $0xFFFFFF80  }
0xa6: {  	[spmem:s2] =	stream.indirect.scatter.add.f32 [tilespmem:s4], [sflag:$0x16], $0x80, s12, s5, $0xb8;
	[tilespmem:$0x19880] =	vst v63  }
0xa7: {  	s0 =	sadd.s32 $0x10, s0;
	s6 =	simm.s32 $0x80  }
0xa8: {  	[tilespmem:s6], [sflag:$0x2] =	stream.linear.gather [hbm4b:s0+s3], $0x80, $0x38;
	[tilespmem:$0x19880] =	vst v63  }
0xa9: {  	s13 =	sadd.s32 $0x10, s7;
	s7 =	simm.s32 $0x1  }
0xaa: {  	[tilespmem:s14], [sflag:$0xA] =	stream.linear.gather [hbm4b:s13+s3], $0x80, $0x38;
	[tilespmem:$0x19880] =	vst v63  }
0xab: {  	_ =	swait.ge [sflag:s7], $0x80  }
0xac: {  	[sflag:s7] =	ssyncset.done $0x0  }
0xad: {  	[sflag:s7] =	ssyncadd.s32 $0xFFFFFF80  }
0xae: {  	_ =	swait.ge [sflag:s15], $0x1400  }
0xaf: {  	[sflag:s15] =	ssyncset.done $0x0  }
0xb0: {  	[sflag:s15] =	ssyncadd.s32 $0xFFFFEC00  }
0xb1: {  	[tilespmem:s30], [sflag:$0x11] =	stream.indirect.gather [hbm4b:s1+s5], $0x80, s3, s5, $0xb8;
	[tilespmem:$0x19880] =	vst v63  }
0xb2: {  	_ =	swait.ge [sflag:s24], $0x1400  }
0xb3: {  	[sflag:s24] =	ssyncset.done $0x0  }
0xb4: {  	s12 =	simm.s32 $0xF;
	[sflag:s24] =	ssyncadd.s32 $0xFFFFEC00  }
0xb5: {  	_ =	swait.ge [sflag:s12], $0x80  }
0xb6: {  	p1 =	sgt.u32 s31, $0x1D;
	[sflag:s12] =	ssyncset.done $0x0  }
0xb7: {  	s0 =	sadd.s32 @!p1 s25, s18;
	s14 =	simm.s32 $0x700;
	[sflag:s12] =	ssyncadd.s32 $0xFFFFFF80  }
0xb8: {  	[spmem:s2] =	stream.indirect.scatter.add.f32 [tilespmem:s26], [sflag:$0x17], $0x80, s14, s5, $0xb8;
	[tilespmem:$0x19880] =	vst v63  }
0xb9: {  	s7 =	sadd.s32 @!p1 $0x20, s0;
	s12 =	simm.s32 @!p1 $0x0;
	s14 =	simm.s32 @!p1 $0x100  }
0xba: {  	[tilespmem:s14], [sflag:$0x3] =	stream.linear.gather @!p1 [hbm4b:s7+s12], $0x80, $0x38;
	[tilespmem:$0x19880] =	vst v63  }
0xbb: {  	s7 =	sadd.s32 @!p1 s25, s19  }
0xbc: {  	s30 =	simm.s32 @!p1 $0x500;
	s14 =	sadd.s32 @!p1 $0x20, s7  }
0xbd: {  	[tilespmem:s30], [sflag:$0xB] =	stream.linear.gather @!p1 [hbm4b:s14+s12], $0x80, $0x38;
	[tilespmem:$0x19880] =	vst v63  }
0xbe: {  	s30 =	simm.s32 $0x2  }
0xbf: {  	_ =	swait.ge [sflag:s30], $0x80  }
0xc0: {  	[sflag:s30] =	ssyncset.done $0x0  }
0xc1: {  	[sflag:s30] =	ssyncadd.s32 $0xFFFFFF80  }
0xc2: {  	_ =	swait.ge [sflag:s22], $0x1400  }
0xc3: {  	[sflag:s22] =	ssyncset.done $0x0  }
0xc4: {  	[sflag:s22] =	ssyncadd.s32 $0xFFFFEC00  }
0xc5: {  	[tilespmem:s4], [sflag:$0x12] =	stream.indirect.gather [hbm4b:s1+s5], $0x80, s6, s5, $0xb8;
	[tilespmem:$0x19880] =	vst v63  }
0xc6: {  	_ =	swait.ge [sflag:s29], $0x1400  }
0xc7: {  	[sflag:s29] =	ssyncset.done $0x0  }
0xc8: {  	s26 =	simm.s32 $0x10;
	[sflag:s29] =	ssyncadd.s32 $0xFFFFEC00  }
0xc9: {  	_ =	swait.ge [sflag:s26], $0x80  }
0xca: {  	s28 =	simm.s32 $0x3000;
	[sflag:s26] =	ssyncset.done $0x0  }
0xcb: {  	s13 =	simm.s32 $0x800;
	s30 =	simm.s32 $0x780;
	[sflag:s26] =	ssyncadd.s32 $0xFFFFFF80  }
0xcc: {  	[spmem:s2] =	stream.indirect.scatter.add.f32 [tilespmem:s16], [sflag:$0x18], $0x80, s30, s5, $0xb8;
	[tilespmem:$0x19880] =	vst v63  }
0xcd: {  	s0 =	sadd.s32 @!p1 $0x30, s0;
	s14 =	simm.s32 @!p1 $0x180;
	s26 =	simm.s32 $0x4400  }
0xce: {  	[tilespmem:s14], [sflag:$0x4] =	stream.linear.gather @!p1 [hbm4b:s0+s12], $0x80, $0x38;
	[tilespmem:$0x19880] =	vst v63  }
0xcf: {  	s14 =	simm.s32 $0x480;
	s0 =	sadd.s32 @!p1 $0x30, s7;
	s7 =	simm.s32 @!p1 $0x580  }
0xd0: {  	[tilespmem:s7], [sflag:$0xC] =	stream.linear.gather @!p1 [hbm4b:s0+s12], $0x80, $0x38;
	[tilespmem:$0x19880] =	vst v63  }
.LBB2_13:
0xd1: {  	s25 =	sadd.s32 $0x80, s25  }
0xd2: {  	p1 =	sne.s32 s25, $0x1000  }
.Ltmp6:
0xd3: {  	_ = 	snop;
	(pc) =	sbr.rel @!p1 .LBB2_14-.Ltmp6, $2  }
0xd4: {  	_ =	sdelay $0x2  }
0xd5: {  	s31 =	sadd.s32 $0x1, s31  }
.LBB2_6:
0xd6: {  	p1 =	seq.s32 s25, $0xF80  }
0xd7: {  	s7 =	simm.s32 @p1 $0x11  }
0xd8: {  	_ =	swait.ge @p1 [sflag:s7], $0x1400  }
0xd9: {  	[sflag:s7] =	ssyncset.done @p1 $0x0  }
0xda: {  	[sflag:s7] =	ssyncadd.s32 @p1 $0xFFFFEC00;
	s7 =	simm.s32 @p1 $0x9  }
0xdb: {  	_ =	swait.ge @p1 [sflag:s7], $0x80  }
0xdc: {  	s12 =	simm.s32 @p1 $0x400;
	[sflag:s7] =	ssyncset.done @p1 $0x0  }
0xdd: {  	s0 =	simm.s32 @p1 $0x800;
	[sflag:s7] =	ssyncadd.s32 @p1 $0xFFFFFF80;
	s7 =	simm.s32 @p1 $0x28  }
0xde: {  	[spmem:s2] =	stream.indirect.scatter.add.f32 @p1 [tilespmem:s0], [sflag:$0x15], $0x80, s12, s7, $0xb8;
	[tilespmem:$0x19880] =	vst v63  }
0xdf: {  	s0 =	simm.s32 @!p1 $0x3  }
0xe0: {  	p2 =	seq.s32 @!p1 s25, $0x0;
	_ =	swait.ge @!p1 [sflag:s0], $0x80  }
0xe1: {  	p2 =	por p2, p1;
	[sflag:s0] =	ssyncset.done @!p1 $0x0  }
0xe2: {  	[sflag:s0] =	ssyncadd.s32 @!p1 $0xFFFFFF80;
	s0 =	simm.s32 @!p2 $0x17  }
0xe3: {  	_ =	swait.ge @!p2 [sflag:s0], $0x1400  }
0xe4: {  	s7 =	simm.s32 @!p1 $0x100;
	[sflag:s0] =	ssyncset.done @!p2 $0x0  }
0xe5: {  	s12 =	simm.s32 @!p1 $0x3000;
	[sflag:s0] =	ssyncadd.s32 @!p2 $0xFFFFEC00;
	s0 =	simm.s32 @!p1 $0x28  }
0xe6: {  	[tilespmem:s12], [sflag:$0x13] =	stream.indirect.gather @!p1 [hbm4b:s1+s0], $0x80, s7, s0, $0xb8;
	[tilespmem:$0x19880] =	vst v63  }
0xe7: {  	s7 =	simm.s32 @!p1 $0x11  }
0xe8: {  	_ =	swait.ge @!p1 [sflag:s7], $0x1400  }
0xe9: {  	[sflag:s7] =	ssyncset.done @!p1 $0x0  }
0xea: {  	[sflag:s7] =	ssyncadd.s32 @!p1 $0xFFFFEC00;
	s7 =	simm.s32 @!p1 $0x9  }
0xeb: {  	_ =	swait.ge @!p1 [sflag:s7], $0x80  }
0xec: {  	[sflag:s7] =	ssyncset.done @!p1 $0x0  }
0xed: {  	s12 =	simm.s32 @!p1 $0x800;
	[sflag:s7] =	ssyncadd.s32 @!p1 $0xFFFFFF80;
	s7 =	simm.s32 @!p1 $0x400  }
0xee: {  	[spmem:s2] =	stream.indirect.scatter.add.f32 @!p1 [tilespmem:s12], [sflag:$0x15], $0x80, s7, s0, $0xb8;
	[tilespmem:$0x19880] =	vst v63  }
0xef: {  	s0 =	sadd.s32 @!p1 s25, s8  }
0xf0: {  	s7 =	simm.s32 @!p1 $0x0;
	s12 =	simm.s32 @!p1 $0x200;
	s0 =	sadd.s32 @!p1 $0x40, s0  }
0xf1: {  	[tilespmem:s12], [sflag:$0x5] =	stream.linear.gather @!p1 [hbm4b:s0+s7], $0x80, $0x38;
	[tilespmem:$0x19880] =	vst v63  }
0xf2: {  	p3 =	slt.u32 @!p1 s31, $0x1F;
	s0 =	sadd.s32 @!p1 s25, s9  }
0xf3: {  	p2 =	por !p3, p1;
	s12 =	simm.s32 @!p1 $0x600;
	s0 =	sadd.s32 @!p1 $0x40, s0  }
0xf4: {  	[tilespmem:s12], [sflag:$0xD] =	stream.linear.gather @!p1 [hbm4b:s0+s7], $0x80, $0x38;
	[tilespmem:$0x19880] =	vst v63  }
0xf5: {  	p4 =	seq.s32 @!p2 s25, $0x0;
	s0 =	simm.s32 @!p2 $0x4  }
0xf6: {  	p3 =	por @!p1 p4, !p3;
	_ =	swait.ge @!p2 [sflag:s0], $0x80  }
0xf7: {  	p3 =	por p3, p1;
	[sflag:s0] =	ssyncset.done @!p2 $0x0  }
0xf8: {  	[sflag:s0] =	ssyncadd.s32 @!p2 $0xFFFFFF80;
	s0 =	simm.s32 @!p3 $0x18  }
0xf9: {  	_ =	swait.ge @!p3 [sflag:s0], $0x1400  }
0xfa: {  	s7 =	simm.s32 @!p2 $0x180;
	[sflag:s0] =	ssyncset.done @!p3 $0x0  }
0xfb: {  	s12 =	simm.s32 @!p2 $0x4400;
	[sflag:s0] =	ssyncadd.s32 @!p3 $0xFFFFEC00;
	s0 =	simm.s32 @!p2 $0x28  }
0xfc: {  	[tilespmem:s12], [sflag:$0x14] =	stream.indirect.gather @!p2 [hbm4b:s1+s0], $0x80, s7, s0, $0xb8;
	[tilespmem:$0x19880] =	vst v63  }
0xfd: {  	p5 =	por @!p2 $0x1, $0x1;
	p4 =	por @!p1 $0x0, $0x0;
	_ =	swait.ge [sflag:s10], $0x1400  }
0xfe: {  	p4 =	por @!p2 p5, p5;
	p2 =	sgt.u32 s31, $0x1E;
	[sflag:s10] =	ssyncset.done $0x0  }
.Ltmp7:
0xff: {  	[sflag:s10] =	ssyncadd.s32 $0xFFFFEC00;
	(pc) =	sbr.rel @p2 .LBB2_16-.Ltmp7, $4  }
0x100: {  	_ =	swait.ge [sflag:s11], $0x80  }
0x101: {  	p3 =	por @p1 $0x0, $0x0;
	[sflag:s11] =	ssyncset.done $0x0  }
0x102: {  	p3 =	por @!p1 p4, p4;
	[sflag:s11] =	ssyncadd.s32 $0xFFFFFF80  }
0x103: {  	[spmem:s2] =	stream.indirect.scatter.add.f32 [tilespmem:s4], [sflag:$0x16], $0x80, s14, s5, $0xb8;
	[tilespmem:$0x19880] =	vst v63  }
.Ltmp8:
0x104: {  	s0 =	sadd.s32 s25, s8;
	(pc) =	sbr.rel @!p3 .LBB2_11-.Ltmp8, $4  }
0x105: {  	s6 =	simm.s32 $0x280;
	s12 =	sadd.s32 s25, s9;
	s0 =	sadd.s32 $0x50, s0  }
0x106: {  	[tilespmem:s6], [sflag:$0x6] =	stream.linear.gather [hbm4b:s0+s3], $0x80, $0x38;
	[tilespmem:$0x19880] =	vst v63  }
0x107: {  	s30 =	simm.s32 $0x680;
	s0 =	sadd.s32 $0x50, s12  }
0x108: {  	[tilespmem:s30], [sflag:$0xE] =	stream.linear.gather [hbm4b:s0+s3], $0x80, $0x38;
	[tilespmem:$0x19880] =	vst v63  }
0x109: {  	s0 =	simm.s32 $0x5  }
0x10a: {  	_ =	swait.ge [sflag:s0], $0x80  }
0x10b: {  	[sflag:s0] =	ssyncset.done $0x0  }
.Ltmp9:
0x10c: {  	[sflag:s0] =	ssyncadd.s32 $0xFFFFFF80;
	(pc) =	sbr.rel .LBB2_9-.Ltmp9, $4  }
0x10d: {  	_ =	swait.ge [sflag:s15], $0x1400  }
0x10e: {  	[sflag:s15] =	ssyncset.done $0x0  }
0x10f: {  	s30 =	simm.s32 $0x200;
	[sflag:s15] =	ssyncadd.s32 $0xFFFFEC00  }
0x110: {  	[tilespmem:s13], [sflag:$0x11] =	stream.indirect.gather [hbm4b:s1+s5], $0x80, s30, s5, $0xb8;
	[tilespmem:$0x19880] =	vst v63  }
.LBB2_16:
.Ltmp10:
0x111: {  	(pc) =	sbr.rel @!p3 .LBB2_13-.Ltmp10, $1  }
0x112: {  	_ =	sdelay $0x3  }
.LBB2_9:
0x113: {  	_ =	swait.ge [sflag:s24], $0x1400  }
0x114: {  	[sflag:s24] =	ssyncset.done $0x0  }
.Ltmp11:
0x115: {  	s0 =	simm.s32 $0xB;
	[sflag:s24] =	ssyncadd.s32 $0xFFFFEC00;
	(pc) =	sbr.rel @!p2 .LBB2_10-.Ltmp11, $4  }
0x116: {  	_ =	swait.ge [sflag:s0], $0x80  }
0x117: {  	[sflag:s0] =	ssyncset.done $0x0  }
0x118: {  	s30 =	simm.s32 $0x500;
	[sflag:s0] =	ssyncadd.s32 $0xFFFFFF80  }
0x119: {  	[spmem:s2] =	stream.indirect.scatter.add.f32 [tilespmem:s28], [sflag:$0x17], $0x80, s30, s5, $0xb8;
	[tilespmem:$0x19880] =	vst v63  }
0x11a: {  	_ =	swait.ge [sflag:s29], $0x1400  }
0x11b: {  	[sflag:s29] =	ssyncset.done $0x0  }
.Ltmp12:
0x11c: {  	s0 =	simm.s32 $0xC;
	[sflag:s29] =	ssyncadd.s32 $0xFFFFEC00;
	(pc) =	sbr.rel .LBB2_13-.Ltmp12, $4  }
0x11d: {  	_ =	swait.ge [sflag:s0], $0x80  }
0x11e: {  	[sflag:s0] =	ssyncset.done $0x0  }
0x11f: {  	s30 =	simm.s32 $0x580;
	[sflag:s0] =	ssyncadd.s32 $0xFFFFFF80  }
0x120: {  	[spmem:s2] =	stream.indirect.scatter.add.f32 [tilespmem:s26], [sflag:$0x18], $0x80, s30, s5, $0xb8;
	[tilespmem:$0x19880] =	vst v63  }
.LBB2_15:
0x121: {  	_ =	sfence.sel $0x180000  }
0x122: {  	[bflag:$0x0] =	sbarrier.arrive $0xFFFF  }
0x123: {  	_ =	strace $0x9000004A  }
0x124: {  	s0 =	stileid.u32;
	[bflag:$0x2] =	sbarrier.arrive $0xFFFF  }
0x125: {  	p0 =	sne.s32 s0, $0x0;
	s0 =	rddreg [dreg:$0x3]  }
0x126: {  	s0 =	sadd.s32 @!p0 $0x100000, s0  }
0x127: {  	[sflag:s0] =	ssyncadd.tile.s32 @!p0 $0x1;
	_ =	shalt  }
.Lfunc_end2:
_tile_overlayer_lowered:
.L_overlay_start_2:
0x128: {  	(tag) =	ssettag $0x2  }
0x129: {  	s0 =	rddreg [dreg:$0x0];
	s2 =	stileid.u32  }
0x12a: {  	s1 =	rddreg [dreg:$0x1];
	p0 =	sne.s32 s2, $0x0  }
0x12b: {  	s3 =	rddreg [dreg:$0x2];
	[bflag:$0x3] =	sbarrier.arrive $0xFFFF;
	s2 =	simm.s32 @!p0 $0x1C19  }
0x12c: {  	[timem:s3], [sflag:s2] =	dma.local @!p0 [hbm:s0], s1  }
0x12d: {  	s0 =	simm.s32 @!p0 $0x19  }
0x12e: {  	_ =	swait.ge @!p0 [sflag:s0], s1  }
0x12f: {  	s1 =	ssub.s32 @!p0 $0x0, s1;
	[sflag:s0] =	ssyncset.done @!p0 $0x0  }
0x130: {  	[sflag:s0] =	ssyncadd.s32 @!p0 s1  }
0x131: {  	[bflag:$0x3] =	sbarrier.arrive $0xFFFF  }
0x132: {  	_ =	shalt  }

// kernel: kernel.13.cloned.1.call-start
scs
__scs_entry_jumppad:
0x0: {  	(pc) =	sbr.rel $0x88, $3  }
0x1: {  	(tag) =	ssettag $0x0;
	lr =	simm.s32 $0x1  }
0x2: {  	[smem:$0x3F97] =	sst lr;
	_ =	strace $0xD0000000  }
0x3: {  	_ = 	snop  }
0x4: {  	_ = 	snop  }
0x5: {  	_ = 	snop  }
0x6: {  	_ = 	snop  }
0x7: {  	_ = 	snop  }
__scs_overlays_trampoline_lowered:
0x8: {  	[smem:$0x3FA6] =	sst s0  }
0x9: {  	[smem:$0x3FA7] =	sst s1  }
0xa: {  	[smem:$0x3FA8] =	sst s2  }
0xb: {  	[smem:$0x3FA9] =	sst s3  }
0xc: {  	[smem:$0x3FAA] =	sst s4  }
0xd: {  	[smem:$0x3FAB] =	sst s5  }
0xe: {  	[smem:$0x3FAC] =	sst s6  }
0xf: {  	[smem:$0x3FAD] =	sst s7  }
0x10: {  	[smem:$0x3FAE] =	sst s8  }
0x11: {  	[smem:$0x3FAF] =	sst s9;
	s0 =	simm.s32 @!p0 $0x0  }
0x12: {  	s1 =	sld [smem:$0x3F95];
	s0 =	simm.s32 @p0 $0x1  }
0x13: {  	[smem:$0x3FB0] =	sst s0;
	s0 =	simm.s32 @!p1 $0x0  }
0x14: {  	s2 =	sld [smem:$0x3F94];
	s0 =	simm.s32 @p1 $0x1  }
0x15: {  	[smem:$0x3FB1] =	sst s0;
	s0 =	simm.s32 @!p2 $0x0  }
0x16: {  	s3 =	sld [smem:$0x3FDB];
	s0 =	simm.s32 @p2 $0x1  }
0x17: {  	s4 =	simm.s32 $0x1BF5;
	[smem:$0x3FB3] =	sst s0  }
0x18: {  	s0 =	sld [smem:$0x3F96];
	_ =	swait.ge [sflag:s4], $0x0  }
0x19: {  	s7 =	sld [smem:$0x3F97]  }
0x1a: {  	s8 =	sadd.s32 $0xFFFFE003, lr  }
0x1b: {  	s9 =	sadd.s32 $0xFFFFFEF7, lr;
	s5 =	simm.s32 $0xFFFFFFFF;
	p2 =	slt.u32 s8, $0xFFFFF086  }
0x1c: {  	p1 =	slt.u32 s9, $0xF7A;
	s5 =	simm.s32 @!p2 $0x0  }
0x1d: {  	s5 =	simm.s32 @p1 $0x1;
	p0 =	seq.s32 s7, s2  }
0x1e: {  	s7 =	smul.u32 @!p0 $0xF7A, s2;
	p2 =	seq.s32 @!p0 s5, $0x0  }
0x1f: {  	s9 =	smul.u32 $0xF7A, s1;
	s8 =	simm.s32 @!p0 $0x1BF5;
	p2 =	por !p2, p0  }
0x20: {  	[sflag:s8] =	ssyncset.s32 @!p0 $0xFFFFF086;
	s6 =	sadd.s32 @!p0 s3, s7;
	s7 =	simm.s32 @!p0 $0x108  }
0x21: {  	s3 =	sadd.s32 s3, s9;
	s6 =	sadd.s32 @!p0 $0x88, s6;
	s7 =	simm.s32 @p2 $0x1082  }
0x22: {  	[simem:s7], [sflag:s8] =	dma.local @!p0 [hbm:s6], $0xF7A  }
0x23: {  	s9 =	sor.u32 $0xD0000000, s2;
	s6 =	simm.s32 $0x108;
	_ =	swait.ge @!p0 [sflag:s8], $0x0  }
0x24: {  	s3 =	sadd.s32 $0x88, s3;
	s6 =	simm.s32 @!p1 $0x1082;
	[sflag:s4] =	ssyncset.s32 $0xFFFFF086  }
0x25: {  	[simem:s6], [sflag:s4] =	dma.local [hbm:s3], $0xF7A  }
0x26: {  	[smem:$0x3F97] =	sst s1;
	(tag) =	ssettag s2;
	_ =	strace s9  }
0x27: {  	s1 =	sld [smem:$0x3FA7]  }
0x28: {  	s2 =	sld [smem:$0x3FA8]  }
0x29: {  	s4 =	sld [smem:$0x3FAA]  }
0x2a: {  	p0 =	seq.s32 s5, $0x0;
	s5 =	sld [smem:$0x3FAB]  }
0x2b: {  	s6 =	sld [smem:$0x3FAC]  }
0x2c: {  	s7 =	sld [smem:$0x3FAD]  }
0x2d: {  	s3 =	simm.s32 $0x108;
	s8 =	sld [smem:$0x3FAE]  }
0x2e: {  	s3 =	simm.s32 @!p0 $0x1082;
	s9 =	sld [smem:$0x3FAF]  }
0x2f: {  	lr =	sadd.s32 s0, s3;
	s0 =	sld [smem:$0x3FA6]  }
0x30: {  	s3 =	sld [smem:$0x3FA9]  }
0x31: {  	[smem:$0x3FB2] =	sst s10  }
0x32: {  	s10 =	sld [smem:$0x3FB0];
	_ =	sdelay $0x3  }
0x33: {  	p0 =	seq.s32 s10, $0x1;
	s10 =	sld [smem:$0x3FB2];
	_ =	sdelay $0x3  }
0x34: {  	[smem:$0x3FB2] =	sst s10  }
0x35: {  	s10 =	sld [smem:$0x3FB1];
	_ =	sdelay $0x3  }
0x36: {  	p1 =	seq.s32 s10, $0x1;
	s10 =	sld [smem:$0x3FB2];
	_ =	sdelay $0x3  }
0x37: {  	[smem:$0x3FB2] =	sst s10  }
0x38: {  	s10 =	sld [smem:$0x3FB3]  }
0x39: {  	_ = 	snop;
	(pc) =	sbr.ind lr, $3  }
0x3a: {  	_ = 	snop  }
0x3b: {  	_ = 	snop  }
0x3c: {  	p2 =	seq.s32 s10, $0x1;
	s10 =	sld [smem:$0x3FB2]  }
0x3d: {  	_ =	shalt  }
0x3e: {  	_ =	shalt  }
0x3f: {  	_ =	shalt  }
0x40: {  	_ =	shalt  }
0x41: {  	_ =	shalt  }
0x42: {  	_ =	shalt  }
0x43: {  	_ =	shalt  }
0x44: {  	_ =	shalt  }
0x45: {  	_ =	shalt  }
0x46: {  	_ =	shalt  }
0x47: {  	_ =	shalt  }
0x48: {  	_ =	shalt  }
0x49: {  	_ =	shalt  }
0x4a: {  	_ =	shalt  }
0x4b: {  	_ =	shalt  }
0x4c: {  	_ =	shalt  }
0x4d: {  	_ =	shalt  }
0x4e: {  	_ =	shalt  }
0x4f: {  	_ =	shalt  }
0x50: {  	_ =	shalt  }
0x51: {  	_ =	shalt  }
0x52: {  	_ =	shalt  }
0x53: {  	_ =	shalt  }
0x54: {  	_ =	shalt  }
0x55: {  	_ =	shalt  }
0x56: {  	_ =	shalt  }
0x57: {  	_ =	shalt  }
0x58: {  	_ =	shalt  }
0x59: {  	_ =	shalt  }
0x5a: {  	_ =	shalt  }
0x5b: {  	_ =	shalt  }
0x5c: {  	_ =	shalt  }
0x5d: {  	_ =	shalt  }
0x5e: {  	_ =	shalt  }
0x5f: {  	_ =	shalt  }
0x60: {  	_ =	shalt  }
0x61: {  	_ =	shalt  }
0x62: {  	_ =	shalt  }
0x63: {  	_ =	shalt  }
0x64: {  	_ =	shalt  }
0x65: {  	_ =	shalt  }
0x66: {  	_ =	shalt  }
0x67: {  	_ =	shalt  }
0x68: {  	_ =	shalt  }
0x69: {  	_ =	shalt  }
0x6a: {  	_ =	shalt  }
0x6b: {  	_ =	shalt  }
0x6c: {  	_ =	shalt  }
0x6d: {  	_ =	shalt  }
0x6e: {  	_ =	shalt  }
0x6f: {  	_ =	shalt  }
0x70: {  	_ =	shalt  }
0x71: {  	_ =	shalt  }
0x72: {  	_ =	shalt  }
0x73: {  	_ =	shalt  }
0x74: {  	_ =	shalt  }
0x75: {  	_ =	shalt  }
0x76: {  	_ =	shalt  }
0x77: {  	_ =	shalt  }
0x78: {  	_ =	shalt  }
0x79: {  	_ =	shalt  }
0x7a: {  	_ =	shalt  }
0x7b: {  	_ =	shalt  }
0x7c: {  	_ =	shalt  }
0x7d: {  	_ =	shalt  }
0x7e: {  	_ =	shalt  }
0x7f: {  	_ =	shalt  }
0x80: {  	_ =	shalt  }
0x81: {  	_ =	shalt  }
0x82: {  	_ =	shalt  }
0x83: {  	_ =	shalt  }
0x84: {  	_ =	shalt  }
0x85: {  	_ =	shalt  }
0x86: {  	_ =	shalt  }
0x87: {  	_ =	shalt  }
.Lfunc_end0:
.L_simem_size_0:
called_computation.2_lowered:
.L_overlay_start_0:
0x88: {  	s2 =	sld [smem:$0x3FD9]  }
0x89: {  	s3 =	sld [smem:$0x3FFE];
	_ =	sdelay $0x1  }
0x8a: {  	s1 =	srdreg.scid  }
0x8b: {  	s0 =	sand.u32 $0x1, s1  }
0x8c: {  	s17 =	sshll.u32 s0, $0xA;
	s2 =	sadd.s32 s3, s2  }
0x8d: {  	s2 =	sadd.s32 s2, s17  }
0x8e: {  	[smem:$0x3FBE] =	sst s2  }
0x8f: {  	_ = 	snop  }
0x90: {  	s2 =	sld [smem:$0x3FD0];
	(tm) =	ssettm $0x1  }
0x91: {  	s18 =	sld [smem:$0x3FFB];
	_ =	sdelay $0x3  }
0x92: {  	_ =	strace s18  }
0x93: {  	s3 =	sld [smem:$0x3FFC];
	_ =	sdelay $0x3  }
0x94: {  	_ =	strace s3  }
0x95: {  	s3 =	sld [smem:$0x3FFD];
	_ =	sdelay $0x3  }
0x96: {  	_ =	strace s3  }
0x97: {  	_ =	strace $0x8FFFFFFF  }
0x98: {  	s19 =	sld [smem:$0x3FDB];
	_ =	sdelay $0x1  }
0x99: {  	s4 =	simm.s32 $_scs_section_size  }
0x9a: {  	s5 =	simm.s32 $_size__tile_overlayer_lowered;
	s6 =	simm.s32 $_tile_overlayer_lowered  }
0x9b: {  	s22 =	simm.s32 $0x1BFF;
	s21 =	sshll.u32 s6, $0x1;
	s3 =	sadd.s32 s4, s19  }
0x9c: {  	s7 =	simm.s32 $0x0;
	s20 =	sshll.u32 s5, $0x1;
	s5 =	sadd.s32 s21, s3  }
0x9d: {  	[timem:s7], [sflag:s22] =	dma.local [hbm:s5], s20  }
0x9e: {  	_ =	swait.ge [sflag:s22], s20  }
0x9f: {  	s4 =	ssub.s32 $0x0, s20;
	[sflag:s22] =	ssyncset.done $0x0  }
0xa0: {  	[sflag:s22] =	ssyncadd.s32 s4;
	_ =	sdelay $0x1  }
0xa1: {  	s23 =	simm.s32 $0x1B8B  }
0xa2: {  	_ =	swait.ge [sflag:s23], $0x1  }
0xa3: {  	[sflag:s23] =	ssyncset.done $0x0  }
0xa4: {  	s25 =	simm.s32 $0x1B8E;
	s24 =	sld [smem:$0x3FFE];
	[sflag:s23] =	ssyncadd.s32 $0xFFFFFFFF  }
0xa5: {  	s26 =	simm.s32 $execute0_lowered;
	[smem:$0x3FD2] =	sst s25  }
0xa6: {  	s5 =	sshll.u32 s26, $0x1;
	_ =	strace $0x8000004C;
	[dreg:$0x1] =	wrdreg $0xFFFFFFFF  }
0xa7: {  	s28 =	simm.s32 $_size_execute0_lowered;
	s3 =	sadd.s32 s3, s5;
	[dreg:$0x0] =	wrdreg $0x0  }
0xa8: {  	s5 =	sshll.u32 s28, $0x1;
	[dreg:$0x2] =	wrdreg s3  }
0xa9: {  	[dreg:$0x3] =	wrdreg s5  }
0xaa: {  	[dreg:$0x4] =	wrdreg $0xC0  }
0xab: {  	_ =	task [dreg:s7], $0x5FFFF  }
0xac: {  	[dreg:$0x1] =	wrdreg $0xFFFFFFFF  }
0xad: {  	[dreg:$0x0] =	wrdreg $0x60  }
0xae: {  	[dreg:$0x2] =	wrdreg s2  }
0xaf: {  	[dreg:$0x3] =	wrdreg s24  }
0xb0: {  	[dreg:$0x4] =	wrdreg $0x60000  }
0xb1: {  	[dreg:$0x5] =	wrdreg $0x9  }
0xb2: {  	_ =	task.clear_ibuf [dreg:s7], $0x6FFFF;
	_ =	strace $0x9000004C  }
0xb3: {  	s29 =	simm.s32 $0x9;
	_ =	strace $0x8000004E  }
0xb4: {  	_ =	swait.ge [sflag:s29], $0x1  }
0xb5: {  	[sflag:s29] =	ssyncadd.s32 $0xFFFFFFFF  }
0xb6: {  	_ =	strace $0x9000004E  }
0xb7: {  	_ =	sfence  }
0xb8: {  	s30 =	sld [smem:$0x0];
	_ =	sdelay $0x2  }
0xb9: {  	s31 =	sshll.u32 s1, $0xD;
	s1 =	sshrl.u32 s1, $0x2  }
0xba: {  	s3 =	sand.u32 $0x4000, s31;
	s1 =	sadd.s32 s1, s30  }
0xbb: {  	s0 =	sor.u32 s3, s0;
	s1 =	sshll.u32 s1, $0x11  }
0xbc: {  	s0 =	sor.u32 s1, s0  }
0xbd: {  	s0 =	sadd.s32 $0x8F2B, s0  }
0xbe: {  	[sflag:s0] =	ssyncadd.remote.s32 $0x1  }
0xbf: {  	_ =	sfence.sel $0xFFFF  }
0xc0: {  	[dreg:$0x0] =	wrdreg $0xFFFFFFFF;
	(pc) =	sbr.abs _section_cstart, $3  }
0xc1: {  	[dreg:$0x1] =	wrdreg $0xFFFFFFFF  }
0xc2: {  	_ =	task.clear_ibuf [dreg:s7], $0x2FFFF;
	_ =	strace $0x9FFFFFFF  }
0xc3: {  	(tm) =	ssettm $0x7FFFFFFF  }
tec
execute0_lowered:
.L_overlay_start_1:
0x0: {  	(tag) =	ssettag $0x1  }
0x1: {  	s1 =	rddreg [dreg:$0x0]  }
0x2: {  	s0 =	rddreg [dreg:$0x1]  }
0x3: {  	s2 =	rddreg [dreg:$0x2]  }
0x4: {  	s3 =	simm.s32 $0x0;
	s4 =	srdreg.scid;
	s13 =	stileid.u32  }
0x5: {  	s20 =	simm.s32 $0x5800;
	s21 =	simm.s32 $0x19;
	s15 =	simm.s32 $0x15  }
0x6: {  	s28 =	simm.s32 $0x3000;
	s22 =	simm.s32 $0x16;
	s29 =	simm.s32 $0x14  }
0x7: {  	s17 =	simm.s32 $0x17;
	s23 =	simm.s32 $0x18;
	s16 =	simm.s32 $0x4400  }
0x8: {  	[smem:$0x7FF] =	sst s3;
	s4 =	sand.u32 $0x1, s4;
	s7 =	sadd.s32 $0x2C000, s0  }
0x9: {  	s10 =	sadd.s32 $0xC000, s0;
	s24 =	smul.u32 $0x4E000, s13;
	s9 =	sshll.u32 s13, $0x10  }
0xa: {  	p0 =	seq.s32 s13, $0xF;
	s5 =	smul.u32 $0x27100, s4;
	s6 =	ssub.s32 $0x2, s4  }
0xb: {  	_ =	strace $0x8000004D;
	s4 =	sshll.u32 s4, $0xF;
	s8 =	sshrl.u32 s6, $0x1  }
0xc: {  	s4 =	sor.u32 s4, s9;
	s9 =	simm.s32 $0x28;
	s0 =	sadd.s32 s5, s0  }
0xd: {  	s6 =	ssub.s32 s6, s8;
	s5 =	simm.s32 $0x28;
	s8 =	sshrl.u32 s24, $0x2  }
0xe: {  	s11 =	sshrl.u32 s4, $0x3;
	s9 =	simm.s32 @!p0 $0x27;
	s31 =	sor.u32 $0x400, s4  }
0xf: {  	s4 =	smul.u32 $0x2700, s13;
	s13 =	simm.s32 $0x800;
	s24 =	simm.s32 $0x13  }
0x10: {  	[dreg:$0x4] =	wrdreg s9;
	s8 =	sadd.s32 s8, s2;
	s12 =	sor.u32 $0x10, s11  }
0x11: {  	s9 =	sadd.s32 s11, s10;
	s6 =	smax.u32 s6, $0x1;
	[dreg:$0x5] =	wrdreg s8  }
0x12: {  	s25 =	sor.u32 $0x20, s11;
	s14 =	sadd.s32 s7, s12;
	[dreg:$0xd] =	wrdreg s6  }
0x13: {  	s8 =	sadd.s32 s11, s7;
	s12 =	sadd.s32 s10, s12;
	[dreg:$0x6] =	wrdreg s14  }
0x14: {  	s11 =	sor.u32 $0x30, s11;
	s26 =	sadd.s32 s7, s25;
	[dreg:$0x7] =	wrdreg s12  }
0x15: {  	s6 =	simm.s32 $0x0;
	[dreg:$0x8] =	wrdreg s26;
	s12 =	sadd.s32 s10, s25  }
0x16: {  	s30 =	sadd.s32 s7, s11;
	s11 =	sadd.s32 s10, s11;
	[dreg:$0x9] =	wrdreg s12  }
0x17: {  	s14 =	simm.s32 $0x480;
	s26 =	simm.s32 $0x4400;
	[dreg:$0xa] =	wrdreg s30  }
.Ltmp0:
0x18: {  	s12 =	sadd.s32 $0x4C000, s0;
	s0 =	sshrl.u32 s31, $0x3;
	(pc) =	sbr.rel .LBB2_1-.Ltmp0, $4  }
0x19: {  	[dreg:$0xb] =	wrdreg s11;
	s11 =	sadd.s32 $0x124800, s2;
	s18 =	sadd.s32 s0, s7  }
0x1a: {  	s19 =	sadd.s32 s0, s10;
	s0 =	sshrl.u32 @p0 s11, $0x3;
	[dreg:$0xc] =	wrdreg s12  }
0x1b: {  	s10 =	simm.s32 $0x12;
	[dreg:$0xe] =	wrdreg s0;
	s0 =	sadd.s32 @!p0 s4, s12  }
0x1c: {  	v0 =	vimm.f32 $0.0e+00;
	s11 =	simm.s32 $0xA;
	s4 =	simm.s32 $0x1C00;
	[dreg:$0xf] =	wrdreg s0  }
.LBB2_14:
0x1d: {  	_ =	swait.ge [sflag:s17], $0x1400  }
0x1e: {  	[sflag:s17] =	ssyncset.done $0x0  }
0x1f: {  	[sflag:s17] =	ssyncadd.s32 $0xFFFFEC00  }
0x20: {  	_ =	swait.ge [sflag:s23], $0x1400  }
0x21: {  	[sflag:s23] =	ssyncset.done $0x0  }
0x22: {  	[sflag:s23] =	ssyncadd.s32 $0xFFFFEC00  }
0x23: {  	_ =	swait.ge [sflag:s15], $0x1400  }
0x24: {  	[sflag:s15] =	ssyncset.done $0x0  }
0x25: {  	[sflag:s15] =	ssyncadd.s32 $0xFFFFEC00  }
0x26: {  	_ =	swait.ge [sflag:s22], $0x1400  }
0x27: {  	[sflag:s22] =	ssyncset.done $0x0  }
0x28: {  	[sflag:s22] =	ssyncadd.s32 $0xFFFFEC00  }
0x29: {  	[bflag:$0x0] =	sbarrier.arrive $0xFFFF  }
0x2a: {  	s0 =	rddreg [dreg:$0xc]  }
0x2b: {  	s7 =	simm.s32 @p0 $0x1FD9;
	s6 =	rddreg [dreg:$0xe];
	s0 =	sadd.s32 @p0 $0x24900, s0  }
0x2c: {  	[hbm:s0], [sflag:s7] =	dma.local @p0 [spmem:s6], $0x2800  }
0x2d: {  	s0 =	simm.s32 @p0 $0x19  }
0x2e: {  	s7 =	stileid.u32;
	_ =	swait.ge @p0 [sflag:s0], $0x2800  }
0x2f: {  	s7 =	sshll.u32 @!p0 s7, $0x6;
	[sflag:s0] =	ssyncset.done @p0 $0x0  }
0x30: {  	[sflag:s0] =	ssyncadd.s32 @p0 $0xFFFFD800;
	s0 =	sor.u32 @!p0 $0x1C19, s7;
	s7 =	rddreg [dreg:$0x5]  }
0x31: {  	s6 =	rddreg [dreg:$0xf];
	s7 =	sshrl.u32 @!p0 s7, $0x3  }
0x32: {  	[hbm:s6], [sflag:s0] =	dma.local @!p0 [spmem:s7], $0x2700  }
0x33: {  	s0 =	simm.s32 @!p0 $0x19  }
0x34: {  	_ =	swait.ge @!p0 [sflag:s0], $0x2700  }
0x35: {  	s30 =	rddreg [dreg:$0x10]  }
0x36: {  	s31 =	rddreg [dreg:$0xd];
	s6 =	sadd.s32 $0x1, s30  }
0x37: {  	p1 =	sne.s32 s6, s31  }
.Ltmp1:
0x38: {  	_ = 	snop;
	(pc) =	sbr.rel @!p1 .LBB2_15-.Ltmp1, $3  }
0x39: {  	_ =	sdelay $0x1  }
0x3a: {  	[sflag:s0] =	ssyncset.done @!p0 $0x0  }
0x3b: {  	[sflag:s0] =	ssyncadd.s32 @!p0 $0xFFFFD900  }
.LBB2_1:
0x3c: {  	s12 =	sand.u32 $0x1E00, s3  }
0x3d: {  	s31 =	sand.u32 $0x70, s3;
	s12 =	sshrl.u32 s12, $0x2  }
0x3e: {  	s25 =	simm.s32 $0x40;
	s12 =	sor.u32 s31, s12;
	s31 =	simm.s32 $0x0  }
.LBB2_2:
0x3f: {  	p1 =	sne.s32 s25, $0x1FC0  }
0x40: {  	[tilespmem:s12+$0x5800] =	vst v0;
	s31 =	sadd.s32 $0x10, s31;
	s12 =	smov.u32 s25;
	s25 =	sadd.s32 $0x40, s25  }
.Ltmp2:
0x41: {  	(pc) =	sbr.rel @p1 .LBB2_2-.Ltmp2, $4  }
0x42: {  	_ = 	snop  }
0x43: {  	s12 =	sand.u32 $0x1E00, s12  }
0x44: {  	s7 =	sand.u32 $0x70, s31;
	s12 =	sshrl.u32 s12, $0x2  }
0x45: {  	s12 =	sor.u32 s7, s12  }
0x46: {  	s0 =	rddreg [dreg:$0x4]  }
0x47: {  	p1 =	sne.s32 s0, $0x1  }
.Ltmp3:
0x48: {  	[dreg:$0x10] =	wrdreg s6;
	(pc) =	sbr.rel @!p1 .LBB2_5-.Ltmp3, $4  }
0x49: {  	[tilespmem:s12+$0x5800] =	vst v0;
	s31 =	rddreg [dreg:$0x5]  }
0x4a: {  	[spmem:s31] =	stream.linear.scatter [tilespmem:s20], [sflag:$0x19], $0x800, $0x38;
	[tilespmem:$0x19880] =	vst v63  }
0x4b: {  	_ =	swait.ge [sflag:s21], $0x800  }
0x4c: {  	s25 =	sadd.s32 $0xFFFFFFFF, s0;
	[sflag:s21] =	ssyncset.done $0x0  }
.LBB2_4:
0x4d: {  	p1 =	sne.s32 s25, $0x1;
	[sflag:s21] =	ssyncadd.s32 $0xFFFFF800;
	s31 =	sadd.s32 $0x800, s31  }
.Ltmp4:
0x4e: {  	s25 =	sadd.s32 $0xFFFFFFFF, s25;
	(pc) =	sbr.rel @p1 .LBB2_4-.Ltmp4, $4  }
0x4f: {  	_ = 	snop  }
0x50: {  	[spmem:s31] =	stream.linear.scatter [tilespmem:s20], [sflag:$0x19], $0x800, $0x38;
	[tilespmem:$0x19880] =	vst v63  }
0x51: {  	_ =	swait.ge [sflag:s21], $0x800  }
0x52: {  	[sflag:s21] =	ssyncset.done $0x0  }
.LBB2_5:
0x53: {  	[sflag:s21] =	ssyncadd.s32 $0xFFFFF800  }
0x54: {  	s25 =	simm.s32 $0x0;
	[bflag:$0x0] =	sbarrier.arrive $0xFFFF  }
0x55: {  	[tilespmem:s25], [sflag:$0x1] =	stream.linear.gather [hbm4b:s8+s25], $0x80, $0x38;
	[tilespmem:$0x19880] =	vst v63  }
0x56: {  	s0 =	simm.s32 $0x400  }
0x57: {  	[tilespmem:s0], [sflag:$0x9] =	stream.linear.gather [hbm4b:s9+s25], $0x80, $0x38;
	[tilespmem:$0x19880] =	vst v63  }
0x58: {  	s7 =	simm.s32 $0x80;
	s6 =	rddreg [dreg:$0x6]  }
0x59: {  	[tilespmem:s7], [sflag:$0x2] =	stream.linear.gather [hbm4b:s6+s25], $0x80, $0x38;
	[tilespmem:$0x19880] =	vst v63  }
0x5a: {  	s12 =	rddreg [dreg:$0x7]  }
0x5b: {  	[tilespmem:s14], [sflag:$0xA] =	stream.linear.gather [hbm4b:s12+s25], $0x80, $0x38;
	[tilespmem:$0x19880] =	vst v63  }
0x5c: {  	s30 =	rddreg [dreg:$0x8];
	s6 =	simm.s32 $0x100  }
0x5d: {  	[tilespmem:s6], [sflag:$0x3] =	stream.linear.gather [hbm4b:s30+s25], $0x80, $0x38;
	[tilespmem:$0x19880] =	vst v63  }
0x5e: {  	s12 =	rddreg [dreg:$0x9];
	s30 =	simm.s32 $0x500  }
0x5f: {  	[tilespmem:s30], [sflag:$0xB] =	stream.linear.gather [hbm4b:s12+s25], $0x80, $0x38;
	[tilespmem:$0x19880] =	vst v63  }
0x60: {  	s12 =	rddreg [dreg:$0xa];
	s30 =	simm.s32 $0x180  }
0x61: {  	[tilespmem:s30], [sflag:$0x4] =	stream.linear.gather [hbm4b:s12+s25], $0x80, $0x38;
	[tilespmem:$0x19880] =	vst v63  }
0x62: {  	s12 =	rddreg [dreg:$0xb];
	s30 =	simm.s32 $0x580  }
0x63: {  	[tilespmem:s30], [sflag:$0xC] =	stream.linear.gather [hbm4b:s12+s25], $0x80, $0x38;
	[tilespmem:$0x19880] =	vst v63  }
0x64: {  	s12 =	simm.s32 $0x1  }
0x65: {  	_ =	swait.ge [sflag:s12], $0x80  }
0x66: {  	[sflag:s12] =	ssyncset.done $0x0  }
0x67: {  	[sflag:s12] =	ssyncadd.s32 $0xFFFFFF80  }
0x68: {  	[tilespmem:s13], [sflag:$0x11] =	stream.indirect.gather [hbm4b:s1+s5], $0x80, s25, s5, $0xb8;
	[tilespmem:$0x19880] =	vst v63  }
.Ltmp5:
0x69: {  	s30 =	simm.s32 $0x2;
	(pc) =	sbr.rel .LBB2_6-.Ltmp5, $4  }
0x6a: {  	_ =	swait.ge [sflag:s30], $0x80  }
0x6b: {  	[sflag:s30] =	ssyncset.done $0x0  }
0x6c: {  	s31 =	simm.s32 $0x0;
	[sflag:s30] =	ssyncadd.s32 $0xFFFFFF80  }
0x6d: {  	[tilespmem:s4], [sflag:$0x12] =	stream.indirect.gather [hbm4b:s1+s5], $0x80, s7, s5, $0xb8;
	[tilespmem:$0x19880] =	vst v63  }
.LBB2_10:
0x6e: {  	s0 =	sadd.s32 s25, s8  }
0x6f: {  	s6 =	simm.s32 $0x300;
	s7 =	sadd.s32 $0x60, s0  }
0x70: {  	[tilespmem:s6], [sflag:$0x7] =	stream.linear.gather [hbm4b:s7+s3], $0x80, $0x38;
	[tilespmem:$0x19880] =	vst v63  }
0x71: {  	s7 =	sadd.s32 s25, s9  }
0x72: {  	s13 =	simm.s32 $0x700;
	s28 =	simm.s32 $0x6;
	s12 =	sadd.s32 $0x60, s7  }
0x73: {  	[tilespmem:s13], [sflag:$0xF] =	stream.linear.gather [hbm4b:s12+s3], $0x80, $0x38;
	[tilespmem:$0x19880] =	vst v63  }
0x74: {  	_ =	swait.ge [sflag:s28], $0x80  }
0x75: {  	[sflag:s28] =	ssyncset.done $0x0  }
0x76: {  	[sflag:s28] =	ssyncadd.s32 $0xFFFFFF80  }
0x77: {  	_ =	swait.ge [sflag:s22], $0x1400  }
0x78: {  	[sflag:s22] =	ssyncset.done $0x0  }
0x79: {  	s30 =	simm.s32 $0x280;
	[sflag:s22] =	ssyncadd.s32 $0xFFFFEC00  }
0x7a: {  	[tilespmem:s4], [sflag:$0x12] =	stream.indirect.gather [hbm4b:s1+s5], $0x80, s30, s5, $0xb8;
	[tilespmem:$0x19880] =	vst v63  }
0x7b: {  	_ =	swait.ge [sflag:s29], $0x1400  }
0x7c: {  	[sflag:s29] =	ssyncset.done $0x0  }
0x7d: {  	s12 =	simm.s32 $0xC;
	[sflag:s29] =	ssyncadd.s32 $0xFFFFEC00  }
0x7e: {  	_ =	swait.ge [sflag:s12], $0x80  }
0x7f: {  	[sflag:s12] =	ssyncset.done $0x0  }
0x80: {  	s13 =	simm.s32 $0x580;
	[sflag:s12] =	ssyncadd.s32 $0xFFFFFF80  }
0x81: {  	[spmem:s2] =	stream.indirect.scatter.add.f32 [tilespmem:s26], [sflag:$0x18], $0x80, s13, s5, $0xb8;
	[tilespmem:$0x19880] =	vst v63  }
0x82: {  	s0 =	sadd.s32 $0x70, s0;
	s26 =	simm.s32 $0x380  }
0x83: {  	[tilespmem:s26], [sflag:$0x8] =	stream.linear.gather [hbm4b:s0+s3], $0x80, $0x38;
	[tilespmem:$0x19880] =	vst v63  }
0x84: {  	s28 =	sadd.s32 $0x70, s7;
	s30 =	simm.s32 $0x780  }
0x85: {  	[tilespmem:s30], [sflag:$0x10] =	stream.linear.gather [hbm4b:s28+s3], $0x80, $0x38;
	[tilespmem:$0x19880] =	vst v63  }
.LBB2_11:
0x86: {  	s0 =	simm.s32 $0x7  }
0x87: {  	_ =	swait.ge [sflag:s0], $0x80  }
0x88: {  	[sflag:s0] =	ssyncset.done $0x0  }
0x89: {  	[sflag:s0] =	ssyncadd.s32 $0xFFFFFF80  }
0x8a: {  	_ =	swait.ge [sflag:s17], $0x1400  }
0x8b: {  	s26 =	simm.s32 $0x3000;
	[sflag:s17] =	ssyncset.done $0x0  }
0x8c: {  	s13 =	simm.s32 $0x300;
	s30 =	simm.s32 $0x11;
	[sflag:s17] =	ssyncadd.s32 $0xFFFFEC00  }
0x8d: {  	[tilespmem:s26], [sflag:$0x13] =	stream.indirect.gather [hbm4b:s1+s5], $0x80, s13, s5, $0xb8;
	[tilespmem:$0x19880] =	vst v63  }
0x8e: {  	_ =	swait.ge [sflag:s30], $0x1400  }
0x8f: {  	[sflag:s30] =	ssyncset.done $0x0  }
0x90: {  	s6 =	simm.s32 $0xD;
	[sflag:s30] =	ssyncadd.s32 $0xFFFFEC00  }
0x91: {  	_ =	swait.ge [sflag:s6], $0x80  }
0x92: {  	[sflag:s6] =	ssyncset.done $0x0  }
0x93: {  	s7 =	simm.s32 $0x600;
	s30 =	simm.s32 $0x800;
	[sflag:s6] =	ssyncadd.s32 $0xFFFFFF80  }
0x94: {  	[spmem:s2] =	stream.indirect.scatter.add.f32 [tilespmem:s30], [sflag:$0x15], $0x80, s7, s5, $0xb8;
	[tilespmem:$0x19880] =	vst v63  }
0x95: {  	s0 =	sadd.s32 s25, s18  }
0x96: {  	[tilespmem:s3], [sflag:$0x1] =	stream.linear.gather [hbm4b:s0+s3], $0x80, $0x38;
	[tilespmem:$0x19880] =	vst v63  }
0x97: {  	s12 =	simm.s32 $0x400;
	s6 =	simm.s32 $0x8;
	s7 =	sadd.s32 s25, s19  }
0x98: {  	[tilespmem:s12], [sflag:$0x9] =	stream.linear.gather [hbm4b:s7+s3], $0x80, $0x38;
	[tilespmem:$0x19880] =	vst v63  }
0x99: {  	_ =	swait.ge [sflag:s6], $0x80  }
0x9a: {  	[sflag:s6] =	ssyncset.done $0x0  }
0x9b: {  	[sflag:s6] =	ssyncadd.s32 $0xFFFFFF80  }
0x9c: {  	_ =	swait.ge [sflag:s23], $0x1400  }
0x9d: {  	[sflag:s23] =	ssyncset.done $0x0  }
0x9e: {  	s12 =	simm.s32 $0x380;
	[sflag:s23] =	ssyncadd.s32 $0xFFFFEC00  }
0x9f: {  	[tilespmem:s16], [sflag:$0x14] =	stream.indirect.gather [hbm4b:s1+s5], $0x80, s12, s5, $0xb8;
	[tilespmem:$0x19880] =	vst v63  }
0xa0: {  	_ =	swait.ge [sflag:s10], $0x1400  }
0xa1: {  	[sflag:s10] =	ssyncset.done $0x0  }
0xa2: {  	s13 =	simm.s32 $0xE;
	[sflag:s10] =	ssyncadd.s32 $0xFFFFEC00  }
0xa3: {  	_ =	swait.ge [sflag:s13], $0x80  }
0xa4: {  	[sflag:s13] =	ssyncset.done $0x0  }
0xa5: {  	s12 =	simm.s32 $0x680;
	[sflag:s13] =	ssyncadd.s32 $0xFFFFFF80  }
0xa6: {  	[spmem:s2] =	stream.indirect.scatter.add.f32 [tilespmem:s4], [sflag:$0x16], $0x80, s12, s5, $0xb8;
	[tilespmem:$0x19880] =	vst v63  }
0xa7: {  	s0 =	sadd.s32 $0x10, s0;
	s6 =	simm.s32 $0x80  }
0xa8: {  	[tilespmem:s6], [sflag:$0x2] =	stream.linear.gather [hbm4b:s0+s3], $0x80, $0x38;
	[tilespmem:$0x19880] =	vst v63  }
0xa9: {  	s13 =	sadd.s32 $0x10, s7;
	s7 =	simm.s32 $0x1  }
0xaa: {  	[tilespmem:s14], [sflag:$0xA] =	stream.linear.gather [hbm4b:s13+s3], $0x80, $0x38;
	[tilespmem:$0x19880] =	vst v63  }
0xab: {  	_ =	swait.ge [sflag:s7], $0x80  }
0xac: {  	[sflag:s7] =	ssyncset.done $0x0  }
0xad: {  	[sflag:s7] =	ssyncadd.s32 $0xFFFFFF80  }
0xae: {  	_ =	swait.ge [sflag:s15], $0x1400  }
0xaf: {  	[sflag:s15] =	ssyncset.done $0x0  }
0xb0: {  	[sflag:s15] =	ssyncadd.s32 $0xFFFFEC00  }
0xb1: {  	[tilespmem:s30], [sflag:$0x11] =	stream.indirect.gather [hbm4b:s1+s5], $0x80, s3, s5, $0xb8;
	[tilespmem:$0x19880] =	vst v63  }
0xb2: {  	_ =	swait.ge [sflag:s24], $0x1400  }
0xb3: {  	[sflag:s24] =	ssyncset.done $0x0  }
0xb4: {  	s12 =	simm.s32 $0xF;
	[sflag:s24] =	ssyncadd.s32 $0xFFFFEC00  }
0xb5: {  	_ =	swait.ge [sflag:s12], $0x80  }
0xb6: {  	p1 =	sgt.u32 s31, $0x1D;
	[sflag:s12] =	ssyncset.done $0x0  }
0xb7: {  	s0 =	sadd.s32 @!p1 s25, s18;
	s14 =	simm.s32 $0x700;
	[sflag:s12] =	ssyncadd.s32 $0xFFFFFF80  }
0xb8: {  	[spmem:s2] =	stream.indirect.scatter.add.f32 [tilespmem:s26], [sflag:$0x17], $0x80, s14, s5, $0xb8;
	[tilespmem:$0x19880] =	vst v63  }
0xb9: {  	s7 =	sadd.s32 @!p1 $0x20, s0;
	s12 =	simm.s32 @!p1 $0x0;
	s14 =	simm.s32 @!p1 $0x100  }
0xba: {  	[tilespmem:s14], [sflag:$0x3] =	stream.linear.gather @!p1 [hbm4b:s7+s12], $0x80, $0x38;
	[tilespmem:$0x19880] =	vst v63  }
0xbb: {  	s7 =	sadd.s32 @!p1 s25, s19  }
0xbc: {  	s30 =	simm.s32 @!p1 $0x500;
	s14 =	sadd.s32 @!p1 $0x20, s7  }
0xbd: {  	[tilespmem:s30], [sflag:$0xB] =	stream.linear.gather @!p1 [hbm4b:s14+s12], $0x80, $0x38;
	[tilespmem:$0x19880] =	vst v63  }
0xbe: {  	s30 =	simm.s32 $0x2  }
0xbf: {  	_ =	swait.ge [sflag:s30], $0x80  }
0xc0: {  	[sflag:s30] =	ssyncset.done $0x0  }
0xc1: {  	[sflag:s30] =	ssyncadd.s32 $0xFFFFFF80  }
0xc2: {  	_ =	swait.ge [sflag:s22], $0x1400  }
0xc3: {  	[sflag:s22] =	ssyncset.done $0x0  }
0xc4: {  	[sflag:s22] =	ssyncadd.s32 $0xFFFFEC00  }
0xc5: {  	[tilespmem:s4], [sflag:$0x12] =	stream.indirect.gather [hbm4b:s1+s5], $0x80, s6, s5, $0xb8;
	[tilespmem:$0x19880] =	vst v63  }
0xc6: {  	_ =	swait.ge [sflag:s29], $0x1400  }
0xc7: {  	[sflag:s29] =	ssyncset.done $0x0  }
0xc8: {  	s26 =	simm.s32 $0x10;
	[sflag:s29] =	ssyncadd.s32 $0xFFFFEC00  }
0xc9: {  	_ =	swait.ge [sflag:s26], $0x80  }
0xca: {  	s28 =	simm.s32 $0x3000;
	[sflag:s26] =	ssyncset.done $0x0  }
0xcb: {  	s13 =	simm.s32 $0x800;
	s30 =	simm.s32 $0x780;
	[sflag:s26] =	ssyncadd.s32 $0xFFFFFF80  }
0xcc: {  	[spmem:s2] =	stream.indirect.scatter.add.f32 [tilespmem:s16], [sflag:$0x18], $0x80, s30, s5, $0xb8;
	[tilespmem:$0x19880] =	vst v63  }
0xcd: {  	s0 =	sadd.s32 @!p1 $0x30, s0;
	s14 =	simm.s32 @!p1 $0x180;
	s26 =	simm.s32 $0x4400  }
0xce: {  	[tilespmem:s14], [sflag:$0x4] =	stream.linear.gather @!p1 [hbm4b:s0+s12], $0x80, $0x38;
	[tilespmem:$0x19880] =	vst v63  }
0xcf: {  	s14 =	simm.s32 $0x480;
	s0 =	sadd.s32 @!p1 $0x30, s7;
	s7 =	simm.s32 @!p1 $0x580  }
0xd0: {  	[tilespmem:s7], [sflag:$0xC] =	stream.linear.gather @!p1 [hbm4b:s0+s12], $0x80, $0x38;
	[tilespmem:$0x19880] =	vst v63  }
.LBB2_13:
0xd1: {  	s25 =	sadd.s32 $0x80, s25  }
0xd2: {  	p1 =	sne.s32 s25, $0x1000  }
.Ltmp6:
0xd3: {  	_ = 	snop;
	(pc) =	sbr.rel @!p1 .LBB2_14-.Ltmp6, $2  }
0xd4: {  	_ =	sdelay $0x2  }
0xd5: {  	s31 =	sadd.s32 $0x1, s31  }
.LBB2_6:
0xd6: {  	p1 =	seq.s32 s25, $0xF80  }
0xd7: {  	s7 =	simm.s32 @p1 $0x11  }
0xd8: {  	_ =	swait.ge @p1 [sflag:s7], $0x1400  }
0xd9: {  	[sflag:s7] =	ssyncset.done @p1 $0x0  }
0xda: {  	[sflag:s7] =	ssyncadd.s32 @p1 $0xFFFFEC00;
	s7 =	simm.s32 @p1 $0x9  }
0xdb: {  	_ =	swait.ge @p1 [sflag:s7], $0x80  }
0xdc: {  	s12 =	simm.s32 @p1 $0x400;
	[sflag:s7] =	ssyncset.done @p1 $0x0  }
0xdd: {  	s0 =	simm.s32 @p1 $0x800;
	[sflag:s7] =	ssyncadd.s32 @p1 $0xFFFFFF80;
	s7 =	simm.s32 @p1 $0x28  }
0xde: {  	[spmem:s2] =	stream.indirect.scatter.add.f32 @p1 [tilespmem:s0], [sflag:$0x15], $0x80, s12, s7, $0xb8;
	[tilespmem:$0x19880] =	vst v63  }
0xdf: {  	s0 =	simm.s32 @!p1 $0x3  }
0xe0: {  	p2 =	seq.s32 @!p1 s25, $0x0;
	_ =	swait.ge @!p1 [sflag:s0], $0x80  }
0xe1: {  	p2 =	por p2, p1;
	[sflag:s0] =	ssyncset.done @!p1 $0x0  }
0xe2: {  	[sflag:s0] =	ssyncadd.s32 @!p1 $0xFFFFFF80;
	s0 =	simm.s32 @!p2 $0x17  }
0xe3: {  	_ =	swait.ge @!p2 [sflag:s0], $0x1400  }
0xe4: {  	s7 =	simm.s32 @!p1 $0x100;
	[sflag:s0] =	ssyncset.done @!p2 $0x0  }
0xe5: {  	s12 =	simm.s32 @!p1 $0x3000;
	[sflag:s0] =	ssyncadd.s32 @!p2 $0xFFFFEC00;
	s0 =	simm.s32 @!p1 $0x28  }
0xe6: {  	[tilespmem:s12], [sflag:$0x13] =	stream.indirect.gather @!p1 [hbm4b:s1+s0], $0x80, s7, s0, $0xb8;
	[tilespmem:$0x19880] =	vst v63  }
0xe7: {  	s7 =	simm.s32 @!p1 $0x11  }
0xe8: {  	_ =	swait.ge @!p1 [sflag:s7], $0x1400  }
0xe9: {  	[sflag:s7] =	ssyncset.done @!p1 $0x0  }
0xea: {  	[sflag:s7] =	ssyncadd.s32 @!p1 $0xFFFFEC00;
	s7 =	simm.s32 @!p1 $0x9  }
0xeb: {  	_ =	swait.ge @!p1 [sflag:s7], $0x80  }
0xec: {  	[sflag:s7] =	ssyncset.done @!p1 $0x0  }
0xed: {  	s12 =	simm.s32 @!p1 $0x800;
	[sflag:s7] =	ssyncadd.s32 @!p1 $0xFFFFFF80;
	s7 =	simm.s32 @!p1 $0x400  }
0xee: {  	[spmem:s2] =	stream.indirect.scatter.add.f32 @!p1 [tilespmem:s12], [sflag:$0x15], $0x80, s7, s0, $0xb8;
	[tilespmem:$0x19880] =	vst v63  }
0xef: {  	s0 =	sadd.s32 @!p1 s25, s8  }
0xf0: {  	s7 =	simm.s32 @!p1 $0x0;
	s12 =	simm.s32 @!p1 $0x200;
	s0 =	sadd.s32 @!p1 $0x40, s0  }
0xf1: {  	[tilespmem:s12], [sflag:$0x5] =	stream.linear.gather @!p1 [hbm4b:s0+s7], $0x80, $0x38;
	[tilespmem:$0x19880] =	vst v63  }
0xf2: {  	p3 =	slt.u32 @!p1 s31, $0x1F;
	s0 =	sadd.s32 @!p1 s25, s9  }
0xf3: {  	p2 =	por !p3, p1;
	s12 =	simm.s32 @!p1 $0x600;
	s0 =	sadd.s32 @!p1 $0x40, s0  }
0xf4: {  	[tilespmem:s12], [sflag:$0xD] =	stream.linear.gather @!p1 [hbm4b:s0+s7], $0x80, $0x38;
	[tilespmem:$0x19880] =	vst v63  }
0xf5: {  	p4 =	seq.s32 @!p2 s25, $0x0;
	s0 =	simm.s32 @!p2 $0x4  }
0xf6: {  	p3 =	por @!p1 p4, !p3;
	_ =	swait.ge @!p2 [sflag:s0], $0x80  }
0xf7: {  	p3 =	por p3, p1;
	[sflag:s0] =	ssyncset.done @!p2 $0x0  }
0xf8: {  	[sflag:s0] =	ssyncadd.s32 @!p2 $0xFFFFFF80;
	s0 =	simm.s32 @!p3 $0x18  }
0xf9: {  	_ =	swait.ge @!p3 [sflag:s0], $0x1400  }
0xfa: {  	s7 =	simm.s32 @!p2 $0x180;
	[sflag:s0] =	ssyncset.done @!p3 $0x0  }
0xfb: {  	s12 =	simm.s32 @!p2 $0x4400;
	[sflag:s0] =	ssyncadd.s32 @!p3 $0xFFFFEC00;
	s0 =	simm.s32 @!p2 $0x28  }
0xfc: {  	[tilespmem:s12], [sflag:$0x14] =	stream.indirect.gather @!p2 [hbm4b:s1+s0], $0x80, s7, s0, $0xb8;
	[tilespmem:$0x19880] =	vst v63  }
0xfd: {  	p5 =	por @!p2 $0x1, $0x1;
	p4 =	por @!p1 $0x0, $0x0;
	_ =	swait.ge [sflag:s10], $0x1400  }
0xfe: {  	p4 =	por @!p2 p5, p5;
	p2 =	sgt.u32 s31, $0x1E;
	[sflag:s10] =	ssyncset.done $0x0  }
.Ltmp7:
0xff: {  	[sflag:s10] =	ssyncadd.s32 $0xFFFFEC00;
	(pc) =	sbr.rel @p2 .LBB2_16-.Ltmp7, $4  }
0x100: {  	_ =	swait.ge [sflag:s11], $0x80  }
0x101: {  	p3 =	por @p1 $0x0, $0x0;
	[sflag:s11] =	ssyncset.done $0x0  }
0x102: {  	p3 =	por @!p1 p4, p4;
	[sflag:s11] =	ssyncadd.s32 $0xFFFFFF80  }
0x103: {  	[spmem:s2] =	stream.indirect.scatter.add.f32 [tilespmem:s4], [sflag:$0x16], $0x80, s14, s5, $0xb8;
	[tilespmem:$0x19880] =	vst v63  }
.Ltmp8:
0x104: {  	s0 =	sadd.s32 s25, s8;
	(pc) =	sbr.rel @!p3 .LBB2_11-.Ltmp8, $4  }
0x105: {  	s6 =	simm.s32 $0x280;
	s12 =	sadd.s32 s25, s9;
	s0 =	sadd.s32 $0x50, s0  }
0x106: {  	[tilespmem:s6], [sflag:$0x6] =	stream.linear.gather [hbm4b:s0+s3], $0x80, $0x38;
	[tilespmem:$0x19880] =	vst v63  }
0x107: {  	s30 =	simm.s32 $0x680;
	s0 =	sadd.s32 $0x50, s12  }
0x108: {  	[tilespmem:s30], [sflag:$0xE] =	stream.linear.gather [hbm4b:s0+s3], $0x80, $0x38;
	[tilespmem:$0x19880] =	vst v63  }
0x109: {  	s0 =	simm.s32 $0x5  }
0x10a: {  	_ =	swait.ge [sflag:s0], $0x80  }
0x10b: {  	[sflag:s0] =	ssyncset.done $0x0  }
.Ltmp9:
0x10c: {  	[sflag:s0] =	ssyncadd.s32 $0xFFFFFF80;
	(pc) =	sbr.rel .LBB2_9-.Ltmp9, $4  }
0x10d: {  	_ =	swait.ge [sflag:s15], $0x1400  }
0x10e: {  	[sflag:s15] =	ssyncset.done $0x0  }
0x10f: {  	s30 =	simm.s32 $0x200;
	[sflag:s15] =	ssyncadd.s32 $0xFFFFEC00  }
0x110: {  	[tilespmem:s13], [sflag:$0x11] =	stream.indirect.gather [hbm4b:s1+s5], $0x80, s30, s5, $0xb8;
	[tilespmem:$0x19880] =	vst v63  }
.LBB2_16:
.Ltmp10:
0x111: {  	(pc) =	sbr.rel @!p3 .LBB2_13-.Ltmp10, $1  }
0x112: {  	_ =	sdelay $0x3  }
.LBB2_9:
0x113: {  	_ =	swait.ge [sflag:s24], $0x1400  }
0x114: {  	[sflag:s24] =	ssyncset.done $0x0  }
.Ltmp11:
0x115: {  	s0 =	simm.s32 $0xB;
	[sflag:s24] =	ssyncadd.s32 $0xFFFFEC00;
	(pc) =	sbr.rel @!p2 .LBB2_10-.Ltmp11, $4  }
0x116: {  	_ =	swait.ge [sflag:s0], $0x80  }
0x117: {  	[sflag:s0] =	ssyncset.done $0x0  }
0x118: {  	s30 =	simm.s32 $0x500;
	[sflag:s0] =	ssyncadd.s32 $0xFFFFFF80  }
0x119: {  	[spmem:s2] =	stream.indirect.scatter.add.f32 [tilespmem:s28], [sflag:$0x17], $0x80, s30, s5, $0xb8;
	[tilespmem:$0x19880] =	vst v63  }
0x11a: {  	_ =	swait.ge [sflag:s29], $0x1400  }
0x11b: {  	[sflag:s29] =	ssyncset.done $0x0  }
.Ltmp12:
0x11c: {  	s0 =	simm.s32 $0xC;
	[sflag:s29] =	ssyncadd.s32 $0xFFFFEC00;
	(pc) =	sbr.rel .LBB2_13-.Ltmp12, $4  }
0x11d: {  	_ =	swait.ge [sflag:s0], $0x80  }
0x11e: {  	[sflag:s0] =	ssyncset.done $0x0  }
0x11f: {  	s30 =	simm.s32 $0x580;
	[sflag:s0] =	ssyncadd.s32 $0xFFFFFF80  }
0x120: {  	[spmem:s2] =	stream.indirect.scatter.add.f32 [tilespmem:s26], [sflag:$0x18], $0x80, s30, s5, $0xb8;
	[tilespmem:$0x19880] =	vst v63  }
.LBB2_15:
0x121: {  	_ =	sfence.sel $0x180000  }
0x122: {  	[bflag:$0x0] =	sbarrier.arrive $0xFFFF  }
0x123: {  	_ =	strace $0x9000004D  }
0x124: {  	s0 =	stileid.u32;
	[bflag:$0x2] =	sbarrier.arrive $0xFFFF  }
0x125: {  	p0 =	sne.s32 s0, $0x0;
	s0 =	rddreg [dreg:$0x3]  }
0x126: {  	s0 =	sadd.s32 @!p0 $0x100000, s0  }
0x127: {  	[sflag:s0] =	ssyncadd.tile.s32 @!p0 $0x1;
	_ =	shalt  }
.Lfunc_end2:
_tile_overlayer_lowered:
.L_overlay_start_2:
0x128: {  	(tag) =	ssettag $0x2  }
0x129: {  	s0 =	rddreg [dreg:$0x0];
	s2 =	stileid.u32  }
0x12a: {  	s1 =	rddreg [dreg:$0x1];
	p0 =	sne.s32 s2, $0x0  }
0x12b: {  	s3 =	rddreg [dreg:$0x2];
	[bflag:$0x3] =	sbarrier.arrive $0xFFFF;
	s2 =	simm.s32 @!p0 $0x1C19  }
0x12c: {  	[timem:s3], [sflag:s2] =	dma.local @!p0 [hbm:s0], s1  }
0x12d: {  	s0 =	simm.s32 @!p0 $0x19  }
0x12e: {  	_ =	swait.ge @!p0 [sflag:s0], s1  }
0x12f: {  	s1 =	ssub.s32 @!p0 $0x0, s1;
	[sflag:s0] =	ssyncset.done @!p0 $0x0  }
0x130: {  	[sflag:s0] =	ssyncadd.s32 @!p0 s1  }
0x131: {  	[bflag:$0x3] =	sbarrier.arrive $0xFFFF  }
0x132: {  	_ =	shalt  }

// kernel: kernel.7.cloned.1.call-start
scs
__scs_entry_jumppad:
0x0: {  	(pc) =	sbr.rel $0x88, $3  }
0x1: {  	(tag) =	ssettag $0x0;
	lr =	simm.s32 $0x1  }
0x2: {  	[smem:$0x3F97] =	sst lr;
	_ =	strace $0xD0000000  }
0x3: {  	_ = 	snop  }
0x4: {  	_ = 	snop  }
0x5: {  	_ = 	snop  }
0x6: {  	_ = 	snop  }
0x7: {  	_ = 	snop  }
__scs_overlays_trampoline_lowered:
0x8: {  	[smem:$0x3FA6] =	sst s0  }
0x9: {  	[smem:$0x3FA7] =	sst s1  }
0xa: {  	[smem:$0x3FA8] =	sst s2  }
0xb: {  	[smem:$0x3FA9] =	sst s3  }
0xc: {  	[smem:$0x3FAA] =	sst s4  }
0xd: {  	[smem:$0x3FAB] =	sst s5  }
0xe: {  	[smem:$0x3FAC] =	sst s6  }
0xf: {  	[smem:$0x3FAD] =	sst s7  }
0x10: {  	[smem:$0x3FAE] =	sst s8  }
0x11: {  	[smem:$0x3FAF] =	sst s9;
	s0 =	simm.s32 @!p0 $0x0  }
0x12: {  	s1 =	sld [smem:$0x3F95];
	s0 =	simm.s32 @p0 $0x1  }
0x13: {  	[smem:$0x3FB0] =	sst s0;
	s0 =	simm.s32 @!p1 $0x0  }
0x14: {  	s2 =	sld [smem:$0x3F94];
	s0 =	simm.s32 @p1 $0x1  }
0x15: {  	[smem:$0x3FB1] =	sst s0;
	s0 =	simm.s32 @!p2 $0x0  }
0x16: {  	s3 =	sld [smem:$0x3FDB];
	s0 =	simm.s32 @p2 $0x1  }
0x17: {  	s4 =	simm.s32 $0x1BF5;
	[smem:$0x3FB3] =	sst s0  }
0x18: {  	s0 =	sld [smem:$0x3F96];
	_ =	swait.ge [sflag:s4], $0x0  }
0x19: {  	s7 =	sld [smem:$0x3F97]  }
0x1a: {  	s8 =	sadd.s32 $0xFFFFE003, lr  }
0x1b: {  	s9 =	sadd.s32 $0xFFFFFEF7, lr;
	s5 =	simm.s32 $0xFFFFFFFF;
	p2 =	slt.u32 s8, $0xFFFFF086  }
0x1c: {  	p1 =	slt.u32 s9, $0xF7A;
	s5 =	simm.s32 @!p2 $0x0  }
0x1d: {  	s5 =	simm.s32 @p1 $0x1;
	p0 =	seq.s32 s7, s2  }
0x1e: {  	s7 =	smul.u32 @!p0 $0xF7A, s2;
	p2 =	seq.s32 @!p0 s5, $0x0  }
0x1f: {  	s9 =	smul.u32 $0xF7A, s1;
	s8 =	simm.s32 @!p0 $0x1BF5;
	p2 =	por !p2, p0  }
0x20: {  	[sflag:s8] =	ssyncset.s32 @!p0 $0xFFFFF086;
	s6 =	sadd.s32 @!p0 s3, s7;
	s7 =	simm.s32 @!p0 $0x108  }
0x21: {  	s3 =	sadd.s32 s3, s9;
	s6 =	sadd.s32 @!p0 $0x88, s6;
	s7 =	simm.s32 @p2 $0x1082  }
0x22: {  	[simem:s7], [sflag:s8] =	dma.local @!p0 [hbm:s6], $0xF7A  }
0x23: {  	s9 =	sor.u32 $0xD0000000, s2;
	s6 =	simm.s32 $0x108;
	_ =	swait.ge @!p0 [sflag:s8], $0x0  }
0x24: {  	s3 =	sadd.s32 $0x88, s3;
	s6 =	simm.s32 @!p1 $0x1082;
	[sflag:s4] =	ssyncset.s32 $0xFFFFF086  }
0x25: {  	[simem:s6], [sflag:s4] =	dma.local [hbm:s3], $0xF7A  }
0x26: {  	[smem:$0x3F97] =	sst s1;
	(tag) =	ssettag s2;
	_ =	strace s9  }
0x27: {  	s1 =	sld [smem:$0x3FA7]  }
0x28: {  	s2 =	sld [smem:$0x3FA8]  }
0x29: {  	s4 =	sld [smem:$0x3FAA]  }
0x2a: {  	p0 =	seq.s32 s5, $0x0;
	s5 =	sld [smem:$0x3FAB]  }
0x2b: {  	s6 =	sld [smem:$0x3FAC]  }
0x2c: {  	s7 =	sld [smem:$0x3FAD]  }
0x2d: {  	s3 =	simm.s32 $0x108;
	s8 =	sld [smem:$0x3FAE]  }
0x2e: {  	s3 =	simm.s32 @!p0 $0x1082;
	s9 =	sld [smem:$0x3FAF]  }
0x2f: {  	lr =	sadd.s32 s0, s3;
	s0 =	sld [smem:$0x3FA6]  }
0x30: {  	s3 =	sld [smem:$0x3FA9]  }
0x31: {  	[smem:$0x3FB2] =	sst s10  }
0x32: {  	s10 =	sld [smem:$0x3FB0];
	_ =	sdelay $0x3  }
0x33: {  	p0 =	seq.s32 s10, $0x1;
	s10 =	sld [smem:$0x3FB2];
	_ =	sdelay $0x3  }
0x34: {  	[smem:$0x3FB2] =	sst s10  }
0x35: {  	s10 =	sld [smem:$0x3FB1];
	_ =	sdelay $0x3  }
0x36: {  	p1 =	seq.s32 s10, $0x1;
	s10 =	sld [smem:$0x3FB2];
	_ =	sdelay $0x3  }
0x37: {  	[smem:$0x3FB2] =	sst s10  }
0x38: {  	s10 =	sld [smem:$0x3FB3]  }
0x39: {  	_ = 	snop;
	(pc) =	sbr.ind lr, $3  }
0x3a: {  	_ = 	snop  }
0x3b: {  	_ = 	snop  }
0x3c: {  	p2 =	seq.s32 s10, $0x1;
	s10 =	sld [smem:$0x3FB2]  }
0x3d: {  	_ =	shalt  }
0x3e: {  	_ =	shalt  }
0x3f: {  	_ =	shalt  }
0x40: {  	_ =	shalt  }
0x41: {  	_ =	shalt  }
0x42: {  	_ =	shalt  }
0x43: {  	_ =	shalt  }
0x44: {  	_ =	shalt  }
0x45: {  	_ =	shalt  }
0x46: {  	_ =	shalt  }
0x47: {  	_ =	shalt  }
0x48: {  	_ =	shalt  }
0x49: {  	_ =	shalt  }
0x4a: {  	_ =	shalt  }
0x4b: {  	_ =	shalt  }
0x4c: {  	_ =	shalt  }
0x4d: {  	_ =	shalt  }
0x4e: {  	_ =	shalt  }
0x4f: {  	_ =	shalt  }
0x50: {  	_ =	shalt  }
0x51: {  	_ =	shalt  }
0x52: {  	_ =	shalt  }
0x53: {  	_ =	shalt  }
0x54: {  	_ =	shalt  }
0x55: {  	_ =	shalt  }
0x56: {  	_ =	shalt  }
0x57: {  	_ =	shalt  }
0x58: {  	_ =	shalt  }
0x59: {  	_ =	shalt  }
0x5a: {  	_ =	shalt  }
0x5b: {  	_ =	shalt  }
0x5c: {  	_ =	shalt  }
0x5d: {  	_ =	shalt  }
0x5e: {  	_ =	shalt  }
0x5f: {  	_ =	shalt  }
0x60: {  	_ =	shalt  }
0x61: {  	_ =	shalt  }
0x62: {  	_ =	shalt  }
0x63: {  	_ =	shalt  }
0x64: {  	_ =	shalt  }
0x65: {  	_ =	shalt  }
0x66: {  	_ =	shalt  }
0x67: {  	_ =	shalt  }
0x68: {  	_ =	shalt  }
0x69: {  	_ =	shalt  }
0x6a: {  	_ =	shalt  }
0x6b: {  	_ =	shalt  }
0x6c: {  	_ =	shalt  }
0x6d: {  	_ =	shalt  }
0x6e: {  	_ =	shalt  }
0x6f: {  	_ =	shalt  }
0x70: {  	_ =	shalt  }
0x71: {  	_ =	shalt  }
0x72: {  	_ =	shalt  }
0x73: {  	_ =	shalt  }
0x74: {  	_ =	shalt  }
0x75: {  	_ =	shalt  }
0x76: {  	_ =	shalt  }
0x77: {  	_ =	shalt  }
0x78: {  	_ =	shalt  }
0x79: {  	_ =	shalt  }
0x7a: {  	_ =	shalt  }
0x7b: {  	_ =	shalt  }
0x7c: {  	_ =	shalt  }
0x7d: {  	_ =	shalt  }
0x7e: {  	_ =	shalt  }
0x7f: {  	_ =	shalt  }
0x80: {  	_ =	shalt  }
0x81: {  	_ =	shalt  }
0x82: {  	_ =	shalt  }
0x83: {  	_ =	shalt  }
0x84: {  	_ =	shalt  }
0x85: {  	_ =	shalt  }
0x86: {  	_ =	shalt  }
0x87: {  	_ =	shalt  }
.Lfunc_end0:
.L_simem_size_0:
called_computation_lowered:
.L_overlay_start_0:
0x88: {  	s2 =	sld [smem:$0x3FD9]  }
0x89: {  	s3 =	sld [smem:$0x3FFE];
	_ =	sdelay $0x1  }
0x8a: {  	s1 =	srdreg.scid  }
0x8b: {  	s0 =	sand.u32 $0x1, s1  }
0x8c: {  	s17 =	sshll.u32 s0, $0xA;
	s2 =	sadd.s32 s3, s2  }
0x8d: {  	s2 =	sadd.s32 s2, s17  }
0x8e: {  	[smem:$0x3FBE] =	sst s2  }
0x8f: {  	_ = 	snop  }
0x90: {  	s2 =	sld [smem:$0x3FD0];
	(tm) =	ssettm $0x1  }
0x91: {  	s18 =	sld [smem:$0x3FFB];
	_ =	sdelay $0x3  }
0x92: {  	_ =	strace s18  }
0x93: {  	s3 =	sld [smem:$0x3FFC];
	_ =	sdelay $0x3  }
0x94: {  	_ =	strace s3  }
0x95: {  	s3 =	sld [smem:$0x3FFD];
	_ =	sdelay $0x3  }
0x96: {  	_ =	strace s3  }
0x97: {  	_ =	strace $0x8FFFFFFF  }
0x98: {  	s19 =	sld [smem:$0x3FDB];
	_ =	sdelay $0x1  }
0x99: {  	s4 =	simm.s32 $_scs_section_size  }
0x9a: {  	s5 =	simm.s32 $_size__tile_overlayer_lowered;
	s6 =	simm.s32 $_tile_overlayer_lowered  }
0x9b: {  	s22 =	simm.s32 $0x1BFF;
	s21 =	sshll.u32 s6, $0x1;
	s3 =	sadd.s32 s4, s19  }
0x9c: {  	s7 =	simm.s32 $0x0;
	s20 =	sshll.u32 s5, $0x1;
	s5 =	sadd.s32 s21, s3  }
0x9d: {  	[timem:s7], [sflag:s22] =	dma.local [hbm:s5], s20  }
0x9e: {  	_ =	swait.ge [sflag:s22], s20  }
0x9f: {  	s4 =	ssub.s32 $0x0, s20;
	[sflag:s22] =	ssyncset.done $0x0  }
0xa0: {  	[sflag:s22] =	ssyncadd.s32 s4;
	_ =	sdelay $0x1  }
0xa1: {  	s23 =	simm.s32 $0x1B8B  }
0xa2: {  	_ =	swait.ge [sflag:s23], $0x1  }
0xa3: {  	[sflag:s23] =	ssyncset.done $0x0  }
0xa4: {  	s25 =	simm.s32 $0x1B8E;
	s24 =	sld [smem:$0x3FFE];
	[sflag:s23] =	ssyncadd.s32 $0xFFFFFFFF  }
0xa5: {  	s26 =	simm.s32 $execute0_lowered;
	[smem:$0x3FD2] =	sst s25  }
0xa6: {  	s5 =	sshll.u32 s26, $0x1;
	_ =	strace $0x80000046;
	[dreg:$0x1] =	wrdreg $0xFFFFFFFF  }
0xa7: {  	s28 =	simm.s32 $_size_execute0_lowered;
	s3 =	sadd.s32 s3, s5;
	[dreg:$0x0] =	wrdreg $0x0  }
0xa8: {  	s5 =	sshll.u32 s28, $0x1;
	[dreg:$0x2] =	wrdreg s3  }
0xa9: {  	[dreg:$0x3] =	wrdreg s5  }
0xaa: {  	[dreg:$0x4] =	wrdreg $0xC0  }
0xab: {  	_ =	task [dreg:s7], $0x5FFFF  }
0xac: {  	[dreg:$0x1] =	wrdreg $0xFFFFFFFF  }
0xad: {  	[dreg:$0x0] =	wrdreg $0x60  }
0xae: {  	[dreg:$0x2] =	wrdreg s2  }
0xaf: {  	[dreg:$0x3] =	wrdreg s24  }
0xb0: {  	[dreg:$0x4] =	wrdreg $0x9  }
0xb1: {  	_ =	task.clear_ibuf [dreg:s7], $0x5FFFF;
	_ =	strace $0x90000046  }
0xb2: {  	s29 =	simm.s32 $0x9;
	_ =	strace $0x80000048  }
0xb3: {  	_ =	swait.ge [sflag:s29], $0x1  }
0xb4: {  	[sflag:s29] =	ssyncadd.s32 $0xFFFFFFFF  }
0xb5: {  	_ =	strace $0x90000048  }
0xb6: {  	_ =	sfence  }
0xb7: {  	s30 =	sld [smem:$0x0];
	_ =	sdelay $0x2  }
0xb8: {  	s31 =	sshll.u32 s1, $0xD;
	s1 =	sshrl.u32 s1, $0x2  }
0xb9: {  	s3 =	sand.u32 $0x4000, s31;
	s1 =	sadd.s32 s1, s30  }
0xba: {  	s0 =	sor.u32 s3, s0;
	s1 =	sshll.u32 s1, $0x11  }
0xbb: {  	s0 =	sor.u32 s1, s0  }
0xbc: {  	s0 =	sadd.s32 $0x8F2B, s0  }
0xbd: {  	[sflag:s0] =	ssyncadd.remote.s32 $0x1  }
0xbe: {  	_ =	sfence.sel $0xFFFF  }
0xbf: {  	[dreg:$0x0] =	wrdreg $0xFFFFFFFF;
	(pc) =	sbr.abs _section_cstart, $3  }
0xc0: {  	[dreg:$0x1] =	wrdreg $0xFFFFFFFF  }
0xc1: {  	_ =	task.clear_ibuf [dreg:s7], $0x2FFFF;
	_ =	strace $0x9FFFFFFF  }
0xc2: {  	(tm) =	ssettm $0x7FFFFFFF  }
0xc3: {  	_ =	shalt  }
tec
execute0_lowered:
.L_overlay_start_1:
0x0: {  	(tag) =	ssettag $0x1  }
0x1: {  	s1 =	srdreg.scid  }
0x2: {  	s0 =	stileid.u32;
	s4 =	rddreg [dreg:$0x0]  }
0x3: {  	s6 =	rddreg [dreg:$0x1];
	s2 =	simm.s32 $0x0;
	s3 =	sand.u32 $0x1, s1  }
0x4: {  	s26 =	sshrl.u32 s0, $0x3;
	s1 =	rddreg [dreg:$0x2];
	s5 =	smul.u32 $0x27800, s3  }
0x5: {  	[smem:$0x7FF] =	sst s2;
	s8 =	sshrl.u32 s0, $0x2;
	s7 =	smul.u32 $0x13C00, s26  }
0x6: {  	s28 =	sshll.u32 s0, $0x7;
	s9 =	sshll.u32 s0, $0x8;
	s8 =	smul.u32 $0x13C00, s8  }
0x7: {  	s10 =	sshll.u32 s3, $0x7;
	s9 =	sand.u32 $0x300, s9;
	s3 =	ssub.s32 $0x2, s3  }
0x8: {  	_ =	strace $0x80000047;
	s9 =	sor.u32 s10, s9;
	s30 =	sshrl.u32 s3, $0x1  }
0x9: {  	s5 =	sadd.s32 s5, s7;
	s7 =	sand.u32 $0x380, s28;
	s29 =	sor.u32 s8, s9  }
0xa: {  	s31 =	ssub.s32 s3, s30;
	s8 =	simm.s32 $0x1;
	s5 =	sor.u32 s7, s5  }
0xb: {  	s9 =	simm.s32 $0x2780;
	s7 =	sshrl.u32 s29, $0x3;
	s5 =	sshrl.u32 s5, $0x3  }
0xc: {  	v0 =	vimm.f32 $0.0e+00;
	s3 =	sadd.s32 s4, s7;
	s7 =	simm.s32 $0x400;
	s5 =	sadd.s32 s5, s6  }
0xd: {  	v1 =	vand.u32 $0x7FFFFFFF, v0;
	s6 =	simm.s32 $0x80;
	s4 =	sadd.s32 $0x2200, s5;
	s5 =	smax.u32 s31, $0x1  }
.LBB2_1:
0xe: {  	s10 =	simm.s32 $0x40;
	s11 =	simm.s32 $0x0  }
.LBB2_2:
0xf: {  	p0 =	sne.s32 s10, $0x9C00;
	[tilespmem:s11+$0x2780] =	vst v0;
	s11 =	smov.u32 s10;
	s10 =	sadd.s32 $0x40, s10  }
.Ltmp0:
0x10: {  	(pc) =	sbr.rel @p0 .LBB2_2-.Ltmp0, $2  }
0x11: {  	_ =	sdelay $0x2  }
0x12: {  	s11 =	sshra.s32 s11, $0x2  }
0x13: {  	[tilespmem:s11+$0x2780] =	vst v0;
	s10 =	simm.s32 $0x0  }
0x14: {  	[tilespmem:s10], [sflag:$0x1] =	stream.strided.gather [hbm4b:s3+s6], $0x2780, s7, s6, $0x38;
	[tilespmem:$0x4F00] =	vst v63  }
0x15: {  	_ =	swait.ge [sflag:s8], $0x2780  }
0x16: {  	[sflag:s8] =	ssyncset.done $0x0  }
0x17: {  	s11 =	simm.s32 $0x0;
	s10 =	simm.s32 $0x40;
	[sflag:s8] =	ssyncadd.s32 $0xFFFFD880  }
.LBB2_4:
0x18: {  	p0 =	sne.s32 s10, $0x9C00;
	v2 =	vld [tilespmem:s11+$0x0];
	_ =	sdelay $0x4  }
0x19: {  	v3 =	vcvt.s32.f32 v2;
	_ =	sdelay $0x1  }
.Ltmp1:
0x1a: {  	v3 =	vand.u32 $0x80000000, v3;
	(pc) =	sbr.rel @p0 .LBB2_4-.Ltmp1, $3  }
0x1b: {  	v3 =	vor.u32 v3, v1  }
0x1c: {  	v3 =	vadd.f32 $1.000000000e+00, v3;
	_ =	sdelay $0x1  }
0x1d: {  	s11 =	sshra.s32 s10, $0x2;
	s10 =	sadd.s32 $0x40, s10;
	[tilespmem:v2+s9+$0x0] =	vst.idx.add.f32.msk $0xffff, v3  }
0x1e: {  	v2 =	vld [tilespmem:s11+$0x0];
	_ =	sdelay $0x4  }
0x1f: {  	v3 =	vcvt.s32.f32 v2;
	_ =	sdelay $0x1  }
0x20: {  	v3 =	vand.u32 $0x80000000, v3  }
0x21: {  	v3 =	vor.u32 v3, v1  }
0x22: {  	s2 =	sadd.s32 $0x1, s2;
	v3 =	vadd.f32 $1.000000000e+00, v3  }
0x23: {  	p0 =	sne.s32 s2, s5  }
.Ltmp2:
0x24: {  	[tilespmem:v2+s9+$0x0] =	vst.idx.add.f32.msk $0xffff, v3;
	(pc) =	sbr.rel @p0 .LBB2_1-.Ltmp2, $4  }
0x25: {  	[hbm4b:s4+s6] =	stream.strided.scatter [tilespmem:s9], [sflag:$0x1], $0x2780, s7, s6, $0x38;
	[tilespmem:$0x4F00] =	vst v63  }
0x26: {  	_ =	swait.ge [sflag:s8], $0x2780  }
0x27: {  	[sflag:s8] =	ssyncset.done $0x0  }
0x28: {  	[sflag:s8] =	ssyncadd.s32 $0xFFFFD880  }
0x29: {  	_ =	sfence.sel $0x180000  }
0x2a: {  	[bflag:$0x0] =	sbarrier.arrive $0xFFFF  }
0x2b: {  	p0 =	sne.s32 s0, $0x0;
	_ =	strace $0x90000047  }
0x2c: {  	s0 =	sadd.s32 @!p0 $0x100000, s1;
	[bflag:$0x2] =	sbarrier.arrive $0xFFFF  }
0x2d: {  	[sflag:s0] =	ssyncadd.tile.s32 @!p0 $0x1;
	_ =	shalt  }
.Lfunc_end2:
_tile_overlayer_lowered:
.L_overlay_start_2:
0x2e: {  	(tag) =	ssettag $0x2  }
0x2f: {  	s0 =	rddreg [dreg:$0x0];
	s2 =	stileid.u32  }
0x30: {  	s1 =	rddreg [dreg:$0x1];
	p0 =	sne.s32 s2, $0x0  }
0x31: {  	s3 =	rddreg [dreg:$0x2];
	[bflag:$0x3] =	sbarrier.arrive $0xFFFF;
	s2 =	simm.s32 @!p0 $0x1C01  }
0x32: {  	[timem:s3], [sflag:s2] =	dma.local @!p0 [hbm:s0], s1  }
0x33: {  	s0 =	simm.s32 @!p0 $0x1  }
0x34: {  	_ =	swait.ge @!p0 [sflag:s0], s1  }
0x35: {  	s1 =	ssub.s32 @!p0 $0x0, s1;
	[sflag:s0] =	ssyncset.done @!p0 $0x0  }
0x36: {  	[sflag:s0] =	ssyncadd.s32 @!p0 s1  }
0x37: {  	[bflag:$0x3] =	sbarrier.arrive $0xFFFF  }
0x38: {  	_ =	shalt  }

</sc_bundles>
